<compile_context>
chip_gen: v7x
topology: tpu7x:2x2x1
jax: 0.10.2.dev20260603
libtpu: 0.0.44.dev20260713+nightly
codegen_flags: <defaults>
</compile_context>

<pallas_src>
import functools

import jax
import jax.numpy as jnp
from jax import lax
from jax.experimental import pallas as pl
from jax.experimental.pallas import tpu as pltpu
from jax.experimental.pallas import tpu_sc as plsc

B, N, S, C = 4, 1024, 64, 64
EPS = 1e-3
CNT = float(B * N * S)
NQ = B * N
SP = S // 2
QB = 64
HI0 = 0x7F800000


def _k0_body(x1_ref, x2_ref, f1_ref, f2_ref, w1a_ref, w1b_ref, w1c_ref, b1_ref,
             gl_ref, gr_ref, h_ref):
    x1 = x1_ref[0]
    x2 = x2_ref[0]
    f1 = f1_ref[0]
    f2 = f2_ref[0]
    dn = (((0,), (0,)), ((), ()))
    g = (lax.dot_general(f2, w1b_ref[...], dn, preferred_element_type=jnp.float32)
         + lax.dot_general(x2, w1a_ref[...], dn, preferred_element_type=jnp.float32))
    h = (lax.dot_general(f1, w1c_ref[...], dn, preferred_element_type=jnp.float32)
         - lax.dot_general(x1, w1a_ref[...], dn, preferred_element_type=jnp.float32)
         + b1_ref[...])
    z = jnp.zeros((N, 64), jnp.float32)
    gl_ref[0] = jnp.concatenate([g, z], axis=1)
    gr_ref[0] = jnp.concatenate([z, g], axis=1)
    h_ref[0] = jnp.concatenate([h, h], axis=1)


def _cumsum0(x):
    xf = x.astype(jnp.float32)
    tri = (lax.broadcasted_iota(jnp.int32, (128, 128), 1)
           <= lax.broadcasted_iota(jnp.int32, (128, 128), 0)).astype(jnp.float32)
    parts = []
    off = jnp.zeros((1, 128), jnp.float32)
    for k in range(8):
        blk = lax.slice(xf, (k * 128, 0), (k * 128 + 128, 128))
        loc = lax.dot_general(tri, blk, (((1,), (0,)), ((), ())),
                              preferred_element_type=jnp.float32)
        parts.append(loc + off)
        off = off + lax.slice(loc, (127, 0), (128, 128))
    return jnp.concatenate(parts, axis=0).astype(jnp.int32)


def _ka_body(d_ref, r_ref):
    di = lax.bitcast_convert_type(d_ref[0], jnp.int32)

    def body(_, carry):
        lo, hi = carry
        mid = lo + ((hi - lo) >> 1)
        cnt = jnp.sum((di <= mid).astype(jnp.int32), axis=0, keepdims=True)
        ok = cnt >= S
        return jnp.where(ok, lo, mid), jnp.where(ok, mid, hi)

    lo0 = jnp.full((1, 128), -1, jnp.int32)
    hi0 = jnp.full((1, 128), HI0, jnp.int32)
    _, t = lax.fori_loop(0, 31, body, (lo0, hi0))

    lt = (di < t).astype(jnp.int32)
    c_lt = jnp.sum(lt, axis=0, keepdims=True)
    r_need = S - c_lt
    eq = (di == t).astype(jnp.int32)
    cs_eq = _cumsum0(eq)
    sel = lt + eq * ((cs_eq - eq) < r_need).astype(jnp.int32)
    r_ref[0] = _cumsum0(sel)


def _kc1_body(y_ref, h_ref, st_ref):
    i = pl.program_id(0)
    y = y_ref[...] + h_ref[...][:, None, :]
    s0 = jnp.sum(y, axis=(0, 1), keepdims=True)[0]
    s1 = jnp.sum(y * y, axis=(0, 1), keepdims=True)[0]
    st = jnp.concatenate([s0, s1], axis=0)

    @pl.when(i == 0)
    def _():
        st_ref[...] = st

    @pl.when(i > 0)
    def _():
        st_ref[...] += st


def _fold_stats(st):
    sf = st[:, :64] + st[:, 64:]
    sf = jnp.concatenate([sf, sf], axis=1)
    mean = sf[0:1] / CNT
    var = sf[1:2] / CNT - mean * mean
    inv = lax.rsqrt(var + EPS)
    return mean, inv


def _kc2_body(y_ref, h_ref, st_ref, p_ref, w_ref, b_ref, o_ref, st2_ref):
    i = pl.program_id(0)
    mean, inv = _fold_stats(st_ref[...])
    y = y_ref[...] + h_ref[...][:, None, :]
    x = jnp.reshape(y, (QB * SP, 128))
    x = jnp.maximum((x - mean) * inv * p_ref[0:1] + p_ref[1:2], 0.0)
    y2 = lax.dot_general(x, w_ref[...], (((1,), (0,)), ((), ())),
                         preferred_element_type=jnp.float32) + b_ref[...]
    o_ref[...] = jnp.reshape(y2, (QB, SP, 128))
    s0 = jnp.sum(y2, axis=0, keepdims=True)
    s1 = jnp.sum(y2 * y2, axis=0, keepdims=True)
    st = jnp.concatenate([s0, s1], axis=0)

    @pl.when(i == 0)
    def _():
        st2_ref[...] = st

    @pl.when(i > 0)
    def _():
        st2_ref[...] += st


def _kc3_body(y2_ref, st_ref, p_ref, w_ref, b_ref, mx_ref, mn_ref, st3_ref):
    i = pl.program_id(0)
    mean, inv = _fold_stats(st_ref[...])
    x = jnp.reshape(y2_ref[...], (QB * SP, 128))
    x = jnp.maximum((x - mean) * inv * p_ref[0:1] + p_ref[1:2], 0.0)
    y3 = lax.dot_general(x, w_ref[...], (((1,), (0,)), ((), ())),
                         preferred_element_type=jnp.float32) + b_ref[...]
    s0 = jnp.sum(y3, axis=0, keepdims=True)
    s1 = jnp.sum(y3 * y3, axis=0, keepdims=True)
    st = jnp.concatenate([s0, s1], axis=0)
    y3r = jnp.reshape(y3, (QB, SP, 128))
    mx = jnp.max(y3r, axis=1)
    mn = jnp.min(y3r, axis=1)
    mx_ref[...] = jnp.maximum(mx[:, :64], mx[:, 64:])
    mn_ref[...] = jnp.minimum(mn[:, :64], mn[:, 64:])

    @pl.when(i == 0)
    def _():
        st3_ref[...] = st

    @pl.when(i > 0)
    def _():
        st3_ref[...] += st


def _kc4_body(mx_ref, mn_ref, st_ref, g_ref, be_ref, o_ref):
    st = st_ref[...]
    sf = st[:, :64] + st[:, 64:]
    mean = sf[0:1] / CNT
    var = sf[1:2] / CNT - mean * mean
    inv = lax.rsqrt(var + EPS)
    g = g_ref[...]
    m = jnp.where(g > 0.0, mx_ref[...], mn_ref[...])
    o_ref[...] = jnp.maximum((m - mean) * inv * g + be_ref[...], 0.0)


def _tc_pipeline(xyz1p, xyz2p, feat1, feat2, w1a, w1b, w1c, b1r, dist):
    gl, gr, h = pl.pallas_call(
        _k0_body,
        grid=(B,),
        in_specs=[
            pl.BlockSpec((1, 8, N), lambda b: (b, 0, 0)),
            pl.BlockSpec((1, 8, N), lambda b: (b, 0, 0)),
            pl.BlockSpec((1, C, N), lambda b: (b, 0, 0)),
            pl.BlockSpec((1, C, N), lambda b: (b, 0, 0)),
            pl.BlockSpec((8, 64), lambda b: (0, 0)),
            pl.BlockSpec((C, 64), lambda b: (0, 0)),
            pl.BlockSpec((C, 64), lambda b: (0, 0)),
            pl.BlockSpec((1, 64), lambda b: (0, 0)),
        ],
        out_specs=[
            pl.BlockSpec((1, N, 128), lambda b: (b, 0, 0)),
            pl.BlockSpec((1, N, 128), lambda b: (b, 0, 0)),
            pl.BlockSpec((1, N, 128), lambda b: (b, 0, 0)),
        ],
        out_shape=[
            jax.ShapeDtypeStruct((B, N, 128), jnp.float32),
            jax.ShapeDtypeStruct((B, N, 128), jnp.float32),
            jax.ShapeDtypeStruct((B, N, 128), jnp.float32),
        ],
    )(xyz1p, xyz2p, feat1, feat2, w1a, w1b, w1c, b1r)

    r = pl.pallas_call(
        _ka_body,
        grid=(B, 8),
        in_specs=[
            pl.BlockSpec((1, N, 128), lambda b, q: (b, 0, q)),
        ],
        out_specs=pl.BlockSpec((1, N, 128), lambda b, q: (b, 0, q)),
        out_shape=jax.ShapeDtypeStruct((B, N, N), jnp.int32),
    )(dist)
    return gl, gr, h, r


def _tc_tail(y1g, hdup, p1, b2r, w2d, p2, b3r, w3d, g3r, be3r):
    grid = (NQ // QB,)
    st1 = pl.pallas_call(
        _kc1_body,
        grid=grid,
        in_specs=[
            pl.BlockSpec((QB, SP, 128), lambda i: (i, 0, 0)),
            pl.BlockSpec((QB, 128), lambda i: (i, 0)),
        ],
        out_specs=pl.BlockSpec((2, 128), lambda i: (0, 0)),
        out_shape=jax.ShapeDtypeStruct((2, 128), jnp.float32),
    )(y1g, hdup)

    y2, st2 = pl.pallas_call(
        _kc2_body,
        grid=grid,
        in_specs=[
            pl.BlockSpec((QB, SP, 128), lambda i: (i, 0, 0)),
            pl.BlockSpec((QB, 128), lambda i: (i, 0)),
            pl.BlockSpec((2, 128), lambda i: (0, 0)),
            pl.BlockSpec((2, 128), lambda i: (0, 0)),
            pl.BlockSpec((128, 128), lambda i: (0, 0)),
            pl.BlockSpec((1, 128), lambda i: (0, 0)),
        ],
        out_specs=[
            pl.BlockSpec((QB, SP, 128), lambda i: (i, 0, 0)),
            pl.BlockSpec((2, 128), lambda i: (0, 0)),
        ],
        out_shape=[
            jax.ShapeDtypeStruct((NQ, SP, 128), jnp.float32),
            jax.ShapeDtypeStruct((2, 128), jnp.float32),
        ],
    )(y1g, hdup, st1, p1, w2d, b2r)

    mx, mn, st3 = pl.pallas_call(
        _kc3_body,
        grid=grid,
        in_specs=[
            pl.BlockSpec((QB, SP, 128), lambda i: (i, 0, 0)),
            pl.BlockSpec((2, 128), lambda i: (0, 0)),
            pl.BlockSpec((2, 128), lambda i: (0, 0)),
            pl.BlockSpec((128, 128), lambda i: (0, 0)),
            pl.BlockSpec((1, 128), lambda i: (0, 0)),
        ],
        out_specs=[
            pl.BlockSpec((QB, 64), lambda i: (i, 0)),
            pl.BlockSpec((QB, 64), lambda i: (i, 0)),
            pl.BlockSpec((2, 128), lambda i: (0, 0)),
        ],
        out_shape=[
            jax.ShapeDtypeStruct((NQ, 64), jnp.float32),
            jax.ShapeDtypeStruct((NQ, 64), jnp.float32),
            jax.ShapeDtypeStruct((2, 128), jnp.float32),
        ],
    )(y2, st2, p2, w3d, b3r)

    out = pl.pallas_call(
        _kc4_body,
        grid=(1,),
        in_specs=[
            pl.BlockSpec((NQ, 64), lambda i: (0, 0)),
            pl.BlockSpec((NQ, 64), lambda i: (0, 0)),
            pl.BlockSpec((2, 128), lambda i: (0, 0)),
            pl.BlockSpec((1, 64), lambda i: (0, 0)),
            pl.BlockSpec((1, 64), lambda i: (0, 0)),
        ],
        out_specs=pl.BlockSpec((NQ, 64), lambda i: (0, 0)),
        out_shape=jax.ShapeDtypeStruct((NQ, 64), jnp.float32),
    )(mx, mn, st3, g3r, be3r)
    return out


def kernel(xyz1, xyz2, feat1, feat2, W1, b1, g1, be1, W2, b2, g2, be2, W3, b3, g3, be3):
    f32 = jnp.float32
    pad = jnp.zeros((B, 5, N), f32)
    xyz1p = jnp.concatenate([xyz1, pad], axis=1)
    xyz2p = jnp.concatenate([xyz2, pad], axis=1)
    w1a = jnp.concatenate([W1[:, :3], jnp.zeros((64, 5), f32)], axis=1).T
    w1b = W1[:, 3:67].T
    w1c = W1[:, 67:131].T
    b1r = b1[None, :]

    xx = jnp.sum(xyz2 ** 2, axis=1)[:, :, None]
    yy = jnp.sum(xyz1 ** 2, axis=1)[:, None, :]
    dist = xx + yy - 2.0 * jnp.einsum('bcn,bcm->bnm', xyz2, xyz1)
    dist = jnp.clip(jnp.nan_to_num(dist), 0.0, None)

    gl, gr, hdup, cs = _tc_pipeline(xyz1p, xyz2p, feat1, feat2, w1a, w1b, w1c,
                                    b1r, dist)

    cst = jnp.reshape(jnp.transpose(cs, (0, 2, 1)), (NQ, N))
    glf = jnp.reshape(gl, (NQ, 128))
    grf = jnp.reshape(gr, (NQ, 128))
    y1g = _sc_gather(cst, glf, grf)

    y1g = jnp.reshape(y1g, (NQ, SP, 128))
    hdupf = jnp.reshape(hdup, (NQ, 128))

    def dup(v):
        return jnp.concatenate([v, v])[None, :]

    p1 = jnp.concatenate([dup(g1), dup(be1)], axis=0)
    p2 = jnp.concatenate([dup(g2), dup(be2)], axis=0)
    w2t = W2.T
    w3t = W3.T
    zz = jnp.zeros((64, 64), f32)
    w2d = jnp.block([[w2t, zz], [zz, w2t]])
    w3d = jnp.block([[w3t, zz], [zz, w3t]])
    b2r = dup(b2)
    b3r = dup(b3)

    out = _tc_tail(y1g, hdupf, p1, b2r, w2d, p2, b3r, w3d, g3[None, :], be3[None, :])
    return jnp.transpose(jnp.reshape(out, (B, N, 64)), (0, 2, 1))


def _sc_body(cs_hbm, gl_hbm, gr_hbm, out_hbm, rstage, idxe, idxo, rows, rows2,
             sem, sem2):
    wid = lax.axis_index("s") * 2 + lax.axis_index("c")
    qbase = wid * 128

    def sixteen(sb, c0):
        base_q = qbase + sb * 16
        jb = ((base_q >> 10) << 10)
        pltpu.sync_copy(cs_hbm.at[pl.ds(base_q, 16)], rstage)

        def perq(qp, c1):
            chains = []
            for u in range(2):
                qi = qp * 2 + u
                qf = jnp.full((16,), qi, jnp.int32)
                for sv in range(4):
                    target = lax.iota(jnp.int32, 16) + (sv * 16 + 1)
                    chains.append([qf, target, jnp.zeros((16,), jnp.int32),
                                   jnp.full((16,), 1023, jnp.int32), u, sv])
            for _ in range(10):
                mids = [(ch[2] + ch[3]) >> 1 for ch in chains]
                vals = [plsc.load_gather(rstage, [ch[0], mid])
                        for ch, mid in zip(chains, mids)]
                for ch, mid, val in zip(chains, mids, vals):
                    ok = val >= ch[1]
                    ch[2] = jnp.where(ok, ch[2], mid + 1)
                    ch[3] = jnp.where(ok, mid, ch[3])
            for ch in chains:
                u, sv = ch[4], ch[5]
                qoff = (sb * 16 + qp * 2 + u) * 32 + (sv & 1) * 16
                if sv < 2:
                    idxe[pl.ds(qoff, 16)] = ch[3] + jb
                else:
                    idxo[pl.ds(qoff, 16)] = ch[3] + jb
            return c1

        return lax.fori_loop(0, 8, perq, c0)

    lax.fori_loop(0, 8, sixteen, 0)

    def left(ci, buf, sem):
        return pltpu.async_copy(gl_hbm.at[idxe.at[pl.ds(ci * 256, 256)]],
                                buf, sem)

    def right(ci, buf, sem):
        return pltpu.async_copy(gr_hbm.at[idxo.at[pl.ds(ci * 256, 256)]],
                                buf, sem, add=True)

    bufs = (rows, rows2)
    sems = (sem, sem2)
    lcp = [None, None]
    lcp[0] = left(0, bufs[0], sems[0])
    lcp[1] = left(1, bufs[1], sems[1])
    for ci in range(16):
        p = ci & 1
        lcp[p].wait()
        rcp = right(ci, bufs[p], sems[p])
        rcp.wait()
        pltpu.sync_copy(bufs[p], out_hbm.at[pl.ds(qbase * 32 + ci * 256, 256)])
        if ci + 2 < 16:
            lcp[p] = left(ci + 2, bufs[p], sems[p])


def _sc_gather(cs, gl, gr):
    mesh = plsc.VectorSubcoreMesh(core_axis_name="c", subcore_axis_name="s")
    f = functools.partial(
        pl.kernel,
        mesh=mesh,
        compiler_params=pltpu.CompilerParams(needs_layout_passes=False),
        out_type=jax.ShapeDtypeStruct((NQ * SP, 128), jnp.float32),
        scratch_types=[
            pltpu.VMEM((16, N), jnp.int32),
            pltpu.VMEM((4096,), jnp.int32),
            pltpu.VMEM((4096,), jnp.int32),
            pltpu.VMEM((256, 128), jnp.float32),
            pltpu.VMEM((256, 128), jnp.float32),
            pltpu.SemaphoreType.DMA,
            pltpu.SemaphoreType.DMA,
        ],
    )(_sc_body)
    return f(cs, gl, gr)

# --- scband reference (transcript-rebuilt; emitter-appended) ---
"""Pipeline reference for scband-flow-embedding-18494129176627 (READ-ONLY COPY).

The authoritative reference and input builder live on the scoring server;
editing this copy changes nothing except your own understanding.
"""

import jax, jax.numpy as jnp
import numpy as np

B, N, S, C = 4, 1024, 64, 64
OUT = [64, 64, 64]
EPS = 1e-3


def pdist2squared(x, y):
    # x: (B, 3, N2), y: (B, 3, N1)
    xx = jnp.sum(x ** 2, axis=1)[:, :, None]
    yy = jnp.sum(y ** 2, axis=1)[:, None, :]
    dist = xx + yy - 2.0 * jnp.einsum('bcn,bcm->bnm', x, y)
    dist = jnp.nan_to_num(dist, nan=0.0)
    dist = jnp.clip(dist, 0.0, None)
    return dist


def conv_bn_relu(x, W, b, g, be):
    # 1x1 Conv2d + BatchNorm2d (batch stats, training mode) + ReLU
    y = jnp.einsum('oc,bcns->bons', W, x) + b[None, :, None, None]
    mean = jnp.mean(y, axis=(0, 2, 3), keepdims=True)
    var = jnp.var(y, axis=(0, 2, 3), keepdims=True)
    y = (y - mean) / jnp.sqrt(var + EPS)
    y = y * g[None, :, None, None] + be[None, :, None, None]
    return jax.nn.relu(y)


def setup_inputs(seed: int = 0):
    key = jax.random.key(seed)
    ks = jax.random.split(key, 16)
    inp = {}
    inp['xyz1'] = jax.random.normal(ks[0], (B, 3, N), dtype=jnp.float32)
    inp['xyz2'] = jax.random.normal(ks[1], (B, 3, N), dtype=jnp.float32)
    inp['feat1'] = jax.random.normal(ks[2], (B, C, N), dtype=jnp.float32)
    inp['feat2'] = jax.random.normal(ks[3], (B, C, N), dtype=jnp.float32)
    cins = [2 * C + 3] + OUT[:-1]
    for i, (ci, co) in enumerate(zip(cins, OUT)):
        inp['W%d' % (i + 1)] = jax.random.normal(ks[4 + i], (co, ci), dtype=jnp.float32) * (1.0 / np.sqrt(ci))
        inp['b%d' % (i + 1)] = jnp.zeros((co,), dtype=jnp.float32)
        inp['g%d' % (i + 1)] = jnp.ones((co,), dtype=jnp.float32)
        inp['be%d' % (i + 1)] = jnp.zeros((co,), dtype=jnp.float32)
    return inp


def _forward(xyz1, xyz2, feat1, feat2,
             W1, b1, g1, be1, W2, b2, g2, be2, W3, b3, g3, be3):
    # Group (knn=True): nearest neighbors of each xyz1 point among xyz2 points
    dist = pdist2squared(xyz2, xyz1)  # (B, N2, N1)
    neg = -jnp.transpose(dist, (0, 2, 1))  # (B, N1, N2)
    ind = jax.lax.top_k(neg, S)[1]  # (B, N1, S), indices into N2
    gather = jax.vmap(lambda p, i: p[:, i])  # (C, N2), (N1, S) -> (C, N1, S)
    xyz2_grouped = gather(xyz2, ind)  # (B, 3, N1, S)
    xyz_diff = xyz2_grouped - xyz1[:, :, :, None]
    feat2_grouped = gather(feat2, ind)  # (B, C, N1, S)
    feat1_exp = jnp.broadcast_to(feat1[:, :, :, None], (B, C, N, S))
    nf = jnp.concatenate([xyz_diff, feat2_grouped, feat1_exp], axis=1)  # (B, 2C+3, N1, S)
    for (W, b, g, be) in ((W1, b1, g1, be1), (W2, b2, g2, be2), (W3, b3, g3, be3)):
        nf = conv_bn_relu(nf, W, b, g, be)
    return jnp.max(nf, axis=3)  # (B, OUT[-1], N1)


def reference(xyz1, xyz2, feat1, feat2,
              W1, b1, g1, be1, W2, b2, g2, be2, W3, b3, g3, be3):
    return _forward(xyz1, xyz2, feat1, feat2,
                    W1, b1, g1, be1, W2, b2, g2, be2, W3, b3, g3, be3)

if __name__ == "__main__":
    import jax
    _d = setup_inputs()
    print(jax.jit(kernel)(*tuple(_d.values())))

</pallas_src>

<mosaic_0001>
#map = affine_map<(d0, d1) -> (0, 0)>
module attributes {stable_mosaic.version = 14 : i64} {
  func.func @_sc_body(%arg0: i32, %arg1: i32, %arg2: memref<4096x1024xi32, #tpu.memory_space<hbm>>, %arg3: memref<4096x128xf32, #tpu.memory_space<hbm>>, %arg4: memref<4096x128xf32, #tpu.memory_space<hbm>>, %arg5: memref<131072x128xf32, #tpu.memory_space<hbm>>, %arg6: memref<16x1024xi32, #tpu.memory_space<vmem>>, %arg7: memref<4096xi32, #tpu.memory_space<vmem>>, %arg8: memref<4096xi32, #tpu.memory_space<vmem>>, %arg9: memref<256x128xf32, #tpu.memory_space<vmem>>, %arg10: memref<256x128xf32, #tpu.memory_space<vmem>>, %arg11: memref<!tpu.dma_semaphore, #tpu.memory_space<semaphore_mem>>, %arg12: memref<!tpu.dma_semaphore, #tpu.memory_space<semaphore_mem>>) attributes {dimension_semantics = [#tpu.dimension_semantics<core_parallel>, #tpu.dimension_semantics<subcore_parallel>], iteration_bounds = array<i64: 2, 16>, scalar_prefetch = 0 : i64, scratch_operands = 7 : i64, tpu.core_type = #tpu.core_type<sc_vector_subcore>, window_params = [{transform_indices = #map}, {transform_indices = #map}, {transform_indices = #map}, {transform_indices = #map}]} {
    %mul3A = arith.constant 2 : i32
    %mul3A_0 = arith.muli %arg1, %mul3A : i32
    %add3A = arith.addi %mul3A_0, %arg0 : i32
    %mul3A_1 = arith.constant 128 : i32
    %mul3A_2 = arith.muli %add3A, %mul3A_1 : i32
    %scan3A = arith.constant 0 : i32
    %scan3A_3 = arith.constant 0 : i32
    %scan3A_4 = arith.constant 8 : i32
    %scan3A_5 = arith.addi %scan3A_3, %scan3A_4 : i32
    %scan3A_6 = arith.constant 1 : i32
    scf.for %scan3A_390 = %scan3A_3 to %scan3A_5 step %scan3A_6  : i32 {
      %mul3A_391 = arith.constant 16 : i32
      %mul3A_392 = arith.muli %scan3A_390, %mul3A_391 : i32
      %add3A_393 = arith.addi %mul3A_2, %mul3A_392 : i32
      %shift_right_arithmetic3A = arith.constant 10 : i32
      %shift_right_arithmetic3A_394 = arith.shrsi %add3A_393, %shift_right_arithmetic3A : i32
      %shift_left3A = arith.constant 10 : i32
      %shift_left3A_395 = arith.shli %shift_right_arithmetic3A_394, %shift_left3A : i32
      "tpu.region"() ({
        %run_scoped3A = tpu.sem_alloc : memref<!tpu.dma_semaphore, #tpu.memory_space<semaphore_mem>>
        %dma_start3A_401 = arith.constant 0 : i32
        %dma_start3A_402 = tpu.memref_slice %arg2[%add3A_393, %dma_start3A_401] : memref<4096x1024xi32, #tpu.memory_space<hbm>> -> memref<16x1024xi32, #tpu.memory_space<hbm>>
        %dma_start3A_403 = arith.constant 0 : i32
        %dma_start3A_404 = tpu.memref_slice %arg2[%add3A_393, %dma_start3A_403] : memref<4096x1024xi32, #tpu.memory_space<hbm>> -> memref<16x1024xi32, #tpu.memory_space<hbm>>
        tpu.enqueue_dma source(%dma_start3A_404 : memref<16x1024xi32, #tpu.memory_space<hbm>>) target(%arg6 : memref<16x1024xi32, #tpu.memory_space<vmem>>) target_semaphore(%run_scoped3A : memref<!tpu.dma_semaphore, #tpu.memory_space<semaphore_mem>>)
        %dma_wait3A_405 = arith.constant 0 : i32
        %dma_wait3A_406 = tpu.memref_slice %arg2[%add3A_393, %dma_wait3A_405] : memref<4096x1024xi32, #tpu.memory_space<hbm>> -> memref<16x1024xi32, #tpu.memory_space<hbm>>
        %dma_wait3A_407 = arith.constant 0 : i32
        %dma_wait3A_408 = tpu.memref_slice %arg2[%add3A_393, %dma_wait3A_407] : memref<4096x1024xi32, #tpu.memory_space<hbm>> -> memref<16x1024xi32, #tpu.memory_space<hbm>>
        tpu.wait_dma2 semaphore(%run_scoped3A : memref<!tpu.dma_semaphore, #tpu.memory_space<semaphore_mem>>) src(%dma_wait3A_408 : memref<16x1024xi32, #tpu.memory_space<hbm>>) dst(%arg6 : memref<16x1024xi32, #tpu.memory_space<vmem>>)
        tpu.yield
      }) : () -> ()
      %scan3A_396 = arith.constant 0 : i32
      %scan3A_397 = arith.constant 8 : i32
      %scan3A_398 = arith.addi %scan3A_396, %scan3A_397 : i32
      %scan3A_399 = arith.constant 1 : i32
      scf.for %scan3A_401 = %scan3A_396 to %scan3A_398 step %scan3A_399  : i32 {
        %mul3A_402 = arith.constant 2 : i32
        %mul3A_403 = arith.muli %scan3A_401, %mul3A_402 : i32
        %add3A_404 = arith.constant 0 : i32
        %add3A_405 = arith.addi %mul3A_403, %add3A_404 : i32
        %broadcast_in_dim3A = vector.broadcast %add3A_405 : i32 to vector<16xi32>
        %iota3A = tpu.iota {dimensions = array<i32: 0>} : vector<16xi32>
        %add3A_406 = arith.constant 1 : i32
        %add3A_407 = vector.broadcast %add3A_406 : i32 to vector<16xi32>
        %add3A_408 = arith.addi %iota3A, %add3A_407 : vector<16xi32>
        %broadcast_in_dim3A_409 = arith.constant 0 : i32
        %broadcast_in_dim3A_410 = vector.broadcast %broadcast_in_dim3A_409 : i32 to vector<16xi32>
        %broadcast_in_dim3A_411 = arith.constant 1023 : i32
        %broadcast_in_dim3A_412 = vector.broadcast %broadcast_in_dim3A_411 : i32 to vector<16xi32>
        %iota3A_413 = tpu.iota {dimensions = array<i32: 0>} : vector<16xi32>
        %add3A_414 = arith.constant 17 : i32
        %add3A_415 = vector.broadcast %add3A_414 : i32 to vector<16xi32>
        %add3A_416 = arith.addi %iota3A_413, %add3A_415 : vector<16xi32>
        %broadcast_in_dim3A_417 = arith.constant 0 : i32
        %broadcast_in_dim3A_418 = vector.broadcast %broadcast_in_dim3A_417 : i32 to vector<16xi32>
        %broadcast_in_dim3A_419 = arith.constant 1023 : i32
        %broadcast_in_dim3A_420 = vector.broadcast %broadcast_in_dim3A_419 : i32 to vector<16xi32>
        %iota3A_421 = tpu.iota {dimensions = array<i32: 0>} : vector<16xi32>
        %add3A_422 = arith.constant 33 : i32
        %add3A_423 = vector.broadcast %add3A_422 : i32 to vector<16xi32>
        %add3A_424 = arith.addi %iota3A_421, %add3A_423 : vector<16xi32>
        %broadcast_in_dim3A_425 = arith.constant 0 : i32
        %broadcast_in_dim3A_426 = vector.broadcast %broadcast_in_dim3A_425 : i32 to vector<16xi32>
        %broadcast_in_dim3A_427 = arith.constant 1023 : i32
        %broadcast_in_dim3A_428 = vector.broadcast %broadcast_in_dim3A_427 : i32 to vector<16xi32>
        %iota3A_429 = tpu.iota {dimensions = array<i32: 0>} : vector<16xi32>
        %add3A_430 = arith.constant 49 : i32
        %add3A_431 = vector.broadcast %add3A_430 : i32 to vector<16xi32>
        %add3A_432 = arith.addi %iota3A_429, %add3A_431 : vector<16xi32>
        %broadcast_in_dim3A_433 = arith.constant 0 : i32
        %broadcast_in_dim3A_434 = vector.broadcast %broadcast_in_dim3A_433 : i32 to vector<16xi32>
        %broadcast_in_dim3A_435 = arith.constant 1023 : i32
        %broadcast_in_dim3A_436 = vector.broadcast %broadcast_in_dim3A_435 : i32 to vector<16xi32>
        %mul3A_437 = arith.constant 2 : i32
        %mul3A_438 = arith.muli %scan3A_401, %mul3A_437 : i32
        %add3A_439 = arith.constant 1 : i32
        %add3A_440 = arith.addi %mul3A_438, %add3A_439 : i32
        %broadcast_in_dim3A_441 = vector.broadcast %add3A_440 : i32 to vector<16xi32>
        %iota3A_442 = tpu.iota {dimensions = array<i32: 0>} : vector<16xi32>
        %add3A_443 = arith.constant 1 : i32
        %add3A_444 = vector.broadcast %add3A_443 : i32 to vector<16xi32>
        %add3A_445 = arith.addi %iota3A_442, %add3A_444 : vector<16xi32>
        %broadcast_in_dim3A_446 = arith.constant 0 : i32
        %broadcast_in_dim3A_447 = vector.broadcast %broadcast_in_dim3A_446 : i32 to vector<16xi32>
        %broadcast_in_dim3A_448 = arith.constant 1023 : i32
        %broadcast_in_dim3A_449 = vector.broadcast %broadcast_in_dim3A_448 : i32 to vector<16xi32>
        %iota3A_450 = tpu.iota {dimensions = array<i32: 0>} : vector<16xi32>
        %add3A_451 = arith.constant 17 : i32
        %add3A_452 = vector.broadcast %add3A_451 : i32 to vector<16xi32>
        %add3A_453 = arith.addi %iota3A_450, %add3A_452 : vector<16xi32>
        %broadcast_in_dim3A_454 = arith.constant 0 : i32
        %broadcast_in_dim3A_455 = vector.broadcast %broadcast_in_dim3A_454 : i32 to vector<16xi32>
        %broadcast_in_dim3A_456 = arith.constant 1023 : i32
        %broadcast_in_dim3A_457 = vector.broadcast %broadcast_in_dim3A_456 : i32 to vector<16xi32>
        %iota3A_458 = tpu.iota {dimensions = array<i32: 0>} : vector<16xi32>
        %add3A_459 = arith.constant 33 : i32
        %add3A_460 = vector.broadcast %add3A_459 : i32 to vector<16xi32>
        %add3A_461 = arith.addi %iota3A_458, %add3A_460 : vector<16xi32>
        %broadcast_in_dim3A_462 = arith.constant 0 : i32
        %broadcast_in_dim3A_463 = vector.broadcast %broadcast_in_dim3A_462 : i32 to vector<16xi32>
        %broadcast_in_dim3A_464 = arith.constant 1023 : i32
        %broadcast_in_dim3A_465 = vector.broadcast %broadcast_in_dim3A_464 : i32 to vector<16xi32>
        %iota3A_466 = tpu.iota {dimensions = array<i32: 0>} : vector<16xi32>
        %add3A_467 = arith.constant 49 : i32
        %add3A_468 = vector.broadcast %add3A_467 : i32 to vector<16xi32>
        %add3A_469 = arith.addi %iota3A_466, %add3A_468 : vector<16xi32>
        %broadcast_in_dim3A_470 = arith.constant 0 : i32
        %broadcast_in_dim3A_471 = vector.broadcast %broadcast_in_dim3A_470 : i32 to vector<16xi32>
        %broadcast_in_dim3A_472 = arith.constant 1023 : i32
        %broadcast_in_dim3A_473 = vector.broadcast %broadcast_in_dim3A_472 : i32 to vector<16xi32>
        %add3A_474 = arith.addi %broadcast_in_dim3A_410, %broadcast_in_dim3A_412 : vector<16xi32>
        %shift_right_arithmetic3A_475 = arith.constant 1 : i32
        %shift_right_arithmetic3A_476 = vector.broadcast %shift_right_arithmetic3A_475 : i32 to vector<16xi32>
        %shift_right_arithmetic3A_477 = arith.shrsi %add3A_474, %shift_right_arithmetic3A_476 : vector<16xi32>
        %add3A_478 = arith.addi %broadcast_in_dim3A_418, %broadcast_in_dim3A_420 : vector<16xi32>
        %shift_right_arithmetic3A_479 = arith.constant 1 : i32
        %shift_right_arithmetic3A_480 = vector.broadcast %shift_right_arithmetic3A_479 : i32 to vector<16xi32>
        %shift_right_arithmetic3A_481 = arith.shrsi %add3A_478, %shift_right_arithmetic3A_480 : vector<16xi32>
        %add3A_482 = arith.addi %broadcast_in_dim3A_426, %broadcast_in_dim3A_428 : vector<16xi32>
        %shift_right_arithmetic3A_483 = arith.constant 1 : i32
        %shift_right_arithmetic3A_484 = vector.broadcast %shift_right_arithmetic3A_483 : i32 to vector<16xi32>
        %shift_right_arithmetic3A_485 = arith.shrsi %add3A_482, %shift_right_arithmetic3A_484 : vector<16xi32>
        %add3A_486 = arith.addi %broadcast_in_dim3A_434, %broadcast_in_dim3A_436 : vector<16xi32>
        %shift_right_arithmetic3A_487 = arith.constant 1 : i32
        %shift_right_arithmetic3A_488 = vector.broadcast %shift_right_arithmetic3A_487 : i32 to vector<16xi32>
        %shift_right_arithmetic3A_489 = arith.shrsi %add3A_486, %shift_right_arithmetic3A_488 : vector<16xi32>
        %add3A_490 = arith.addi %broadcast_in_dim3A_447, %broadcast_in_dim3A_449 : vector<16xi32>
        %shift_right_arithmetic3A_491 = arith.constant 1 : i32
        %shift_right_arithmetic3A_492 = vector.broadcast %shift_right_arithmetic3A_491 : i32 to vector<16xi32>
        %shift_right_arithmetic3A_493 = arith.shrsi %add3A_490, %shift_right_arithmetic3A_492 : vector<16xi32>
        %add3A_494 = arith.addi %broadcast_in_dim3A_455, %broadcast_in_dim3A_457 : vector<16xi32>
        %shift_right_arithmetic3A_495 = arith.constant 1 : i32
        %shift_right_arithmetic3A_496 = vector.broadcast %shift_right_arithmetic3A_495 : i32 to vector<16xi32>
        %shift_right_arithmetic3A_497 = arith.shrsi %add3A_494, %shift_right_arithmetic3A_496 : vector<16xi32>
        %add3A_498 = arith.addi %broadcast_in_dim3A_463, %broadcast_in_dim3A_465 : vector<16xi32>
        %shift_right_arithmetic3A_499 = arith.constant 1 : i32
        %shift_right_arithmetic3A_500 = vector.broadcast %shift_right_arithmetic3A_499 : i32 to vector<16xi32>
        %shift_right_arithmetic3A_501 = arith.shrsi %add3A_498, %shift_right_arithmetic3A_500 : vector<16xi32>
        %add3A_502 = arith.addi %broadcast_in_dim3A_471, %broadcast_in_dim3A_473 : vector<16xi32>
        %shift_right_arithmetic3A_503 = arith.constant 1 : i32
        %shift_right_arithmetic3A_504 = vector.broadcast %shift_right_arithmetic3A_503 : i32 to vector<16xi32>
        %shift_right_arithmetic3A_505 = arith.shrsi %add3A_502, %shift_right_arithmetic3A_504 : vector<16xi32>
        %gather3A = tpu.vector_load_idx %arg6[%broadcast_in_dim3A, %shift_right_arithmetic3A_477] : memref<16x1024xi32, #tpu.memory_space<vmem>>[vector<16xi32>, vector<16xi32>], vector<16xi32>,
        %gather3A_506 = tpu.vector_load_idx %arg6[%broadcast_in_dim3A, %shift_right_arithmetic3A_481] : memref<16x1024xi32, #tpu.memory_space<vmem>>[vector<16xi32>, vector<16xi32>], vector<16xi32>,
        %gather3A_507 = tpu.vector_load_idx %arg6[%broadcast_in_dim3A, %shift_right_arithmetic3A_485] : memref<16x1024xi32, #tpu.memory_space<vmem>>[vector<16xi32>, vector<16xi32>], vector<16xi32>,
        %gather3A_508 = tpu.vector_load_idx %arg6[%broadcast_in_dim3A, %shift_right_arithmetic3A_489] : memref<16x1024xi32, #tpu.memory_space<vmem>>[vector<16xi32>, vector<16xi32>], vector<16xi32>,
        %gather3A_509 = tpu.vector_load_idx %arg6[%broadcast_in_dim3A_441, %shift_right_arithmetic3A_493] : memref<16x1024xi32, #tpu.memory_space<vmem>>[vector<16xi32>, vector<16xi32>], vector<16xi32>,
        %gather3A_510 = tpu.vector_load_idx %arg6[%broadcast_in_dim3A_441, %shift_right_arithmetic3A_497] : memref<16x1024xi32, #tpu.memory_space<vmem>>[vector<16xi32>, vector<16xi32>], vector<16xi32>,
        %gather3A_511 = tpu.vector_load_idx %arg6[%broadcast_in_dim3A_441, %shift_right_arithmetic3A_501] : memref<16x1024xi32, #tpu.memory_space<vmem>>[vector<16xi32>, vector<16xi32>], vector<16xi32>,
        %gather3A_512 = tpu.vector_load_idx %arg6[%broadcast_in_dim3A_441, %shift_right_arithmetic3A_505] : memref<16x1024xi32, #tpu.memory_space<vmem>>[vector<16xi32>, vector<16xi32>], vector<16xi32>,
        %ge3A = arith.cmpi sge, %gather3A, %add3A_408 : vector<16xi32>
        %add3A_513 = arith.constant 1 : i32
        %add3A_514 = vector.broadcast %add3A_513 : i32 to vector<16xi32>
        %add3A_515 = arith.addi %shift_right_arithmetic3A_477, %add3A_514 : vector<16xi32>
        %select_n3A = arith.select %ge3A, %broadcast_in_dim3A_410, %add3A_515 : vector<16xi1>, vector<16xi32>
        %select_n3A_516 = arith.select %ge3A, %shift_right_arithmetic3A_477, %broadcast_in_dim3A_412 : vector<16xi1>, vector<16xi32>
        %ge3A_517 = arith.cmpi sge, %gather3A_506, %add3A_416 : vector<16xi32>
        %add3A_518 = arith.constant 1 : i32
        %add3A_519 = vector.broadcast %add3A_518 : i32 to vector<16xi32>
        %add3A_520 = arith.addi %shift_right_arithmetic3A_481, %add3A_519 : vector<16xi32>
        %select_n3A_521 = arith.select %ge3A_517, %broadcast_in_dim3A_418, %add3A_520 : vector<16xi1>, vector<16xi32>
        %select_n3A_522 = arith.select %ge3A_517, %shift_right_arithmetic3A_481, %broadcast_in_dim3A_420 : vector<16xi1>, vector<16xi32>
        %ge3A_523 = arith.cmpi sge, %gather3A_507, %add3A_424 : vector<16xi32>
        %add3A_524 = arith.constant 1 : i32
        %add3A_525 = vector.broadcast %add3A_524 : i32 to vector<16xi32>
        %add3A_526 = arith.addi %shift_right_arithmetic3A_485, %add3A_525 : vector<16xi32>
        %select_n3A_527 = arith.select %ge3A_523, %broadcast_in_dim3A_426, %add3A_526 : vector<16xi1>, vector<16xi32>
        %select_n3A_528 = arith.select %ge3A_523, %shift_right_arithmetic3A_485, %broadcast_in_dim3A_428 : vector<16xi1>, vector<16xi32>
        %ge3A_529 = arith.cmpi sge, %gather3A_508, %add3A_432 : vector<16xi32>
        %add3A_530 = arith.constant 1 : i32
        %add3A_531 = vector.broadcast %add3A_530 : i32 to vector<16xi32>
        %add3A_532 = arith.addi %shift_right_arithmetic3A_489, %add3A_531 : vector<16xi32>
        %select_n3A_533 = arith.select %ge3A_529, %broadcast_in_dim3A_434, %add3A_532 : vector<16xi1>, vector<16xi32>
        %select_n3A_534 = arith.select %ge3A_529, %shift_right_arithmetic3A_489, %broadcast_in_dim3A_436 : vector<16xi1>, vector<16xi32>
        %ge3A_535 = arith.cmpi sge, %gather3A_509, %add3A_445 : vector<16xi32>
        %add3A_536 = arith.constant 1 : i32
        %add3A_537 = vector.broadcast %add3A_536 : i32 to vector<16xi32>
        %add3A_538 = arith.addi %shift_right_arithmetic3A_493, %add3A_537 : vector<16xi32>
        %select_n3A_539 = arith.select %ge3A_535, %broadcast_in_dim3A_447, %add3A_538 : vector<16xi1>, vector<16xi32>
        %select_n3A_540 = arith.select %ge3A_535, %shift_right_arithmetic3A_493, %broadcast_in_dim3A_449 : vector<16xi1>, vector<16xi32>
        %ge3A_541 = arith.cmpi sge, %gather3A_510, %add3A_453 : vector<16xi32>
        %add3A_542 = arith.constant 1 : i32
        %add3A_543 = vector.broadcast %add3A_542 : i32 to vector<16xi32>
        %add3A_544 = arith.addi %shift_right_arithmetic3A_497, %add3A_543 : vector<16xi32>
        %select_n3A_545 = arith.select %ge3A_541, %broadcast_in_dim3A_455, %add3A_544 : vector<16xi1>, vector<16xi32>
        %select_n3A_546 = arith.select %ge3A_541, %shift_right_arithmetic3A_497, %broadcast_in_dim3A_457 : vector<16xi1>, vector<16xi32>
        %ge3A_547 = arith.cmpi sge, %gather3A_511, %add3A_461 : vector<16xi32>
        %add3A_548 = arith.constant 1 : i32
        %add3A_549 = vector.broadcast %add3A_548 : i32 to vector<16xi32>
        %add3A_550 = arith.addi %shift_right_arithmetic3A_501, %add3A_549 : vector<16xi32>
        %select_n3A_551 = arith.select %ge3A_547, %broadcast_in_dim3A_463, %add3A_550 : vector<16xi1>, vector<16xi32>
        %select_n3A_552 = arith.select %ge3A_547, %shift_right_arithmetic3A_501, %broadcast_in_dim3A_465 : vector<16xi1>, vector<16xi32>
        %ge3A_553 = arith.cmpi sge, %gather3A_512, %add3A_469 : vector<16xi32>
        %add3A_554 = arith.constant 1 : i32
        %add3A_555 = vector.broadcast %add3A_554 : i32 to vector<16xi32>
        %add3A_556 = arith.addi %shift_right_arithmetic3A_505, %add3A_555 : vector<16xi32>
        %select_n3A_557 = arith.select %ge3A_553, %broadcast_in_dim3A_471, %add3A_556 : vector<16xi1>, vector<16xi32>
        %select_n3A_558 = arith.select %ge3A_553, %shift_right_arithmetic3A_505, %broadcast_in_dim3A_473 : vector<16xi1>, vector<16xi32>
        %add3A_559 = arith.addi %select_n3A, %select_n3A_516 : vector<16xi32>
        %shift_right_arithmetic3A_560 = arith.constant 1 : i32
        %shift_right_arithmetic3A_561 = vector.broadcast %shift_right_arithmetic3A_560 : i32 to vector<16xi32>
        %shift_right_arithmetic3A_562 = arith.shrsi %add3A_559, %shift_right_arithmetic3A_561 : vector<16xi32>
        %add3A_563 = arith.addi %select_n3A_521, %select_n3A_522 : vector<16xi32>
        %shift_right_arithmetic3A_564 = arith.constant 1 : i32
        %shift_right_arithmetic3A_565 = vector.broadcast %shift_right_arithmetic3A_564 : i32 to vector<16xi32>
        %shift_right_arithmetic3A_566 = arith.shrsi %add3A_563, %shift_right_arithmetic3A_565 : vector<16xi32>
        %add3A_567 = arith.addi %select_n3A_527, %select_n3A_528 : vector<16xi32>
        %shift_right_arithmetic3A_568 = arith.constant 1 : i32
        %shift_right_arithmetic3A_569 = vector.broadcast %shift_right_arithmetic3A_568 : i32 to vector<16xi32>
        %shift_right_arithmetic3A_570 = arith.shrsi %add3A_567, %shift_right_arithmetic3A_569 : vector<16xi32>
        %add3A_571 = arith.addi %select_n3A_533, %select_n3A_534 : vector<16xi32>
        %shift_right_arithmetic3A_572 = arith.constant 1 : i32
        %shift_right_arithmetic3A_573 = vector.broadcast %shift_right_arithmetic3A_572 : i32 to vector<16xi32>
        %shift_right_arithmetic3A_574 = arith.shrsi %add3A_571, %shift_right_arithmetic3A_573 : vector<16xi32>
        %add3A_575 = arith.addi %select_n3A_539, %select_n3A_540 : vector<16xi32>
        %shift_right_arithmetic3A_576 = arith.constant 1 : i32
        %shift_right_arithmetic3A_577 = vector.broadcast %shift_right_arithmetic3A_576 : i32 to vector<16xi32>
        %shift_right_arithmetic3A_578 = arith.shrsi %add3A_575, %shift_right_arithmetic3A_577 : vector<16xi32>
        %add3A_579 = arith.addi %select_n3A_545, %select_n3A_546 : vector<16xi32>
        %shift_right_arithmetic3A_580 = arith.constant 1 : i32
        %shift_right_arithmetic3A_581 = vector.broadcast %shift_right_arithmetic3A_580 : i32 to vector<16xi32>
        %shift_right_arithmetic3A_582 = arith.shrsi %add3A_579, %shift_right_arithmetic3A_581 : vector<16xi32>
        %add3A_583 = arith.addi %select_n3A_551, %select_n3A_552 : vector<16xi32>
        %shift_right_arithmetic3A_584 = arith.constant 1 : i32
        %shift_right_arithmetic3A_585 = vector.broadcast %shift_right_arithmetic3A_584 : i32 to vector<16xi32>
        %shift_right_arithmetic3A_586 = arith.shrsi %add3A_583, %shift_right_arithmetic3A_585 : vector<16xi32>
        %add3A_587 = arith.addi %select_n3A_557, %select_n3A_558 : vector<16xi32>
        %shift_right_arithmetic3A_588 = arith.constant 1 : i32
        %shift_right_arithmetic3A_589 = vector.broadcast %shift_right_arithmetic3A_588 : i32 to vector<16xi32>
        %shift_right_arithmetic3A_590 = arith.shrsi %add3A_587, %shift_right_arithmetic3A_589 : vector<16xi32>
        %gather3A_591 = tpu.vector_load_idx %arg6[%broadcast_in_dim3A, %shift_right_arithmetic3A_562] : memref<16x1024xi32, #tpu.memory_space<vmem>>[vector<16xi32>, vector<16xi32>], vector<16xi32>,
        %gather3A_592 = tpu.vector_load_idx %arg6[%broadcast_in_dim3A, %shift_right_arithmetic3A_566] : memref<16x1024xi32, #tpu.memory_space<vmem>>[vector<16xi32>, vector<16xi32>], vector<16xi32>,
        %gather3A_593 = tpu.vector_load_idx %arg6[%broadcast_in_dim3A, %shift_right_arithmetic3A_570] : memref<16x1024xi32, #tpu.memory_space<vmem>>[vector<16xi32>, vector<16xi32>], vector<16xi32>,
        %gather3A_594 = tpu.vector_load_idx %arg6[%broadcast_in_dim3A, %shift_right_arithmetic3A_574] : memref<16x1024xi32, #tpu.memory_space<vmem>>[vector<16xi32>, vector<16xi32>], vector<16xi32>,
        %gather3A_595 = tpu.vector_load_idx %arg6[%broadcast_in_dim3A_441, %shift_right_arithmetic3A_578] : memref<16x1024xi32, #tpu.memory_space<vmem>>[vector<16xi32>, vector<16xi32>], vector<16xi32>,
        %gather3A_596 = tpu.vector_load_idx %arg6[%broadcast_in_dim3A_441, %shift_right_arithmetic3A_582] : memref<16x1024xi32, #tpu.memory_space<vmem>>[vector<16xi32>, vector<16xi32>], vector<16xi32>,
        %gather3A_597 = tpu.vector_load_idx %arg6[%broadcast_in_dim3A_441, %shift_right_arithmetic3A_586] : memref<16x1024xi32, #tpu.memory_space<vmem>>[vector<16xi32>, vector<16xi32>], vector<16xi32>,
        %gather3A_598 = tpu.vector_load_idx %arg6[%broadcast_in_dim3A_441, %shift_right_arithmetic3A_590] : memref<16x1024xi32, #tpu.memory_space<vmem>>[vector<16xi32>, vector<16xi32>], vector<16xi32>,
        %ge3A_599 = arith.cmpi sge, %gather3A_591, %add3A_408 : vector<16xi32>
        %add3A_600 = arith.constant 1 : i32
        %add3A_601 = vector.broadcast %add3A_600 : i32 to vector<16xi32>
        %add3A_602 = arith.addi %shift_right_arithmetic3A_562, %add3A_601 : vector<16xi32>
        %select_n3A_603 = arith.select %ge3A_599, %select_n3A, %add3A_602 : vector<16xi1>, vector<16xi32>
        %select_n3A_604 = arith.select %ge3A_599, %shift_right_arithmetic3A_562, %select_n3A_516 : vector<16xi1>, vector<16xi32>
        %ge3A_605 = arith.cmpi sge, %gather3A_592, %add3A_416 : vector<16xi32>
        %add3A_606 = arith.constant 1 : i32
        %add3A_607 = vector.broadcast %add3A_606 : i32 to vector<16xi32>
        %add3A_608 = arith.addi %shift_right_arithmetic3A_566, %add3A_607 : vector<16xi32>
        %select_n3A_609 = arith.select %ge3A_605, %select_n3A_521, %add3A_608 : vector<16xi1>, vector<16xi32>
        %select_n3A_610 = arith.select %ge3A_605, %shift_right_arithmetic3A_566, %select_n3A_522 : vector<16xi1>, vector<16xi32>
        %ge3A_611 = arith.cmpi sge, %gather3A_593, %add3A_424 : vector<16xi32>
        %add3A_612 = arith.constant 1 : i32
        %add3A_613 = vector.broadcast %add3A_612 : i32 to vector<16xi32>
        %add3A_614 = arith.addi %shift_right_arithmetic3A_570, %add3A_613 : vector<16xi32>
        %select_n3A_615 = arith.select %ge3A_611, %select_n3A_527, %add3A_614 : vector<16xi1>, vector<16xi32>
        %select_n3A_616 = arith.select %ge3A_611, %shift_right_arithmetic3A_570, %select_n3A_528 : vector<16xi1>, vector<16xi32>
        %ge3A_617 = arith.cmpi sge, %gather3A_594, %add3A_432 : vector<16xi32>
        %add3A_618 = arith.constant 1 : i32
        %add3A_619 = vector.broadcast %add3A_618 : i32 to vector<16xi32>
        %add3A_620 = arith.addi %shift_right_arithmetic3A_574, %add3A_619 : vector<16xi32>
        %select_n3A_621 = arith.select %ge3A_617, %select_n3A_533, %add3A_620 : vector<16xi1>, vector<16xi32>
        %select_n3A_622 = arith.select %ge3A_617, %shift_right_arithmetic3A_574, %select_n3A_534 : vector<16xi1>, vector<16xi32>
        %ge3A_623 = arith.cmpi sge, %gather3A_595, %add3A_445 : vector<16xi32>
        %add3A_624 = arith.constant 1 : i32
        %add3A_625 = vector.broadcast %add3A_624 : i32 to vector<16xi32>
        %add3A_626 = arith.addi %shift_right_arithmetic3A_578, %add3A_625 : vector<16xi32>
        %select_n3A_627 = arith.select %ge3A_623, %select_n3A_539, %add3A_626 : vector<16xi1>, vector<16xi32>
        %select_n3A_628 = arith.select %ge3A_623, %shift_right_arithmetic3A_578, %select_n3A_540 : vector<16xi1>, vector<16xi32>
        %ge3A_629 = arith.cmpi sge, %gather3A_596, %add3A_453 : vector<16xi32>
        %add3A_630 = arith.constant 1 : i32
        %add3A_631 = vector.broadcast %add3A_630 : i32 to vector<16xi32>
        %add3A_632 = arith.addi %shift_right_arithmetic3A_582, %add3A_631 : vector<16xi32>
        %select_n3A_633 = arith.select %ge3A_629, %select_n3A_545, %add3A_632 : vector<16xi1>, vector<16xi32>
        %select_n3A_634 = arith.select %ge3A_629, %shift_right_arithmetic3A_582, %select_n3A_546 : vector<16xi1>, vector<16xi32>
        %ge3A_635 = arith.cmpi sge, %gather3A_597, %add3A_461 : vector<16xi32>
        %add3A_636 = arith.constant 1 : i32
        %add3A_637 = vector.broadcast %add3A_636 : i32 to vector<16xi32>
        %add3A_638 = arith.addi %shift_right_arithmetic3A_586, %add3A_637 : vector<16xi32>
        %select_n3A_639 = arith.select %ge3A_635, %select_n3A_551, %add3A_638 : vector<16xi1>, vector<16xi32>
        %select_n3A_640 = arith.select %ge3A_635, %shift_right_arithmetic3A_586, %select_n3A_552 : vector<16xi1>, vector<16xi32>
        %ge3A_641 = arith.cmpi sge, %gather3A_598, %add3A_469 : vector<16xi32>
        %add3A_642 = arith.constant 1 : i32
        %add3A_643 = vector.broadcast %add3A_642 : i32 to vector<16xi32>
        %add3A_644 = arith.addi %shift_right_arithmetic3A_590, %add3A_643 : vector<16xi32>
        %select_n3A_645 = arith.select %ge3A_641, %select_n3A_557, %add3A_644 : vector<16xi1>, vector<16xi32>
        %select_n3A_646 = arith.select %ge3A_641, %shift_right_arithmetic3A_590, %select_n3A_558 : vector<16xi1>, vector<16xi32>
        %add3A_647 = arith.addi %select_n3A_603, %select_n3A_604 : vector<16xi32>
        %shift_right_arithmetic3A_648 = arith.constant 1 : i32
        %shift_right_arithmetic3A_649 = vector.broadcast %shift_right_arithmetic3A_648 : i32 to vector<16xi32>
        %shift_right_arithmetic3A_650 = arith.shrsi %add3A_647, %shift_right_arithmetic3A_649 : vector<16xi32>
        %add3A_651 = arith.addi %select_n3A_609, %select_n3A_610 : vector<16xi32>
        %shift_right_arithmetic3A_652 = arith.constant 1 : i32
        %shift_right_arithmetic3A_653 = vector.broadcast %shift_right_arithmetic3A_652 : i32 to vector<16xi32>
        %shift_right_arithmetic3A_654 = arith.shrsi %add3A_651, %shift_right_arithmetic3A_653 : vector<16xi32>
        %add3A_655 = arith.addi %select_n3A_615, %select_n3A_616 : vector<16xi32>
        %shift_right_arithmetic3A_656 = arith.constant 1 : i32
        %shift_right_arithmetic3A_657 = vector.broadcast %shift_right_arithmetic3A_656 : i32 to vector<16xi32>
        %shift_right_arithmetic3A_658 = arith.shrsi %add3A_655, %shift_right_arithmetic3A_657 : vector<16xi32>
        %add3A_659 = arith.addi %select_n3A_621, %select_n3A_622 : vector<16xi32>
        %shift_right_arithmetic3A_660 = arith.constant 1 : i32
        %shift_right_arithmetic3A_661 = vector.broadcast %shift_right_arithmetic3A_660 : i32 to vector<16xi32>
        %shift_right_arithmetic3A_662 = arith.shrsi %add3A_659, %shift_right_arithmetic3A_661 : vector<16xi32>
        %add3A_663 = arith.addi %select_n3A_627, %select_n3A_628 : vector<16xi32>
        %shift_right_arithmetic3A_664 = arith.constant 1 : i32
        %shift_right_arithmetic3A_665 = vector.broadcast %shift_right_arithmetic3A_664 : i32 to vector<16xi32>
        %shift_right_arithmetic3A_666 = arith.shrsi %add3A_663, %shift_right_arithmetic3A_665 : vector<16xi32>
        %add3A_667 = arith.addi %select_n3A_633, %select_n3A_634 : vector<16xi32>
        %shift_right_arithmetic3A_668 = arith.constant 1 : i32
        %shift_right_arithmetic3A_669 = vector.broadcast %shift_right_arithmetic3A_668 : i32 to vector<16xi32>
        %shift_right_arithmetic3A_670 = arith.shrsi %add3A_667, %shift_right_arithmetic3A_669 : vector<16xi32>
        %add3A_671 = arith.addi %select_n3A_639, %select_n3A_640 : vector<16xi32>
        %shift_right_arithmetic3A_672 = arith.constant 1 : i32
        %shift_right_arithmetic3A_673 = vector.broadcast %shift_right_arithmetic3A_672 : i32 to vector<16xi32>
        %shift_right_arithmetic3A_674 = arith.shrsi %add3A_671, %shift_right_arithmetic3A_673 : vector<16xi32>
        %add3A_675 = arith.addi %select_n3A_645, %select_n3A_646 : vector<16xi32>
        %shift_right_arithmetic3A_676 = arith.constant 1 : i32
        %shift_right_arithmetic3A_677 = vector.broadcast %shift_right_arithmetic3A_676 : i32 to vector<16xi32>
        %shift_right_arithmetic3A_678 = arith.shrsi %add3A_675, %shift_right_arithmetic3A_677 : vector<16xi32>
        %gather3A_679 = tpu.vector_load_idx %arg6[%broadcast_in_dim3A, %shift_right_arithmetic3A_650] : memref<16x1024xi32, #tpu.memory_space<vmem>>[vector<16xi32>, vector<16xi32>], vector<16xi32>,
        %gather3A_680 = tpu.vector_load_idx %arg6[%broadcast_in_dim3A, %shift_right_arithmetic3A_654] : memref<16x1024xi32, #tpu.memory_space<vmem>>[vector<16xi32>, vector<16xi32>], vector<16xi32>,
        %gather3A_681 = tpu.vector_load_idx %arg6[%broadcast_in_dim3A, %shift_right_arithmetic3A_658] : memref<16x1024xi32, #tpu.memory_space<vmem>>[vector<16xi32>, vector<16xi32>], vector<16xi32>,
        %gather3A_682 = tpu.vector_load_idx %arg6[%broadcast_in_dim3A, %shift_right_arithmetic3A_662] : memref<16x1024xi32, #tpu.memory_space<vmem>>[vector<16xi32>, vector<16xi32>], vector<16xi32>,
        %gather3A_683 = tpu.vector_load_idx %arg6[%broadcast_in_dim3A_441, %shift_right_arithmetic3A_666] : memref<16x1024xi32, #tpu.memory_space<vmem>>[vector<16xi32>, vector<16xi32>], vector<16xi32>,
        %gather3A_684 = tpu.vector_load_idx %arg6[%broadcast_in_dim3A_441, %shift_right_arithmetic3A_670] : memref<16x1024xi32, #tpu.memory_space<vmem>>[vector<16xi32>, vector<16xi32>], vector<16xi32>,
        %gather3A_685 = tpu.vector_load_idx %arg6[%broadcast_in_dim3A_441, %shift_right_arithmetic3A_674] : memref<16x1024xi32, #tpu.memory_space<vmem>>[vector<16xi32>, vector<16xi32>], vector<16xi32>,
        %gather3A_686 = tpu.vector_load_idx %arg6[%broadcast_in_dim3A_441, %shift_right_arithmetic3A_678] : memref<16x1024xi32, #tpu.memory_space<vmem>>[vector<16xi32>, vector<16xi32>], vector<16xi32>,
        %ge3A_687 = arith.cmpi sge, %gather3A_679, %add3A_408 : vector<16xi32>
        %add3A_688 = arith.constant 1 : i32
        %add3A_689 = vector.broadcast %add3A_688 : i32 to vector<16xi32>
        %add3A_690 = arith.addi %shift_right_arithmetic3A_650, %add3A_689 : vector<16xi32>
        %select_n3A_691 = arith.select %ge3A_687, %select_n3A_603, %add3A_690 : vector<16xi1>, vector<16xi32>
        %select_n3A_692 = arith.select %ge3A_687, %shift_right_arithmetic3A_650, %select_n3A_604 : vector<16xi1>, vector<16xi32>
        %ge3A_693 = arith.cmpi sge, %gather3A_680, %add3A_416 : vector<16xi32>
        %add3A_694 = arith.constant 1 : i32
        %add3A_695 = vector.broadcast %add3A_694 : i32 to vector<16xi32>
        %add3A_696 = arith.addi %shift_right_arithmetic3A_654, %add3A_695 : vector<16xi32>
        %select_n3A_697 = arith.select %ge3A_693, %select_n3A_609, %add3A_696 : vector<16xi1>, vector<16xi32>
        %select_n3A_698 = arith.select %ge3A_693, %shift_right_arithmetic3A_654, %select_n3A_610 : vector<16xi1>, vector<16xi32>
        %ge3A_699 = arith.cmpi sge, %gather3A_681, %add3A_424 : vector<16xi32>
        %add3A_700 = arith.constant 1 : i32
        %add3A_701 = vector.broadcast %add3A_700 : i32 to vector<16xi32>
        %add3A_702 = arith.addi %shift_right_arithmetic3A_658, %add3A_701 : vector<16xi32>
        %select_n3A_703 = arith.select %ge3A_699, %select_n3A_615, %add3A_702 : vector<16xi1>, vector<16xi32>
        %select_n3A_704 = arith.select %ge3A_699, %shift_right_arithmetic3A_658, %select_n3A_616 : vector<16xi1>, vector<16xi32>
        %ge3A_705 = arith.cmpi sge, %gather3A_682, %add3A_432 : vector<16xi32>
        %add3A_706 = arith.constant 1 : i32
        %add3A_707 = vector.broadcast %add3A_706 : i32 to vector<16xi32>
        %add3A_708 = arith.addi %shift_right_arithmetic3A_662, %add3A_707 : vector<16xi32>
        %select_n3A_709 = arith.select %ge3A_705, %select_n3A_621, %add3A_708 : vector<16xi1>, vector<16xi32>
        %select_n3A_710 = arith.select %ge3A_705, %shift_right_arithmetic3A_662, %select_n3A_622 : vector<16xi1>, vector<16xi32>
        %ge3A_711 = arith.cmpi sge, %gather3A_683, %add3A_445 : vector<16xi32>
        %add3A_712 = arith.constant 1 : i32
        %add3A_713 = vector.broadcast %add3A_712 : i32 to vector<16xi32>
        %add3A_714 = arith.addi %shift_right_arithmetic3A_666, %add3A_713 : vector<16xi32>
        %select_n3A_715 = arith.select %ge3A_711, %select_n3A_627, %add3A_714 : vector<16xi1>, vector<16xi32>
        %select_n3A_716 = arith.select %ge3A_711, %shift_right_arithmetic3A_666, %select_n3A_628 : vector<16xi1>, vector<16xi32>
        %ge3A_717 = arith.cmpi sge, %gather3A_684, %add3A_453 : vector<16xi32>
        %add3A_718 = arith.constant 1 : i32
        %add3A_719 = vector.broadcast %add3A_718 : i32 to vector<16xi32>
        %add3A_720 = arith.addi %shift_right_arithmetic3A_670, %add3A_719 : vector<16xi32>
        %select_n3A_721 = arith.select %ge3A_717, %select_n3A_633, %add3A_720 : vector<16xi1>, vector<16xi32>
        %select_n3A_722 = arith.select %ge3A_717, %shift_right_arithmetic3A_670, %select_n3A_634 : vector<16xi1>, vector<16xi32>
        %ge3A_723 = arith.cmpi sge, %gather3A_685, %add3A_461 : vector<16xi32>
        %add3A_724 = arith.constant 1 : i32
        %add3A_725 = vector.broadcast %add3A_724 : i32 to vector<16xi32>
        %add3A_726 = arith.addi %shift_right_arithmetic3A_674, %add3A_725 : vector<16xi32>
        %select_n3A_727 = arith.select %ge3A_723, %select_n3A_639, %add3A_726 : vector<16xi1>, vector<16xi32>
        %select_n3A_728 = arith.select %ge3A_723, %shift_right_arithmetic3A_674, %select_n3A_640 : vector<16xi1>, vector<16xi32>
        %ge3A_729 = arith.cmpi sge, %gather3A_686, %add3A_469 : vector<16xi32>
        %add3A_730 = arith.constant 1 : i32
        %add3A_731 = vector.broadcast %add3A_730 : i32 to vector<16xi32>
        %add3A_732 = arith.addi %shift_right_arithmetic3A_678, %add3A_731 : vector<16xi32>
        %select_n3A_733 = arith.select %ge3A_729, %select_n3A_645, %add3A_732 : vector<16xi1>, vector<16xi32>
        %select_n3A_734 = arith.select %ge3A_729, %shift_right_arithmetic3A_678, %select_n3A_646 : vector<16xi1>, vector<16xi32>
        %add3A_735 = arith.addi %select_n3A_691, %select_n3A_692 : vector<16xi32>
        %shift_right_arithmetic3A_736 = arith.constant 1 : i32
        %shift_right_arithmetic3A_737 = vector.broadcast %shift_right_arithmetic3A_736 : i32 to vector<16xi32>
        %shift_right_arithmetic3A_738 = arith.shrsi %add3A_735, %shift_right_arithmetic3A_737 : vector<16xi32>
        %add3A_739 = arith.addi %select_n3A_697, %select_n3A_698 : vector<16xi32>
        %shift_right_arithmetic3A_740 = arith.constant 1 : i32
        %shift_right_arithmetic3A_741 = vector.broadcast %shift_right_arithmetic3A_740 : i32 to vector<16xi32>
        %shift_right_arithmetic3A_742 = arith.shrsi %add3A_739, %shift_right_arithmetic3A_741 : vector<16xi32>
        %add3A_743 = arith.addi %select_n3A_703, %select_n3A_704 : vector<16xi32>
        %shift_right_arithmetic3A_744 = arith.constant 1 : i32
        %shift_right_arithmetic3A_745 = vector.broadcast %shift_right_arithmetic3A_744 : i32 to vector<16xi32>
        %shift_right_arithmetic3A_746 = arith.shrsi %add3A_743, %shift_right_arithmetic3A_745 : vector<16xi32>
        %add3A_747 = arith.addi %select_n3A_709, %select_n3A_710 : vector<16xi32>
        %shift_right_arithmetic3A_748 = arith.constant 1 : i32
        %shift_right_arithmetic3A_749 = vector.broadcast %shift_right_arithmetic3A_748 : i32 to vector<16xi32>
        %shift_right_arithmetic3A_750 = arith.shrsi %add3A_747, %shift_right_arithmetic3A_749 : vector<16xi32>
        %add3A_751 = arith.addi %select_n3A_715, %select_n3A_716 : vector<16xi32>
        %shift_right_arithmetic3A_752 = arith.constant 1 : i32
        %shift_right_arithmetic3A_753 = vector.broadcast %shift_right_arithmetic3A_752 : i32 to vector<16xi32>
        %shift_right_arithmetic3A_754 = arith.shrsi %add3A_751, %shift_right_arithmetic3A_753 : vector<16xi32>
        %add3A_755 = arith.addi %select_n3A_721, %select_n3A_722 : vector<16xi32>
        %shift_right_arithmetic3A_756 = arith.constant 1 : i32
        %shift_right_arithmetic3A_757 = vector.broadcast %shift_right_arithmetic3A_756 : i32 to vector<16xi32>
        %shift_right_arithmetic3A_758 = arith.shrsi %add3A_755, %shift_right_arithmetic3A_757 : vector<16xi32>
        %add3A_759 = arith.addi %select_n3A_727, %select_n3A_728 : vector<16xi32>
        %shift_right_arithmetic3A_760 = arith.constant 1 : i32
        %shift_right_arithmetic3A_761 = vector.broadcast %shift_right_arithmetic3A_760 : i32 to vector<16xi32>
        %shift_right_arithmetic3A_762 = arith.shrsi %add3A_759, %shift_right_arithmetic3A_761 : vector<16xi32>
        %add3A_763 = arith.addi %select_n3A_733, %select_n3A_734 : vector<16xi32>
        %shift_right_arithmetic3A_764 = arith.constant 1 : i32
        %shift_right_arithmetic3A_765 = vector.broadcast %shift_right_arithmetic3A_764 : i32 to vector<16xi32>
        %shift_right_arithmetic3A_766 = arith.shrsi %add3A_763, %shift_right_arithmetic3A_765 : vector<16xi32>
        %gather3A_767 = tpu.vector_load_idx %arg6[%broadcast_in_dim3A, %shift_right_arithmetic3A_738] : memref<16x1024xi32, #tpu.memory_space<vmem>>[vector<16xi32>, vector<16xi32>], vector<16xi32>,
        %gather3A_768 = tpu.vector_load_idx %arg6[%broadcast_in_dim3A, %shift_right_arithmetic3A_742] : memref<16x1024xi32, #tpu.memory_space<vmem>>[vector<16xi32>, vector<16xi32>], vector<16xi32>,
        %gather3A_769 = tpu.vector_load_idx %arg6[%broadcast_in_dim3A, %shift_right_arithmetic3A_746] : memref<16x1024xi32, #tpu.memory_space<vmem>>[vector<16xi32>, vector<16xi32>], vector<16xi32>,
        %gather3A_770 = tpu.vector_load_idx %arg6[%broadcast_in_dim3A, %shift_right_arithmetic3A_750] : memref<16x1024xi32, #tpu.memory_space<vmem>>[vector<16xi32>, vector<16xi32>], vector<16xi32>,
        %gather3A_771 = tpu.vector_load_idx %arg6[%broadcast_in_dim3A_441, %shift_right_arithmetic3A_754] : memref<16x1024xi32, #tpu.memory_space<vmem>>[vector<16xi32>, vector<16xi32>], vector<16xi32>,
        %gather3A_772 = tpu.vector_load_idx %arg6[%broadcast_in_dim3A_441, %shift_right_arithmetic3A_758] : memref<16x1024xi32, #tpu.memory_space<vmem>>[vector<16xi32>, vector<16xi32>], vector<16xi32>,
        %gather3A_773 = tpu.vector_load_idx %arg6[%broadcast_in_dim3A_441, %shift_right_arithmetic3A_762] : memref<16x1024xi32, #tpu.memory_space<vmem>>[vector<16xi32>, vector<16xi32>], vector<16xi32>,
        %gather3A_774 = tpu.vector_load_idx %arg6[%broadcast_in_dim3A_441, %shift_right_arithmetic3A_766] : memref<16x1024xi32, #tpu.memory_space<vmem>>[vector<16xi32>, vector<16xi32>], vector<16xi32>,
        %ge3A_775 = arith.cmpi sge, %gather3A_767, %add3A_408 : vector<16xi32>
        %add3A_776 = arith.constant 1 : i32
        %add3A_777 = vector.broadcast %add3A_776 : i32 to vector<16xi32>
        %add3A_778 = arith.addi %shift_right_arithmetic3A_738, %add3A_777 : vector<16xi32>
        %select_n3A_779 = arith.select %ge3A_775, %select_n3A_691, %add3A_778 : vector<16xi1>, vector<16xi32>
        %select_n3A_780 = arith.select %ge3A_775, %shift_right_arithmetic3A_738, %select_n3A_692 : vector<16xi1>, vector<16xi32>
        %ge3A_781 = arith.cmpi sge, %gather3A_768, %add3A_416 : vector<16xi32>
        %add3A_782 = arith.constant 1 : i32
        %add3A_783 = vector.broadcast %add3A_782 : i32 to vector<16xi32>
        %add3A_784 = arith.addi %shift_right_arithmetic3A_742, %add3A_783 : vector<16xi32>
        %select_n3A_785 = arith.select %ge3A_781, %select_n3A_697, %add3A_784 : vector<16xi1>, vector<16xi32>
        %select_n3A_786 = arith.select %ge3A_781, %shift_right_arithmetic3A_742, %select_n3A_698 : vector<16xi1>, vector<16xi32>
        %ge3A_787 = arith.cmpi sge, %gather3A_769, %add3A_424 : vector<16xi32>
        %add3A_788 = arith.constant 1 : i32
        %add3A_789 = vector.broadcast %add3A_788 : i32 to vector<16xi32>
        %add3A_790 = arith.addi %shift_right_arithmetic3A_746, %add3A_789 : vector<16xi32>
        %select_n3A_791 = arith.select %ge3A_787, %select_n3A_703, %add3A_790 : vector<16xi1>, vector<16xi32>
        %select_n3A_792 = arith.select %ge3A_787, %shift_right_arithmetic3A_746, %select_n3A_704 : vector<16xi1>, vector<16xi32>
        %ge3A_793 = arith.cmpi sge, %gather3A_770, %add3A_432 : vector<16xi32>
        %add3A_794 = arith.constant 1 : i32
        %add3A_795 = vector.broadcast %add3A_794 : i32 to vector<16xi32>
        %add3A_796 = arith.addi %shift_right_arithmetic3A_750, %add3A_795 : vector<16xi32>
        %select_n3A_797 = arith.select %ge3A_793, %select_n3A_709, %add3A_796 : vector<16xi1>, vector<16xi32>
        %select_n3A_798 = arith.select %ge3A_793, %shift_right_arithmetic3A_750, %select_n3A_710 : vector<16xi1>, vector<16xi32>
        %ge3A_799 = arith.cmpi sge, %gather3A_771, %add3A_445 : vector<16xi32>
        %add3A_800 = arith.constant 1 : i32
        %add3A_801 = vector.broadcast %add3A_800 : i32 to vector<16xi32>
        %add3A_802 = arith.addi %shift_right_arithmetic3A_754, %add3A_801 : vector<16xi32>
        %select_n3A_803 = arith.select %ge3A_799, %select_n3A_715, %add3A_802 : vector<16xi1>, vector<16xi32>
        %select_n3A_804 = arith.select %ge3A_799, %shift_right_arithmetic3A_754, %select_n3A_716 : vector<16xi1>, vector<16xi32>
        %ge3A_805 = arith.cmpi sge, %gather3A_772, %add3A_453 : vector<16xi32>
        %add3A_806 = arith.constant 1 : i32
        %add3A_807 = vector.broadcast %add3A_806 : i32 to vector<16xi32>
        %add3A_808 = arith.addi %shift_right_arithmetic3A_758, %add3A_807 : vector<16xi32>
        %select_n3A_809 = arith.select %ge3A_805, %select_n3A_721, %add3A_808 : vector<16xi1>, vector<16xi32>
        %select_n3A_810 = arith.select %ge3A_805, %shift_right_arithmetic3A_758, %select_n3A_722 : vector<16xi1>, vector<16xi32>
        %ge3A_811 = arith.cmpi sge, %gather3A_773, %add3A_461 : vector<16xi32>
        %add3A_812 = arith.constant 1 : i32
        %add3A_813 = vector.broadcast %add3A_812 : i32 to vector<16xi32>
        %add3A_814 = arith.addi %shift_right_arithmetic3A_762, %add3A_813 : vector<16xi32>
        %select_n3A_815 = arith.select %ge3A_811, %select_n3A_727, %add3A_814 : vector<16xi1>, vector<16xi32>
        %select_n3A_816 = arith.select %ge3A_811, %shift_right_arithmetic3A_762, %select_n3A_728 : vector<16xi1>, vector<16xi32>
        %ge3A_817 = arith.cmpi sge, %gather3A_774, %add3A_469 : vector<16xi32>
        %add3A_818 = arith.constant 1 : i32
        %add3A_819 = vector.broadcast %add3A_818 : i32 to vector<16xi32>
        %add3A_820 = arith.addi %shift_right_arithmetic3A_766, %add3A_819 : vector<16xi32>
        %select_n3A_821 = arith.select %ge3A_817, %select_n3A_733, %add3A_820 : vector<16xi1>, vector<16xi32>
        %select_n3A_822 = arith.select %ge3A_817, %shift_right_arithmetic3A_766, %select_n3A_734 : vector<16xi1>, vector<16xi32>
        %add3A_823 = arith.addi %select_n3A_779, %select_n3A_780 : vector<16xi32>
        %shift_right_arithmetic3A_824 = arith.constant 1 : i32
        %shift_right_arithmetic3A_825 = vector.broadcast %shift_right_arithmetic3A_824 : i32 to vector<16xi32>
        %shift_right_arithmetic3A_826 = arith.shrsi %add3A_823, %shift_right_arithmetic3A_825 : vector<16xi32>
        %add3A_827 = arith.addi %select_n3A_785, %select_n3A_786 : vector<16xi32>
        %shift_right_arithmetic3A_828 = arith.constant 1 : i32
        %shift_right_arithmetic3A_829 = vector.broadcast %shift_right_arithmetic3A_828 : i32 to vector<16xi32>
        %shift_right_arithmetic3A_830 = arith.shrsi %add3A_827, %shift_right_arithmetic3A_829 : vector<16xi32>
        %add3A_831 = arith.addi %select_n3A_791, %select_n3A_792 : vector<16xi32>
        %shift_right_arithmetic3A_832 = arith.constant 1 : i32
        %shift_right_arithmetic3A_833 = vector.broadcast %shift_right_arithmetic3A_832 : i32 to vector<16xi32>
        %shift_right_arithmetic3A_834 = arith.shrsi %add3A_831, %shift_right_arithmetic3A_833 : vector<16xi32>
        %add3A_835 = arith.addi %select_n3A_797, %select_n3A_798 : vector<16xi32>
        %shift_right_arithmetic3A_836 = arith.constant 1 : i32
        %shift_right_arithmetic3A_837 = vector.broadcast %shift_right_arithmetic3A_836 : i32 to vector<16xi32>
        %shift_right_arithmetic3A_838 = arith.shrsi %add3A_835, %shift_right_arithmetic3A_837 : vector<16xi32>
        %add3A_839 = arith.addi %select_n3A_803, %select_n3A_804 : vector<16xi32>
        %shift_right_arithmetic3A_840 = arith.constant 1 : i32
        %shift_right_arithmetic3A_841 = vector.broadcast %shift_right_arithmetic3A_840 : i32 to vector<16xi32>
        %shift_right_arithmetic3A_842 = arith.shrsi %add3A_839, %shift_right_arithmetic3A_841 : vector<16xi32>
        %add3A_843 = arith.addi %select_n3A_809, %select_n3A_810 : vector<16xi32>
        %shift_right_arithmetic3A_844 = arith.constant 1 : i32
        %shift_right_arithmetic3A_845 = vector.broadcast %shift_right_arithmetic3A_844 : i32 to vector<16xi32>
        %shift_right_arithmetic3A_846 = arith.shrsi %add3A_843, %shift_right_arithmetic3A_845 : vector<16xi32>
        %add3A_847 = arith.addi %select_n3A_815, %select_n3A_816 : vector<16xi32>
        %shift_right_arithmetic3A_848 = arith.constant 1 : i32
        %shift_right_arithmetic3A_849 = vector.broadcast %shift_right_arithmetic3A_848 : i32 to vector<16xi32>
        %shift_right_arithmetic3A_850 = arith.shrsi %add3A_847, %shift_right_arithmetic3A_849 : vector<16xi32>
        %add3A_851 = arith.addi %select_n3A_821, %select_n3A_822 : vector<16xi32>
        %shift_right_arithmetic3A_852 = arith.constant 1 : i32
        %shift_right_arithmetic3A_853 = vector.broadcast %shift_right_arithmetic3A_852 : i32 to vector<16xi32>
        %shift_right_arithmetic3A_854 = arith.shrsi %add3A_851, %shift_right_arithmetic3A_853 : vector<16xi32>
        %gather3A_855 = tpu.vector_load_idx %arg6[%broadcast_in_dim3A, %shift_right_arithmetic3A_826] : memref<16x1024xi32, #tpu.memory_space<vmem>>[vector<16xi32>, vector<16xi32>], vector<16xi32>,
        %gather3A_856 = tpu.vector_load_idx %arg6[%broadcast_in_dim3A, %shift_right_arithmetic3A_830] : memref<16x1024xi32, #tpu.memory_space<vmem>>[vector<16xi32>, vector<16xi32>], vector<16xi32>,
        %gather3A_857 = tpu.vector_load_idx %arg6[%broadcast_in_dim3A, %shift_right_arithmetic3A_834] : memref<16x1024xi32, #tpu.memory_space<vmem>>[vector<16xi32>, vector<16xi32>], vector<16xi32>,
        %gather3A_858 = tpu.vector_load_idx %arg6[%broadcast_in_dim3A, %shift_right_arithmetic3A_838] : memref<16x1024xi32, #tpu.memory_space<vmem>>[vector<16xi32>, vector<16xi32>], vector<16xi32>,
        %gather3A_859 = tpu.vector_load_idx %arg6[%broadcast_in_dim3A_441, %shift_right_arithmetic3A_842] : memref<16x1024xi32, #tpu.memory_space<vmem>>[vector<16xi32>, vector<16xi32>], vector<16xi32>,
        %gather3A_860 = tpu.vector_load_idx %arg6[%broadcast_in_dim3A_441, %shift_right_arithmetic3A_846] : memref<16x1024xi32, #tpu.memory_space<vmem>>[vector<16xi32>, vector<16xi32>], vector<16xi32>,
        %gather3A_861 = tpu.vector_load_idx %arg6[%broadcast_in_dim3A_441, %shift_right_arithmetic3A_850] : memref<16x1024xi32, #tpu.memory_space<vmem>>[vector<16xi32>, vector<16xi32>], vector<16xi32>,
        %gather3A_862 = tpu.vector_load_idx %arg6[%broadcast_in_dim3A_441, %shift_right_arithmetic3A_854] : memref<16x1024xi32, #tpu.memory_space<vmem>>[vector<16xi32>, vector<16xi32>], vector<16xi32>,
        %ge3A_863 = arith.cmpi sge, %gather3A_855, %add3A_408 : vector<16xi32>
        %add3A_864 = arith.constant 1 : i32
        %add3A_865 = vector.broadcast %add3A_864 : i32 to vector<16xi32>
        %add3A_866 = arith.addi %shift_right_arithmetic3A_826, %add3A_865 : vector<16xi32>
        %select_n3A_867 = arith.select %ge3A_863, %select_n3A_779, %add3A_866 : vector<16xi1>, vector<16xi32>
        %select_n3A_868 = arith.select %ge3A_863, %shift_right_arithmetic3A_826, %select_n3A_780 : vector<16xi1>, vector<16xi32>
        %ge3A_869 = arith.cmpi sge, %gather3A_856, %add3A_416 : vector<16xi32>
        %add3A_870 = arith.constant 1 : i32
        %add3A_871 = vector.broadcast %add3A_870 : i32 to vector<16xi32>
        %add3A_872 = arith.addi %shift_right_arithmetic3A_830, %add3A_871 : vector<16xi32>
        %select_n3A_873 = arith.select %ge3A_869, %select_n3A_785, %add3A_872 : vector<16xi1>, vector<16xi32>
        %select_n3A_874 = arith.select %ge3A_869, %shift_right_arithmetic3A_830, %select_n3A_786 : vector<16xi1>, vector<16xi32>
        %ge3A_875 = arith.cmpi sge, %gather3A_857, %add3A_424 : vector<16xi32>
        %add3A_876 = arith.constant 1 : i32
        %add3A_877 = vector.broadcast %add3A_876 : i32 to vector<16xi32>
        %add3A_878 = arith.addi %shift_right_arithmetic3A_834, %add3A_877 : vector<16xi32>
        %select_n3A_879 = arith.select %ge3A_875, %select_n3A_791, %add3A_878 : vector<16xi1>, vector<16xi32>
        %select_n3A_880 = arith.select %ge3A_875, %shift_right_arithmetic3A_834, %select_n3A_792 : vector<16xi1>, vector<16xi32>
        %ge3A_881 = arith.cmpi sge, %gather3A_858, %add3A_432 : vector<16xi32>
        %add3A_882 = arith.constant 1 : i32
        %add3A_883 = vector.broadcast %add3A_882 : i32 to vector<16xi32>
        %add3A_884 = arith.addi %shift_right_arithmetic3A_838, %add3A_883 : vector<16xi32>
        %select_n3A_885 = arith.select %ge3A_881, %select_n3A_797, %add3A_884 : vector<16xi1>, vector<16xi32>
        %select_n3A_886 = arith.select %ge3A_881, %shift_right_arithmetic3A_838, %select_n3A_798 : vector<16xi1>, vector<16xi32>
        %ge3A_887 = arith.cmpi sge, %gather3A_859, %add3A_445 : vector<16xi32>
        %add3A_888 = arith.constant 1 : i32
        %add3A_889 = vector.broadcast %add3A_888 : i32 to vector<16xi32>
        %add3A_890 = arith.addi %shift_right_arithmetic3A_842, %add3A_889 : vector<16xi32>
        %select_n3A_891 = arith.select %ge3A_887, %select_n3A_803, %add3A_890 : vector<16xi1>, vector<16xi32>
        %select_n3A_892 = arith.select %ge3A_887, %shift_right_arithmetic3A_842, %select_n3A_804 : vector<16xi1>, vector<16xi32>
        %ge3A_893 = arith.cmpi sge, %gather3A_860, %add3A_453 : vector<16xi32>
        %add3A_894 = arith.constant 1 : i32
        %add3A_895 = vector.broadcast %add3A_894 : i32 to vector<16xi32>
        %add3A_896 = arith.addi %shift_right_arithmetic3A_846, %add3A_895 : vector<16xi32>
        %select_n3A_897 = arith.select %ge3A_893, %select_n3A_809, %add3A_896 : vector<16xi1>, vector<16xi32>
        %select_n3A_898 = arith.select %ge3A_893, %shift_right_arithmetic3A_846, %select_n3A_810 : vector<16xi1>, vector<16xi32>
        %ge3A_899 = arith.cmpi sge, %gather3A_861, %add3A_461 : vector<16xi32>
        %add3A_900 = arith.constant 1 : i32
        %add3A_901 = vector.broadcast %add3A_900 : i32 to vector<16xi32>
        %add3A_902 = arith.addi %shift_right_arithmetic3A_850, %add3A_901 : vector<16xi32>
        %select_n3A_903 = arith.select %ge3A_899, %select_n3A_815, %add3A_902 : vector<16xi1>, vector<16xi32>
        %select_n3A_904 = arith.select %ge3A_899, %shift_right_arithmetic3A_850, %select_n3A_816 : vector<16xi1>, vector<16xi32>
        %ge3A_905 = arith.cmpi sge, %gather3A_862, %add3A_469 : vector<16xi32>
        %add3A_906 = arith.constant 1 : i32
        %add3A_907 = vector.broadcast %add3A_906 : i32 to vector<16xi32>
        %add3A_908 = arith.addi %shift_right_arithmetic3A_854, %add3A_907 : vector<16xi32>
        %select_n3A_909 = arith.select %ge3A_905, %select_n3A_821, %add3A_908 : vector<16xi1>, vector<16xi32>
        %select_n3A_910 = arith.select %ge3A_905, %shift_right_arithmetic3A_854, %select_n3A_822 : vector<16xi1>, vector<16xi32>
        %add3A_911 = arith.addi %select_n3A_867, %select_n3A_868 : vector<16xi32>
        %shift_right_arithmetic3A_912 = arith.constant 1 : i32
        %shift_right_arithmetic3A_913 = vector.broadcast %shift_right_arithmetic3A_912 : i32 to vector<16xi32>
        %shift_right_arithmetic3A_914 = arith.shrsi %add3A_911, %shift_right_arithmetic3A_913 : vector<16xi32>
        %add3A_915 = arith.addi %select_n3A_873, %select_n3A_874 : vector<16xi32>
        %shift_right_arithmetic3A_916 = arith.constant 1 : i32
        %shift_right_arithmetic3A_917 = vector.broadcast %shift_right_arithmetic3A_916 : i32 to vector<16xi32>
        %shift_right_arithmetic3A_918 = arith.shrsi %add3A_915, %shift_right_arithmetic3A_917 : vector<16xi32>
        %add3A_919 = arith.addi %select_n3A_879, %select_n3A_880 : vector<16xi32>
        %shift_right_arithmetic3A_920 = arith.constant 1 : i32
        %shift_right_arithmetic3A_921 = vector.broadcast %shift_right_arithmetic3A_920 : i32 to vector<16xi32>
        %shift_right_arithmetic3A_922 = arith.shrsi %add3A_919, %shift_right_arithmetic3A_921 : vector<16xi32>
        %add3A_923 = arith.addi %select_n3A_885, %select_n3A_886 : vector<16xi32>
        %shift_right_arithmetic3A_924 = arith.constant 1 : i32
        %shift_right_arithmetic3A_925 = vector.broadcast %shift_right_arithmetic3A_924 : i32 to vector<16xi32>
        %shift_right_arithmetic3A_926 = arith.shrsi %add3A_923, %shift_right_arithmetic3A_925 : vector<16xi32>
        %add3A_927 = arith.addi %select_n3A_891, %select_n3A_892 : vector<16xi32>
        %shift_right_arithmetic3A_928 = arith.constant 1 : i32
        %shift_right_arithmetic3A_929 = vector.broadcast %shift_right_arithmetic3A_928 : i32 to vector<16xi32>
        %shift_right_arithmetic3A_930 = arith.shrsi %add3A_927, %shift_right_arithmetic3A_929 : vector<16xi32>
        %add3A_931 = arith.addi %select_n3A_897, %select_n3A_898 : vector<16xi32>
        %shift_right_arithmetic3A_932 = arith.constant 1 : i32
        %shift_right_arithmetic3A_933 = vector.broadcast %shift_right_arithmetic3A_932 : i32 to vector<16xi32>
        %shift_right_arithmetic3A_934 = arith.shrsi %add3A_931, %shift_right_arithmetic3A_933 : vector<16xi32>
        %add3A_935 = arith.addi %select_n3A_903, %select_n3A_904 : vector<16xi32>
        %shift_right_arithmetic3A_936 = arith.constant 1 : i32
        %shift_right_arithmetic3A_937 = vector.broadcast %shift_right_arithmetic3A_936 : i32 to vector<16xi32>
        %shift_right_arithmetic3A_938 = arith.shrsi %add3A_935, %shift_right_arithmetic3A_937 : vector<16xi32>
        %add3A_939 = arith.addi %select_n3A_909, %select_n3A_910 : vector<16xi32>
        %shift_right_arithmetic3A_940 = arith.constant 1 : i32
        %shift_right_arithmetic3A_941 = vector.broadcast %shift_right_arithmetic3A_940 : i32 to vector<16xi32>
        %shift_right_arithmetic3A_942 = arith.shrsi %add3A_939, %shift_right_arithmetic3A_941 : vector<16xi32>
        %gather3A_943 = tpu.vector_load_idx %arg6[%broadcast_in_dim3A, %shift_right_arithmetic3A_914] : memref<16x1024xi32, #tpu.memory_space<vmem>>[vector<16xi32>, vector<16xi32>], vector<16xi32>,
        %gather3A_944 = tpu.vector_load_idx %arg6[%broadcast_in_dim3A, %shift_right_arithmetic3A_918] : memref<16x1024xi32, #tpu.memory_space<vmem>>[vector<16xi32>, vector<16xi32>], vector<16xi32>,
        %gather3A_945 = tpu.vector_load_idx %arg6[%broadcast_in_dim3A, %shift_right_arithmetic3A_922] : memref<16x1024xi32, #tpu.memory_space<vmem>>[vector<16xi32>, vector<16xi32>], vector<16xi32>,
        %gather3A_946 = tpu.vector_load_idx %arg6[%broadcast_in_dim3A, %shift_right_arithmetic3A_926] : memref<16x1024xi32, #tpu.memory_space<vmem>>[vector<16xi32>, vector<16xi32>], vector<16xi32>,
        %gather3A_947 = tpu.vector_load_idx %arg6[%broadcast_in_dim3A_441, %shift_right_arithmetic3A_930] : memref<16x1024xi32, #tpu.memory_space<vmem>>[vector<16xi32>, vector<16xi32>], vector<16xi32>,
        %gather3A_948 = tpu.vector_load_idx %arg6[%broadcast_in_dim3A_441, %shift_right_arithmetic3A_934] : memref<16x1024xi32, #tpu.memory_space<vmem>>[vector<16xi32>, vector<16xi32>], vector<16xi32>,
        %gather3A_949 = tpu.vector_load_idx %arg6[%broadcast_in_dim3A_441, %shift_right_arithmetic3A_938] : memref<16x1024xi32, #tpu.memory_space<vmem>>[vector<16xi32>, vector<16xi32>], vector<16xi32>,
        %gather3A_950 = tpu.vector_load_idx %arg6[%broadcast_in_dim3A_441, %shift_right_arithmetic3A_942] : memref<16x1024xi32, #tpu.memory_space<vmem>>[vector<16xi32>, vector<16xi32>], vector<16xi32>,
        %ge3A_951 = arith.cmpi sge, %gather3A_943, %add3A_408 : vector<16xi32>
        %add3A_952 = arith.constant 1 : i32
        %add3A_953 = vector.broadcast %add3A_952 : i32 to vector<16xi32>
        %add3A_954 = arith.addi %shift_right_arithmetic3A_914, %add3A_953 : vector<16xi32>
        %select_n3A_955 = arith.select %ge3A_951, %select_n3A_867, %add3A_954 : vector<16xi1>, vector<16xi32>
        %select_n3A_956 = arith.select %ge3A_951, %shift_right_arithmetic3A_914, %select_n3A_868 : vector<16xi1>, vector<16xi32>
        %ge3A_957 = arith.cmpi sge, %gather3A_944, %add3A_416 : vector<16xi32>
        %add3A_958 = arith.constant 1 : i32
        %add3A_959 = vector.broadcast %add3A_958 : i32 to vector<16xi32>
        %add3A_960 = arith.addi %shift_right_arithmetic3A_918, %add3A_959 : vector<16xi32>
        %select_n3A_961 = arith.select %ge3A_957, %select_n3A_873, %add3A_960 : vector<16xi1>, vector<16xi32>
        %select_n3A_962 = arith.select %ge3A_957, %shift_right_arithmetic3A_918, %select_n3A_874 : vector<16xi1>, vector<16xi32>
        %ge3A_963 = arith.cmpi sge, %gather3A_945, %add3A_424 : vector<16xi32>
        %add3A_964 = arith.constant 1 : i32
        %add3A_965 = vector.broadcast %add3A_964 : i32 to vector<16xi32>
        %add3A_966 = arith.addi %shift_right_arithmetic3A_922, %add3A_965 : vector<16xi32>
        %select_n3A_967 = arith.select %ge3A_963, %select_n3A_879, %add3A_966 : vector<16xi1>, vector<16xi32>
        %select_n3A_968 = arith.select %ge3A_963, %shift_right_arithmetic3A_922, %select_n3A_880 : vector<16xi1>, vector<16xi32>
        %ge3A_969 = arith.cmpi sge, %gather3A_946, %add3A_432 : vector<16xi32>
        %add3A_970 = arith.constant 1 : i32
        %add3A_971 = vector.broadcast %add3A_970 : i32 to vector<16xi32>
        %add3A_972 = arith.addi %shift_right_arithmetic3A_926, %add3A_971 : vector<16xi32>
        %select_n3A_973 = arith.select %ge3A_969, %select_n3A_885, %add3A_972 : vector<16xi1>, vector<16xi32>
        %select_n3A_974 = arith.select %ge3A_969, %shift_right_arithmetic3A_926, %select_n3A_886 : vector<16xi1>, vector<16xi32>
        %ge3A_975 = arith.cmpi sge, %gather3A_947, %add3A_445 : vector<16xi32>
        %add3A_976 = arith.constant 1 : i32
        %add3A_977 = vector.broadcast %add3A_976 : i32 to vector<16xi32>
        %add3A_978 = arith.addi %shift_right_arithmetic3A_930, %add3A_977 : vector<16xi32>
        %select_n3A_979 = arith.select %ge3A_975, %select_n3A_891, %add3A_978 : vector<16xi1>, vector<16xi32>
        %select_n3A_980 = arith.select %ge3A_975, %shift_right_arithmetic3A_930, %select_n3A_892 : vector<16xi1>, vector<16xi32>
        %ge3A_981 = arith.cmpi sge, %gather3A_948, %add3A_453 : vector<16xi32>
        %add3A_982 = arith.constant 1 : i32
        %add3A_983 = vector.broadcast %add3A_982 : i32 to vector<16xi32>
        %add3A_984 = arith.addi %shift_right_arithmetic3A_934, %add3A_983 : vector<16xi32>
        %select_n3A_985 = arith.select %ge3A_981, %select_n3A_897, %add3A_984 : vector<16xi1>, vector<16xi32>
        %select_n3A_986 = arith.select %ge3A_981, %shift_right_arithmetic3A_934, %select_n3A_898 : vector<16xi1>, vector<16xi32>
        %ge3A_987 = arith.cmpi sge, %gather3A_949, %add3A_461 : vector<16xi32>
        %add3A_988 = arith.constant 1 : i32
        %add3A_989 = vector.broadcast %add3A_988 : i32 to vector<16xi32>
        %add3A_990 = arith.addi %shift_right_arithmetic3A_938, %add3A_989 : vector<16xi32>
        %select_n3A_991 = arith.select %ge3A_987, %select_n3A_903, %add3A_990 : vector<16xi1>, vector<16xi32>
        %select_n3A_992 = arith.select %ge3A_987, %shift_right_arithmetic3A_938, %select_n3A_904 : vector<16xi1>, vector<16xi32>
        %ge3A_993 = arith.cmpi sge, %gather3A_950, %add3A_469 : vector<16xi32>
        %add3A_994 = arith.constant 1 : i32
        %add3A_995 = vector.broadcast %add3A_994 : i32 to vector<16xi32>
        %add3A_996 = arith.addi %shift_right_arithmetic3A_942, %add3A_995 : vector<16xi32>
        %select_n3A_997 = arith.select %ge3A_993, %select_n3A_909, %add3A_996 : vector<16xi1>, vector<16xi32>
        %select_n3A_998 = arith.select %ge3A_993, %shift_right_arithmetic3A_942, %select_n3A_910 : vector<16xi1>, vector<16xi32>
        %add3A_999 = arith.addi %select_n3A_955, %select_n3A_956 : vector<16xi32>
        %shift_right_arithmetic3A_1000 = arith.constant 1 : i32
        %shift_right_arithmetic3A_1001 = vector.broadcast %shift_right_arithmetic3A_1000 : i32 to vector<16xi32>
        %shift_right_arithmetic3A_1002 = arith.shrsi %add3A_999, %shift_right_arithmetic3A_1001 : vector<16xi32>
        %add3A_1003 = arith.addi %select_n3A_961, %select_n3A_962 : vector<16xi32>
        %shift_right_arithmetic3A_1004 = arith.constant 1 : i32
        %shift_right_arithmetic3A_1005 = vector.broadcast %shift_right_arithmetic3A_1004 : i32 to vector<16xi32>
        %shift_right_arithmetic3A_1006 = arith.shrsi %add3A_1003, %shift_right_arithmetic3A_1005 : vector<16xi32>
        %add3A_1007 = arith.addi %select_n3A_967, %select_n3A_968 : vector<16xi32>
        %shift_right_arithmetic3A_1008 = arith.constant 1 : i32
        %shift_right_arithmetic3A_1009 = vector.broadcast %shift_right_arithmetic3A_1008 : i32 to vector<16xi32>
        %shift_right_arithmetic3A_1010 = arith.shrsi %add3A_1007, %shift_right_arithmetic3A_1009 : vector<16xi32>
        %add3A_1011 = arith.addi %select_n3A_973, %select_n3A_974 : vector<16xi32>
        %shift_right_arithmetic3A_1012 = arith.constant 1 : i32
        %shift_right_arithmetic3A_1013 = vector.broadcast %shift_right_arithmetic3A_1012 : i32 to vector<16xi32>
        %shift_right_arithmetic3A_1014 = arith.shrsi %add3A_1011, %shift_right_arithmetic3A_1013 : vector<16xi32>
        %add3A_1015 = arith.addi %select_n3A_979, %select_n3A_980 : vector<16xi32>
        %shift_right_arithmetic3A_1016 = arith.constant 1 : i32
        %shift_right_arithmetic3A_1017 = vector.broadcast %shift_right_arithmetic3A_1016 : i32 to vector<16xi32>
        %shift_right_arithmetic3A_1018 = arith.shrsi %add3A_1015, %shift_right_arithmetic3A_1017 : vector<16xi32>
        %add3A_1019 = arith.addi %select_n3A_985, %select_n3A_986 : vector<16xi32>
        %shift_right_arithmetic3A_1020 = arith.constant 1 : i32
        %shift_right_arithmetic3A_1021 = vector.broadcast %shift_right_arithmetic3A_1020 : i32 to vector<16xi32>
        %shift_right_arithmetic3A_1022 = arith.shrsi %add3A_1019, %shift_right_arithmetic3A_1021 : vector<16xi32>
        %add3A_1023 = arith.addi %select_n3A_991, %select_n3A_992 : vector<16xi32>
        %shift_right_arithmetic3A_1024 = arith.constant 1 : i32
        %shift_right_arithmetic3A_1025 = vector.broadcast %shift_right_arithmetic3A_1024 : i32 to vector<16xi32>
        %shift_right_arithmetic3A_1026 = arith.shrsi %add3A_1023, %shift_right_arithmetic3A_1025 : vector<16xi32>
        %add3A_1027 = arith.addi %select_n3A_997, %select_n3A_998 : vector<16xi32>
        %shift_right_arithmetic3A_1028 = arith.constant 1 : i32
        %shift_right_arithmetic3A_1029 = vector.broadcast %shift_right_arithmetic3A_1028 : i32 to vector<16xi32>
        %shift_right_arithmetic3A_1030 = arith.shrsi %add3A_1027, %shift_right_arithmetic3A_1029 : vector<16xi32>
        %gather3A_1031 = tpu.vector_load_idx %arg6[%broadcast_in_dim3A, %shift_right_arithmetic3A_1002] : memref<16x1024xi32, #tpu.memory_space<vmem>>[vector<16xi32>, vector<16xi32>], vector<16xi32>,
        %gather3A_1032 = tpu.vector_load_idx %arg6[%broadcast_in_dim3A, %shift_right_arithmetic3A_1006] : memref<16x1024xi32, #tpu.memory_space<vmem>>[vector<16xi32>, vector<16xi32>], vector<16xi32>,
        %gather3A_1033 = tpu.vector_load_idx %arg6[%broadcast_in_dim3A, %shift_right_arithmetic3A_1010] : memref<16x1024xi32, #tpu.memory_space<vmem>>[vector<16xi32>, vector<16xi32>], vector<16xi32>,
        %gather3A_1034 = tpu.vector_load_idx %arg6[%broadcast_in_dim3A, %shift_right_arithmetic3A_1014] : memref<16x1024xi32, #tpu.memory_space<vmem>>[vector<16xi32>, vector<16xi32>], vector<16xi32>,
        %gather3A_1035 = tpu.vector_load_idx %arg6[%broadcast_in_dim3A_441, %shift_right_arithmetic3A_1018] : memref<16x1024xi32, #tpu.memory_space<vmem>>[vector<16xi32>, vector<16xi32>], vector<16xi32>,
        %gather3A_1036 = tpu.vector_load_idx %arg6[%broadcast_in_dim3A_441, %shift_right_arithmetic3A_1022] : memref<16x1024xi32, #tpu.memory_space<vmem>>[vector<16xi32>, vector<16xi32>], vector<16xi32>,
        %gather3A_1037 = tpu.vector_load_idx %arg6[%broadcast_in_dim3A_441, %shift_right_arithmetic3A_1026] : memref<16x1024xi32, #tpu.memory_space<vmem>>[vector<16xi32>, vector<16xi32>], vector<16xi32>,
        %gather3A_1038 = tpu.vector_load_idx %arg6[%broadcast_in_dim3A_441, %shift_right_arithmetic3A_1030] : memref<16x1024xi32, #tpu.memory_space<vmem>>[vector<16xi32>, vector<16xi32>], vector<16xi32>,
        %ge3A_1039 = arith.cmpi sge, %gather3A_1031, %add3A_408 : vector<16xi32>
        %add3A_1040 = arith.constant 1 : i32
        %add3A_1041 = vector.broadcast %add3A_1040 : i32 to vector<16xi32>
        %add3A_1042 = arith.addi %shift_right_arithmetic3A_1002, %add3A_1041 : vector<16xi32>
        %select_n3A_1043 = arith.select %ge3A_1039, %select_n3A_955, %add3A_1042 : vector<16xi1>, vector<16xi32>
        %select_n3A_1044 = arith.select %ge3A_1039, %shift_right_arithmetic3A_1002, %select_n3A_956 : vector<16xi1>, vector<16xi32>
        %ge3A_1045 = arith.cmpi sge, %gather3A_1032, %add3A_416 : vector<16xi32>
        %add3A_1046 = arith.constant 1 : i32
        %add3A_1047 = vector.broadcast %add3A_1046 : i32 to vector<16xi32>
        %add3A_1048 = arith.addi %shift_right_arithmetic3A_1006, %add3A_1047 : vector<16xi32>
        %select_n3A_1049 = arith.select %ge3A_1045, %select_n3A_961, %add3A_1048 : vector<16xi1>, vector<16xi32>
        %select_n3A_1050 = arith.select %ge3A_1045, %shift_right_arithmetic3A_1006, %select_n3A_962 : vector<16xi1>, vector<16xi32>
        %ge3A_1051 = arith.cmpi sge, %gather3A_1033, %add3A_424 : vector<16xi32>
        %add3A_1052 = arith.constant 1 : i32
        %add3A_1053 = vector.broadcast %add3A_1052 : i32 to vector<16xi32>
        %add3A_1054 = arith.addi %shift_right_arithmetic3A_1010, %add3A_1053 : vector<16xi32>
        %select_n3A_1055 = arith.select %ge3A_1051, %select_n3A_967, %add3A_1054 : vector<16xi1>, vector<16xi32>
        %select_n3A_1056 = arith.select %ge3A_1051, %shift_right_arithmetic3A_1010, %select_n3A_968 : vector<16xi1>, vector<16xi32>
        %ge3A_1057 = arith.cmpi sge, %gather3A_1034, %add3A_432 : vector<16xi32>
        %add3A_1058 = arith.constant 1 : i32
        %add3A_1059 = vector.broadcast %add3A_1058 : i32 to vector<16xi32>
        %add3A_1060 = arith.addi %shift_right_arithmetic3A_1014, %add3A_1059 : vector<16xi32>
        %select_n3A_1061 = arith.select %ge3A_1057, %select_n3A_973, %add3A_1060 : vector<16xi1>, vector<16xi32>
        %select_n3A_1062 = arith.select %ge3A_1057, %shift_right_arithmetic3A_1014, %select_n3A_974 : vector<16xi1>, vector<16xi32>
        %ge3A_1063 = arith.cmpi sge, %gather3A_1035, %add3A_445 : vector<16xi32>
        %add3A_1064 = arith.constant 1 : i32
        %add3A_1065 = vector.broadcast %add3A_1064 : i32 to vector<16xi32>
        %add3A_1066 = arith.addi %shift_right_arithmetic3A_1018, %add3A_1065 : vector<16xi32>
        %select_n3A_1067 = arith.select %ge3A_1063, %select_n3A_979, %add3A_1066 : vector<16xi1>, vector<16xi32>
        %select_n3A_1068 = arith.select %ge3A_1063, %shift_right_arithmetic3A_1018, %select_n3A_980 : vector<16xi1>, vector<16xi32>
        %ge3A_1069 = arith.cmpi sge, %gather3A_1036, %add3A_453 : vector<16xi32>
        %add3A_1070 = arith.constant 1 : i32
        %add3A_1071 = vector.broadcast %add3A_1070 : i32 to vector<16xi32>
        %add3A_1072 = arith.addi %shift_right_arithmetic3A_1022, %add3A_1071 : vector<16xi32>
        %select_n3A_1073 = arith.select %ge3A_1069, %select_n3A_985, %add3A_1072 : vector<16xi1>, vector<16xi32>
        %select_n3A_1074 = arith.select %ge3A_1069, %shift_right_arithmetic3A_1022, %select_n3A_986 : vector<16xi1>, vector<16xi32>
        %ge3A_1075 = arith.cmpi sge, %gather3A_1037, %add3A_461 : vector<16xi32>
        %add3A_1076 = arith.constant 1 : i32
        %add3A_1077 = vector.broadcast %add3A_1076 : i32 to vector<16xi32>
        %add3A_1078 = arith.addi %shift_right_arithmetic3A_1026, %add3A_1077 : vector<16xi32>
        %select_n3A_1079 = arith.select %ge3A_1075, %select_n3A_991, %add3A_1078 : vector<16xi1>, vector<16xi32>
        %select_n3A_1080 = arith.select %ge3A_1075, %shift_right_arithmetic3A_1026, %select_n3A_992 : vector<16xi1>, vector<16xi32>
        %ge3A_1081 = arith.cmpi sge, %gather3A_1038, %add3A_469 : vector<16xi32>
        %add3A_1082 = arith.constant 1 : i32
        %add3A_1083 = vector.broadcast %add3A_1082 : i32 to vector<16xi32>
        %add3A_1084 = arith.addi %shift_right_arithmetic3A_1030, %add3A_1083 : vector<16xi32>
        %select_n3A_1085 = arith.select %ge3A_1081, %select_n3A_997, %add3A_1084 : vector<16xi1>, vector<16xi32>
        %select_n3A_1086 = arith.select %ge3A_1081, %shift_right_arithmetic3A_1030, %select_n3A_998 : vector<16xi1>, vector<16xi32>
        %add3A_1087 = arith.addi %select_n3A_1043, %select_n3A_1044 : vector<16xi32>
        %shift_right_arithmetic3A_1088 = arith.constant 1 : i32
        %shift_right_arithmetic3A_1089 = vector.broadcast %shift_right_arithmetic3A_1088 : i32 to vector<16xi32>
        %shift_right_arithmetic3A_1090 = arith.shrsi %add3A_1087, %shift_right_arithmetic3A_1089 : vector<16xi32>
        %add3A_1091 = arith.addi %select_n3A_1049, %select_n3A_1050 : vector<16xi32>
        %shift_right_arithmetic3A_1092 = arith.constant 1 : i32
        %shift_right_arithmetic3A_1093 = vector.broadcast %shift_right_arithmetic3A_1092 : i32 to vector<16xi32>
        %shift_right_arithmetic3A_1094 = arith.shrsi %add3A_1091, %shift_right_arithmetic3A_1093 : vector<16xi32>
        %add3A_1095 = arith.addi %select_n3A_1055, %select_n3A_1056 : vector<16xi32>
        %shift_right_arithmetic3A_1096 = arith.constant 1 : i32
        %shift_right_arithmetic3A_1097 = vector.broadcast %shift_right_arithmetic3A_1096 : i32 to vector<16xi32>
        %shift_right_arithmetic3A_1098 = arith.shrsi %add3A_1095, %shift_right_arithmetic3A_1097 : vector<16xi32>
        %add3A_1099 = arith.addi %select_n3A_1061, %select_n3A_1062 : vector<16xi32>
        %shift_right_arithmetic3A_1100 = arith.constant 1 : i32
        %shift_right_arithmetic3A_1101 = vector.broadcast %shift_right_arithmetic3A_1100 : i32 to vector<16xi32>
        %shift_right_arithmetic3A_1102 = arith.shrsi %add3A_1099, %shift_right_arithmetic3A_1101 : vector<16xi32>
        %add3A_1103 = arith.addi %select_n3A_1067, %select_n3A_1068 : vector<16xi32>
        %shift_right_arithmetic3A_1104 = arith.constant 1 : i32
        %shift_right_arithmetic3A_1105 = vector.broadcast %shift_right_arithmetic3A_1104 : i32 to vector<16xi32>
        %shift_right_arithmetic3A_1106 = arith.shrsi %add3A_1103, %shift_right_arithmetic3A_1105 : vector<16xi32>
        %add3A_1107 = arith.addi %select_n3A_1073, %select_n3A_1074 : vector<16xi32>
        %shift_right_arithmetic3A_1108 = arith.constant 1 : i32
        %shift_right_arithmetic3A_1109 = vector.broadcast %shift_right_arithmetic3A_1108 : i32 to vector<16xi32>
        %shift_right_arithmetic3A_1110 = arith.shrsi %add3A_1107, %shift_right_arithmetic3A_1109 : vector<16xi32>
        %add3A_1111 = arith.addi %select_n3A_1079, %select_n3A_1080 : vector<16xi32>
        %shift_right_arithmetic3A_1112 = arith.constant 1 : i32
        %shift_right_arithmetic3A_1113 = vector.broadcast %shift_right_arithmetic3A_1112 : i32 to vector<16xi32>
        %shift_right_arithmetic3A_1114 = arith.shrsi %add3A_1111, %shift_right_arithmetic3A_1113 : vector<16xi32>
        %add3A_1115 = arith.addi %select_n3A_1085, %select_n3A_1086 : vector<16xi32>
        %shift_right_arithmetic3A_1116 = arith.constant 1 : i32
        %shift_right_arithmetic3A_1117 = vector.broadcast %shift_right_arithmetic3A_1116 : i32 to vector<16xi32>
        %shift_right_arithmetic3A_1118 = arith.shrsi %add3A_1115, %shift_right_arithmetic3A_1117 : vector<16xi32>
        %gather3A_1119 = tpu.vector_load_idx %arg6[%broadcast_in_dim3A, %shift_right_arithmetic3A_1090] : memref<16x1024xi32, #tpu.memory_space<vmem>>[vector<16xi32>, vector<16xi32>], vector<16xi32>,
        %gather3A_1120 = tpu.vector_load_idx %arg6[%broadcast_in_dim3A, %shift_right_arithmetic3A_1094] : memref<16x1024xi32, #tpu.memory_space<vmem>>[vector<16xi32>, vector<16xi32>], vector<16xi32>,
        %gather3A_1121 = tpu.vector_load_idx %arg6[%broadcast_in_dim3A, %shift_right_arithmetic3A_1098] : memref<16x1024xi32, #tpu.memory_space<vmem>>[vector<16xi32>, vector<16xi32>], vector<16xi32>,
        %gather3A_1122 = tpu.vector_load_idx %arg6[%broadcast_in_dim3A, %shift_right_arithmetic3A_1102] : memref<16x1024xi32, #tpu.memory_space<vmem>>[vector<16xi32>, vector<16xi32>], vector<16xi32>,
        %gather3A_1123 = tpu.vector_load_idx %arg6[%broadcast_in_dim3A_441, %shift_right_arithmetic3A_1106] : memref<16x1024xi32, #tpu.memory_space<vmem>>[vector<16xi32>, vector<16xi32>], vector<16xi32>,
        %gather3A_1124 = tpu.vector_load_idx %arg6[%broadcast_in_dim3A_441, %shift_right_arithmetic3A_1110] : memref<16x1024xi32, #tpu.memory_space<vmem>>[vector<16xi32>, vector<16xi32>], vector<16xi32>,
        %gather3A_1125 = tpu.vector_load_idx %arg6[%broadcast_in_dim3A_441, %shift_right_arithmetic3A_1114] : memref<16x1024xi32, #tpu.memory_space<vmem>>[vector<16xi32>, vector<16xi32>], vector<16xi32>,
        %gather3A_1126 = tpu.vector_load_idx %arg6[%broadcast_in_dim3A_441, %shift_right_arithmetic3A_1118] : memref<16x1024xi32, #tpu.memory_space<vmem>>[vector<16xi32>, vector<16xi32>], vector<16xi32>,
        %ge3A_1127 = arith.cmpi sge, %gather3A_1119, %add3A_408 : vector<16xi32>
        %add3A_1128 = arith.constant 1 : i32
        %add3A_1129 = vector.broadcast %add3A_1128 : i32 to vector<16xi32>
        %add3A_1130 = arith.addi %shift_right_arithmetic3A_1090, %add3A_1129 : vector<16xi32>
        %select_n3A_1131 = arith.select %ge3A_1127, %select_n3A_1043, %add3A_1130 : vector<16xi1>, vector<16xi32>
        %select_n3A_1132 = arith.select %ge3A_1127, %shift_right_arithmetic3A_1090, %select_n3A_1044 : vector<16xi1>, vector<16xi32>
        %ge3A_1133 = arith.cmpi sge, %gather3A_1120, %add3A_416 : vector<16xi32>
        %add3A_1134 = arith.constant 1 : i32
        %add3A_1135 = vector.broadcast %add3A_1134 : i32 to vector<16xi32>
        %add3A_1136 = arith.addi %shift_right_arithmetic3A_1094, %add3A_1135 : vector<16xi32>
        %select_n3A_1137 = arith.select %ge3A_1133, %select_n3A_1049, %add3A_1136 : vector<16xi1>, vector<16xi32>
        %select_n3A_1138 = arith.select %ge3A_1133, %shift_right_arithmetic3A_1094, %select_n3A_1050 : vector<16xi1>, vector<16xi32>
        %ge3A_1139 = arith.cmpi sge, %gather3A_1121, %add3A_424 : vector<16xi32>
        %add3A_1140 = arith.constant 1 : i32
        %add3A_1141 = vector.broadcast %add3A_1140 : i32 to vector<16xi32>
        %add3A_1142 = arith.addi %shift_right_arithmetic3A_1098, %add3A_1141 : vector<16xi32>
        %select_n3A_1143 = arith.select %ge3A_1139, %select_n3A_1055, %add3A_1142 : vector<16xi1>, vector<16xi32>
        %select_n3A_1144 = arith.select %ge3A_1139, %shift_right_arithmetic3A_1098, %select_n3A_1056 : vector<16xi1>, vector<16xi32>
        %ge3A_1145 = arith.cmpi sge, %gather3A_1122, %add3A_432 : vector<16xi32>
        %add3A_1146 = arith.constant 1 : i32
        %add3A_1147 = vector.broadcast %add3A_1146 : i32 to vector<16xi32>
        %add3A_1148 = arith.addi %shift_right_arithmetic3A_1102, %add3A_1147 : vector<16xi32>
        %select_n3A_1149 = arith.select %ge3A_1145, %select_n3A_1061, %add3A_1148 : vector<16xi1>, vector<16xi32>
        %select_n3A_1150 = arith.select %ge3A_1145, %shift_right_arithmetic3A_1102, %select_n3A_1062 : vector<16xi1>, vector<16xi32>
        %ge3A_1151 = arith.cmpi sge, %gather3A_1123, %add3A_445 : vector<16xi32>
        %add3A_1152 = arith.constant 1 : i32
        %add3A_1153 = vector.broadcast %add3A_1152 : i32 to vector<16xi32>
        %add3A_1154 = arith.addi %shift_right_arithmetic3A_1106, %add3A_1153 : vector<16xi32>
        %select_n3A_1155 = arith.select %ge3A_1151, %select_n3A_1067, %add3A_1154 : vector<16xi1>, vector<16xi32>
        %select_n3A_1156 = arith.select %ge3A_1151, %shift_right_arithmetic3A_1106, %select_n3A_1068 : vector<16xi1>, vector<16xi32>
        %ge3A_1157 = arith.cmpi sge, %gather3A_1124, %add3A_453 : vector<16xi32>
        %add3A_1158 = arith.constant 1 : i32
        %add3A_1159 = vector.broadcast %add3A_1158 : i32 to vector<16xi32>
        %add3A_1160 = arith.addi %shift_right_arithmetic3A_1110, %add3A_1159 : vector<16xi32>
        %select_n3A_1161 = arith.select %ge3A_1157, %select_n3A_1073, %add3A_1160 : vector<16xi1>, vector<16xi32>
        %select_n3A_1162 = arith.select %ge3A_1157, %shift_right_arithmetic3A_1110, %select_n3A_1074 : vector<16xi1>, vector<16xi32>
        %ge3A_1163 = arith.cmpi sge, %gather3A_1125, %add3A_461 : vector<16xi32>
        %add3A_1164 = arith.constant 1 : i32
        %add3A_1165 = vector.broadcast %add3A_1164 : i32 to vector<16xi32>
        %add3A_1166 = arith.addi %shift_right_arithmetic3A_1114, %add3A_1165 : vector<16xi32>
        %select_n3A_1167 = arith.select %ge3A_1163, %select_n3A_1079, %add3A_1166 : vector<16xi1>, vector<16xi32>
        %select_n3A_1168 = arith.select %ge3A_1163, %shift_right_arithmetic3A_1114, %select_n3A_1080 : vector<16xi1>, vector<16xi32>
        %ge3A_1169 = arith.cmpi sge, %gather3A_1126, %add3A_469 : vector<16xi32>
        %add3A_1170 = arith.constant 1 : i32
        %add3A_1171 = vector.broadcast %add3A_1170 : i32 to vector<16xi32>
        %add3A_1172 = arith.addi %shift_right_arithmetic3A_1118, %add3A_1171 : vector<16xi32>
        %select_n3A_1173 = arith.select %ge3A_1169, %select_n3A_1085, %add3A_1172 : vector<16xi1>, vector<16xi32>
        %select_n3A_1174 = arith.select %ge3A_1169, %shift_right_arithmetic3A_1118, %select_n3A_1086 : vector<16xi1>, vector<16xi32>
        %add3A_1175 = arith.addi %select_n3A_1131, %select_n3A_1132 : vector<16xi32>
        %shift_right_arithmetic3A_1176 = arith.constant 1 : i32
        %shift_right_arithmetic3A_1177 = vector.broadcast %shift_right_arithmetic3A_1176 : i32 to vector<16xi32>
        %shift_right_arithmetic3A_1178 = arith.shrsi %add3A_1175, %shift_right_arithmetic3A_1177 : vector<16xi32>
        %add3A_1179 = arith.addi %select_n3A_1137, %select_n3A_1138 : vector<16xi32>
        %shift_right_arithmetic3A_1180 = arith.constant 1 : i32
        %shift_right_arithmetic3A_1181 = vector.broadcast %shift_right_arithmetic3A_1180 : i32 to vector<16xi32>
        %shift_right_arithmetic3A_1182 = arith.shrsi %add3A_1179, %shift_right_arithmetic3A_1181 : vector<16xi32>
        %add3A_1183 = arith.addi %select_n3A_1143, %select_n3A_1144 : vector<16xi32>
        %shift_right_arithmetic3A_1184 = arith.constant 1 : i32
        %shift_right_arithmetic3A_1185 = vector.broadcast %shift_right_arithmetic3A_1184 : i32 to vector<16xi32>
        %shift_right_arithmetic3A_1186 = arith.shrsi %add3A_1183, %shift_right_arithmetic3A_1185 : vector<16xi32>
        %add3A_1187 = arith.addi %select_n3A_1149, %select_n3A_1150 : vector<16xi32>
        %shift_right_arithmetic3A_1188 = arith.constant 1 : i32
        %shift_right_arithmetic3A_1189 = vector.broadcast %shift_right_arithmetic3A_1188 : i32 to vector<16xi32>
        %shift_right_arithmetic3A_1190 = arith.shrsi %add3A_1187, %shift_right_arithmetic3A_1189 : vector<16xi32>
        %add3A_1191 = arith.addi %select_n3A_1155, %select_n3A_1156 : vector<16xi32>
        %shift_right_arithmetic3A_1192 = arith.constant 1 : i32
        %shift_right_arithmetic3A_1193 = vector.broadcast %shift_right_arithmetic3A_1192 : i32 to vector<16xi32>
        %shift_right_arithmetic3A_1194 = arith.shrsi %add3A_1191, %shift_right_arithmetic3A_1193 : vector<16xi32>
        %add3A_1195 = arith.addi %select_n3A_1161, %select_n3A_1162 : vector<16xi32>
        %shift_right_arithmetic3A_1196 = arith.constant 1 : i32
        %shift_right_arithmetic3A_1197 = vector.broadcast %shift_right_arithmetic3A_1196 : i32 to vector<16xi32>
        %shift_right_arithmetic3A_1198 = arith.shrsi %add3A_1195, %shift_right_arithmetic3A_1197 : vector<16xi32>
        %add3A_1199 = arith.addi %select_n3A_1167, %select_n3A_1168 : vector<16xi32>
        %shift_right_arithmetic3A_1200 = arith.constant 1 : i32
        %shift_right_arithmetic3A_1201 = vector.broadcast %shift_right_arithmetic3A_1200 : i32 to vector<16xi32>
        %shift_right_arithmetic3A_1202 = arith.shrsi %add3A_1199, %shift_right_arithmetic3A_1201 : vector<16xi32>
        %add3A_1203 = arith.addi %select_n3A_1173, %select_n3A_1174 : vector<16xi32>
        %shift_right_arithmetic3A_1204 = arith.constant 1 : i32
        %shift_right_arithmetic3A_1205 = vector.broadcast %shift_right_arithmetic3A_1204 : i32 to vector<16xi32>
        %shift_right_arithmetic3A_1206 = arith.shrsi %add3A_1203, %shift_right_arithmetic3A_1205 : vector<16xi32>
        %gather3A_1207 = tpu.vector_load_idx %arg6[%broadcast_in_dim3A, %shift_right_arithmetic3A_1178] : memref<16x1024xi32, #tpu.memory_space<vmem>>[vector<16xi32>, vector<16xi32>], vector<16xi32>,
        %gather3A_1208 = tpu.vector_load_idx %arg6[%broadcast_in_dim3A, %shift_right_arithmetic3A_1182] : memref<16x1024xi32, #tpu.memory_space<vmem>>[vector<16xi32>, vector<16xi32>], vector<16xi32>,
        %gather3A_1209 = tpu.vector_load_idx %arg6[%broadcast_in_dim3A, %shift_right_arithmetic3A_1186] : memref<16x1024xi32, #tpu.memory_space<vmem>>[vector<16xi32>, vector<16xi32>], vector<16xi32>,
        %gather3A_1210 = tpu.vector_load_idx %arg6[%broadcast_in_dim3A, %shift_right_arithmetic3A_1190] : memref<16x1024xi32, #tpu.memory_space<vmem>>[vector<16xi32>, vector<16xi32>], vector<16xi32>,
        %gather3A_1211 = tpu.vector_load_idx %arg6[%broadcast_in_dim3A_441, %shift_right_arithmetic3A_1194] : memref<16x1024xi32, #tpu.memory_space<vmem>>[vector<16xi32>, vector<16xi32>], vector<16xi32>,
        %gather3A_1212 = tpu.vector_load_idx %arg6[%broadcast_in_dim3A_441, %shift_right_arithmetic3A_1198] : memref<16x1024xi32, #tpu.memory_space<vmem>>[vector<16xi32>, vector<16xi32>], vector<16xi32>,
        %gather3A_1213 = tpu.vector_load_idx %arg6[%broadcast_in_dim3A_441, %shift_right_arithmetic3A_1202] : memref<16x1024xi32, #tpu.memory_space<vmem>>[vector<16xi32>, vector<16xi32>], vector<16xi32>,
        %gather3A_1214 = tpu.vector_load_idx %arg6[%broadcast_in_dim3A_441, %shift_right_arithmetic3A_1206] : memref<16x1024xi32, #tpu.memory_space<vmem>>[vector<16xi32>, vector<16xi32>], vector<16xi32>,
        %ge3A_1215 = arith.cmpi sge, %gather3A_1207, %add3A_408 : vector<16xi32>
        %add3A_1216 = arith.constant 1 : i32
        %add3A_1217 = vector.broadcast %add3A_1216 : i32 to vector<16xi32>
        %add3A_1218 = arith.addi %shift_right_arithmetic3A_1178, %add3A_1217 : vector<16xi32>
        %select_n3A_1219 = arith.select %ge3A_1215, %select_n3A_1131, %add3A_1218 : vector<16xi1>, vector<16xi32>
        %select_n3A_1220 = arith.select %ge3A_1215, %shift_right_arithmetic3A_1178, %select_n3A_1132 : vector<16xi1>, vector<16xi32>
        %ge3A_1221 = arith.cmpi sge, %gather3A_1208, %add3A_416 : vector<16xi32>
        %add3A_1222 = arith.constant 1 : i32
        %add3A_1223 = vector.broadcast %add3A_1222 : i32 to vector<16xi32>
        %add3A_1224 = arith.addi %shift_right_arithmetic3A_1182, %add3A_1223 : vector<16xi32>
        %select_n3A_1225 = arith.select %ge3A_1221, %select_n3A_1137, %add3A_1224 : vector<16xi1>, vector<16xi32>
        %select_n3A_1226 = arith.select %ge3A_1221, %shift_right_arithmetic3A_1182, %select_n3A_1138 : vector<16xi1>, vector<16xi32>
        %ge3A_1227 = arith.cmpi sge, %gather3A_1209, %add3A_424 : vector<16xi32>
        %add3A_1228 = arith.constant 1 : i32
        %add3A_1229 = vector.broadcast %add3A_1228 : i32 to vector<16xi32>
        %add3A_1230 = arith.addi %shift_right_arithmetic3A_1186, %add3A_1229 : vector<16xi32>
        %select_n3A_1231 = arith.select %ge3A_1227, %select_n3A_1143, %add3A_1230 : vector<16xi1>, vector<16xi32>
        %select_n3A_1232 = arith.select %ge3A_1227, %shift_right_arithmetic3A_1186, %select_n3A_1144 : vector<16xi1>, vector<16xi32>
        %ge3A_1233 = arith.cmpi sge, %gather3A_1210, %add3A_432 : vector<16xi32>
        %add3A_1234 = arith.constant 1 : i32
        %add3A_1235 = vector.broadcast %add3A_1234 : i32 to vector<16xi32>
        %add3A_1236 = arith.addi %shift_right_arithmetic3A_1190, %add3A_1235 : vector<16xi32>
        %select_n3A_1237 = arith.select %ge3A_1233, %select_n3A_1149, %add3A_1236 : vector<16xi1>, vector<16xi32>
        %select_n3A_1238 = arith.select %ge3A_1233, %shift_right_arithmetic3A_1190, %select_n3A_1150 : vector<16xi1>, vector<16xi32>
        %ge3A_1239 = arith.cmpi sge, %gather3A_1211, %add3A_445 : vector<16xi32>
        %add3A_1240 = arith.constant 1 : i32
        %add3A_1241 = vector.broadcast %add3A_1240 : i32 to vector<16xi32>
        %add3A_1242 = arith.addi %shift_right_arithmetic3A_1194, %add3A_1241 : vector<16xi32>
        %select_n3A_1243 = arith.select %ge3A_1239, %select_n3A_1155, %add3A_1242 : vector<16xi1>, vector<16xi32>
        %select_n3A_1244 = arith.select %ge3A_1239, %shift_right_arithmetic3A_1194, %select_n3A_1156 : vector<16xi1>, vector<16xi32>
        %ge3A_1245 = arith.cmpi sge, %gather3A_1212, %add3A_453 : vector<16xi32>
        %add3A_1246 = arith.constant 1 : i32
        %add3A_1247 = vector.broadcast %add3A_1246 : i32 to vector<16xi32>
        %add3A_1248 = arith.addi %shift_right_arithmetic3A_1198, %add3A_1247 : vector<16xi32>
        %select_n3A_1249 = arith.select %ge3A_1245, %select_n3A_1161, %add3A_1248 : vector<16xi1>, vector<16xi32>
        %select_n3A_1250 = arith.select %ge3A_1245, %shift_right_arithmetic3A_1198, %select_n3A_1162 : vector<16xi1>, vector<16xi32>
        %ge3A_1251 = arith.cmpi sge, %gather3A_1213, %add3A_461 : vector<16xi32>
        %add3A_1252 = arith.constant 1 : i32
        %add3A_1253 = vector.broadcast %add3A_1252 : i32 to vector<16xi32>
        %add3A_1254 = arith.addi %shift_right_arithmetic3A_1202, %add3A_1253 : vector<16xi32>
        %select_n3A_1255 = arith.select %ge3A_1251, %select_n3A_1167, %add3A_1254 : vector<16xi1>, vector<16xi32>
        %select_n3A_1256 = arith.select %ge3A_1251, %shift_right_arithmetic3A_1202, %select_n3A_1168 : vector<16xi1>, vector<16xi32>
        %ge3A_1257 = arith.cmpi sge, %gather3A_1214, %add3A_469 : vector<16xi32>
        %add3A_1258 = arith.constant 1 : i32
        %add3A_1259 = vector.broadcast %add3A_1258 : i32 to vector<16xi32>
        %add3A_1260 = arith.addi %shift_right_arithmetic3A_1206, %add3A_1259 : vector<16xi32>
        %select_n3A_1261 = arith.select %ge3A_1257, %select_n3A_1173, %add3A_1260 : vector<16xi1>, vector<16xi32>
        %select_n3A_1262 = arith.select %ge3A_1257, %shift_right_arithmetic3A_1206, %select_n3A_1174 : vector<16xi1>, vector<16xi32>
        %add3A_1263 = arith.addi %select_n3A_1219, %select_n3A_1220 : vector<16xi32>
        %shift_right_arithmetic3A_1264 = arith.constant 1 : i32
        %shift_right_arithmetic3A_1265 = vector.broadcast %shift_right_arithmetic3A_1264 : i32 to vector<16xi32>
        %shift_right_arithmetic3A_1266 = arith.shrsi %add3A_1263, %shift_right_arithmetic3A_1265 : vector<16xi32>
        %add3A_1267 = arith.addi %select_n3A_1225, %select_n3A_1226 : vector<16xi32>
        %shift_right_arithmetic3A_1268 = arith.constant 1 : i32
        %shift_right_arithmetic3A_1269 = vector.broadcast %shift_right_arithmetic3A_1268 : i32 to vector<16xi32>
        %shift_right_arithmetic3A_1270 = arith.shrsi %add3A_1267, %shift_right_arithmetic3A_1269 : vector<16xi32>
        %add3A_1271 = arith.addi %select_n3A_1231, %select_n3A_1232 : vector<16xi32>
        %shift_right_arithmetic3A_1272 = arith.constant 1 : i32
        %shift_right_arithmetic3A_1273 = vector.broadcast %shift_right_arithmetic3A_1272 : i32 to vector<16xi32>
        %shift_right_arithmetic3A_1274 = arith.shrsi %add3A_1271, %shift_right_arithmetic3A_1273 : vector<16xi32>
        %add3A_1275 = arith.addi %select_n3A_1237, %select_n3A_1238 : vector<16xi32>
        %shift_right_arithmetic3A_1276 = arith.constant 1 : i32
        %shift_right_arithmetic3A_1277 = vector.broadcast %shift_right_arithmetic3A_1276 : i32 to vector<16xi32>
        %shift_right_arithmetic3A_1278 = arith.shrsi %add3A_1275, %shift_right_arithmetic3A_1277 : vector<16xi32>
        %add3A_1279 = arith.addi %select_n3A_1243, %select_n3A_1244 : vector<16xi32>
        %shift_right_arithmetic3A_1280 = arith.constant 1 : i32
        %shift_right_arithmetic3A_1281 = vector.broadcast %shift_right_arithmetic3A_1280 : i32 to vector<16xi32>
        %shift_right_arithmetic3A_1282 = arith.shrsi %add3A_1279, %shift_right_arithmetic3A_1281 : vector<16xi32>
        %add3A_1283 = arith.addi %select_n3A_1249, %select_n3A_1250 : vector<16xi32>
        %shift_right_arithmetic3A_1284 = arith.constant 1 : i32
        %shift_right_arithmetic3A_1285 = vector.broadcast %shift_right_arithmetic3A_1284 : i32 to vector<16xi32>
        %shift_right_arithmetic3A_1286 = arith.shrsi %add3A_1283, %shift_right_arithmetic3A_1285 : vector<16xi32>
        %add3A_1287 = arith.addi %select_n3A_1255, %select_n3A_1256 : vector<16xi32>
        %shift_right_arithmetic3A_1288 = arith.constant 1 : i32
        %shift_right_arithmetic3A_1289 = vector.broadcast %shift_right_arithmetic3A_1288 : i32 to vector<16xi32>
        %shift_right_arithmetic3A_1290 = arith.shrsi %add3A_1287, %shift_right_arithmetic3A_1289 : vector<16xi32>
        %add3A_1291 = arith.addi %select_n3A_1261, %select_n3A_1262 : vector<16xi32>
        %shift_right_arithmetic3A_1292 = arith.constant 1 : i32
        %shift_right_arithmetic3A_1293 = vector.broadcast %shift_right_arithmetic3A_1292 : i32 to vector<16xi32>
        %shift_right_arithmetic3A_1294 = arith.shrsi %add3A_1291, %shift_right_arithmetic3A_1293 : vector<16xi32>
        %gather3A_1295 = tpu.vector_load_idx %arg6[%broadcast_in_dim3A, %shift_right_arithmetic3A_1266] : memref<16x1024xi32, #tpu.memory_space<vmem>>[vector<16xi32>, vector<16xi32>], vector<16xi32>,
        %gather3A_1296 = tpu.vector_load_idx %arg6[%broadcast_in_dim3A, %shift_right_arithmetic3A_1270] : memref<16x1024xi32, #tpu.memory_space<vmem>>[vector<16xi32>, vector<16xi32>], vector<16xi32>,
        %gather3A_1297 = tpu.vector_load_idx %arg6[%broadcast_in_dim3A, %shift_right_arithmetic3A_1274] : memref<16x1024xi32, #tpu.memory_space<vmem>>[vector<16xi32>, vector<16xi32>], vector<16xi32>,
        %gather3A_1298 = tpu.vector_load_idx %arg6[%broadcast_in_dim3A, %shift_right_arithmetic3A_1278] : memref<16x1024xi32, #tpu.memory_space<vmem>>[vector<16xi32>, vector<16xi32>], vector<16xi32>,
        %gather3A_1299 = tpu.vector_load_idx %arg6[%broadcast_in_dim3A_441, %shift_right_arithmetic3A_1282] : memref<16x1024xi32, #tpu.memory_space<vmem>>[vector<16xi32>, vector<16xi32>], vector<16xi32>,
        %gather3A_1300 = tpu.vector_load_idx %arg6[%broadcast_in_dim3A_441, %shift_right_arithmetic3A_1286] : memref<16x1024xi32, #tpu.memory_space<vmem>>[vector<16xi32>, vector<16xi32>], vector<16xi32>,
        %gather3A_1301 = tpu.vector_load_idx %arg6[%broadcast_in_dim3A_441, %shift_right_arithmetic3A_1290] : memref<16x1024xi32, #tpu.memory_space<vmem>>[vector<16xi32>, vector<16xi32>], vector<16xi32>,
        %gather3A_1302 = tpu.vector_load_idx %arg6[%broadcast_in_dim3A_441, %shift_right_arithmetic3A_1294] : memref<16x1024xi32, #tpu.memory_space<vmem>>[vector<16xi32>, vector<16xi32>], vector<16xi32>,
        %ge3A_1303 = arith.cmpi sge, %gather3A_1295, %add3A_408 : vector<16xi32>
        %add3A_1304 = arith.constant 1 : i32
        %add3A_1305 = vector.broadcast %add3A_1304 : i32 to vector<16xi32>
        %add3A_1306 = arith.addi %shift_right_arithmetic3A_1266, %add3A_1305 : vector<16xi32>
        %select_n3A_1307 = arith.select %ge3A_1303, %select_n3A_1219, %add3A_1306 : vector<16xi1>, vector<16xi32>
        %select_n3A_1308 = arith.select %ge3A_1303, %shift_right_arithmetic3A_1266, %select_n3A_1220 : vector<16xi1>, vector<16xi32>
        %ge3A_1309 = arith.cmpi sge, %gather3A_1296, %add3A_416 : vector<16xi32>
        %add3A_1310 = arith.constant 1 : i32
        %add3A_1311 = vector.broadcast %add3A_1310 : i32 to vector<16xi32>
        %add3A_1312 = arith.addi %shift_right_arithmetic3A_1270, %add3A_1311 : vector<16xi32>
        %select_n3A_1313 = arith.select %ge3A_1309, %select_n3A_1225, %add3A_1312 : vector<16xi1>, vector<16xi32>
        %select_n3A_1314 = arith.select %ge3A_1309, %shift_right_arithmetic3A_1270, %select_n3A_1226 : vector<16xi1>, vector<16xi32>
        %ge3A_1315 = arith.cmpi sge, %gather3A_1297, %add3A_424 : vector<16xi32>
        %add3A_1316 = arith.constant 1 : i32
        %add3A_1317 = vector.broadcast %add3A_1316 : i32 to vector<16xi32>
        %add3A_1318 = arith.addi %shift_right_arithmetic3A_1274, %add3A_1317 : vector<16xi32>
        %select_n3A_1319 = arith.select %ge3A_1315, %select_n3A_1231, %add3A_1318 : vector<16xi1>, vector<16xi32>
        %select_n3A_1320 = arith.select %ge3A_1315, %shift_right_arithmetic3A_1274, %select_n3A_1232 : vector<16xi1>, vector<16xi32>
        %ge3A_1321 = arith.cmpi sge, %gather3A_1298, %add3A_432 : vector<16xi32>
        %add3A_1322 = arith.constant 1 : i32
        %add3A_1323 = vector.broadcast %add3A_1322 : i32 to vector<16xi32>
        %add3A_1324 = arith.addi %shift_right_arithmetic3A_1278, %add3A_1323 : vector<16xi32>
        %select_n3A_1325 = arith.select %ge3A_1321, %select_n3A_1237, %add3A_1324 : vector<16xi1>, vector<16xi32>
        %select_n3A_1326 = arith.select %ge3A_1321, %shift_right_arithmetic3A_1278, %select_n3A_1238 : vector<16xi1>, vector<16xi32>
        %ge3A_1327 = arith.cmpi sge, %gather3A_1299, %add3A_445 : vector<16xi32>
        %add3A_1328 = arith.constant 1 : i32
        %add3A_1329 = vector.broadcast %add3A_1328 : i32 to vector<16xi32>
        %add3A_1330 = arith.addi %shift_right_arithmetic3A_1282, %add3A_1329 : vector<16xi32>
        %select_n3A_1331 = arith.select %ge3A_1327, %select_n3A_1243, %add3A_1330 : vector<16xi1>, vector<16xi32>
        %select_n3A_1332 = arith.select %ge3A_1327, %shift_right_arithmetic3A_1282, %select_n3A_1244 : vector<16xi1>, vector<16xi32>
        %ge3A_1333 = arith.cmpi sge, %gather3A_1300, %add3A_453 : vector<16xi32>
        %add3A_1334 = arith.constant 1 : i32
        %add3A_1335 = vector.broadcast %add3A_1334 : i32 to vector<16xi32>
        %add3A_1336 = arith.addi %shift_right_arithmetic3A_1286, %add3A_1335 : vector<16xi32>
        %select_n3A_1337 = arith.select %ge3A_1333, %select_n3A_1249, %add3A_1336 : vector<16xi1>, vector<16xi32>
        %select_n3A_1338 = arith.select %ge3A_1333, %shift_right_arithmetic3A_1286, %select_n3A_1250 : vector<16xi1>, vector<16xi32>
        %ge3A_1339 = arith.cmpi sge, %gather3A_1301, %add3A_461 : vector<16xi32>
        %add3A_1340 = arith.constant 1 : i32
        %add3A_1341 = vector.broadcast %add3A_1340 : i32 to vector<16xi32>
        %add3A_1342 = arith.addi %shift_right_arithmetic3A_1290, %add3A_1341 : vector<16xi32>
        %select_n3A_1343 = arith.select %ge3A_1339, %select_n3A_1255, %add3A_1342 : vector<16xi1>, vector<16xi32>
        %select_n3A_1344 = arith.select %ge3A_1339, %shift_right_arithmetic3A_1290, %select_n3A_1256 : vector<16xi1>, vector<16xi32>
        %ge3A_1345 = arith.cmpi sge, %gather3A_1302, %add3A_469 : vector<16xi32>
        %add3A_1346 = arith.constant 1 : i32
        %add3A_1347 = vector.broadcast %add3A_1346 : i32 to vector<16xi32>
        %add3A_1348 = arith.addi %shift_right_arithmetic3A_1294, %add3A_1347 : vector<16xi32>
        %select_n3A_1349 = arith.select %ge3A_1345, %select_n3A_1261, %add3A_1348 : vector<16xi1>, vector<16xi32>
        %select_n3A_1350 = arith.select %ge3A_1345, %shift_right_arithmetic3A_1294, %select_n3A_1262 : vector<16xi1>, vector<16xi32>
        %mul3A_1351 = arith.constant 16 : i32
        %mul3A_1352 = arith.muli %scan3A_390, %mul3A_1351 : i32
        %mul3A_1353 = arith.constant 2 : i32
        %mul3A_1354 = arith.muli %scan3A_401, %mul3A_1353 : i32
        %add3A_1355 = arith.addi %mul3A_1352, %mul3A_1354 : i32
        %add3A_1356 = arith.constant 0 : i32
        %add3A_1357 = arith.addi %add3A_1355, %add3A_1356 : i32
        %mul3A_1358 = arith.constant 32 : i32
        %mul3A_1359 = arith.muli %add3A_1357, %mul3A_1358 : i32
        %add3A_1360 = arith.constant 0 : i32
        %add3A_1361 = arith.addi %mul3A_1359, %add3A_1360 : i32
        %add3A_1362 = vector.broadcast %shift_left3A_395 : i32 to vector<16xi32>
        %add3A_1363 = arith.addi %select_n3A_1308, %add3A_1362 : vector<16xi32>
        %swap3A = arith.index_cast %add3A_1361 : i32 to index
        %swap3A_1364 = tpu.vector_load %arg7[%swap3A] {strides = array<i32>} : memref<4096xi32, #tpu.memory_space<vmem>>, vector<16xi32>,
        tpu.vector_store %arg7[%swap3A], %add3A_1363 {strides = array<i32>} : memref<4096xi32, #tpu.memory_space<vmem>>, vector<16xi32>,
        %mul3A_1365 = arith.constant 16 : i32
        %mul3A_1366 = arith.muli %scan3A_390, %mul3A_1365 : i32
        %mul3A_1367 = arith.constant 2 : i32
        %mul3A_1368 = arith.muli %scan3A_401, %mul3A_1367 : i32
        %add3A_1369 = arith.addi %mul3A_1366, %mul3A_1368 : i32
        %add3A_1370 = arith.constant 0 : i32
        %add3A_1371 = arith.addi %add3A_1369, %add3A_1370 : i32
        %mul3A_1372 = arith.constant 32 : i32
        %mul3A_1373 = arith.muli %add3A_1371, %mul3A_1372 : i32
        %add3A_1374 = arith.constant 16 : i32
        %add3A_1375 = arith.addi %mul3A_1373, %add3A_1374 : i32
        %add3A_1376 = vector.broadcast %shift_left3A_395 : i32 to vector<16xi32>
        %add3A_1377 = arith.addi %select_n3A_1314, %add3A_1376 : vector<16xi32>
        %swap3A_1378 = arith.index_cast %add3A_1375 : i32 to index
        %swap3A_1379 = tpu.vector_load %arg7[%swap3A_1378] {strides = array<i32>} : memref<4096xi32, #tpu.memory_space<vmem>>, vector<16xi32>,
        tpu.vector_store %arg7[%swap3A_1378], %add3A_1377 {strides = array<i32>} : memref<4096xi32, #tpu.memory_space<vmem>>, vector<16xi32>,
        %mul3A_1380 = arith.constant 16 : i32
        %mul3A_1381 = arith.muli %scan3A_390, %mul3A_1380 : i32
        %mul3A_1382 = arith.constant 2 : i32
        %mul3A_1383 = arith.muli %scan3A_401, %mul3A_1382 : i32
        %add3A_1384 = arith.addi %mul3A_1381, %mul3A_1383 : i32
        %add3A_1385 = arith.constant 0 : i32
        %add3A_1386 = arith.addi %add3A_1384, %add3A_1385 : i32
        %mul3A_1387 = arith.constant 32 : i32
        %mul3A_1388 = arith.muli %add3A_1386, %mul3A_1387 : i32
        %add3A_1389 = arith.constant 0 : i32
        %add3A_1390 = arith.addi %mul3A_1388, %add3A_1389 : i32
        %add3A_1391 = vector.broadcast %shift_left3A_395 : i32 to vector<16xi32>
        %add3A_1392 = arith.addi %select_n3A_1320, %add3A_1391 : vector<16xi32>
        %swap3A_1393 = arith.index_cast %add3A_1390 : i32 to index
        %swap3A_1394 = tpu.vector_load %arg8[%swap3A_1393] {strides = array<i32>} : memref<4096xi32, #tpu.memory_space<vmem>>, vector<16xi32>,
        tpu.vector_store %arg8[%swap3A_1393], %add3A_1392 {strides = array<i32>} : memref<4096xi32, #tpu.memory_space<vmem>>, vector<16xi32>,
        %mul3A_1395 = arith.constant 16 : i32
        %mul3A_1396 = arith.muli %scan3A_390, %mul3A_1395 : i32
        %mul3A_1397 = arith.constant 2 : i32
        %mul3A_1398 = arith.muli %scan3A_401, %mul3A_1397 : i32
        %add3A_1399 = arith.addi %mul3A_1396, %mul3A_1398 : i32
        %add3A_1400 = arith.constant 0 : i32
        %add3A_1401 = arith.addi %add3A_1399, %add3A_1400 : i32
        %mul3A_1402 = arith.constant 32 : i32
        %mul3A_1403 = arith.muli %add3A_1401, %mul3A_1402 : i32
        %add3A_1404 = arith.constant 16 : i32
        %add3A_1405 = arith.addi %mul3A_1403, %add3A_1404 : i32
        %add3A_1406 = vector.broadcast %shift_left3A_395 : i32 to vector<16xi32>
        %add3A_1407 = arith.addi %select_n3A_1326, %add3A_1406 : vector<16xi32>
        %swap3A_1408 = arith.index_cast %add3A_1405 : i32 to index
        %swap3A_1409 = tpu.vector_load %arg8[%swap3A_1408] {strides = array<i32>} : memref<4096xi32, #tpu.memory_space<vmem>>, vector<16xi32>,
        tpu.vector_store %arg8[%swap3A_1408], %add3A_1407 {strides = array<i32>} : memref<4096xi32, #tpu.memory_space<vmem>>, vector<16xi32>,
        %mul3A_1410 = arith.constant 16 : i32
        %mul3A_1411 = arith.muli %scan3A_390, %mul3A_1410 : i32
        %mul3A_1412 = arith.constant 2 : i32
        %mul3A_1413 = arith.muli %scan3A_401, %mul3A_1412 : i32
        %add3A_1414 = arith.addi %mul3A_1411, %mul3A_1413 : i32
        %add3A_1415 = arith.constant 1 : i32
        %add3A_1416 = arith.addi %add3A_1414, %add3A_1415 : i32
        %mul3A_1417 = arith.constant 32 : i32
        %mul3A_1418 = arith.muli %add3A_1416, %mul3A_1417 : i32
        %add3A_1419 = arith.constant 0 : i32
        %add3A_1420 = arith.addi %mul3A_1418, %add3A_1419 : i32
        %add3A_1421 = vector.broadcast %shift_left3A_395 : i32 to vector<16xi32>
        %add3A_1422 = arith.addi %select_n3A_1332, %add3A_1421 : vector<16xi32>
        %swap3A_1423 = arith.index_cast %add3A_1420 : i32 to index
        %swap3A_1424 = tpu.vector_load %arg7[%swap3A_1423] {strides = array<i32>} : memref<4096xi32, #tpu.memory_space<vmem>>, vector<16xi32>,
        tpu.vector_store %arg7[%swap3A_1423], %add3A_1422 {strides = array<i32>} : memref<4096xi32, #tpu.memory_space<vmem>>, vector<16xi32>,
        %mul3A_1425 = arith.constant 16 : i32
        %mul3A_1426 = arith.muli %scan3A_390, %mul3A_1425 : i32
        %mul3A_1427 = arith.constant 2 : i32
        %mul3A_1428 = arith.muli %scan3A_401, %mul3A_1427 : i32
        %add3A_1429 = arith.addi %mul3A_1426, %mul3A_1428 : i32
        %add3A_1430 = arith.constant 1 : i32
        %add3A_1431 = arith.addi %add3A_1429, %add3A_1430 : i32
        %mul3A_1432 = arith.constant 32 : i32
        %mul3A_1433 = arith.muli %add3A_1431, %mul3A_1432 : i32
        %add3A_1434 = arith.constant 16 : i32
        %add3A_1435 = arith.addi %mul3A_1433, %add3A_1434 : i32
        %add3A_1436 = vector.broadcast %shift_left3A_395 : i32 to vector<16xi32>
        %add3A_1437 = arith.addi %select_n3A_1338, %add3A_1436 : vector<16xi32>
        %swap3A_1438 = arith.index_cast %add3A_1435 : i32 to index
        %swap3A_1439 = tpu.vector_load %arg7[%swap3A_1438] {strides = array<i32>} : memref<4096xi32, #tpu.memory_space<vmem>>, vector<16xi32>,
        tpu.vector_store %arg7[%swap3A_1438], %add3A_1437 {strides = array<i32>} : memref<4096xi32, #tpu.memory_space<vmem>>, vector<16xi32>,
        %mul3A_1440 = arith.constant 16 : i32
        %mul3A_1441 = arith.muli %scan3A_390, %mul3A_1440 : i32
        %mul3A_1442 = arith.constant 2 : i32
        %mul3A_1443 = arith.muli %scan3A_401, %mul3A_1442 : i32
        %add3A_1444 = arith.addi %mul3A_1441, %mul3A_1443 : i32
        %add3A_1445 = arith.constant 1 : i32
        %add3A_1446 = arith.addi %add3A_1444, %add3A_1445 : i32
        %mul3A_1447 = arith.constant 32 : i32
        %mul3A_1448 = arith.muli %add3A_1446, %mul3A_1447 : i32
        %add3A_1449 = arith.constant 0 : i32
        %add3A_1450 = arith.addi %mul3A_1448, %add3A_1449 : i32
        %add3A_1451 = vector.broadcast %shift_left3A_395 : i32 to vector<16xi32>
        %add3A_1452 = arith.addi %select_n3A_1344, %add3A_1451 : vector<16xi32>
        %swap3A_1453 = arith.index_cast %add3A_1450 : i32 to index
        %swap3A_1454 = tpu.vector_load %arg8[%swap3A_1453] {strides = array<i32>} : memref<4096xi32, #tpu.memory_space<vmem>>, vector<16xi32>,
        tpu.vector_store %arg8[%swap3A_1453], %add3A_1452 {strides = array<i32>} : memref<4096xi32, #tpu.memory_space<vmem>>, vector<16xi32>,
        %mul3A_1455 = arith.constant 16 : i32
        %mul3A_1456 = arith.muli %scan3A_390, %mul3A_1455 : i32
        %mul3A_1457 = arith.constant 2 : i32
        %mul3A_1458 = arith.muli %scan3A_401, %mul3A_1457 : i32
        %add3A_1459 = arith.addi %mul3A_1456, %mul3A_1458 : i32
        %add3A_1460 = arith.constant 1 : i32
        %add3A_1461 = arith.addi %add3A_1459, %add3A_1460 : i32
        %mul3A_1462 = arith.constant 32 : i32
        %mul3A_1463 = arith.muli %add3A_1461, %mul3A_1462 : i32
        %add3A_1464 = arith.constant 16 : i32
        %add3A_1465 = arith.addi %mul3A_1463, %add3A_1464 : i32
        %add3A_1466 = vector.broadcast %shift_left3A_395 : i32 to vector<16xi32>
        %add3A_1467 = arith.addi %select_n3A_1350, %add3A_1466 : vector<16xi32>
        %swap3A_1468 = arith.index_cast %add3A_1465 : i32 to index
        %swap3A_1469 = tpu.vector_load %arg8[%swap3A_1468] {strides = array<i32>} : memref<4096xi32, #tpu.memory_space<vmem>>, vector<16xi32>,
        tpu.vector_store %arg8[%swap3A_1468], %add3A_1467 {strides = array<i32>} : memref<4096xi32, #tpu.memory_space<vmem>>, vector<16xi32>,
      }
      %scan3A_400 = arith.constant 8 : i32
    }
    %scan3A_7 = arith.constant 8 : i32
    %dma_start3A = arith.constant 0 : i32
    %dma_start3A_8 = tpu.memref_slice %arg7[%dma_start3A] : memref<4096xi32, #tpu.memory_space<vmem>> -> memref<256xi32, #tpu.memory_space<vmem>>
    %dma_start3A_9 = arith.constant 0 : i32
    %dma_start3A_10 = arith.constant 0 : i32
    %dma_start3A_11 = tpu.memref_slice %arg3[%dma_start3A_9, %dma_start3A_10] : memref<4096x128xf32, #tpu.memory_space<hbm>> -> memref<4096x128xf32, #tpu.memory_space<hbm>>
    tpu.enqueue_indirect_dma source(%dma_start3A_11 : memref<4096x128xf32, #tpu.memory_space<hbm>>) target(%arg9 : memref<256x128xf32, #tpu.memory_space<vmem>>) offsets(%dma_start3A_8 : memref<256xi32, #tpu.memory_space<vmem>>) semaphore(%arg11 : memref<!tpu.dma_semaphore, #tpu.memory_space<semaphore_mem>>)
    %dma_start3A_12 = arith.constant 256 : i32
    %dma_start3A_13 = tpu.memref_slice %arg7[%dma_start3A_12] : memref<4096xi32, #tpu.memory_space<vmem>> -> memref<256xi32, #tpu.memory_space<vmem>>
    %dma_start3A_14 = arith.constant 0 : i32
    %dma_start3A_15 = arith.constant 0 : i32
    %dma_start3A_16 = tpu.memref_slice %arg3[%dma_start3A_14, %dma_start3A_15] : memref<4096x128xf32, #tpu.memory_space<hbm>> -> memref<4096x128xf32, #tpu.memory_space<hbm>>
    tpu.enqueue_indirect_dma source(%dma_start3A_16 : memref<4096x128xf32, #tpu.memory_space<hbm>>) target(%arg10 : memref<256x128xf32, #tpu.memory_space<vmem>>) offsets(%dma_start3A_13 : memref<256xi32, #tpu.memory_space<vmem>>) semaphore(%arg12 : memref<!tpu.dma_semaphore, #tpu.memory_space<semaphore_mem>>)
    %dma_wait3A = arith.constant 0 : i32
    %dma_wait3A_17 = tpu.memref_slice %arg7[%dma_wait3A] : memref<4096xi32, #tpu.memory_space<vmem>> -> memref<256xi32, #tpu.memory_space<vmem>>
    %dma_wait3A_18 = arith.constant 0 : i32
    %dma_wait3A_19 = arith.constant 0 : i32
    %dma_wait3A_20 = tpu.memref_slice %arg3[%dma_wait3A_18, %dma_wait3A_19] : memref<4096x128xf32, #tpu.memory_space<hbm>> -> memref<4096x128xf32, #tpu.memory_space<hbm>>
    tpu.wait_indirect_dma semaphore(%arg11 : memref<!tpu.dma_semaphore, #tpu.memory_space<semaphore_mem>>) src(%dma_wait3A_20 : memref<4096x128xf32, #tpu.memory_space<hbm>>) dst(%arg9 : memref<256x128xf32, #tpu.memory_space<vmem>>)
    %dma_start3A_21 = arith.constant 0 : i32
    %dma_start3A_22 = tpu.memref_slice %arg8[%dma_start3A_21] : memref<4096xi32, #tpu.memory_space<vmem>> -> memref<256xi32, #tpu.memory_space<vmem>>
    %dma_start3A_23 = arith.constant 0 : i32
    %dma_start3A_24 = arith.constant 0 : i32
    %dma_start3A_25 = tpu.memref_slice %arg4[%dma_start3A_23, %dma_start3A_24] : memref<4096x128xf32, #tpu.memory_space<hbm>> -> memref<4096x128xf32, #tpu.memory_space<hbm>>
    tpu.enqueue_indirect_dma source(%dma_start3A_25 : memref<4096x128xf32, #tpu.memory_space<hbm>>) target(%arg9 : memref<256x128xf32, #tpu.memory_space<vmem>>) offsets(%dma_start3A_22 : memref<256xi32, #tpu.memory_space<vmem>>) semaphore(%arg11 : memref<!tpu.dma_semaphore, #tpu.memory_space<semaphore_mem>>) {add = true}
    %dma_wait3A_26 = arith.constant 0 : i32
    %dma_wait3A_27 = tpu.memref_slice %arg8[%dma_wait3A_26] : memref<4096xi32, #tpu.memory_space<vmem>> -> memref<256xi32, #tpu.memory_space<vmem>>
    %dma_wait3A_28 = arith.constant 0 : i32
    %dma_wait3A_29 = arith.constant 0 : i32
    %dma_wait3A_30 = tpu.memref_slice %arg4[%dma_wait3A_28, %dma_wait3A_29] : memref<4096x128xf32, #tpu.memory_space<hbm>> -> memref<4096x128xf32, #tpu.memory_space<hbm>>
    tpu.wait_indirect_dma semaphore(%arg11 : memref<!tpu.dma_semaphore, #tpu.memory_space<semaphore_mem>>) src(%dma_wait3A_30 : memref<4096x128xf32, #tpu.memory_space<hbm>>) dst(%arg9 : memref<256x128xf32, #tpu.memory_space<vmem>>)
    %mul3A_31 = arith.constant 32 : i32
    %mul3A_32 = arith.muli %mul3A_2, %mul3A_31 : i32
    %add3A_33 = arith.constant 0 : i32
    %add3A_34 = arith.addi %mul3A_32, %add3A_33 : i32
    "tpu.region"() ({
      %run_scoped3A = tpu.sem_alloc : memref<!tpu.dma_semaphore, #tpu.memory_space<semaphore_mem>>
      %dma_start3A_390 = arith.constant 0 : i32
      %dma_start3A_391 = tpu.memref_slice %arg5[%add3A_34, %dma_start3A_390] : memref<131072x128xf32, #tpu.memory_space<hbm>> -> memref<256x128xf32, #tpu.memory_space<hbm>>
      %dma_start3A_392 = arith.constant 0 : i32
      %dma_start3A_393 = tpu.memref_slice %arg5[%add3A_34, %dma_start3A_392] : memref<131072x128xf32, #tpu.memory_space<hbm>> -> memref<256x128xf32, #tpu.memory_space<hbm>>
      tpu.enqueue_dma source(%arg9 : memref<256x128xf32, #tpu.memory_space<vmem>>) target(%dma_start3A_393 : memref<256x128xf32, #tpu.memory_space<hbm>>) target_semaphore(%run_scoped3A : memref<!tpu.dma_semaphore, #tpu.memory_space<semaphore_mem>>)
      %dma_wait3A_394 = arith.constant 0 : i32
      %dma_wait3A_395 = tpu.memref_slice %arg5[%add3A_34, %dma_wait3A_394] : memref<131072x128xf32, #tpu.memory_space<hbm>> -> memref<256x128xf32, #tpu.memory_space<hbm>>
      %dma_wait3A_396 = arith.constant 0 : i32
      %dma_wait3A_397 = tpu.memref_slice %arg5[%add3A_34, %dma_wait3A_396] : memref<131072x128xf32, #tpu.memory_space<hbm>> -> memref<256x128xf32, #tpu.memory_space<hbm>>
      tpu.wait_dma2 semaphore(%run_scoped3A : memref<!tpu.dma_semaphore, #tpu.memory_space<semaphore_mem>>) src(%arg9 : memref<256x128xf32, #tpu.memory_space<vmem>>) dst(%dma_wait3A_397 : memref<256x128xf32, #tpu.memory_space<hbm>>)
      tpu.yield
    }) : () -> ()
    %dma_start3A_35 = arith.constant 512 : i32
    %dma_start3A_36 = tpu.memref_slice %arg7[%dma_start3A_35] : memref<4096xi32, #tpu.memory_space<vmem>> -> memref<256xi32, #tpu.memory_space<vmem>>
    %dma_start3A_37 = arith.constant 0 : i32
    %dma_start3A_38 = arith.constant 0 : i32
    %dma_start3A_39 = tpu.memref_slice %arg3[%dma_start3A_37, %dma_start3A_38] : memref<4096x128xf32, #tpu.memory_space<hbm>> -> memref<4096x128xf32, #tpu.memory_space<hbm>>
    tpu.enqueue_indirect_dma source(%dma_start3A_39 : memref<4096x128xf32, #tpu.memory_space<hbm>>) target(%arg9 : memref<256x128xf32, #tpu.memory_space<vmem>>) offsets(%dma_start3A_36 : memref<256xi32, #tpu.memory_space<vmem>>) semaphore(%arg11 : memref<!tpu.dma_semaphore, #tpu.memory_space<semaphore_mem>>)
    %dma_wait3A_40 = arith.constant 256 : i32
    %dma_wait3A_41 = tpu.memref_slice %arg7[%dma_wait3A_40] : memref<4096xi32, #tpu.memory_space<vmem>> -> memref<256xi32, #tpu.memory_space<vmem>>
    %dma_wait3A_42 = arith.constant 0 : i32
    %dma_wait3A_43 = arith.constant 0 : i32
    %dma_wait3A_44 = tpu.memref_slice %arg3[%dma_wait3A_42, %dma_wait3A_43] : memref<4096x128xf32, #tpu.memory_space<hbm>> -> memref<4096x128xf32, #tpu.memory_space<hbm>>
    tpu.wait_indirect_dma semaphore(%arg12 : memref<!tpu.dma_semaphore, #tpu.memory_space<semaphore_mem>>) src(%dma_wait3A_44 : memref<4096x128xf32, #tpu.memory_space<hbm>>) dst(%arg10 : memref<256x128xf32, #tpu.memory_space<vmem>>)
    %dma_start3A_45 = arith.constant 256 : i32
    %dma_start3A_46 = tpu.memref_slice %arg8[%dma_start3A_45] : memref<4096xi32, #tpu.memory_space<vmem>> -> memref<256xi32, #tpu.memory_space<vmem>>
    %dma_start3A_47 = arith.constant 0 : i32
    %dma_start3A_48 = arith.constant 0 : i32
    %dma_start3A_49 = tpu.memref_slice %arg4[%dma_start3A_47, %dma_start3A_48] : memref<4096x128xf32, #tpu.memory_space<hbm>> -> memref<4096x128xf32, #tpu.memory_space<hbm>>
    tpu.enqueue_indirect_dma source(%dma_start3A_49 : memref<4096x128xf32, #tpu.memory_space<hbm>>) target(%arg10 : memref<256x128xf32, #tpu.memory_space<vmem>>) offsets(%dma_start3A_46 : memref<256xi32, #tpu.memory_space<vmem>>) semaphore(%arg12 : memref<!tpu.dma_semaphore, #tpu.memory_space<semaphore_mem>>) {add = true}
    %dma_wait3A_50 = arith.constant 256 : i32
    %dma_wait3A_51 = tpu.memref_slice %arg8[%dma_wait3A_50] : memref<4096xi32, #tpu.memory_space<vmem>> -> memref<256xi32, #tpu.memory_space<vmem>>
    %dma_wait3A_52 = arith.constant 0 : i32
    %dma_wait3A_53 = arith.constant 0 : i32
    %dma_wait3A_54 = tpu.memref_slice %arg4[%dma_wait3A_52, %dma_wait3A_53] : memref<4096x128xf32, #tpu.memory_space<hbm>> -> memref<4096x128xf32, #tpu.memory_space<hbm>>
    tpu.wait_indirect_dma semaphore(%arg12 : memref<!tpu.dma_semaphore, #tpu.memory_space<semaphore_mem>>) src(%dma_wait3A_54 : memref<4096x128xf32, #tpu.memory_space<hbm>>) dst(%arg10 : memref<256x128xf32, #tpu.memory_space<vmem>>)
    %mul3A_55 = arith.constant 32 : i32
    %mul3A_56 = arith.muli %mul3A_2, %mul3A_55 : i32
    %add3A_57 = arith.constant 256 : i32
    %add3A_58 = arith.addi %mul3A_56, %add3A_57 : i32
    "tpu.region"() ({
      %run_scoped3A = tpu.sem_alloc : memref<!tpu.dma_semaphore, #tpu.memory_space<semaphore_mem>>
      %dma_start3A_390 = arith.constant 0 : i32
      %dma_start3A_391 = tpu.memref_slice %arg5[%add3A_58, %dma_start3A_390] : memref<131072x128xf32, #tpu.memory_space<hbm>> -> memref<256x128xf32, #tpu.memory_space<hbm>>
      %dma_start3A_392 = arith.constant 0 : i32
      %dma_start3A_393 = tpu.memref_slice %arg5[%add3A_58, %dma_start3A_392] : memref<131072x128xf32, #tpu.memory_space<hbm>> -> memref<256x128xf32, #tpu.memory_space<hbm>>
      tpu.enqueue_dma source(%arg10 : memref<256x128xf32, #tpu.memory_space<vmem>>) target(%dma_start3A_393 : memref<256x128xf32, #tpu.memory_space<hbm>>) target_semaphore(%run_scoped3A : memref<!tpu.dma_semaphore, #tpu.memory_space<semaphore_mem>>)
      %dma_wait3A_394 = arith.constant 0 : i32
      %dma_wait3A_395 = tpu.memref_slice %arg5[%add3A_58, %dma_wait3A_394] : memref<131072x128xf32, #tpu.memory_space<hbm>> -> memref<256x128xf32, #tpu.memory_space<hbm>>
      %dma_wait3A_396 = arith.constant 0 : i32
      %dma_wait3A_397 = tpu.memref_slice %arg5[%add3A_58, %dma_wait3A_396] : memref<131072x128xf32, #tpu.memory_space<hbm>> -> memref<256x128xf32, #tpu.memory_space<hbm>>
      tpu.wait_dma2 semaphore(%run_scoped3A : memref<!tpu.dma_semaphore, #tpu.memory_space<semaphore_mem>>) src(%arg10 : memref<256x128xf32, #tpu.memory_space<vmem>>) dst(%dma_wait3A_397 : memref<256x128xf32, #tpu.memory_space<hbm>>)
      tpu.yield
    }) : () -> ()
    %dma_start3A_59 = arith.constant 768 : i32
    %dma_start3A_60 = tpu.memref_slice %arg7[%dma_start3A_59] : memref<4096xi32, #tpu.memory_space<vmem>> -> memref<256xi32, #tpu.memory_space<vmem>>
    %dma_start3A_61 = arith.constant 0 : i32
    %dma_start3A_62 = arith.constant 0 : i32
    %dma_start3A_63 = tpu.memref_slice %arg3[%dma_start3A_61, %dma_start3A_62] : memref<4096x128xf32, #tpu.memory_space<hbm>> -> memref<4096x128xf32, #tpu.memory_space<hbm>>
    tpu.enqueue_indirect_dma source(%dma_start3A_63 : memref<4096x128xf32, #tpu.memory_space<hbm>>) target(%arg10 : memref<256x128xf32, #tpu.memory_space<vmem>>) offsets(%dma_start3A_60 : memref<256xi32, #tpu.memory_space<vmem>>) semaphore(%arg12 : memref<!tpu.dma_semaphore, #tpu.memory_space<semaphore_mem>>)
    %dma_wait3A_64 = arith.constant 512 : i32
    %dma_wait3A_65 = tpu.memref_slice %arg7[%dma_wait3A_64] : memref<4096xi32, #tpu.memory_space<vmem>> -> memref<256xi32, #tpu.memory_space<vmem>>
    %dma_wait3A_66 = arith.constant 0 : i32
    %dma_wait3A_67 = arith.constant 0 : i32
    %dma_wait3A_68 = tpu.memref_slice %arg3[%dma_wait3A_66, %dma_wait3A_67] : memref<4096x128xf32, #tpu.memory_space<hbm>> -> memref<4096x128xf32, #tpu.memory_space<hbm>>
    tpu.wait_indirect_dma semaphore(%arg11 : memref<!tpu.dma_semaphore, #tpu.memory_space<semaphore_mem>>) src(%dma_wait3A_68 : memref<4096x128xf32, #tpu.memory_space<hbm>>) dst(%arg9 : memref<256x128xf32, #tpu.memory_space<vmem>>)
    %dma_start3A_69 = arith.constant 512 : i32
    %dma_start3A_70 = tpu.memref_slice %arg8[%dma_start3A_69] : memref<4096xi32, #tpu.memory_space<vmem>> -> memref<256xi32, #tpu.memory_space<vmem>>
    %dma_start3A_71 = arith.constant 0 : i32
    %dma_start3A_72 = arith.constant 0 : i32
    %dma_start3A_73 = tpu.memref_slice %arg4[%dma_start3A_71, %dma_start3A_72] : memref<4096x128xf32, #tpu.memory_space<hbm>> -> memref<4096x128xf32, #tpu.memory_space<hbm>>
    tpu.enqueue_indirect_dma source(%dma_start3A_73 : memref<4096x128xf32, #tpu.memory_space<hbm>>) target(%arg9 : memref<256x128xf32, #tpu.memory_space<vmem>>) offsets(%dma_start3A_70 : memref<256xi32, #tpu.memory_space<vmem>>) semaphore(%arg11 : memref<!tpu.dma_semaphore, #tpu.memory_space<semaphore_mem>>) {add = true}
    %dma_wait3A_74 = arith.constant 512 : i32
    %dma_wait3A_75 = tpu.memref_slice %arg8[%dma_wait3A_74] : memref<4096xi32, #tpu.memory_space<vmem>> -> memref<256xi32, #tpu.memory_space<vmem>>
    %dma_wait3A_76 = arith.constant 0 : i32
    %dma_wait3A_77 = arith.constant 0 : i32
    %dma_wait3A_78 = tpu.memref_slice %arg4[%dma_wait3A_76, %dma_wait3A_77] : memref<4096x128xf32, #tpu.memory_space<hbm>> -> memref<4096x128xf32, #tpu.memory_space<hbm>>
    tpu.wait_indirect_dma semaphore(%arg11 : memref<!tpu.dma_semaphore, #tpu.memory_space<semaphore_mem>>) src(%dma_wait3A_78 : memref<4096x128xf32, #tpu.memory_space<hbm>>) dst(%arg9 : memref<256x128xf32, #tpu.memory_space<vmem>>)
    %mul3A_79 = arith.constant 32 : i32
    %mul3A_80 = arith.muli %mul3A_2, %mul3A_79 : i32
    %add3A_81 = arith.constant 512 : i32
    %add3A_82 = arith.addi %mul3A_80, %add3A_81 : i32
    "tpu.region"() ({
      %run_scoped3A = tpu.sem_alloc : memref<!tpu.dma_semaphore, #tpu.memory_space<semaphore_mem>>
      %dma_start3A_390 = arith.constant 0 : i32
      %dma_start3A_391 = tpu.memref_slice %arg5[%add3A_82, %dma_start3A_390] : memref<131072x128xf32, #tpu.memory_space<hbm>> -> memref<256x128xf32, #tpu.memory_space<hbm>>
      %dma_start3A_392 = arith.constant 0 : i32
      %dma_start3A_393 = tpu.memref_slice %arg5[%add3A_82, %dma_start3A_392] : memref<131072x128xf32, #tpu.memory_space<hbm>> -> memref<256x128xf32, #tpu.memory_space<hbm>>
      tpu.enqueue_dma source(%arg9 : memref<256x128xf32, #tpu.memory_space<vmem>>) target(%dma_start3A_393 : memref<256x128xf32, #tpu.memory_space<hbm>>) target_semaphore(%run_scoped3A : memref<!tpu.dma_semaphore, #tpu.memory_space<semaphore_mem>>)
      %dma_wait3A_394 = arith.constant 0 : i32
      %dma_wait3A_395 = tpu.memref_slice %arg5[%add3A_82, %dma_wait3A_394] : memref<131072x128xf32, #tpu.memory_space<hbm>> -> memref<256x128xf32, #tpu.memory_space<hbm>>
      %dma_wait3A_396 = arith.constant 0 : i32
      %dma_wait3A_397 = tpu.memref_slice %arg5[%add3A_82, %dma_wait3A_396] : memref<131072x128xf32, #tpu.memory_space<hbm>> -> memref<256x128xf32, #tpu.memory_space<hbm>>
      tpu.wait_dma2 semaphore(%run_scoped3A : memref<!tpu.dma_semaphore, #tpu.memory_space<semaphore_mem>>) src(%arg9 : memref<256x128xf32, #tpu.memory_space<vmem>>) dst(%dma_wait3A_397 : memref<256x128xf32, #tpu.memory_space<hbm>>)
      tpu.yield
    }) : () -> ()
    %dma_start3A_83 = arith.constant 1024 : i32
    %dma_start3A_84 = tpu.memref_slice %arg7[%dma_start3A_83] : memref<4096xi32, #tpu.memory_space<vmem>> -> memref<256xi32, #tpu.memory_space<vmem>>
    %dma_start3A_85 = arith.constant 0 : i32
    %dma_start3A_86 = arith.constant 0 : i32
    %dma_start3A_87 = tpu.memref_slice %arg3[%dma_start3A_85, %dma_start3A_86] : memref<4096x128xf32, #tpu.memory_space<hbm>> -> memref<4096x128xf32, #tpu.memory_space<hbm>>
    tpu.enqueue_indirect_dma source(%dma_start3A_87 : memref<4096x128xf32, #tpu.memory_space<hbm>>) target(%arg9 : memref<256x128xf32, #tpu.memory_space<vmem>>) offsets(%dma_start3A_84 : memref<256xi32, #tpu.memory_space<vmem>>) semaphore(%arg11 : memref<!tpu.dma_semaphore, #tpu.memory_space<semaphore_mem>>)
    %dma_wait3A_88 = arith.constant 768 : i32
    %dma_wait3A_89 = tpu.memref_slice %arg7[%dma_wait3A_88] : memref<4096xi32, #tpu.memory_space<vmem>> -> memref<256xi32, #tpu.memory_space<vmem>>
    %dma_wait3A_90 = arith.constant 0 : i32
    %dma_wait3A_91 = arith.constant 0 : i32
    %dma_wait3A_92 = tpu.memref_slice %arg3[%dma_wait3A_90, %dma_wait3A_91] : memref<4096x128xf32, #tpu.memory_space<hbm>> -> memref<4096x128xf32, #tpu.memory_space<hbm>>
    tpu.wait_indirect_dma semaphore(%arg12 : memref<!tpu.dma_semaphore, #tpu.memory_space<semaphore_mem>>) src(%dma_wait3A_92 : memref<4096x128xf32, #tpu.memory_space<hbm>>) dst(%arg10 : memref<256x128xf32, #tpu.memory_space<vmem>>)
    %dma_start3A_93 = arith.constant 768 : i32
    %dma_start3A_94 = tpu.memref_slice %arg8[%dma_start3A_93] : memref<4096xi32, #tpu.memory_space<vmem>> -> memref<256xi32, #tpu.memory_space<vmem>>
    %dma_start3A_95 = arith.constant 0 : i32
    %dma_start3A_96 = arith.constant 0 : i32
    %dma_start3A_97 = tpu.memref_slice %arg4[%dma_start3A_95, %dma_start3A_96] : memref<4096x128xf32, #tpu.memory_space<hbm>> -> memref<4096x128xf32, #tpu.memory_space<hbm>>
    tpu.enqueue_indirect_dma source(%dma_start3A_97 : memref<4096x128xf32, #tpu.memory_space<hbm>>) target(%arg10 : memref<256x128xf32, #tpu.memory_space<vmem>>) offsets(%dma_start3A_94 : memref<256xi32, #tpu.memory_space<vmem>>) semaphore(%arg12 : memref<!tpu.dma_semaphore, #tpu.memory_space<semaphore_mem>>) {add = true}
    %dma_wait3A_98 = arith.constant 768 : i32
    %dma_wait3A_99 = tpu.memref_slice %arg8[%dma_wait3A_98] : memref<4096xi32, #tpu.memory_space<vmem>> -> memref<256xi32, #tpu.memory_space<vmem>>
    %dma_wait3A_100 = arith.constant 0 : i32
    %dma_wait3A_101 = arith.constant 0 : i32
    %dma_wait3A_102 = tpu.memref_slice %arg4[%dma_wait3A_100, %dma_wait3A_101] : memref<4096x128xf32, #tpu.memory_space<hbm>> -> memref<4096x128xf32, #tpu.memory_space<hbm>>
    tpu.wait_indirect_dma semaphore(%arg12 : memref<!tpu.dma_semaphore, #tpu.memory_space<semaphore_mem>>) src(%dma_wait3A_102 : memref<4096x128xf32, #tpu.memory_space<hbm>>) dst(%arg10 : memref<256x128xf32, #tpu.memory_space<vmem>>)
    %mul3A_103 = arith.constant 32 : i32
    %mul3A_104 = arith.muli %mul3A_2, %mul3A_103 : i32
    %add3A_105 = arith.constant 768 : i32
    %add3A_106 = arith.addi %mul3A_104, %add3A_105 : i32
    "tpu.region"() ({
      %run_scoped3A = tpu.sem_alloc : memref<!tpu.dma_semaphore, #tpu.memory_space<semaphore_mem>>
      %dma_start3A_390 = arith.constant 0 : i32
      %dma_start3A_391 = tpu.memref_slice %arg5[%add3A_106, %dma_start3A_390] : memref<131072x128xf32, #tpu.memory_space<hbm>> -> memref<256x128xf32, #tpu.memory_space<hbm>>
      %dma_start3A_392 = arith.constant 0 : i32
      %dma_start3A_393 = tpu.memref_slice %arg5[%add3A_106, %dma_start3A_392] : memref<131072x128xf32, #tpu.memory_space<hbm>> -> memref<256x128xf32, #tpu.memory_space<hbm>>
      tpu.enqueue_dma source(%arg10 : memref<256x128xf32, #tpu.memory_space<vmem>>) target(%dma_start3A_393 : memref<256x128xf32, #tpu.memory_space<hbm>>) target_semaphore(%run_scoped3A : memref<!tpu.dma_semaphore, #tpu.memory_space<semaphore_mem>>)
      %dma_wait3A_394 = arith.constant 0 : i32
      %dma_wait3A_395 = tpu.memref_slice %arg5[%add3A_106, %dma_wait3A_394] : memref<131072x128xf32, #tpu.memory_space<hbm>> -> memref<256x128xf32, #tpu.memory_space<hbm>>
      %dma_wait3A_396 = arith.constant 0 : i32
      %dma_wait3A_397 = tpu.memref_slice %arg5[%add3A_106, %dma_wait3A_396] : memref<131072x128xf32, #tpu.memory_space<hbm>> -> memref<256x128xf32, #tpu.memory_space<hbm>>
      tpu.wait_dma2 semaphore(%run_scoped3A : memref<!tpu.dma_semaphore, #tpu.memory_space<semaphore_mem>>) src(%arg10 : memref<256x128xf32, #tpu.memory_space<vmem>>) dst(%dma_wait3A_397 : memref<256x128xf32, #tpu.memory_space<hbm>>)
      tpu.yield
    }) : () -> ()
    %dma_start3A_107 = arith.constant 1280 : i32
    %dma_start3A_108 = tpu.memref_slice %arg7[%dma_start3A_107] : memref<4096xi32, #tpu.memory_space<vmem>> -> memref<256xi32, #tpu.memory_space<vmem>>
    %dma_start3A_109 = arith.constant 0 : i32
    %dma_start3A_110 = arith.constant 0 : i32
    %dma_start3A_111 = tpu.memref_slice %arg3[%dma_start3A_109, %dma_start3A_110] : memref<4096x128xf32, #tpu.memory_space<hbm>> -> memref<4096x128xf32, #tpu.memory_space<hbm>>
    tpu.enqueue_indirect_dma source(%dma_start3A_111 : memref<4096x128xf32, #tpu.memory_space<hbm>>) target(%arg10 : memref<256x128xf32, #tpu.memory_space<vmem>>) offsets(%dma_start3A_108 : memref<256xi32, #tpu.memory_space<vmem>>) semaphore(%arg12 : memref<!tpu.dma_semaphore, #tpu.memory_space<semaphore_mem>>)
    %dma_wait3A_112 = arith.constant 1024 : i32
    %dma_wait3A_113 = tpu.memref_slice %arg7[%dma_wait3A_112] : memref<4096xi32, #tpu.memory_space<vmem>> -> memref<256xi32, #tpu.memory_space<vmem>>
    %dma_wait3A_114 = arith.constant 0 : i32
    %dma_wait3A_115 = arith.constant 0 : i32
    %dma_wait3A_116 = tpu.memref_slice %arg3[%dma_wait3A_114, %dma_wait3A_115] : memref<4096x128xf32, #tpu.memory_space<hbm>> -> memref<4096x128xf32, #tpu.memory_space<hbm>>
    tpu.wait_indirect_dma semaphore(%arg11 : memref<!tpu.dma_semaphore, #tpu.memory_space<semaphore_mem>>) src(%dma_wait3A_116 : memref<4096x128xf32, #tpu.memory_space<hbm>>) dst(%arg9 : memref<256x128xf32, #tpu.memory_space<vmem>>)
    %dma_start3A_117 = arith.constant 1024 : i32
    %dma_start3A_118 = tpu.memref_slice %arg8[%dma_start3A_117] : memref<4096xi32, #tpu.memory_space<vmem>> -> memref<256xi32, #tpu.memory_space<vmem>>
    %dma_start3A_119 = arith.constant 0 : i32
    %dma_start3A_120 = arith.constant 0 : i32
    %dma_start3A_121 = tpu.memref_slice %arg4[%dma_start3A_119, %dma_start3A_120] : memref<4096x128xf32, #tpu.memory_space<hbm>> -> memref<4096x128xf32, #tpu.memory_space<hbm>>
    tpu.enqueue_indirect_dma source(%dma_start3A_121 : memref<4096x128xf32, #tpu.memory_space<hbm>>) target(%arg9 : memref<256x128xf32, #tpu.memory_space<vmem>>) offsets(%dma_start3A_118 : memref<256xi32, #tpu.memory_space<vmem>>) semaphore(%arg11 : memref<!tpu.dma_semaphore, #tpu.memory_space<semaphore_mem>>) {add = true}
    %dma_wait3A_122 = arith.constant 1024 : i32
    %dma_wait3A_123 = tpu.memref_slice %arg8[%dma_wait3A_122] : memref<4096xi32, #tpu.memory_space<vmem>> -> memref<256xi32, #tpu.memory_space<vmem>>
    %dma_wait3A_124 = arith.constant 0 : i32
    %dma_wait3A_125 = arith.constant 0 : i32
    %dma_wait3A_126 = tpu.memref_slice %arg4[%dma_wait3A_124, %dma_wait3A_125] : memref<4096x128xf32, #tpu.memory_space<hbm>> -> memref<4096x128xf32, #tpu.memory_space<hbm>>
    tpu.wait_indirect_dma semaphore(%arg11 : memref<!tpu.dma_semaphore, #tpu.memory_space<semaphore_mem>>) src(%dma_wait3A_126 : memref<4096x128xf32, #tpu.memory_space<hbm>>) dst(%arg9 : memref<256x128xf32, #tpu.memory_space<vmem>>)
    %mul3A_127 = arith.constant 32 : i32
    %mul3A_128 = arith.muli %mul3A_2, %mul3A_127 : i32
    %add3A_129 = arith.constant 1024 : i32
    %add3A_130 = arith.addi %mul3A_128, %add3A_129 : i32
    "tpu.region"() ({
      %run_scoped3A = tpu.sem_alloc : memref<!tpu.dma_semaphore, #tpu.memory_space<semaphore_mem>>
      %dma_start3A_390 = arith.constant 0 : i32
      %dma_start3A_391 = tpu.memref_slice %arg5[%add3A_130, %dma_start3A_390] : memref<131072x128xf32, #tpu.memory_space<hbm>> -> memref<256x128xf32, #tpu.memory_space<hbm>>
      %dma_start3A_392 = arith.constant 0 : i32
      %dma_start3A_393 = tpu.memref_slice %arg5[%add3A_130, %dma_start3A_392] : memref<131072x128xf32, #tpu.memory_space<hbm>> -> memref<256x128xf32, #tpu.memory_space<hbm>>
      tpu.enqueue_dma source(%arg9 : memref<256x128xf32, #tpu.memory_space<vmem>>) target(%dma_start3A_393 : memref<256x128xf32, #tpu.memory_space<hbm>>) target_semaphore(%run_scoped3A : memref<!tpu.dma_semaphore, #tpu.memory_space<semaphore_mem>>)
      %dma_wait3A_394 = arith.constant 0 : i32
      %dma_wait3A_395 = tpu.memref_slice %arg5[%add3A_130, %dma_wait3A_394] : memref<131072x128xf32, #tpu.memory_space<hbm>> -> memref<256x128xf32, #tpu.memory_space<hbm>>
      %dma_wait3A_396 = arith.constant 0 : i32
      %dma_wait3A_397 = tpu.memref_slice %arg5[%add3A_130, %dma_wait3A_396] : memref<131072x128xf32, #tpu.memory_space<hbm>> -> memref<256x128xf32, #tpu.memory_space<hbm>>
      tpu.wait_dma2 semaphore(%run_scoped3A : memref<!tpu.dma_semaphore, #tpu.memory_space<semaphore_mem>>) src(%arg9 : memref<256x128xf32, #tpu.memory_space<vmem>>) dst(%dma_wait3A_397 : memref<256x128xf32, #tpu.memory_space<hbm>>)
      tpu.yield
    }) : () -> ()
    %dma_start3A_131 = arith.constant 1536 : i32
    %dma_start3A_132 = tpu.memref_slice %arg7[%dma_start3A_131] : memref<4096xi32, #tpu.memory_space<vmem>> -> memref<256xi32, #tpu.memory_space<vmem>>
    %dma_start3A_133 = arith.constant 0 : i32
    %dma_start3A_134 = arith.constant 0 : i32
    %dma_start3A_135 = tpu.memref_slice %arg3[%dma_start3A_133, %dma_start3A_134] : memref<4096x128xf32, #tpu.memory_space<hbm>> -> memref<4096x128xf32, #tpu.memory_space<hbm>>
    tpu.enqueue_indirect_dma source(%dma_start3A_135 : memref<4096x128xf32, #tpu.memory_space<hbm>>) target(%arg9 : memref<256x128xf32, #tpu.memory_space<vmem>>) offsets(%dma_start3A_132 : memref<256xi32, #tpu.memory_space<vmem>>) semaphore(%arg11 : memref<!tpu.dma_semaphore, #tpu.memory_space<semaphore_mem>>)
    %dma_wait3A_136 = arith.constant 1280 : i32
    %dma_wait3A_137 = tpu.memref_slice %arg7[%dma_wait3A_136] : memref<4096xi32, #tpu.memory_space<vmem>> -> memref<256xi32, #tpu.memory_space<vmem>>
    %dma_wait3A_138 = arith.constant 0 : i32
    %dma_wait3A_139 = arith.constant 0 : i32
    %dma_wait3A_140 = tpu.memref_slice %arg3[%dma_wait3A_138, %dma_wait3A_139] : memref<4096x128xf32, #tpu.memory_space<hbm>> -> memref<4096x128xf32, #tpu.memory_space<hbm>>
    tpu.wait_indirect_dma semaphore(%arg12 : memref<!tpu.dma_semaphore, #tpu.memory_space<semaphore_mem>>) src(%dma_wait3A_140 : memref<4096x128xf32, #tpu.memory_space<hbm>>) dst(%arg10 : memref<256x128xf32, #tpu.memory_space<vmem>>)
    %dma_start3A_141 = arith.constant 1280 : i32
    %dma_start3A_142 = tpu.memref_slice %arg8[%dma_start3A_141] : memref<4096xi32, #tpu.memory_space<vmem>> -> memref<256xi32, #tpu.memory_space<vmem>>
    %dma_start3A_143 = arith.constant 0 : i32
    %dma_start3A_144 = arith.constant 0 : i32
    %dma_start3A_145 = tpu.memref_slice %arg4[%dma_start3A_143, %dma_start3A_144] : memref<4096x128xf32, #tpu.memory_space<hbm>> -> memref<4096x128xf32, #tpu.memory_space<hbm>>
    tpu.enqueue_indirect_dma source(%dma_start3A_145 : memref<4096x128xf32, #tpu.memory_space<hbm>>) target(%arg10 : memref<256x128xf32, #tpu.memory_space<vmem>>) offsets(%dma_start3A_142 : memref<256xi32, #tpu.memory_space<vmem>>) semaphore(%arg12 : memref<!tpu.dma_semaphore, #tpu.memory_space<semaphore_mem>>) {add = true}
    %dma_wait3A_146 = arith.constant 1280 : i32
    %dma_wait3A_147 = tpu.memref_slice %arg8[%dma_wait3A_146] : memref<4096xi32, #tpu.memory_space<vmem>> -> memref<256xi32, #tpu.memory_space<vmem>>
    %dma_wait3A_148 = arith.constant 0 : i32
    %dma_wait3A_149 = arith.constant 0 : i32
    %dma_wait3A_150 = tpu.memref_slice %arg4[%dma_wait3A_148, %dma_wait3A_149] : memref<4096x128xf32, #tpu.memory_space<hbm>> -> memref<4096x128xf32, #tpu.memory_space<hbm>>
    tpu.wait_indirect_dma semaphore(%arg12 : memref<!tpu.dma_semaphore, #tpu.memory_space<semaphore_mem>>) src(%dma_wait3A_150 : memref<4096x128xf32, #tpu.memory_space<hbm>>) dst(%arg10 : memref<256x128xf32, #tpu.memory_space<vmem>>)
    %mul3A_151 = arith.constant 32 : i32
    %mul3A_152 = arith.muli %mul3A_2, %mul3A_151 : i32
    %add3A_153 = arith.constant 1280 : i32
    %add3A_154 = arith.addi %mul3A_152, %add3A_153 : i32
    "tpu.region"() ({
      %run_scoped3A = tpu.sem_alloc : memref<!tpu.dma_semaphore, #tpu.memory_space<semaphore_mem>>
      %dma_start3A_390 = arith.constant 0 : i32
      %dma_start3A_391 = tpu.memref_slice %arg5[%add3A_154, %dma_start3A_390] : memref<131072x128xf32, #tpu.memory_space<hbm>> -> memref<256x128xf32, #tpu.memory_space<hbm>>
      %dma_start3A_392 = arith.constant 0 : i32
      %dma_start3A_393 = tpu.memref_slice %arg5[%add3A_154, %dma_start3A_392] : memref<131072x128xf32, #tpu.memory_space<hbm>> -> memref<256x128xf32, #tpu.memory_space<hbm>>
      tpu.enqueue_dma source(%arg10 : memref<256x128xf32, #tpu.memory_space<vmem>>) target(%dma_start3A_393 : memref<256x128xf32, #tpu.memory_space<hbm>>) target_semaphore(%run_scoped3A : memref<!tpu.dma_semaphore, #tpu.memory_space<semaphore_mem>>)
      %dma_wait3A_394 = arith.constant 0 : i32
      %dma_wait3A_395 = tpu.memref_slice %arg5[%add3A_154, %dma_wait3A_394] : memref<131072x128xf32, #tpu.memory_space<hbm>> -> memref<256x128xf32, #tpu.memory_space<hbm>>
      %dma_wait3A_396 = arith.constant 0 : i32
      %dma_wait3A_397 = tpu.memref_slice %arg5[%add3A_154, %dma_wait3A_396] : memref<131072x128xf32, #tpu.memory_space<hbm>> -> memref<256x128xf32, #tpu.memory_space<hbm>>
      tpu.wait_dma2 semaphore(%run_scoped3A : memref<!tpu.dma_semaphore, #tpu.memory_space<semaphore_mem>>) src(%arg10 : memref<256x128xf32, #tpu.memory_space<vmem>>) dst(%dma_wait3A_397 : memref<256x128xf32, #tpu.memory_space<hbm>>)
      tpu.yield
    }) : () -> ()
    %dma_start3A_155 = arith.constant 1792 : i32
    %dma_start3A_156 = tpu.memref_slice %arg7[%dma_start3A_155] : memref<4096xi32, #tpu.memory_space<vmem>> -> memref<256xi32, #tpu.memory_space<vmem>>
    %dma_start3A_157 = arith.constant 0 : i32
    %dma_start3A_158 = arith.constant 0 : i32
    %dma_start3A_159 = tpu.memref_slice %arg3[%dma_start3A_157, %dma_start3A_158] : memref<4096x128xf32, #tpu.memory_space<hbm>> -> memref<4096x128xf32, #tpu.memory_space<hbm>>
    tpu.enqueue_indirect_dma source(%dma_start3A_159 : memref<4096x128xf32, #tpu.memory_space<hbm>>) target(%arg10 : memref<256x128xf32, #tpu.memory_space<vmem>>) offsets(%dma_start3A_156 : memref<256xi32, #tpu.memory_space<vmem>>) semaphore(%arg12 : memref<!tpu.dma_semaphore, #tpu.memory_space<semaphore_mem>>)
    %dma_wait3A_160 = arith.constant 1536 : i32
    %dma_wait3A_161 = tpu.memref_slice %arg7[%dma_wait3A_160] : memref<4096xi32, #tpu.memory_space<vmem>> -> memref<256xi32, #tpu.memory_space<vmem>>
    %dma_wait3A_162 = arith.constant 0 : i32
    %dma_wait3A_163 = arith.constant 0 : i32
    %dma_wait3A_164 = tpu.memref_slice %arg3[%dma_wait3A_162, %dma_wait3A_163] : memref<4096x128xf32, #tpu.memory_space<hbm>> -> memref<4096x128xf32, #tpu.memory_space<hbm>>
    tpu.wait_indirect_dma semaphore(%arg11 : memref<!tpu.dma_semaphore, #tpu.memory_space<semaphore_mem>>) src(%dma_wait3A_164 : memref<4096x128xf32, #tpu.memory_space<hbm>>) dst(%arg9 : memref<256x128xf32, #tpu.memory_space<vmem>>)
    %dma_start3A_165 = arith.constant 1536 : i32
    %dma_start3A_166 = tpu.memref_slice %arg8[%dma_start3A_165] : memref<4096xi32, #tpu.memory_space<vmem>> -> memref<256xi32, #tpu.memory_space<vmem>>
    %dma_start3A_167 = arith.constant 0 : i32
    %dma_start3A_168 = arith.constant 0 : i32
    %dma_start3A_169 = tpu.memref_slice %arg4[%dma_start3A_167, %dma_start3A_168] : memref<4096x128xf32, #tpu.memory_space<hbm>> -> memref<4096x128xf32, #tpu.memory_space<hbm>>
    tpu.enqueue_indirect_dma source(%dma_start3A_169 : memref<4096x128xf32, #tpu.memory_space<hbm>>) target(%arg9 : memref<256x128xf32, #tpu.memory_space<vmem>>) offsets(%dma_start3A_166 : memref<256xi32, #tpu.memory_space<vmem>>) semaphore(%arg11 : memref<!tpu.dma_semaphore, #tpu.memory_space<semaphore_mem>>) {add = true}
    %dma_wait3A_170 = arith.constant 1536 : i32
    %dma_wait3A_171 = tpu.memref_slice %arg8[%dma_wait3A_170] : memref<4096xi32, #tpu.memory_space<vmem>> -> memref<256xi32, #tpu.memory_space<vmem>>
    %dma_wait3A_172 = arith.constant 0 : i32
    %dma_wait3A_173 = arith.constant 0 : i32
    %dma_wait3A_174 = tpu.memref_slice %arg4[%dma_wait3A_172, %dma_wait3A_173] : memref<4096x128xf32, #tpu.memory_space<hbm>> -> memref<4096x128xf32, #tpu.memory_space<hbm>>
    tpu.wait_indirect_dma semaphore(%arg11 : memref<!tpu.dma_semaphore, #tpu.memory_space<semaphore_mem>>) src(%dma_wait3A_174 : memref<4096x128xf32, #tpu.memory_space<hbm>>) dst(%arg9 : memref<256x128xf32, #tpu.memory_space<vmem>>)
    %mul3A_175 = arith.constant 32 : i32
    %mul3A_176 = arith.muli %mul3A_2, %mul3A_175 : i32
    %add3A_177 = arith.constant 1536 : i32
    %add3A_178 = arith.addi %mul3A_176, %add3A_177 : i32
    "tpu.region"() ({
      %run_scoped3A = tpu.sem_alloc : memref<!tpu.dma_semaphore, #tpu.memory_space<semaphore_mem>>
      %dma_start3A_390 = arith.constant 0 : i32
      %dma_start3A_391 = tpu.memref_slice %arg5[%add3A_178, %dma_start3A_390] : memref<131072x128xf32, #tpu.memory_space<hbm>> -> memref<256x128xf32, #tpu.memory_space<hbm>>
      %dma_start3A_392 = arith.constant 0 : i32
      %dma_start3A_393 = tpu.memref_slice %arg5[%add3A_178, %dma_start3A_392] : memref<131072x128xf32, #tpu.memory_space<hbm>> -> memref<256x128xf32, #tpu.memory_space<hbm>>
      tpu.enqueue_dma source(%arg9 : memref<256x128xf32, #tpu.memory_space<vmem>>) target(%dma_start3A_393 : memref<256x128xf32, #tpu.memory_space<hbm>>) target_semaphore(%run_scoped3A : memref<!tpu.dma_semaphore, #tpu.memory_space<semaphore_mem>>)
      %dma_wait3A_394 = arith.constant 0 : i32
      %dma_wait3A_395 = tpu.memref_slice %arg5[%add3A_178, %dma_wait3A_394] : memref<131072x128xf32, #tpu.memory_space<hbm>> -> memref<256x128xf32, #tpu.memory_space<hbm>>
      %dma_wait3A_396 = arith.constant 0 : i32
      %dma_wait3A_397 = tpu.memref_slice %arg5[%add3A_178, %dma_wait3A_396] : memref<131072x128xf32, #tpu.memory_space<hbm>> -> memref<256x128xf32, #tpu.memory_space<hbm>>
      tpu.wait_dma2 semaphore(%run_scoped3A : memref<!tpu.dma_semaphore, #tpu.memory_space<semaphore_mem>>) src(%arg9 : memref<256x128xf32, #tpu.memory_space<vmem>>) dst(%dma_wait3A_397 : memref<256x128xf32, #tpu.memory_space<hbm>>)
      tpu.yield
    }) : () -> ()
    %dma_start3A_179 = arith.constant 2048 : i32
    %dma_start3A_180 = tpu.memref_slice %arg7[%dma_start3A_179] : memref<4096xi32, #tpu.memory_space<vmem>> -> memref<256xi32, #tpu.memory_space<vmem>>
    %dma_start3A_181 = arith.constant 0 : i32
    %dma_start3A_182 = arith.constant 0 : i32
    %dma_start3A_183 = tpu.memref_slice %arg3[%dma_start3A_181, %dma_start3A_182] : memref<4096x128xf32, #tpu.memory_space<hbm>> -> memref<4096x128xf32, #tpu.memory_space<hbm>>
    tpu.enqueue_indirect_dma source(%dma_start3A_183 : memref<4096x128xf32, #tpu.memory_space<hbm>>) target(%arg9 : memref<256x128xf32, #tpu.memory_space<vmem>>) offsets(%dma_start3A_180 : memref<256xi32, #tpu.memory_space<vmem>>) semaphore(%arg11 : memref<!tpu.dma_semaphore, #tpu.memory_space<semaphore_mem>>)
    %dma_wait3A_184 = arith.constant 1792 : i32
    %dma_wait3A_185 = tpu.memref_slice %arg7[%dma_wait3A_184] : memref<4096xi32, #tpu.memory_space<vmem>> -> memref<256xi32, #tpu.memory_space<vmem>>
    %dma_wait3A_186 = arith.constant 0 : i32
    %dma_wait3A_187 = arith.constant 0 : i32
    %dma_wait3A_188 = tpu.memref_slice %arg3[%dma_wait3A_186, %dma_wait3A_187] : memref<4096x128xf32, #tpu.memory_space<hbm>> -> memref<4096x128xf32, #tpu.memory_space<hbm>>
    tpu.wait_indirect_dma semaphore(%arg12 : memref<!tpu.dma_semaphore, #tpu.memory_space<semaphore_mem>>) src(%dma_wait3A_188 : memref<4096x128xf32, #tpu.memory_space<hbm>>) dst(%arg10 : memref<256x128xf32, #tpu.memory_space<vmem>>)
    %dma_start3A_189 = arith.constant 1792 : i32
    %dma_start3A_190 = tpu.memref_slice %arg8[%dma_start3A_189] : memref<4096xi32, #tpu.memory_space<vmem>> -> memref<256xi32, #tpu.memory_space<vmem>>
    %dma_start3A_191 = arith.constant 0 : i32
    %dma_start3A_192 = arith.constant 0 : i32
    %dma_start3A_193 = tpu.memref_slice %arg4[%dma_start3A_191, %dma_start3A_192] : memref<4096x128xf32, #tpu.memory_space<hbm>> -> memref<4096x128xf32, #tpu.memory_space<hbm>>
    tpu.enqueue_indirect_dma source(%dma_start3A_193 : memref<4096x128xf32, #tpu.memory_space<hbm>>) target(%arg10 : memref<256x128xf32, #tpu.memory_space<vmem>>) offsets(%dma_start3A_190 : memref<256xi32, #tpu.memory_space<vmem>>) semaphore(%arg12 : memref<!tpu.dma_semaphore, #tpu.memory_space<semaphore_mem>>) {add = true}
    %dma_wait3A_194 = arith.constant 1792 : i32
    %dma_wait3A_195 = tpu.memref_slice %arg8[%dma_wait3A_194] : memref<4096xi32, #tpu.memory_space<vmem>> -> memref<256xi32, #tpu.memory_space<vmem>>
    %dma_wait3A_196 = arith.constant 0 : i32
    %dma_wait3A_197 = arith.constant 0 : i32
    %dma_wait3A_198 = tpu.memref_slice %arg4[%dma_wait3A_196, %dma_wait3A_197] : memref<4096x128xf32, #tpu.memory_space<hbm>> -> memref<4096x128xf32, #tpu.memory_space<hbm>>
    tpu.wait_indirect_dma semaphore(%arg12 : memref<!tpu.dma_semaphore, #tpu.memory_space<semaphore_mem>>) src(%dma_wait3A_198 : memref<4096x128xf32, #tpu.memory_space<hbm>>) dst(%arg10 : memref<256x128xf32, #tpu.memory_space<vmem>>)
    %mul3A_199 = arith.constant 32 : i32
    %mul3A_200 = arith.muli %mul3A_2, %mul3A_199 : i32
    %add3A_201 = arith.constant 1792 : i32
    %add3A_202 = arith.addi %mul3A_200, %add3A_201 : i32
    "tpu.region"() ({
      %run_scoped3A = tpu.sem_alloc : memref<!tpu.dma_semaphore, #tpu.memory_space<semaphore_mem>>
      %dma_start3A_390 = arith.constant 0 : i32
      %dma_start3A_391 = tpu.memref_slice %arg5[%add3A_202, %dma_start3A_390] : memref<131072x128xf32, #tpu.memory_space<hbm>> -> memref<256x128xf32, #tpu.memory_space<hbm>>
      %dma_start3A_392 = arith.constant 0 : i32
      %dma_start3A_393 = tpu.memref_slice %arg5[%add3A_202, %dma_start3A_392] : memref<131072x128xf32, #tpu.memory_space<hbm>> -> memref<256x128xf32, #tpu.memory_space<hbm>>
      tpu.enqueue_dma source(%arg10 : memref<256x128xf32, #tpu.memory_space<vmem>>) target(%dma_start3A_393 : memref<256x128xf32, #tpu.memory_space<hbm>>) target_semaphore(%run_scoped3A : memref<!tpu.dma_semaphore, #tpu.memory_space<semaphore_mem>>)
      %dma_wait3A_394 = arith.constant 0 : i32
      %dma_wait3A_395 = tpu.memref_slice %arg5[%add3A_202, %dma_wait3A_394] : memref<131072x128xf32, #tpu.memory_space<hbm>> -> memref<256x128xf32, #tpu.memory_space<hbm>>
      %dma_wait3A_396 = arith.constant 0 : i32
      %dma_wait3A_397 = tpu.memref_slice %arg5[%add3A_202, %dma_wait3A_396] : memref<131072x128xf32, #tpu.memory_space<hbm>> -> memref<256x128xf32, #tpu.memory_space<hbm>>
      tpu.wait_dma2 semaphore(%run_scoped3A : memref<!tpu.dma_semaphore, #tpu.memory_space<semaphore_mem>>) src(%arg10 : memref<256x128xf32, #tpu.memory_space<vmem>>) dst(%dma_wait3A_397 : memref<256x128xf32, #tpu.memory_space<hbm>>)
      tpu.yield
    }) : () -> ()
    %dma_start3A_203 = arith.constant 2304 : i32
    %dma_start3A_204 = tpu.memref_slice %arg7[%dma_start3A_203] : memref<4096xi32, #tpu.memory_space<vmem>> -> memref<256xi32, #tpu.memory_space<vmem>>
    %dma_start3A_205 = arith.constant 0 : i32
    %dma_start3A_206 = arith.constant 0 : i32
    %dma_start3A_207 = tpu.memref_slice %arg3[%dma_start3A_205, %dma_start3A_206] : memref<4096x128xf32, #tpu.memory_space<hbm>> -> memref<4096x128xf32, #tpu.memory_space<hbm>>
    tpu.enqueue_indirect_dma source(%dma_start3A_207 : memref<4096x128xf32, #tpu.memory_space<hbm>>) target(%arg10 : memref<256x128xf32, #tpu.memory_space<vmem>>) offsets(%dma_start3A_204 : memref<256xi32, #tpu.memory_space<vmem>>) semaphore(%arg12 : memref<!tpu.dma_semaphore, #tpu.memory_space<semaphore_mem>>)
    %dma_wait3A_208 = arith.constant 2048 : i32
    %dma_wait3A_209 = tpu.memref_slice %arg7[%dma_wait3A_208] : memref<4096xi32, #tpu.memory_space<vmem>> -> memref<256xi32, #tpu.memory_space<vmem>>
    %dma_wait3A_210 = arith.constant 0 : i32
    %dma_wait3A_211 = arith.constant 0 : i32
    %dma_wait3A_212 = tpu.memref_slice %arg3[%dma_wait3A_210, %dma_wait3A_211] : memref<4096x128xf32, #tpu.memory_space<hbm>> -> memref<4096x128xf32, #tpu.memory_space<hbm>>
    tpu.wait_indirect_dma semaphore(%arg11 : memref<!tpu.dma_semaphore, #tpu.memory_space<semaphore_mem>>) src(%dma_wait3A_212 : memref<4096x128xf32, #tpu.memory_space<hbm>>) dst(%arg9 : memref<256x128xf32, #tpu.memory_space<vmem>>)
    %dma_start3A_213 = arith.constant 2048 : i32
    %dma_start3A_214 = tpu.memref_slice %arg8[%dma_start3A_213] : memref<4096xi32, #tpu.memory_space<vmem>> -> memref<256xi32, #tpu.memory_space<vmem>>
    %dma_start3A_215 = arith.constant 0 : i32
    %dma_start3A_216 = arith.constant 0 : i32
    %dma_start3A_217 = tpu.memref_slice %arg4[%dma_start3A_215, %dma_start3A_216] : memref<4096x128xf32, #tpu.memory_space<hbm>> -> memref<4096x128xf32, #tpu.memory_space<hbm>>
    tpu.enqueue_indirect_dma source(%dma_start3A_217 : memref<4096x128xf32, #tpu.memory_space<hbm>>) target(%arg9 : memref<256x128xf32, #tpu.memory_space<vmem>>) offsets(%dma_start3A_214 : memref<256xi32, #tpu.memory_space<vmem>>) semaphore(%arg11 : memref<!tpu.dma_semaphore, #tpu.memory_space<semaphore_mem>>) {add = true}
    %dma_wait3A_218 = arith.constant 2048 : i32
    %dma_wait3A_219 = tpu.memref_slice %arg8[%dma_wait3A_218] : memref<4096xi32, #tpu.memory_space<vmem>> -> memref<256xi32, #tpu.memory_space<vmem>>
    %dma_wait3A_220 = arith.constant 0 : i32
    %dma_wait3A_221 = arith.constant 0 : i32
    %dma_wait3A_222 = tpu.memref_slice %arg4[%dma_wait3A_220, %dma_wait3A_221] : memref<4096x128xf32, #tpu.memory_space<hbm>> -> memref<4096x128xf32, #tpu.memory_space<hbm>>
    tpu.wait_indirect_dma semaphore(%arg11 : memref<!tpu.dma_semaphore, #tpu.memory_space<semaphore_mem>>) src(%dma_wait3A_222 : memref<4096x128xf32, #tpu.memory_space<hbm>>) dst(%arg9 : memref<256x128xf32, #tpu.memory_space<vmem>>)
    %mul3A_223 = arith.constant 32 : i32
    %mul3A_224 = arith.muli %mul3A_2, %mul3A_223 : i32
    %add3A_225 = arith.constant 2048 : i32
    %add3A_226 = arith.addi %mul3A_224, %add3A_225 : i32
    "tpu.region"() ({
      %run_scoped3A = tpu.sem_alloc : memref<!tpu.dma_semaphore, #tpu.memory_space<semaphore_mem>>
      %dma_start3A_390 = arith.constant 0 : i32
      %dma_start3A_391 = tpu.memref_slice %arg5[%add3A_226, %dma_start3A_390] : memref<131072x128xf32, #tpu.memory_space<hbm>> -> memref<256x128xf32, #tpu.memory_space<hbm>>
      %dma_start3A_392 = arith.constant 0 : i32
      %dma_start3A_393 = tpu.memref_slice %arg5[%add3A_226, %dma_start3A_392] : memref<131072x128xf32, #tpu.memory_space<hbm>> -> memref<256x128xf32, #tpu.memory_space<hbm>>
      tpu.enqueue_dma source(%arg9 : memref<256x128xf32, #tpu.memory_space<vmem>>) target(%dma_start3A_393 : memref<256x128xf32, #tpu.memory_space<hbm>>) target_semaphore(%run_scoped3A : memref<!tpu.dma_semaphore, #tpu.memory_space<semaphore_mem>>)
      %dma_wait3A_394 = arith.constant 0 : i32
      %dma_wait3A_395 = tpu.memref_slice %arg5[%add3A_226, %dma_wait3A_394] : memref<131072x128xf32, #tpu.memory_space<hbm>> -> memref<256x128xf32, #tpu.memory_space<hbm>>
      %dma_wait3A_396 = arith.constant 0 : i32
      %dma_wait3A_397 = tpu.memref_slice %arg5[%add3A_226, %dma_wait3A_396] : memref<131072x128xf32, #tpu.memory_space<hbm>> -> memref<256x128xf32, #tpu.memory_space<hbm>>
      tpu.wait_dma2 semaphore(%run_scoped3A : memref<!tpu.dma_semaphore, #tpu.memory_space<semaphore_mem>>) src(%arg9 : memref<256x128xf32, #tpu.memory_space<vmem>>) dst(%dma_wait3A_397 : memref<256x128xf32, #tpu.memory_space<hbm>>)
      tpu.yield
    }) : () -> ()
    %dma_start3A_227 = arith.constant 2560 : i32
    %dma_start3A_228 = tpu.memref_slice %arg7[%dma_start3A_227] : memref<4096xi32, #tpu.memory_space<vmem>> -> memref<256xi32, #tpu.memory_space<vmem>>
    %dma_start3A_229 = arith.constant 0 : i32
    %dma_start3A_230 = arith.constant 0 : i32
    %dma_start3A_231 = tpu.memref_slice %arg3[%dma_start3A_229, %dma_start3A_230] : memref<4096x128xf32, #tpu.memory_space<hbm>> -> memref<4096x128xf32, #tpu.memory_space<hbm>>
    tpu.enqueue_indirect_dma source(%dma_start3A_231 : memref<4096x128xf32, #tpu.memory_space<hbm>>) target(%arg9 : memref<256x128xf32, #tpu.memory_space<vmem>>) offsets(%dma_start3A_228 : memref<256xi32, #tpu.memory_space<vmem>>) semaphore(%arg11 : memref<!tpu.dma_semaphore, #tpu.memory_space<semaphore_mem>>)
    %dma_wait3A_232 = arith.constant 2304 : i32
    %dma_wait3A_233 = tpu.memref_slice %arg7[%dma_wait3A_232] : memref<4096xi32, #tpu.memory_space<vmem>> -> memref<256xi32, #tpu.memory_space<vmem>>
    %dma_wait3A_234 = arith.constant 0 : i32
    %dma_wait3A_235 = arith.constant 0 : i32
    %dma_wait3A_236 = tpu.memref_slice %arg3[%dma_wait3A_234, %dma_wait3A_235] : memref<4096x128xf32, #tpu.memory_space<hbm>> -> memref<4096x128xf32, #tpu.memory_space<hbm>>
    tpu.wait_indirect_dma semaphore(%arg12 : memref<!tpu.dma_semaphore, #tpu.memory_space<semaphore_mem>>) src(%dma_wait3A_236 : memref<4096x128xf32, #tpu.memory_space<hbm>>) dst(%arg10 : memref<256x128xf32, #tpu.memory_space<vmem>>)
    %dma_start3A_237 = arith.constant 2304 : i32
    %dma_start3A_238 = tpu.memref_slice %arg8[%dma_start3A_237] : memref<4096xi32, #tpu.memory_space<vmem>> -> memref<256xi32, #tpu.memory_space<vmem>>
    %dma_start3A_239 = arith.constant 0 : i32
    %dma_start3A_240 = arith.constant 0 : i32
    %dma_start3A_241 = tpu.memref_slice %arg4[%dma_start3A_239, %dma_start3A_240] : memref<4096x128xf32, #tpu.memory_space<hbm>> -> memref<4096x128xf32, #tpu.memory_space<hbm>>
    tpu.enqueue_indirect_dma source(%dma_start3A_241 : memref<4096x128xf32, #tpu.memory_space<hbm>>) target(%arg10 : memref<256x128xf32, #tpu.memory_space<vmem>>) offsets(%dma_start3A_238 : memref<256xi32, #tpu.memory_space<vmem>>) semaphore(%arg12 : memref<!tpu.dma_semaphore, #tpu.memory_space<semaphore_mem>>) {add = true}
    %dma_wait3A_242 = arith.constant 2304 : i32
    %dma_wait3A_243 = tpu.memref_slice %arg8[%dma_wait3A_242] : memref<4096xi32, #tpu.memory_space<vmem>> -> memref<256xi32, #tpu.memory_space<vmem>>
    %dma_wait3A_244 = arith.constant 0 : i32
    %dma_wait3A_245 = arith.constant 0 : i32
    %dma_wait3A_246 = tpu.memref_slice %arg4[%dma_wait3A_244, %dma_wait3A_245] : memref<4096x128xf32, #tpu.memory_space<hbm>> -> memref<4096x128xf32, #tpu.memory_space<hbm>>
    tpu.wait_indirect_dma semaphore(%arg12 : memref<!tpu.dma_semaphore, #tpu.memory_space<semaphore_mem>>) src(%dma_wait3A_246 : memref<4096x128xf32, #tpu.memory_space<hbm>>) dst(%arg10 : memref<256x128xf32, #tpu.memory_space<vmem>>)
    %mul3A_247 = arith.constant 32 : i32
    %mul3A_248 = arith.muli %mul3A_2, %mul3A_247 : i32
    %add3A_249 = arith.constant 2304 : i32
    %add3A_250 = arith.addi %mul3A_248, %add3A_249 : i32
    "tpu.region"() ({
      %run_scoped3A = tpu.sem_alloc : memref<!tpu.dma_semaphore, #tpu.memory_space<semaphore_mem>>
      %dma_start3A_390 = arith.constant 0 : i32
      %dma_start3A_391 = tpu.memref_slice %arg5[%add3A_250, %dma_start3A_390] : memref<131072x128xf32, #tpu.memory_space<hbm>> -> memref<256x128xf32, #tpu.memory_space<hbm>>
      %dma_start3A_392 = arith.constant 0 : i32
      %dma_start3A_393 = tpu.memref_slice %arg5[%add3A_250, %dma_start3A_392] : memref<131072x128xf32, #tpu.memory_space<hbm>> -> memref<256x128xf32, #tpu.memory_space<hbm>>
      tpu.enqueue_dma source(%arg10 : memref<256x128xf32, #tpu.memory_space<vmem>>) target(%dma_start3A_393 : memref<256x128xf32, #tpu.memory_space<hbm>>) target_semaphore(%run_scoped3A : memref<!tpu.dma_semaphore, #tpu.memory_space<semaphore_mem>>)
      %dma_wait3A_394 = arith.constant 0 : i32
      %dma_wait3A_395 = tpu.memref_slice %arg5[%add3A_250, %dma_wait3A_394] : memref<131072x128xf32, #tpu.memory_space<hbm>> -> memref<256x128xf32, #tpu.memory_space<hbm>>
      %dma_wait3A_396 = arith.constant 0 : i32
      %dma_wait3A_397 = tpu.memref_slice %arg5[%add3A_250, %dma_wait3A_396] : memref<131072x128xf32, #tpu.memory_space<hbm>> -> memref<256x128xf32, #tpu.memory_space<hbm>>
      tpu.wait_dma2 semaphore(%run_scoped3A : memref<!tpu.dma_semaphore, #tpu.memory_space<semaphore_mem>>) src(%arg10 : memref<256x128xf32, #tpu.memory_space<vmem>>) dst(%dma_wait3A_397 : memref<256x128xf32, #tpu.memory_space<hbm>>)
      tpu.yield
    }) : () -> ()
    %dma_start3A_251 = arith.constant 2816 : i32
    %dma_start3A_252 = tpu.memref_slice %arg7[%dma_start3A_251] : memref<4096xi32, #tpu.memory_space<vmem>> -> memref<256xi32, #tpu.memory_space<vmem>>
    %dma_start3A_253 = arith.constant 0 : i32
    %dma_start3A_254 = arith.constant 0 : i32
    %dma_start3A_255 = tpu.memref_slice %arg3[%dma_start3A_253, %dma_start3A_254] : memref<4096x128xf32, #tpu.memory_space<hbm>> -> memref<4096x128xf32, #tpu.memory_space<hbm>>
    tpu.enqueue_indirect_dma source(%dma_start3A_255 : memref<4096x128xf32, #tpu.memory_space<hbm>>) target(%arg10 : memref<256x128xf32, #tpu.memory_space<vmem>>) offsets(%dma_start3A_252 : memref<256xi32, #tpu.memory_space<vmem>>) semaphore(%arg12 : memref<!tpu.dma_semaphore, #tpu.memory_space<semaphore_mem>>)
    %dma_wait3A_256 = arith.constant 2560 : i32
    %dma_wait3A_257 = tpu.memref_slice %arg7[%dma_wait3A_256] : memref<4096xi32, #tpu.memory_space<vmem>> -> memref<256xi32, #tpu.memory_space<vmem>>
    %dma_wait3A_258 = arith.constant 0 : i32
    %dma_wait3A_259 = arith.constant 0 : i32
    %dma_wait3A_260 = tpu.memref_slice %arg3[%dma_wait3A_258, %dma_wait3A_259] : memref<4096x128xf32, #tpu.memory_space<hbm>> -> memref<4096x128xf32, #tpu.memory_space<hbm>>
    tpu.wait_indirect_dma semaphore(%arg11 : memref<!tpu.dma_semaphore, #tpu.memory_space<semaphore_mem>>) src(%dma_wait3A_260 : memref<4096x128xf32, #tpu.memory_space<hbm>>) dst(%arg9 : memref<256x128xf32, #tpu.memory_space<vmem>>)
    %dma_start3A_261 = arith.constant 2560 : i32
    %dma_start3A_262 = tpu.memref_slice %arg8[%dma_start3A_261] : memref<4096xi32, #tpu.memory_space<vmem>> -> memref<256xi32, #tpu.memory_space<vmem>>
    %dma_start3A_263 = arith.constant 0 : i32
    %dma_start3A_264 = arith.constant 0 : i32
    %dma_start3A_265 = tpu.memref_slice %arg4[%dma_start3A_263, %dma_start3A_264] : memref<4096x128xf32, #tpu.memory_space<hbm>> -> memref<4096x128xf32, #tpu.memory_space<hbm>>
    tpu.enqueue_indirect_dma source(%dma_start3A_265 : memref<4096x128xf32, #tpu.memory_space<hbm>>) target(%arg9 : memref<256x128xf32, #tpu.memory_space<vmem>>) offsets(%dma_start3A_262 : memref<256xi32, #tpu.memory_space<vmem>>) semaphore(%arg11 : memref<!tpu.dma_semaphore, #tpu.memory_space<semaphore_mem>>) {add = true}
    %dma_wait3A_266 = arith.constant 2560 : i32
    %dma_wait3A_267 = tpu.memref_slice %arg8[%dma_wait3A_266] : memref<4096xi32, #tpu.memory_space<vmem>> -> memref<256xi32, #tpu.memory_space<vmem>>
    %dma_wait3A_268 = arith.constant 0 : i32
    %dma_wait3A_269 = arith.constant 0 : i32
    %dma_wait3A_270 = tpu.memref_slice %arg4[%dma_wait3A_268, %dma_wait3A_269] : memref<4096x128xf32, #tpu.memory_space<hbm>> -> memref<4096x128xf32, #tpu.memory_space<hbm>>
    tpu.wait_indirect_dma semaphore(%arg11 : memref<!tpu.dma_semaphore, #tpu.memory_space<semaphore_mem>>) src(%dma_wait3A_270 : memref<4096x128xf32, #tpu.memory_space<hbm>>) dst(%arg9 : memref<256x128xf32, #tpu.memory_space<vmem>>)
    %mul3A_271 = arith.constant 32 : i32
    %mul3A_272 = arith.muli %mul3A_2, %mul3A_271 : i32
    %add3A_273 = arith.constant 2560 : i32
    %add3A_274 = arith.addi %mul3A_272, %add3A_273 : i32
    "tpu.region"() ({
      %run_scoped3A = tpu.sem_alloc : memref<!tpu.dma_semaphore, #tpu.memory_space<semaphore_mem>>
      %dma_start3A_390 = arith.constant 0 : i32
      %dma_start3A_391 = tpu.memref_slice %arg5[%add3A_274, %dma_start3A_390] : memref<131072x128xf32, #tpu.memory_space<hbm>> -> memref<256x128xf32, #tpu.memory_space<hbm>>
      %dma_start3A_392 = arith.constant 0 : i32
      %dma_start3A_393 = tpu.memref_slice %arg5[%add3A_274, %dma_start3A_392] : memref<131072x128xf32, #tpu.memory_space<hbm>> -> memref<256x128xf32, #tpu.memory_space<hbm>>
      tpu.enqueue_dma source(%arg9 : memref<256x128xf32, #tpu.memory_space<vmem>>) target(%dma_start3A_393 : memref<256x128xf32, #tpu.memory_space<hbm>>) target_semaphore(%run_scoped3A : memref<!tpu.dma_semaphore, #tpu.memory_space<semaphore_mem>>)
      %dma_wait3A_394 = arith.constant 0 : i32
      %dma_wait3A_395 = tpu.memref_slice %arg5[%add3A_274, %dma_wait3A_394] : memref<131072x128xf32, #tpu.memory_space<hbm>> -> memref<256x128xf32, #tpu.memory_space<hbm>>
      %dma_wait3A_396 = arith.constant 0 : i32
      %dma_wait3A_397 = tpu.memref_slice %arg5[%add3A_274, %dma_wait3A_396] : memref<131072x128xf32, #tpu.memory_space<hbm>> -> memref<256x128xf32, #tpu.memory_space<hbm>>
      tpu.wait_dma2 semaphore(%run_scoped3A : memref<!tpu.dma_semaphore, #tpu.memory_space<semaphore_mem>>) src(%arg9 : memref<256x128xf32, #tpu.memory_space<vmem>>) dst(%dma_wait3A_397 : memref<256x128xf32, #tpu.memory_space<hbm>>)
      tpu.yield
    }) : () -> ()
    %dma_start3A_275 = arith.constant 3072 : i32
    %dma_start3A_276 = tpu.memref_slice %arg7[%dma_start3A_275] : memref<4096xi32, #tpu.memory_space<vmem>> -> memref<256xi32, #tpu.memory_space<vmem>>
    %dma_start3A_277 = arith.constant 0 : i32
    %dma_start3A_278 = arith.constant 0 : i32
    %dma_start3A_279 = tpu.memref_slice %arg3[%dma_start3A_277, %dma_start3A_278] : memref<4096x128xf32, #tpu.memory_space<hbm>> -> memref<4096x128xf32, #tpu.memory_space<hbm>>
    tpu.enqueue_indirect_dma source(%dma_start3A_279 : memref<4096x128xf32, #tpu.memory_space<hbm>>) target(%arg9 : memref<256x128xf32, #tpu.memory_space<vmem>>) offsets(%dma_start3A_276 : memref<256xi32, #tpu.memory_space<vmem>>) semaphore(%arg11 : memref<!tpu.dma_semaphore, #tpu.memory_space<semaphore_mem>>)
    %dma_wait3A_280 = arith.constant 2816 : i32
    %dma_wait3A_281 = tpu.memref_slice %arg7[%dma_wait3A_280] : memref<4096xi32, #tpu.memory_space<vmem>> -> memref<256xi32, #tpu.memory_space<vmem>>
    %dma_wait3A_282 = arith.constant 0 : i32
    %dma_wait3A_283 = arith.constant 0 : i32
    %dma_wait3A_284 = tpu.memref_slice %arg3[%dma_wait3A_282, %dma_wait3A_283] : memref<4096x128xf32, #tpu.memory_space<hbm>> -> memref<4096x128xf32, #tpu.memory_space<hbm>>
    tpu.wait_indirect_dma semaphore(%arg12 : memref<!tpu.dma_semaphore, #tpu.memory_space<semaphore_mem>>) src(%dma_wait3A_284 : memref<4096x128xf32, #tpu.memory_space<hbm>>) dst(%arg10 : memref<256x128xf32, #tpu.memory_space<vmem>>)
    %dma_start3A_285 = arith.constant 2816 : i32
    %dma_start3A_286 = tpu.memref_slice %arg8[%dma_start3A_285] : memref<4096xi32, #tpu.memory_space<vmem>> -> memref<256xi32, #tpu.memory_space<vmem>>
    %dma_start3A_287 = arith.constant 0 : i32
    %dma_start3A_288 = arith.constant 0 : i32
    %dma_start3A_289 = tpu.memref_slice %arg4[%dma_start3A_287, %dma_start3A_288] : memref<4096x128xf32, #tpu.memory_space<hbm>> -> memref<4096x128xf32, #tpu.memory_space<hbm>>
    tpu.enqueue_indirect_dma source(%dma_start3A_289 : memref<4096x128xf32, #tpu.memory_space<hbm>>) target(%arg10 : memref<256x128xf32, #tpu.memory_space<vmem>>) offsets(%dma_start3A_286 : memref<256xi32, #tpu.memory_space<vmem>>) semaphore(%arg12 : memref<!tpu.dma_semaphore, #tpu.memory_space<semaphore_mem>>) {add = true}
    %dma_wait3A_290 = arith.constant 2816 : i32
    %dma_wait3A_291 = tpu.memref_slice %arg8[%dma_wait3A_290] : memref<4096xi32, #tpu.memory_space<vmem>> -> memref<256xi32, #tpu.memory_space<vmem>>
    %dma_wait3A_292 = arith.constant 0 : i32
    %dma_wait3A_293 = arith.constant 0 : i32
    %dma_wait3A_294 = tpu.memref_slice %arg4[%dma_wait3A_292, %dma_wait3A_293] : memref<4096x128xf32, #tpu.memory_space<hbm>> -> memref<4096x128xf32, #tpu.memory_space<hbm>>
    tpu.wait_indirect_dma semaphore(%arg12 : memref<!tpu.dma_semaphore, #tpu.memory_space<semaphore_mem>>) src(%dma_wait3A_294 : memref<4096x128xf32, #tpu.memory_space<hbm>>) dst(%arg10 : memref<256x128xf32, #tpu.memory_space<vmem>>)
    %mul3A_295 = arith.constant 32 : i32
    %mul3A_296 = arith.muli %mul3A_2, %mul3A_295 : i32
    %add3A_297 = arith.constant 2816 : i32
    %add3A_298 = arith.addi %mul3A_296, %add3A_297 : i32
    "tpu.region"() ({
      %run_scoped3A = tpu.sem_alloc : memref<!tpu.dma_semaphore, #tpu.memory_space<semaphore_mem>>
      %dma_start3A_390 = arith.constant 0 : i32
      %dma_start3A_391 = tpu.memref_slice %arg5[%add3A_298, %dma_start3A_390] : memref<131072x128xf32, #tpu.memory_space<hbm>> -> memref<256x128xf32, #tpu.memory_space<hbm>>
      %dma_start3A_392 = arith.constant 0 : i32
      %dma_start3A_393 = tpu.memref_slice %arg5[%add3A_298, %dma_start3A_392] : memref<131072x128xf32, #tpu.memory_space<hbm>> -> memref<256x128xf32, #tpu.memory_space<hbm>>
      tpu.enqueue_dma source(%arg10 : memref<256x128xf32, #tpu.memory_space<vmem>>) target(%dma_start3A_393 : memref<256x128xf32, #tpu.memory_space<hbm>>) target_semaphore(%run_scoped3A : memref<!tpu.dma_semaphore, #tpu.memory_space<semaphore_mem>>)
      %dma_wait3A_394 = arith.constant 0 : i32
      %dma_wait3A_395 = tpu.memref_slice %arg5[%add3A_298, %dma_wait3A_394] : memref<131072x128xf32, #tpu.memory_space<hbm>> -> memref<256x128xf32, #tpu.memory_space<hbm>>
      %dma_wait3A_396 = arith.constant 0 : i32
      %dma_wait3A_397 = tpu.memref_slice %arg5[%add3A_298, %dma_wait3A_396] : memref<131072x128xf32, #tpu.memory_space<hbm>> -> memref<256x128xf32, #tpu.memory_space<hbm>>
      tpu.wait_dma2 semaphore(%run_scoped3A : memref<!tpu.dma_semaphore, #tpu.memory_space<semaphore_mem>>) src(%arg10 : memref<256x128xf32, #tpu.memory_space<vmem>>) dst(%dma_wait3A_397 : memref<256x128xf32, #tpu.memory_space<hbm>>)
      tpu.yield
    }) : () -> ()
    %dma_start3A_299 = arith.constant 3328 : i32
    %dma_start3A_300 = tpu.memref_slice %arg7[%dma_start3A_299] : memref<4096xi32, #tpu.memory_space<vmem>> -> memref<256xi32, #tpu.memory_space<vmem>>
    %dma_start3A_301 = arith.constant 0 : i32
    %dma_start3A_302 = arith.constant 0 : i32
    %dma_start3A_303 = tpu.memref_slice %arg3[%dma_start3A_301, %dma_start3A_302] : memref<4096x128xf32, #tpu.memory_space<hbm>> -> memref<4096x128xf32, #tpu.memory_space<hbm>>
    tpu.enqueue_indirect_dma source(%dma_start3A_303 : memref<4096x128xf32, #tpu.memory_space<hbm>>) target(%arg10 : memref<256x128xf32, #tpu.memory_space<vmem>>) offsets(%dma_start3A_300 : memref<256xi32, #tpu.memory_space<vmem>>) semaphore(%arg12 : memref<!tpu.dma_semaphore, #tpu.memory_space<semaphore_mem>>)
    %dma_wait3A_304 = arith.constant 3072 : i32
    %dma_wait3A_305 = tpu.memref_slice %arg7[%dma_wait3A_304] : memref<4096xi32, #tpu.memory_space<vmem>> -> memref<256xi32, #tpu.memory_space<vmem>>
    %dma_wait3A_306 = arith.constant 0 : i32
    %dma_wait3A_307 = arith.constant 0 : i32
    %dma_wait3A_308 = tpu.memref_slice %arg3[%dma_wait3A_306, %dma_wait3A_307] : memref<4096x128xf32, #tpu.memory_space<hbm>> -> memref<4096x128xf32, #tpu.memory_space<hbm>>
    tpu.wait_indirect_dma semaphore(%arg11 : memref<!tpu.dma_semaphore, #tpu.memory_space<semaphore_mem>>) src(%dma_wait3A_308 : memref<4096x128xf32, #tpu.memory_space<hbm>>) dst(%arg9 : memref<256x128xf32, #tpu.memory_space<vmem>>)
    %dma_start3A_309 = arith.constant 3072 : i32
    %dma_start3A_310 = tpu.memref_slice %arg8[%dma_start3A_309] : memref<4096xi32, #tpu.memory_space<vmem>> -> memref<256xi32, #tpu.memory_space<vmem>>
    %dma_start3A_311 = arith.constant 0 : i32
    %dma_start3A_312 = arith.constant 0 : i32
    %dma_start3A_313 = tpu.memref_slice %arg4[%dma_start3A_311, %dma_start3A_312] : memref<4096x128xf32, #tpu.memory_space<hbm>> -> memref<4096x128xf32, #tpu.memory_space<hbm>>
    tpu.enqueue_indirect_dma source(%dma_start3A_313 : memref<4096x128xf32, #tpu.memory_space<hbm>>) target(%arg9 : memref<256x128xf32, #tpu.memory_space<vmem>>) offsets(%dma_start3A_310 : memref<256xi32, #tpu.memory_space<vmem>>) semaphore(%arg11 : memref<!tpu.dma_semaphore, #tpu.memory_space<semaphore_mem>>) {add = true}
    %dma_wait3A_314 = arith.constant 3072 : i32
    %dma_wait3A_315 = tpu.memref_slice %arg8[%dma_wait3A_314] : memref<4096xi32, #tpu.memory_space<vmem>> -> memref<256xi32, #tpu.memory_space<vmem>>
    %dma_wait3A_316 = arith.constant 0 : i32
    %dma_wait3A_317 = arith.constant 0 : i32
    %dma_wait3A_318 = tpu.memref_slice %arg4[%dma_wait3A_316, %dma_wait3A_317] : memref<4096x128xf32, #tpu.memory_space<hbm>> -> memref<4096x128xf32, #tpu.memory_space<hbm>>
    tpu.wait_indirect_dma semaphore(%arg11 : memref<!tpu.dma_semaphore, #tpu.memory_space<semaphore_mem>>) src(%dma_wait3A_318 : memref<4096x128xf32, #tpu.memory_space<hbm>>) dst(%arg9 : memref<256x128xf32, #tpu.memory_space<vmem>>)
    %mul3A_319 = arith.constant 32 : i32
    %mul3A_320 = arith.muli %mul3A_2, %mul3A_319 : i32
    %add3A_321 = arith.constant 3072 : i32
    %add3A_322 = arith.addi %mul3A_320, %add3A_321 : i32
    "tpu.region"() ({
      %run_scoped3A = tpu.sem_alloc : memref<!tpu.dma_semaphore, #tpu.memory_space<semaphore_mem>>
      %dma_start3A_390 = arith.constant 0 : i32
      %dma_start3A_391 = tpu.memref_slice %arg5[%add3A_322, %dma_start3A_390] : memref<131072x128xf32, #tpu.memory_space<hbm>> -> memref<256x128xf32, #tpu.memory_space<hbm>>
      %dma_start3A_392 = arith.constant 0 : i32
      %dma_start3A_393 = tpu.memref_slice %arg5[%add3A_322, %dma_start3A_392] : memref<131072x128xf32, #tpu.memory_space<hbm>> -> memref<256x128xf32, #tpu.memory_space<hbm>>
      tpu.enqueue_dma source(%arg9 : memref<256x128xf32, #tpu.memory_space<vmem>>) target(%dma_start3A_393 : memref<256x128xf32, #tpu.memory_space<hbm>>) target_semaphore(%run_scoped3A : memref<!tpu.dma_semaphore, #tpu.memory_space<semaphore_mem>>)
      %dma_wait3A_394 = arith.constant 0 : i32
      %dma_wait3A_395 = tpu.memref_slice %arg5[%add3A_322, %dma_wait3A_394] : memref<131072x128xf32, #tpu.memory_space<hbm>> -> memref<256x128xf32, #tpu.memory_space<hbm>>
      %dma_wait3A_396 = arith.constant 0 : i32
      %dma_wait3A_397 = tpu.memref_slice %arg5[%add3A_322, %dma_wait3A_396] : memref<131072x128xf32, #tpu.memory_space<hbm>> -> memref<256x128xf32, #tpu.memory_space<hbm>>
      tpu.wait_dma2 semaphore(%run_scoped3A : memref<!tpu.dma_semaphore, #tpu.memory_space<semaphore_mem>>) src(%arg9 : memref<256x128xf32, #tpu.memory_space<vmem>>) dst(%dma_wait3A_397 : memref<256x128xf32, #tpu.memory_space<hbm>>)
      tpu.yield
    }) : () -> ()
    %dma_start3A_323 = arith.constant 3584 : i32
    %dma_start3A_324 = tpu.memref_slice %arg7[%dma_start3A_323] : memref<4096xi32, #tpu.memory_space<vmem>> -> memref<256xi32, #tpu.memory_space<vmem>>
    %dma_start3A_325 = arith.constant 0 : i32
    %dma_start3A_326 = arith.constant 0 : i32
    %dma_start3A_327 = tpu.memref_slice %arg3[%dma_start3A_325, %dma_start3A_326] : memref<4096x128xf32, #tpu.memory_space<hbm>> -> memref<4096x128xf32, #tpu.memory_space<hbm>>
    tpu.enqueue_indirect_dma source(%dma_start3A_327 : memref<4096x128xf32, #tpu.memory_space<hbm>>) target(%arg9 : memref<256x128xf32, #tpu.memory_space<vmem>>) offsets(%dma_start3A_324 : memref<256xi32, #tpu.memory_space<vmem>>) semaphore(%arg11 : memref<!tpu.dma_semaphore, #tpu.memory_space<semaphore_mem>>)
    %dma_wait3A_328 = arith.constant 3328 : i32
    %dma_wait3A_329 = tpu.memref_slice %arg7[%dma_wait3A_328] : memref<4096xi32, #tpu.memory_space<vmem>> -> memref<256xi32, #tpu.memory_space<vmem>>
    %dma_wait3A_330 = arith.constant 0 : i32
    %dma_wait3A_331 = arith.constant 0 : i32
    %dma_wait3A_332 = tpu.memref_slice %arg3[%dma_wait3A_330, %dma_wait3A_331] : memref<4096x128xf32, #tpu.memory_space<hbm>> -> memref<4096x128xf32, #tpu.memory_space<hbm>>
    tpu.wait_indirect_dma semaphore(%arg12 : memref<!tpu.dma_semaphore, #tpu.memory_space<semaphore_mem>>) src(%dma_wait3A_332 : memref<4096x128xf32, #tpu.memory_space<hbm>>) dst(%arg10 : memref<256x128xf32, #tpu.memory_space<vmem>>)
    %dma_start3A_333 = arith.constant 3328 : i32
    %dma_start3A_334 = tpu.memref_slice %arg8[%dma_start3A_333] : memref<4096xi32, #tpu.memory_space<vmem>> -> memref<256xi32, #tpu.memory_space<vmem>>
    %dma_start3A_335 = arith.constant 0 : i32
    %dma_start3A_336 = arith.constant 0 : i32
    %dma_start3A_337 = tpu.memref_slice %arg4[%dma_start3A_335, %dma_start3A_336] : memref<4096x128xf32, #tpu.memory_space<hbm>> -> memref<4096x128xf32, #tpu.memory_space<hbm>>
    tpu.enqueue_indirect_dma source(%dma_start3A_337 : memref<4096x128xf32, #tpu.memory_space<hbm>>) target(%arg10 : memref<256x128xf32, #tpu.memory_space<vmem>>) offsets(%dma_start3A_334 : memref<256xi32, #tpu.memory_space<vmem>>) semaphore(%arg12 : memref<!tpu.dma_semaphore, #tpu.memory_space<semaphore_mem>>) {add = true}
    %dma_wait3A_338 = arith.constant 3328 : i32
    %dma_wait3A_339 = tpu.memref_slice %arg8[%dma_wait3A_338] : memref<4096xi32, #tpu.memory_space<vmem>> -> memref<256xi32, #tpu.memory_space<vmem>>
    %dma_wait3A_340 = arith.constant 0 : i32
    %dma_wait3A_341 = arith.constant 0 : i32
    %dma_wait3A_342 = tpu.memref_slice %arg4[%dma_wait3A_340, %dma_wait3A_341] : memref<4096x128xf32, #tpu.memory_space<hbm>> -> memref<4096x128xf32, #tpu.memory_space<hbm>>
    tpu.wait_indirect_dma semaphore(%arg12 : memref<!tpu.dma_semaphore, #tpu.memory_space<semaphore_mem>>) src(%dma_wait3A_342 : memref<4096x128xf32, #tpu.memory_space<hbm>>) dst(%arg10 : memref<256x128xf32, #tpu.memory_space<vmem>>)
    %mul3A_343 = arith.constant 32 : i32
    %mul3A_344 = arith.muli %mul3A_2, %mul3A_343 : i32
    %add3A_345 = arith.constant 3328 : i32
    %add3A_346 = arith.addi %mul3A_344, %add3A_345 : i32
    "tpu.region"() ({
      %run_scoped3A = tpu.sem_alloc : memref<!tpu.dma_semaphore, #tpu.memory_space<semaphore_mem>>
      %dma_start3A_390 = arith.constant 0 : i32
      %dma_start3A_391 = tpu.memref_slice %arg5[%add3A_346, %dma_start3A_390] : memref<131072x128xf32, #tpu.memory_space<hbm>> -> memref<256x128xf32, #tpu.memory_space<hbm>>
      %dma_start3A_392 = arith.constant 0 : i32
      %dma_start3A_393 = tpu.memref_slice %arg5[%add3A_346, %dma_start3A_392] : memref<131072x128xf32, #tpu.memory_space<hbm>> -> memref<256x128xf32, #tpu.memory_space<hbm>>
      tpu.enqueue_dma source(%arg10 : memref<256x128xf32, #tpu.memory_space<vmem>>) target(%dma_start3A_393 : memref<256x128xf32, #tpu.memory_space<hbm>>) target_semaphore(%run_scoped3A : memref<!tpu.dma_semaphore, #tpu.memory_space<semaphore_mem>>)
      %dma_wait3A_394 = arith.constant 0 : i32
      %dma_wait3A_395 = tpu.memref_slice %arg5[%add3A_346, %dma_wait3A_394] : memref<131072x128xf32, #tpu.memory_space<hbm>> -> memref<256x128xf32, #tpu.memory_space<hbm>>
      %dma_wait3A_396 = arith.constant 0 : i32
      %dma_wait3A_397 = tpu.memref_slice %arg5[%add3A_346, %dma_wait3A_396] : memref<131072x128xf32, #tpu.memory_space<hbm>> -> memref<256x128xf32, #tpu.memory_space<hbm>>
      tpu.wait_dma2 semaphore(%run_scoped3A : memref<!tpu.dma_semaphore, #tpu.memory_space<semaphore_mem>>) src(%arg10 : memref<256x128xf32, #tpu.memory_space<vmem>>) dst(%dma_wait3A_397 : memref<256x128xf32, #tpu.memory_space<hbm>>)
      tpu.yield
    }) : () -> ()
    %dma_start3A_347 = arith.constant 3840 : i32
    %dma_start3A_348 = tpu.memref_slice %arg7[%dma_start3A_347] : memref<4096xi32, #tpu.memory_space<vmem>> -> memref<256xi32, #tpu.memory_space<vmem>>
    %dma_start3A_349 = arith.constant 0 : i32
    %dma_start3A_350 = arith.constant 0 : i32
    %dma_start3A_351 = tpu.memref_slice %arg3[%dma_start3A_349, %dma_start3A_350] : memref<4096x128xf32, #tpu.memory_space<hbm>> -> memref<4096x128xf32, #tpu.memory_space<hbm>>
    tpu.enqueue_indirect_dma source(%dma_start3A_351 : memref<4096x128xf32, #tpu.memory_space<hbm>>) target(%arg10 : memref<256x128xf32, #tpu.memory_space<vmem>>) offsets(%dma_start3A_348 : memref<256xi32, #tpu.memory_space<vmem>>) semaphore(%arg12 : memref<!tpu.dma_semaphore, #tpu.memory_space<semaphore_mem>>)
    %dma_wait3A_352 = arith.constant 3584 : i32
    %dma_wait3A_353 = tpu.memref_slice %arg7[%dma_wait3A_352] : memref<4096xi32, #tpu.memory_space<vmem>> -> memref<256xi32, #tpu.memory_space<vmem>>
    %dma_wait3A_354 = arith.constant 0 : i32
    %dma_wait3A_355 = arith.constant 0 : i32
    %dma_wait3A_356 = tpu.memref_slice %arg3[%dma_wait3A_354, %dma_wait3A_355] : memref<4096x128xf32, #tpu.memory_space<hbm>> -> memref<4096x128xf32, #tpu.memory_space<hbm>>
    tpu.wait_indirect_dma semaphore(%arg11 : memref<!tpu.dma_semaphore, #tpu.memory_space<semaphore_mem>>) src(%dma_wait3A_356 : memref<4096x128xf32, #tpu.memory_space<hbm>>) dst(%arg9 : memref<256x128xf32, #tpu.memory_space<vmem>>)
    %dma_start3A_357 = arith.constant 3584 : i32
    %dma_start3A_358 = tpu.memref_slice %arg8[%dma_start3A_357] : memref<4096xi32, #tpu.memory_space<vmem>> -> memref<256xi32, #tpu.memory_space<vmem>>
    %dma_start3A_359 = arith.constant 0 : i32
    %dma_start3A_360 = arith.constant 0 : i32
    %dma_start3A_361 = tpu.memref_slice %arg4[%dma_start3A_359, %dma_start3A_360] : memref<4096x128xf32, #tpu.memory_space<hbm>> -> memref<4096x128xf32, #tpu.memory_space<hbm>>
    tpu.enqueue_indirect_dma source(%dma_start3A_361 : memref<4096x128xf32, #tpu.memory_space<hbm>>) target(%arg9 : memref<256x128xf32, #tpu.memory_space<vmem>>) offsets(%dma_start3A_358 : memref<256xi32, #tpu.memory_space<vmem>>) semaphore(%arg11 : memref<!tpu.dma_semaphore, #tpu.memory_space<semaphore_mem>>) {add = true}
    %dma_wait3A_362 = arith.constant 3584 : i32
    %dma_wait3A_363 = tpu.memref_slice %arg8[%dma_wait3A_362] : memref<4096xi32, #tpu.memory_space<vmem>> -> memref<256xi32, #tpu.memory_space<vmem>>
    %dma_wait3A_364 = arith.constant 0 : i32
    %dma_wait3A_365 = arith.constant 0 : i32
    %dma_wait3A_366 = tpu.memref_slice %arg4[%dma_wait3A_364, %dma_wait3A_365] : memref<4096x128xf32, #tpu.memory_space<hbm>> -> memref<4096x128xf32, #tpu.memory_space<hbm>>
    tpu.wait_indirect_dma semaphore(%arg11 : memref<!tpu.dma_semaphore, #tpu.memory_space<semaphore_mem>>) src(%dma_wait3A_366 : memref<4096x128xf32, #tpu.memory_space<hbm>>) dst(%arg9 : memref<256x128xf32, #tpu.memory_space<vmem>>)
    %mul3A_367 = arith.constant 32 : i32
    %mul3A_368 = arith.muli %mul3A_2, %mul3A_367 : i32
    %add3A_369 = arith.constant 3584 : i32
    %add3A_370 = arith.addi %mul3A_368, %add3A_369 : i32
    "tpu.region"() ({
      %run_scoped3A = tpu.sem_alloc : memref<!tpu.dma_semaphore, #tpu.memory_space<semaphore_mem>>
      %dma_start3A_390 = arith.constant 0 : i32
      %dma_start3A_391 = tpu.memref_slice %arg5[%add3A_370, %dma_start3A_390] : memref<131072x128xf32, #tpu.memory_space<hbm>> -> memref<256x128xf32, #tpu.memory_space<hbm>>
      %dma_start3A_392 = arith.constant 0 : i32
      %dma_start3A_393 = tpu.memref_slice %arg5[%add3A_370, %dma_start3A_392] : memref<131072x128xf32, #tpu.memory_space<hbm>> -> memref<256x128xf32, #tpu.memory_space<hbm>>
      tpu.enqueue_dma source(%arg9 : memref<256x128xf32, #tpu.memory_space<vmem>>) target(%dma_start3A_393 : memref<256x128xf32, #tpu.memory_space<hbm>>) target_semaphore(%run_scoped3A : memref<!tpu.dma_semaphore, #tpu.memory_space<semaphore_mem>>)
      %dma_wait3A_394 = arith.constant 0 : i32
      %dma_wait3A_395 = tpu.memref_slice %arg5[%add3A_370, %dma_wait3A_394] : memref<131072x128xf32, #tpu.memory_space<hbm>> -> memref<256x128xf32, #tpu.memory_space<hbm>>
      %dma_wait3A_396 = arith.constant 0 : i32
      %dma_wait3A_397 = tpu.memref_slice %arg5[%add3A_370, %dma_wait3A_396] : memref<131072x128xf32, #tpu.memory_space<hbm>> -> memref<256x128xf32, #tpu.memory_space<hbm>>
      tpu.wait_dma2 semaphore(%run_scoped3A : memref<!tpu.dma_semaphore, #tpu.memory_space<semaphore_mem>>) src(%arg9 : memref<256x128xf32, #tpu.memory_space<vmem>>) dst(%dma_wait3A_397 : memref<256x128xf32, #tpu.memory_space<hbm>>)
      tpu.yield
    }) : () -> ()
    %dma_wait3A_371 = arith.constant 3840 : i32
    %dma_wait3A_372 = tpu.memref_slice %arg7[%dma_wait3A_371] : memref<4096xi32, #tpu.memory_space<vmem>> -> memref<256xi32, #tpu.memory_space<vmem>>
    %dma_wait3A_373 = arith.constant 0 : i32
    %dma_wait3A_374 = arith.constant 0 : i32
    %dma_wait3A_375 = tpu.memref_slice %arg3[%dma_wait3A_373, %dma_wait3A_374] : memref<4096x128xf32, #tpu.memory_space<hbm>> -> memref<4096x128xf32, #tpu.memory_space<hbm>>
    tpu.wait_indirect_dma semaphore(%arg12 : memref<!tpu.dma_semaphore, #tpu.memory_space<semaphore_mem>>) src(%dma_wait3A_375 : memref<4096x128xf32, #tpu.memory_space<hbm>>) dst(%arg10 : memref<256x128xf32, #tpu.memory_space<vmem>>)
    %dma_start3A_376 = arith.constant 3840 : i32
    %dma_start3A_377 = tpu.memref_slice %arg8[%dma_start3A_376] : memref<4096xi32, #tpu.memory_space<vmem>> -> memref<256xi32, #tpu.memory_space<vmem>>
    %dma_start3A_378 = arith.constant 0 : i32
    %dma_start3A_379 = arith.constant 0 : i32
    %dma_start3A_380 = tpu.memref_slice %arg4[%dma_start3A_378, %dma_start3A_379] : memref<4096x128xf32, #tpu.memory_space<hbm>> -> memref<4096x128xf32, #tpu.memory_space<hbm>>
    tpu.enqueue_indirect_dma source(%dma_start3A_380 : memref<4096x128xf32, #tpu.memory_space<hbm>>) target(%arg10 : memref<256x128xf32, #tpu.memory_space<vmem>>) offsets(%dma_start3A_377 : memref<256xi32, #tpu.memory_space<vmem>>) semaphore(%arg12 : memref<!tpu.dma_semaphore, #tpu.memory_space<semaphore_mem>>) {add = true}
    %dma_wait3A_381 = arith.constant 3840 : i32
    %dma_wait3A_382 = tpu.memref_slice %arg8[%dma_wait3A_381] : memref<4096xi32, #tpu.memory_space<vmem>> -> memref<256xi32, #tpu.memory_space<vmem>>
    %dma_wait3A_383 = arith.constant 0 : i32
    %dma_wait3A_384 = arith.constant 0 : i32
    %dma_wait3A_385 = tpu.memref_slice %arg4[%dma_wait3A_383, %dma_wait3A_384] : memref<4096x128xf32, #tpu.memory_space<hbm>> -> memref<4096x128xf32, #tpu.memory_space<hbm>>
    tpu.wait_indirect_dma semaphore(%arg12 : memref<!tpu.dma_semaphore, #tpu.memory_space<semaphore_mem>>) src(%dma_wait3A_385 : memref<4096x128xf32, #tpu.memory_space<hbm>>) dst(%arg10 : memref<256x128xf32, #tpu.memory_space<vmem>>)
    %mul3A_386 = arith.constant 32 : i32
    %mul3A_387 = arith.muli %mul3A_2, %mul3A_386 : i32
    %add3A_388 = arith.constant 3840 : i32
    %add3A_389 = arith.addi %mul3A_387, %add3A_388 : i32
    "tpu.region"() ({
      %run_scoped3A = tpu.sem_alloc : memref<!tpu.dma_semaphore, #tpu.memory_space<semaphore_mem>>
      %dma_start3A_390 = arith.constant 0 : i32
      %dma_start3A_391 = tpu.memref_slice %arg5[%add3A_389, %dma_start3A_390] : memref<131072x128xf32, #tpu.memory_space<hbm>> -> memref<256x128xf32, #tpu.memory_space<hbm>>
      %dma_start3A_392 = arith.constant 0 : i32
      %dma_start3A_393 = tpu.memref_slice %arg5[%add3A_389, %dma_start3A_392] : memref<131072x128xf32, #tpu.memory_space<hbm>> -> memref<256x128xf32, #tpu.memory_space<hbm>>
      tpu.enqueue_dma source(%arg10 : memref<256x128xf32, #tpu.memory_space<vmem>>) target(%dma_start3A_393 : memref<256x128xf32, #tpu.memory_space<hbm>>) target_semaphore(%run_scoped3A : memref<!tpu.dma_semaphore, #tpu.memory_space<semaphore_mem>>)
      %dma_wait3A_394 = arith.constant 0 : i32
      %dma_wait3A_395 = tpu.memref_slice %arg5[%add3A_389, %dma_wait3A_394] : memref<131072x128xf32, #tpu.memory_space<hbm>> -> memref<256x128xf32, #tpu.memory_space<hbm>>
      %dma_wait3A_396 = arith.constant 0 : i32
      %dma_wait3A_397 = tpu.memref_slice %arg5[%add3A_389, %dma_wait3A_396] : memref<131072x128xf32, #tpu.memory_space<hbm>> -> memref<256x128xf32, #tpu.memory_space<hbm>>
      tpu.wait_dma2 semaphore(%run_scoped3A : memref<!tpu.dma_semaphore, #tpu.memory_space<semaphore_mem>>) src(%arg10 : memref<256x128xf32, #tpu.memory_space<vmem>>) dst(%dma_wait3A_397 : memref<256x128xf32, #tpu.memory_space<hbm>>)
      tpu.yield
    }) : () -> ()
    return
  }
}

module attributes {stable_mosaic.version = 14 : i64} {
  func.func @_k0_body(%arg0: i32, %arg1: memref<1x8x1024xf32, #tpu.memory_space<vmem>>, %arg2: memref<1x8x1024xf32, #tpu.memory_space<vmem>>, %arg3: memref<1x64x1024xf32, #tpu.memory_space<vmem>>, %arg4: memref<1x64x1024xf32, #tpu.memory_space<vmem>>, %arg5: memref<8x64xf32, #tpu.memory_space<vmem>>, %arg6: memref<64x64xf32, #tpu.memory_space<vmem>>, %arg7: memref<64x64xf32, #tpu.memory_space<vmem>>, %arg8: memref<1x64xf32, #tpu.memory_space<vmem>>, %arg9: memref<1x1024x128xf32, #tpu.memory_space<vmem>>, %arg10: memref<1x1024x128xf32, #tpu.memory_space<vmem>>, %arg11: memref<1x1024x128xf32, #tpu.memory_space<vmem>>) attributes {dimension_semantics = [#tpu.dimension_semantics<arbitrary>], iteration_bounds = array<i64: 4>, scalar_prefetch = 0 : i64, scratch_operands = 0 : i64, tpu.core_type = #tpu.core_type<tc>, window_params = [{transform_indices = @transform_0, window_bounds = array<i64: 1, 8, 1024>}, {transform_indices = @transform_1, window_bounds = array<i64: 1, 8, 1024>}, {transform_indices = @transform_2, window_bounds = array<i64: 1, 64, 1024>}, {transform_indices = @transform_3, window_bounds = array<i64: 1, 64, 1024>}, {pipeline_mode = #tpu.pipeline_mode<synchronous>, transform_indices = @transform_4, window_bounds = array<i64: 8, 64>}, {pipeline_mode = #tpu.pipeline_mode<synchronous>, transform_indices = @transform_5, window_bounds = array<i64: 64, 64>}, {pipeline_mode = #tpu.pipeline_mode<synchronous>, transform_indices = @transform_6, window_bounds = array<i64: 64, 64>}, {pipeline_mode = #tpu.pipeline_mode<synchronous>, transform_indices = @transform_7, window_bounds = array<i64: 1, 64>}, {transform_indices = @transform_8, window_bounds = array<i64: 1, 1024, 128>}, {transform_indices = @transform_9, window_bounds = array<i64: 1, 1024, 128>}, {transform_indices = @transform_10, window_bounds = array<i64: 1, 1024, 128>}]} {
    %get3A = arith.constant 0 : index
    %get3A_0 = arith.constant 0 : index
    %get3A_1 = arith.constant 0 : index
    %get3A_2 = vector.load %arg1[%get3A, %get3A_0, %get3A_1] : memref<1x8x1024xf32, #tpu.memory_space<vmem>>, vector<1x8x1024xf32>
    %get3A_3 = vector.shape_cast %get3A_2 : vector<1x8x1024xf32> to vector<8x1024xf32>
    %get3A_4 = arith.constant 0 : index
    %get3A_5 = arith.constant 0 : index
    %get3A_6 = arith.constant 0 : index
    %get3A_7 = vector.load %arg2[%get3A_4, %get3A_5, %get3A_6] : memref<1x8x1024xf32, #tpu.memory_space<vmem>>, vector<1x8x1024xf32>
    %get3A_8 = vector.shape_cast %get3A_7 : vector<1x8x1024xf32> to vector<8x1024xf32>
    %get3A_9 = arith.constant 0 : index
    %get3A_10 = arith.constant 0 : index
    %get3A_11 = arith.constant 0 : index
    %get3A_12 = vector.load %arg3[%get3A_9, %get3A_10, %get3A_11] : memref<1x64x1024xf32, #tpu.memory_space<vmem>>, vector<1x64x1024xf32>
    %get3A_13 = vector.shape_cast %get3A_12 : vector<1x64x1024xf32> to vector<64x1024xf32>
    %get3A_14 = arith.constant 0 : index
    %get3A_15 = arith.constant 0 : index
    %get3A_16 = arith.constant 0 : index
    %get3A_17 = vector.load %arg4[%get3A_14, %get3A_15, %get3A_16] : memref<1x64x1024xf32, #tpu.memory_space<vmem>>, vector<1x64x1024xf32>
    %get3A_18 = vector.shape_cast %get3A_17 : vector<1x64x1024xf32> to vector<64x1024xf32>
    %get3A_19 = arith.constant 0 : index
    %get3A_20 = arith.constant 0 : index
    %get3A_21 = vector.load %arg6[%get3A_19, %get3A_20] : memref<64x64xf32, #tpu.memory_space<vmem>>, vector<64x64xf32>
    %dot_general3A = arith.constant dense<0.000000e+00> : vector<1024x64xf32>
    %dot_general3A_22 = tpu.matmul %get3A_18, %get3A_21, %dot_general3A {dimension_numbers = #tpu.dot_dimension_numbers<[0], [0], [1], [1], [0, 1, 1, 1], [], []>, transpose_lhs_hint = false} : vector<64x1024xf32>, vector<64x64xf32>, vector<1024x64xf32> -> vector<1024x64xf32>
    %get3A_23 = arith.constant 0 : index
    %get3A_24 = arith.constant 0 : index
    %get3A_25 = vector.load %arg5[%get3A_23, %get3A_24] : memref<8x64xf32, #tpu.memory_space<vmem>>, vector<8x64xf32>
    %dot_general3A_26 = arith.constant dense<0.000000e+00> : vector<1024x64xf32>
    %dot_general3A_27 = tpu.matmul %get3A_8, %get3A_25, %dot_general3A_26 {dimension_numbers = #tpu.dot_dimension_numbers<[0], [0], [1], [1], [0, 1, 1, 1], [], []>, transpose_lhs_hint = false} : vector<8x1024xf32>, vector<8x64xf32>, vector<1024x64xf32> -> vector<1024x64xf32>
    %add3A = arith.addf %dot_general3A_22, %dot_general3A_27 : vector<1024x64xf32>
    %get3A_28 = arith.constant 0 : index
    %get3A_29 = arith.constant 0 : index
    %get3A_30 = vector.load %arg7[%get3A_28, %get3A_29] : memref<64x64xf32, #tpu.memory_space<vmem>>, vector<64x64xf32>
    %dot_general3A_31 = arith.constant dense<0.000000e+00> : vector<1024x64xf32>
    %dot_general3A_32 = tpu.matmul %get3A_13, %get3A_30, %dot_general3A_31 {dimension_numbers = #tpu.dot_dimension_numbers<[0], [0], [1], [1], [0, 1, 1, 1], [], []>, transpose_lhs_hint = false} : vector<64x1024xf32>, vector<64x64xf32>, vector<1024x64xf32> -> vector<1024x64xf32>
    %get3A_33 = arith.constant 0 : index
    %get3A_34 = arith.constant 0 : index
    %get3A_35 = vector.load %arg5[%get3A_33, %get3A_34] : memref<8x64xf32, #tpu.memory_space<vmem>>, vector<8x64xf32>
    %dot_general3A_36 = arith.constant dense<0.000000e+00> : vector<1024x64xf32>
    %dot_general3A_37 = tpu.matmul %get3A_3, %get3A_35, %dot_general3A_36 {dimension_numbers = #tpu.dot_dimension_numbers<[0], [0], [1], [1], [0, 1, 1, 1], [], []>, transpose_lhs_hint = false} : vector<8x1024xf32>, vector<8x64xf32>, vector<1024x64xf32> -> vector<1024x64xf32>
    %sub3A = arith.subf %dot_general3A_32, %dot_general3A_37 : vector<1024x64xf32>
    %get3A_38 = arith.constant 0 : index
    %get3A_39 = arith.constant 0 : index
    %get3A_40 = vector.load %arg8[%get3A_38, %get3A_39] : memref<1x64xf32, #tpu.memory_space<vmem>>, vector<1x64xf32>
    %add3A_41 = vector.broadcast %get3A_40 : vector<1x64xf32> to vector<1024x64xf32>
    %add3A_42 = arith.addf %sub3A, %add3A_41 : vector<1024x64xf32>
    %broadcast_in_dim3A = arith.constant 0.000000e+00 : f32
    %broadcast_in_dim3A_43 = vector.broadcast %broadcast_in_dim3A : f32 to vector<1024x64xf32>
    %concatenate3A = tpu.concatenate %add3A, %broadcast_in_dim3A_43 in 1 : vector<1024x64xf32>, vector<1024x64xf32> -> vector<1024x128xf32>
    %swap3A = arith.constant 0 : index
    %swap3A_44 = arith.constant 0 : index
    %swap3A_45 = arith.constant 0 : index
    %swap3A_46 = vector.load %arg9[%swap3A, %swap3A_44, %swap3A_45] : memref<1x1024x128xf32, #tpu.memory_space<vmem>>, vector<1x1024x128xf32>
    %swap3A_47 = vector.shape_cast %swap3A_46 : vector<1x1024x128xf32> to vector<1024x128xf32>
    %swap3A_48 = vector.shape_cast %concatenate3A : vector<1024x128xf32> to vector<1x1024x128xf32>
    tpu.vector_store %arg9[%swap3A, %swap3A_44, %swap3A_45], %swap3A_48 {strides = array<i32>} : memref<1x1024x128xf32, #tpu.memory_space<vmem>>, vector<1x1024x128xf32>,
    %concatenate3A_49 = tpu.concatenate %broadcast_in_dim3A_43, %add3A in 1 : vector<1024x64xf32>, vector<1024x64xf32> -> vector<1024x128xf32>
    %swap3A_50 = arith.constant 0 : index
    %swap3A_51 = arith.constant 0 : index
    %swap3A_52 = arith.constant 0 : index
    %swap3A_53 = vector.load %arg10[%swap3A_50, %swap3A_51, %swap3A_52] : memref<1x1024x128xf32, #tpu.memory_space<vmem>>, vector<1x1024x128xf32>
    %swap3A_54 = vector.shape_cast %swap3A_53 : vector<1x1024x128xf32> to vector<1024x128xf32>
    %swap3A_55 = vector.shape_cast %concatenate3A_49 : vector<1024x128xf32> to vector<1x1024x128xf32>
    tpu.vector_store %arg10[%swap3A_50, %swap3A_51, %swap3A_52], %swap3A_55 {strides = array<i32>} : memref<1x1024x128xf32, #tpu.memory_space<vmem>>, vector<1x1024x128xf32>,
    %concatenate3A_56 = tpu.concatenate %add3A_42, %add3A_42 in 1 : vector<1024x64xf32>, vector<1024x64xf32> -> vector<1024x128xf32>
    %swap3A_57 = arith.constant 0 : index
    %swap3A_58 = arith.constant 0 : index
    %swap3A_59 = arith.constant 0 : index
    %swap3A_60 = vector.load %arg11[%swap3A_57, %swap3A_58, %swap3A_59] : memref<1x1024x128xf32, #tpu.memory_space<vmem>>, vector<1x1024x128xf32>
    %swap3A_61 = vector.shape_cast %swap3A_60 : vector<1x1024x128xf32> to vector<1024x128xf32>
    %swap3A_62 = vector.shape_cast %concatenate3A_56 : vector<1024x128xf32> to vector<1x1024x128xf32>
    tpu.vector_store %arg11[%swap3A_57, %swap3A_58, %swap3A_59], %swap3A_62 {strides = array<i32>} : memref<1x1024x128xf32, #tpu.memory_space<vmem>>, vector<1x1024x128xf32>,
    return
  }
  func.func @transform_0(%arg0: i32) -> (i32, i32, i32) {
    %c0_i32 = arith.constant 0 : i32
    %c0_i32_0 = arith.constant 0 : i32
    %c0_i32_1 = arith.constant 0 : i32
    return %arg0, %c0_i32, %c0_i32_0 : i32, i32, i32
  }
  func.func @transform_1(%arg0: i32) -> (i32, i32, i32) {
    %c0_i32 = arith.constant 0 : i32
    %c0_i32_0 = arith.constant 0 : i32
    %c0_i32_1 = arith.constant 0 : i32
    return %arg0, %c0_i32, %c0_i32_0 : i32, i32, i32
  }
  func.func @transform_2(%arg0: i32) -> (i32, i32, i32) {
    %c0_i32 = arith.constant 0 : i32
    %c0_i32_0 = arith.constant 0 : i32
    %c0_i32_1 = arith.constant 0 : i32
    return %arg0, %c0_i32, %c0_i32_0 : i32, i32, i32
  }
  func.func @transform_3(%arg0: i32) -> (i32, i32, i32) {
    %c0_i32 = arith.constant 0 : i32
    %c0_i32_0 = arith.constant 0 : i32
    %c0_i32_1 = arith.constant 0 : i32
    return %arg0, %c0_i32, %c0_i32_0 : i32, i32, i32
  }
  func.func @transform_4(%arg0: i32) -> (i32, i32) {
    %c0_i32 = arith.constant 0 : i32
    %c0_i32_0 = arith.constant 0 : i32
    %c0_i32_1 = arith.constant 0 : i32
    return %c0_i32, %c0_i32_0 : i32, i32
  }
  func.func @transform_5(%arg0: i32) -> (i32, i32) {
    %c0_i32 = arith.constant 0 : i32
    %c0_i32_0 = arith.constant 0 : i32
    %c0_i32_1 = arith.constant 0 : i32
    return %c0_i32, %c0_i32_0 : i32, i32
  }
  func.func @transform_6(%arg0: i32) -> (i32, i32) {
    %c0_i32 = arith.constant 0 : i32
    %c0_i32_0 = arith.constant 0 : i32
    %c0_i32_1 = arith.constant 0 : i32
    return %c0_i32, %c0_i32_0 : i32, i32
  }
  func.func @transform_7(%arg0: i32) -> (i32, i32) {
    %c0_i32 = arith.constant 0 : i32
    %c0_i32_0 = arith.constant 0 : i32
    %c0_i32_1 = arith.constant 0 : i32
    return %c0_i32, %c0_i32_0 : i32, i32
  }
  func.func @transform_8(%arg0: i32) -> (i32, i32, i32) {
    %c0_i32 = arith.constant 0 : i32
    %c0_i32_0 = arith.constant 0 : i32
    %c0_i32_1 = arith.constant 0 : i32
    return %arg0, %c0_i32, %c0_i32_0 : i32, i32, i32
  }
  func.func @transform_9(%arg0: i32) -> (i32, i32, i32) {
    %c0_i32 = arith.constant 0 : i32
    %c0_i32_0 = arith.constant 0 : i32
    %c0_i32_1 = arith.constant 0 : i32
    return %arg0, %c0_i32, %c0_i32_0 : i32, i32, i32
  }
  func.func @transform_10(%arg0: i32) -> (i32, i32, i32) {
    %c0_i32 = arith.constant 0 : i32
    %c0_i32_0 = arith.constant 0 : i32
    %c0_i32_1 = arith.constant 0 : i32
    return %arg0, %c0_i32, %c0_i32_0 : i32, i32, i32
  }
}

module attributes {stable_mosaic.version = 14 : i64} {
  func.func @_ka_body(%arg0: i32, %arg1: i32, %arg2: memref<1x1024x128xf32, #tpu.memory_space<vmem>>, %arg3: memref<1x1024x128xi32, #tpu.memory_space<vmem>>) attributes {dimension_semantics = [#tpu.dimension_semantics<arbitrary>, #tpu.dimension_semantics<arbitrary>], iteration_bounds = array<i64: 4, 8>, scalar_prefetch = 0 : i64, scratch_operands = 0 : i64, tpu.core_type = #tpu.core_type<tc>, window_params = [{transform_indices = @transform_0, window_bounds = array<i64: 1, 1024, 128>}, {transform_indices = @transform_1, window_bounds = array<i64: 1, 1024, 128>}]} {
    %get3A = arith.constant 0 : index
    %get3A_0 = arith.constant 0 : index
    %get3A_1 = arith.constant 0 : index
    %get3A_2 = vector.load %arg2[%get3A, %get3A_0, %get3A_1] : memref<1x1024x128xf32, #tpu.memory_space<vmem>>, vector<1x1024x128xf32>
    %get3A_3 = vector.shape_cast %get3A_2 : vector<1x1024x128xf32> to vector<1024x128xf32>
    %bitcast_convert_type3A = tpu.bitcast %get3A_3 : vector<1024x128xf32> -> vector<1024x128xi32>
    %broadcast_in_dim3A = arith.constant -1 : i32
    %broadcast_in_dim3A_4 = vector.broadcast %broadcast_in_dim3A : i32 to vector<1x128xi32>
    %broadcast_in_dim3A_5 = arith.constant 2139095040 : i32
    %broadcast_in_dim3A_6 = vector.broadcast %broadcast_in_dim3A_5 : i32 to vector<1x128xi32>
    %scan3A = arith.constant 0 : i32
    %scan3A_7 = arith.constant 31 : i32
    %scan3A_8 = arith.addi %scan3A, %scan3A_7 : i32
    %scan3A_9 = arith.constant 1 : i32
    %scan3A_10:2 = scf.for %scan3A_150 = %scan3A to %scan3A_8 step %scan3A_9 iter_args(%scan3A_151 = %broadcast_in_dim3A_4, %scan3A_152 = %broadcast_in_dim3A_6) -> (vector<1x128xi32>, vector<1x128xi32>)  : i32 {
      %sub3A_153 = arith.subi %scan3A_152, %scan3A_151 : vector<1x128xi32>
      %shift_right_arithmetic3A = arith.constant 1 : i32
      %shift_right_arithmetic3A_154 = vector.broadcast %shift_right_arithmetic3A : i32 to vector<1x128xi32>
      %shift_right_arithmetic3A_155 = arith.shrsi %sub3A_153, %shift_right_arithmetic3A_154 : vector<1x128xi32>
      %add3A_156 = arith.addi %scan3A_151, %shift_right_arithmetic3A_155 : vector<1x128xi32>
      %le3A_157 = vector.broadcast %add3A_156 : vector<1x128xi32> to vector<1024x128xi32>
      %le3A_158 = arith.cmpi sle, %bitcast_convert_type3A, %le3A_157 : vector<1024x128xi32>
      %convert_element_type3A_159 = arith.extui %le3A_158 : vector<1024x128xi1> to vector<1024x128xi32>
      %reduce_sum3A_160 = arith.constant dense<0> : vector<128xi32>
      %reduce_sum3A_161 = vector.multi_reduction <add>, %convert_element_type3A_159, %reduce_sum3A_160 [0] : vector<1024x128xi32> to vector<128xi32>
      %broadcast_in_dim3A_162 = vector.shape_cast %reduce_sum3A_161 : vector<128xi32> to vector<1x128xi32>
      %ge3A = arith.constant 64 : i32
      %ge3A_163 = vector.broadcast %ge3A : i32 to vector<1x128xi32>
      %ge3A_164 = arith.cmpi sge, %broadcast_in_dim3A_162, %ge3A_163 : vector<1x128xi32>
      %select_n3A = arith.select %ge3A_164, %scan3A_151, %add3A_156 : vector<1x128xi1>, vector<1x128xi32>
      %select_n3A_165 = arith.select %ge3A_164, %add3A_156, %scan3A_152 : vector<1x128xi1>, vector<1x128xi32>
      scf.yield %select_n3A, %select_n3A_165 : vector<1x128xi32>, vector<1x128xi32>
    }
    %lt3A = vector.broadcast %scan3A_10#1 : vector<1x128xi32> to vector<1024x128xi32>
    %lt3A_11 = arith.cmpi slt, %bitcast_convert_type3A, %lt3A : vector<1024x128xi32>
    %convert_element_type3A = arith.extui %lt3A_11 : vector<1024x128xi1> to vector<1024x128xi32>
    %reduce_sum3A = arith.constant dense<0> : vector<128xi32>
    %reduce_sum3A_12 = vector.multi_reduction <add>, %convert_element_type3A, %reduce_sum3A [0] : vector<1024x128xi32> to vector<128xi32>
    %broadcast_in_dim3A_13 = vector.shape_cast %reduce_sum3A_12 : vector<128xi32> to vector<1x128xi32>
    %sub3A = arith.constant 64 : i32
    %sub3A_14 = vector.broadcast %sub3A : i32 to vector<1x128xi32>
    %sub3A_15 = arith.subi %sub3A_14, %broadcast_in_dim3A_13 : vector<1x128xi32>
    %eq3A = vector.broadcast %scan3A_10#1 : vector<1x128xi32> to vector<1024x128xi32>
    %eq3A_16 = arith.cmpi eq, %bitcast_convert_type3A, %eq3A : vector<1024x128xi32>
    %convert_element_type3A_17 = arith.extui %eq3A_16 : vector<1024x128xi1> to vector<1024x128xi32>
    %convert_element_type3A_18 = arith.sitofp %convert_element_type3A_17 : vector<1024x128xi32> to vector<1024x128xf32>
    %iota3A = tpu.iota {dimensions = array<i32: 1>} : vector<128x128xi32>
    %iota3A_19 = tpu.iota {dimensions = array<i32: 0>} : vector<128x128xi32>
    %le3A = arith.cmpi sle, %iota3A, %iota3A_19 : vector<128x128xi32>
    %convert_element_type3A_20 = arith.extui %le3A : vector<128x128xi1> to vector<128x128xi32>
    %convert_element_type3A_21 = arith.sitofp %convert_element_type3A_20 : vector<128x128xi32> to vector<128x128xf32>
    %broadcast_in_dim3A_22 = arith.constant 0.000000e+00 : f32
    %broadcast_in_dim3A_23 = vector.broadcast %broadcast_in_dim3A_22 : f32 to vector<1x128xf32>
    %slice3A = vector.extract_strided_slice %convert_element_type3A_18 {offsets = [0, 0], sizes = [128, 128], strides = [1, 1]} : vector<1024x128xf32> to vector<128x128xf32>
    %dot_general3A = arith.constant dense<0.000000e+00> : vector<128x128xf32>
    %dot_general3A_24 = tpu.matmul %convert_element_type3A_21, %slice3A, %dot_general3A {dimension_numbers = #tpu.dot_dimension_numbers<[1], [0], [0], [1], [0, 0, 1, 1], [], []>, transpose_lhs_hint = false} : vector<128x128xf32>, vector<128x128xf32>, vector<128x128xf32> -> vector<128x128xf32>
    %add3A = vector.broadcast %broadcast_in_dim3A_23 : vector<1x128xf32> to vector<128x128xf32>
    %add3A_25 = arith.addf %dot_general3A_24, %add3A : vector<128x128xf32>
    %slice3A_26 = vector.extract_strided_slice %dot_general3A_24 {offsets = [127, 0], sizes = [1, 128], strides = [1, 1]} : vector<128x128xf32> to vector<1x128xf32>
    %add3A_27 = arith.addf %broadcast_in_dim3A_23, %slice3A_26 : vector<1x128xf32>
    %slice3A_28 = vector.extract_strided_slice %convert_element_type3A_18 {offsets = [128, 0], sizes = [128, 128], strides = [1, 1]} : vector<1024x128xf32> to vector<128x128xf32>
    %dot_general3A_29 = arith.constant dense<0.000000e+00> : vector<128x128xf32>
    %dot_general3A_30 = tpu.matmul %convert_element_type3A_21, %slice3A_28, %dot_general3A_29 {dimension_numbers = #tpu.dot_dimension_numbers<[1], [0], [0], [1], [0, 0, 1, 1], [], []>, transpose_lhs_hint = false} : vector<128x128xf32>, vector<128x128xf32>, vector<128x128xf32> -> vector<128x128xf32>
    %add3A_31 = vector.broadcast %add3A_27 : vector<1x128xf32> to vector<128x128xf32>
    %add3A_32 = arith.addf %dot_general3A_30, %add3A_31 : vector<128x128xf32>
    %slice3A_33 = vector.extract_strided_slice %dot_general3A_30 {offsets = [127, 0], sizes = [1, 128], strides = [1, 1]} : vector<128x128xf32> to vector<1x128xf32>
    %add3A_34 = arith.addf %add3A_27, %slice3A_33 : vector<1x128xf32>
    %slice3A_35 = vector.extract_strided_slice %convert_element_type3A_18 {offsets = [256, 0], sizes = [128, 128], strides = [1, 1]} : vector<1024x128xf32> to vector<128x128xf32>
    %dot_general3A_36 = arith.constant dense<0.000000e+00> : vector<128x128xf32>
    %dot_general3A_37 = tpu.matmul %convert_element_type3A_21, %slice3A_35, %dot_general3A_36 {dimension_numbers = #tpu.dot_dimension_numbers<[1], [0], [0], [1], [0, 0, 1, 1], [], []>, transpose_lhs_hint = false} : vector<128x128xf32>, vector<128x128xf32>, vector<128x128xf32> -> vector<128x128xf32>
    %add3A_38 = vector.broadcast %add3A_34 : vector<1x128xf32> to vector<128x128xf32>
    %add3A_39 = arith.addf %dot_general3A_37, %add3A_38 : vector<128x128xf32>
    %slice3A_40 = vector.extract_strided_slice %dot_general3A_37 {offsets = [127, 0], sizes = [1, 128], strides = [1, 1]} : vector<128x128xf32> to vector<1x128xf32>
    %add3A_41 = arith.addf %add3A_34, %slice3A_40 : vector<1x128xf32>
    %slice3A_42 = vector.extract_strided_slice %convert_element_type3A_18 {offsets = [384, 0], sizes = [128, 128], strides = [1, 1]} : vector<1024x128xf32> to vector<128x128xf32>
    %dot_general3A_43 = arith.constant dense<0.000000e+00> : vector<128x128xf32>
    %dot_general3A_44 = tpu.matmul %convert_element_type3A_21, %slice3A_42, %dot_general3A_43 {dimension_numbers = #tpu.dot_dimension_numbers<[1], [0], [0], [1], [0, 0, 1, 1], [], []>, transpose_lhs_hint = false} : vector<128x128xf32>, vector<128x128xf32>, vector<128x128xf32> -> vector<128x128xf32>
    %add3A_45 = vector.broadcast %add3A_41 : vector<1x128xf32> to vector<128x128xf32>
    %add3A_46 = arith.addf %dot_general3A_44, %add3A_45 : vector<128x128xf32>
    %slice3A_47 = vector.extract_strided_slice %dot_general3A_44 {offsets = [127, 0], sizes = [1, 128], strides = [1, 1]} : vector<128x128xf32> to vector<1x128xf32>
    %add3A_48 = arith.addf %add3A_41, %slice3A_47 : vector<1x128xf32>
    %slice3A_49 = vector.extract_strided_slice %convert_element_type3A_18 {offsets = [512, 0], sizes = [128, 128], strides = [1, 1]} : vector<1024x128xf32> to vector<128x128xf32>
    %dot_general3A_50 = arith.constant dense<0.000000e+00> : vector<128x128xf32>
    %dot_general3A_51 = tpu.matmul %convert_element_type3A_21, %slice3A_49, %dot_general3A_50 {dimension_numbers = #tpu.dot_dimension_numbers<[1], [0], [0], [1], [0, 0, 1, 1], [], []>, transpose_lhs_hint = false} : vector<128x128xf32>, vector<128x128xf32>, vector<128x128xf32> -> vector<128x128xf32>
    %add3A_52 = vector.broadcast %add3A_48 : vector<1x128xf32> to vector<128x128xf32>
    %add3A_53 = arith.addf %dot_general3A_51, %add3A_52 : vector<128x128xf32>
    %slice3A_54 = vector.extract_strided_slice %dot_general3A_51 {offsets = [127, 0], sizes = [1, 128], strides = [1, 1]} : vector<128x128xf32> to vector<1x128xf32>
    %add3A_55 = arith.addf %add3A_48, %slice3A_54 : vector<1x128xf32>
    %slice3A_56 = vector.extract_strided_slice %convert_element_type3A_18 {offsets = [640, 0], sizes = [128, 128], strides = [1, 1]} : vector<1024x128xf32> to vector<128x128xf32>
    %dot_general3A_57 = arith.constant dense<0.000000e+00> : vector<128x128xf32>
    %dot_general3A_58 = tpu.matmul %convert_element_type3A_21, %slice3A_56, %dot_general3A_57 {dimension_numbers = #tpu.dot_dimension_numbers<[1], [0], [0], [1], [0, 0, 1, 1], [], []>, transpose_lhs_hint = false} : vector<128x128xf32>, vector<128x128xf32>, vector<128x128xf32> -> vector<128x128xf32>
    %add3A_59 = vector.broadcast %add3A_55 : vector<1x128xf32> to vector<128x128xf32>
    %add3A_60 = arith.addf %dot_general3A_58, %add3A_59 : vector<128x128xf32>
    %slice3A_61 = vector.extract_strided_slice %dot_general3A_58 {offsets = [127, 0], sizes = [1, 128], strides = [1, 1]} : vector<128x128xf32> to vector<1x128xf32>
    %add3A_62 = arith.addf %add3A_55, %slice3A_61 : vector<1x128xf32>
    %slice3A_63 = vector.extract_strided_slice %convert_element_type3A_18 {offsets = [768, 0], sizes = [128, 128], strides = [1, 1]} : vector<1024x128xf32> to vector<128x128xf32>
    %dot_general3A_64 = arith.constant dense<0.000000e+00> : vector<128x128xf32>
    %dot_general3A_65 = tpu.matmul %convert_element_type3A_21, %slice3A_63, %dot_general3A_64 {dimension_numbers = #tpu.dot_dimension_numbers<[1], [0], [0], [1], [0, 0, 1, 1], [], []>, transpose_lhs_hint = false} : vector<128x128xf32>, vector<128x128xf32>, vector<128x128xf32> -> vector<128x128xf32>
    %add3A_66 = vector.broadcast %add3A_62 : vector<1x128xf32> to vector<128x128xf32>
    %add3A_67 = arith.addf %dot_general3A_65, %add3A_66 : vector<128x128xf32>
    %slice3A_68 = vector.extract_strided_slice %dot_general3A_65 {offsets = [127, 0], sizes = [1, 128], strides = [1, 1]} : vector<128x128xf32> to vector<1x128xf32>
    %add3A_69 = arith.addf %add3A_62, %slice3A_68 : vector<1x128xf32>
    %slice3A_70 = vector.extract_strided_slice %convert_element_type3A_18 {offsets = [896, 0], sizes = [128, 128], strides = [1, 1]} : vector<1024x128xf32> to vector<128x128xf32>
    %dot_general3A_71 = arith.constant dense<0.000000e+00> : vector<128x128xf32>
    %dot_general3A_72 = tpu.matmul %convert_element_type3A_21, %slice3A_70, %dot_general3A_71 {dimension_numbers = #tpu.dot_dimension_numbers<[1], [0], [0], [1], [0, 0, 1, 1], [], []>, transpose_lhs_hint = false} : vector<128x128xf32>, vector<128x128xf32>, vector<128x128xf32> -> vector<128x128xf32>
    %add3A_73 = vector.broadcast %add3A_69 : vector<1x128xf32> to vector<128x128xf32>
    %add3A_74 = arith.addf %dot_general3A_72, %add3A_73 : vector<128x128xf32>
    %concatenate3A = tpu.concatenate %add3A_25, %add3A_32, %add3A_39, %add3A_46, %add3A_53, %add3A_60, %add3A_67, %add3A_74 in 0 : vector<128x128xf32>, vector<128x128xf32>, vector<128x128xf32>, vector<128x128xf32>, vector<128x128xf32>, vector<128x128xf32>, vector<128x128xf32>, vector<128x128xf32> -> vector<1024x128xf32>
    %convert_element_type3A_75 = arith.fptosi %concatenate3A : vector<1024x128xf32> to vector<1024x128xi32>
    %sub3A_76 = arith.subi %convert_element_type3A_75, %convert_element_type3A_17 : vector<1024x128xi32>
    %lt3A_77 = vector.broadcast %sub3A_15 : vector<1x128xi32> to vector<1024x128xi32>
    %lt3A_78 = arith.cmpi slt, %sub3A_76, %lt3A_77 : vector<1024x128xi32>
    %convert_element_type3A_79 = arith.extui %lt3A_78 : vector<1024x128xi1> to vector<1024x128xi32>
    %mul3A = arith.muli %convert_element_type3A_17, %convert_element_type3A_79 : vector<1024x128xi32>
    %add3A_80 = arith.addi %convert_element_type3A, %mul3A : vector<1024x128xi32>
    %convert_element_type3A_81 = arith.sitofp %add3A_80 : vector<1024x128xi32> to vector<1024x128xf32>
    %iota3A_82 = tpu.iota {dimensions = array<i32: 1>} : vector<128x128xi32>
    %iota3A_83 = tpu.iota {dimensions = array<i32: 0>} : vector<128x128xi32>
    %le3A_84 = arith.cmpi sle, %iota3A_82, %iota3A_83 : vector<128x128xi32>
    %convert_element_type3A_85 = arith.extui %le3A_84 : vector<128x128xi1> to vector<128x128xi32>
    %convert_element_type3A_86 = arith.sitofp %convert_element_type3A_85 : vector<128x128xi32> to vector<128x128xf32>
    %broadcast_in_dim3A_87 = arith.constant 0.000000e+00 : f32
    %broadcast_in_dim3A_88 = vector.broadcast %broadcast_in_dim3A_87 : f32 to vector<1x128xf32>
    %slice3A_89 = vector.extract_strided_slice %convert_element_type3A_81 {offsets = [0, 0], sizes = [128, 128], strides = [1, 1]} : vector<1024x128xf32> to vector<128x128xf32>
    %dot_general3A_90 = arith.constant dense<0.000000e+00> : vector<128x128xf32>
    %dot_general3A_91 = tpu.matmul %convert_element_type3A_86, %slice3A_89, %dot_general3A_90 {dimension_numbers = #tpu.dot_dimension_numbers<[1], [0], [0], [1], [0, 0, 1, 1], [], []>, transpose_lhs_hint = false} : vector<128x128xf32>, vector<128x128xf32>, vector<128x128xf32> -> vector<128x128xf32>
    %add3A_92 = vector.broadcast %broadcast_in_dim3A_88 : vector<1x128xf32> to vector<128x128xf32>
    %add3A_93 = arith.addf %dot_general3A_91, %add3A_92 : vector<128x128xf32>
    %slice3A_94 = vector.extract_strided_slice %dot_general3A_91 {offsets = [127, 0], sizes = [1, 128], strides = [1, 1]} : vector<128x128xf32> to vector<1x128xf32>
    %add3A_95 = arith.addf %broadcast_in_dim3A_88, %slice3A_94 : vector<1x128xf32>
    %slice3A_96 = vector.extract_strided_slice %convert_element_type3A_81 {offsets = [128, 0], sizes = [128, 128], strides = [1, 1]} : vector<1024x128xf32> to vector<128x128xf32>
    %dot_general3A_97 = arith.constant dense<0.000000e+00> : vector<128x128xf32>
    %dot_general3A_98 = tpu.matmul %convert_element_type3A_86, %slice3A_96, %dot_general3A_97 {dimension_numbers = #tpu.dot_dimension_numbers<[1], [0], [0], [1], [0, 0, 1, 1], [], []>, transpose_lhs_hint = false} : vector<128x128xf32>, vector<128x128xf32>, vector<128x128xf32> -> vector<128x128xf32>
    %add3A_99 = vector.broadcast %add3A_95 : vector<1x128xf32> to vector<128x128xf32>
    %add3A_100 = arith.addf %dot_general3A_98, %add3A_99 : vector<128x128xf32>
    %slice3A_101 = vector.extract_strided_slice %dot_general3A_98 {offsets = [127, 0], sizes = [1, 128], strides = [1, 1]} : vector<128x128xf32> to vector<1x128xf32>
    %add3A_102 = arith.addf %add3A_95, %slice3A_101 : vector<1x128xf32>
    %slice3A_103 = vector.extract_strided_slice %convert_element_type3A_81 {offsets = [256, 0], sizes = [128, 128], strides = [1, 1]} : vector<1024x128xf32> to vector<128x128xf32>
    %dot_general3A_104 = arith.constant dense<0.000000e+00> : vector<128x128xf32>
    %dot_general3A_105 = tpu.matmul %convert_element_type3A_86, %slice3A_103, %dot_general3A_104 {dimension_numbers = #tpu.dot_dimension_numbers<[1], [0], [0], [1], [0, 0, 1, 1], [], []>, transpose_lhs_hint = false} : vector<128x128xf32>, vector<128x128xf32>, vector<128x128xf32> -> vector<128x128xf32>
    %add3A_106 = vector.broadcast %add3A_102 : vector<1x128xf32> to vector<128x128xf32>
    %add3A_107 = arith.addf %dot_general3A_105, %add3A_106 : vector<128x128xf32>
    %slice3A_108 = vector.extract_strided_slice %dot_general3A_105 {offsets = [127, 0], sizes = [1, 128], strides = [1, 1]} : vector<128x128xf32> to vector<1x128xf32>
    %add3A_109 = arith.addf %add3A_102, %slice3A_108 : vector<1x128xf32>
    %slice3A_110 = vector.extract_strided_slice %convert_element_type3A_81 {offsets = [384, 0], sizes = [128, 128], strides = [1, 1]} : vector<1024x128xf32> to vector<128x128xf32>
    %dot_general3A_111 = arith.constant dense<0.000000e+00> : vector<128x128xf32>
    %dot_general3A_112 = tpu.matmul %convert_element_type3A_86, %slice3A_110, %dot_general3A_111 {dimension_numbers = #tpu.dot_dimension_numbers<[1], [0], [0], [1], [0, 0, 1, 1], [], []>, transpose_lhs_hint = false} : vector<128x128xf32>, vector<128x128xf32>, vector<128x128xf32> -> vector<128x128xf32>
    %add3A_113 = vector.broadcast %add3A_109 : vector<1x128xf32> to vector<128x128xf32>
    %add3A_114 = arith.addf %dot_general3A_112, %add3A_113 : vector<128x128xf32>
    %slice3A_115 = vector.extract_strided_slice %dot_general3A_112 {offsets = [127, 0], sizes = [1, 128], strides = [1, 1]} : vector<128x128xf32> to vector<1x128xf32>
    %add3A_116 = arith.addf %add3A_109, %slice3A_115 : vector<1x128xf32>
    %slice3A_117 = vector.extract_strided_slice %convert_element_type3A_81 {offsets = [512, 0], sizes = [128, 128], strides = [1, 1]} : vector<1024x128xf32> to vector<128x128xf32>
    %dot_general3A_118 = arith.constant dense<0.000000e+00> : vector<128x128xf32>
    %dot_general3A_119 = tpu.matmul %convert_element_type3A_86, %slice3A_117, %dot_general3A_118 {dimension_numbers = #tpu.dot_dimension_numbers<[1], [0], [0], [1], [0, 0, 1, 1], [], []>, transpose_lhs_hint = false} : vector<128x128xf32>, vector<128x128xf32>, vector<128x128xf32> -> vector<128x128xf32>
    %add3A_120 = vector.broadcast %add3A_116 : vector<1x128xf32> to vector<128x128xf32>
    %add3A_121 = arith.addf %dot_general3A_119, %add3A_120 : vector<128x128xf32>
    %slice3A_122 = vector.extract_strided_slice %dot_general3A_119 {offsets = [127, 0], sizes = [1, 128], strides = [1, 1]} : vector<128x128xf32> to vector<1x128xf32>
    %add3A_123 = arith.addf %add3A_116, %slice3A_122 : vector<1x128xf32>
    %slice3A_124 = vector.extract_strided_slice %convert_element_type3A_81 {offsets = [640, 0], sizes = [128, 128], strides = [1, 1]} : vector<1024x128xf32> to vector<128x128xf32>
    %dot_general3A_125 = arith.constant dense<0.000000e+00> : vector<128x128xf32>
    %dot_general3A_126 = tpu.matmul %convert_element_type3A_86, %slice3A_124, %dot_general3A_125 {dimension_numbers = #tpu.dot_dimension_numbers<[1], [0], [0], [1], [0, 0, 1, 1], [], []>, transpose_lhs_hint = false} : vector<128x128xf32>, vector<128x128xf32>, vector<128x128xf32> -> vector<128x128xf32>
    %add3A_127 = vector.broadcast %add3A_123 : vector<1x128xf32> to vector<128x128xf32>
    %add3A_128 = arith.addf %dot_general3A_126, %add3A_127 : vector<128x128xf32>
    %slice3A_129 = vector.extract_strided_slice %dot_general3A_126 {offsets = [127, 0], sizes = [1, 128], strides = [1, 1]} : vector<128x128xf32> to vector<1x128xf32>
    %add3A_130 = arith.addf %add3A_123, %slice3A_129 : vector<1x128xf32>
    %slice3A_131 = vector.extract_strided_slice %convert_element_type3A_81 {offsets = [768, 0], sizes = [128, 128], strides = [1, 1]} : vector<1024x128xf32> to vector<128x128xf32>
    %dot_general3A_132 = arith.constant dense<0.000000e+00> : vector<128x128xf32>
    %dot_general3A_133 = tpu.matmul %convert_element_type3A_86, %slice3A_131, %dot_general3A_132 {dimension_numbers = #tpu.dot_dimension_numbers<[1], [0], [0], [1], [0, 0, 1, 1], [], []>, transpose_lhs_hint = false} : vector<128x128xf32>, vector<128x128xf32>, vector<128x128xf32> -> vector<128x128xf32>
    %add3A_134 = vector.broadcast %add3A_130 : vector<1x128xf32> to vector<128x128xf32>
    %add3A_135 = arith.addf %dot_general3A_133, %add3A_134 : vector<128x128xf32>
    %slice3A_136 = vector.extract_strided_slice %dot_general3A_133 {offsets = [127, 0], sizes = [1, 128], strides = [1, 1]} : vector<128x128xf32> to vector<1x128xf32>
    %add3A_137 = arith.addf %add3A_130, %slice3A_136 : vector<1x128xf32>
    %slice3A_138 = vector.extract_strided_slice %convert_element_type3A_81 {offsets = [896, 0], sizes = [128, 128], strides = [1, 1]} : vector<1024x128xf32> to vector<128x128xf32>
    %dot_general3A_139 = arith.constant dense<0.000000e+00> : vector<128x128xf32>
    %dot_general3A_140 = tpu.matmul %convert_element_type3A_86, %slice3A_138, %dot_general3A_139 {dimension_numbers = #tpu.dot_dimension_numbers<[1], [0], [0], [1], [0, 0, 1, 1], [], []>, transpose_lhs_hint = false} : vector<128x128xf32>, vector<128x128xf32>, vector<128x128xf32> -> vector<128x128xf32>
    %add3A_141 = vector.broadcast %add3A_137 : vector<1x128xf32> to vector<128x128xf32>
    %add3A_142 = arith.addf %dot_general3A_140, %add3A_141 : vector<128x128xf32>
    %concatenate3A_143 = tpu.concatenate %add3A_93, %add3A_100, %add3A_107, %add3A_114, %add3A_121, %add3A_128, %add3A_135, %add3A_142 in 0 : vector<128x128xf32>, vector<128x128xf32>, vector<128x128xf32>, vector<128x128xf32>, vector<128x128xf32>, vector<128x128xf32>, vector<128x128xf32>, vector<128x128xf32> -> vector<1024x128xf32>
    %convert_element_type3A_144 = arith.fptosi %concatenate3A_143 : vector<1024x128xf32> to vector<1024x128xi32>
    %swap3A = arith.constant 0 : index
    %swap3A_145 = arith.constant 0 : index
    %swap3A_146 = arith.constant 0 : index
    %swap3A_147 = vector.load %arg3[%swap3A, %swap3A_145, %swap3A_146] : memref<1x1024x128xi32, #tpu.memory_space<vmem>>, vector<1x1024x128xi32>
    %swap3A_148 = vector.shape_cast %swap3A_147 : vector<1x1024x128xi32> to vector<1024x128xi32>
    %swap3A_149 = vector.shape_cast %convert_element_type3A_144 : vector<1024x128xi32> to vector<1x1024x128xi32>
    tpu.vector_store %arg3[%swap3A, %swap3A_145, %swap3A_146], %swap3A_149 {strides = array<i32>} : memref<1x1024x128xi32, #tpu.memory_space<vmem>>, vector<1x1024x128xi32>,
    return
  }
  func.func @transform_0(%arg0: i32, %arg1: i32) -> (i32, i32, i32) {
    %c0_i32 = arith.constant 0 : i32
    %c0_i32_0 = arith.constant 0 : i32
    return %arg0, %c0_i32, %arg1 : i32, i32, i32
  }
  func.func @transform_1(%arg0: i32, %arg1: i32) -> (i32, i32, i32) {
    %c0_i32 = arith.constant 0 : i32
    %c0_i32_0 = arith.constant 0 : i32
    return %arg0, %c0_i32, %arg1 : i32, i32, i32
  }
}

module attributes {stable_mosaic.version = 14 : i64} {
  func.func @_kc1_body(%arg0: i32, %arg1: memref<64x32x128xf32, #tpu.memory_space<vmem>>, %arg2: memref<64x128xf32, #tpu.memory_space<vmem>>, %arg3: memref<2x128xf32, #tpu.memory_space<vmem>>) attributes {dimension_semantics = [#tpu.dimension_semantics<arbitrary>], iteration_bounds = array<i64: 64>, scalar_prefetch = 0 : i64, scratch_operands = 0 : i64, tpu.core_type = #tpu.core_type<tc>, window_params = [{transform_indices = @transform_0, window_bounds = array<i64: 64, 32, 128>}, {transform_indices = @transform_1, window_bounds = array<i64: 64, 128>}, {pipeline_mode = #tpu.pipeline_mode<synchronous>, transform_indices = @transform_2, window_bounds = array<i64: 2, 128>}]} {
    %get3A = arith.constant 0 : index
    %get3A_0 = arith.constant 0 : index
    %get3A_1 = arith.constant 0 : index
    %get3A_2 = vector.load %arg1[%get3A, %get3A_0, %get3A_1] : memref<64x32x128xf32, #tpu.memory_space<vmem>>, vector<64x32x128xf32>
    %get3A_3 = arith.constant 0 : index
    %get3A_4 = arith.constant 0 : index
    %get3A_5 = vector.load %arg2[%get3A_3, %get3A_4] : memref<64x128xf32, #tpu.memory_space<vmem>>, vector<64x128xf32>
    %broadcast_in_dim3A = vector.shape_cast %get3A_5 : vector<64x128xf32> to vector<64x1x128xf32>
    %add3A = vector.broadcast %broadcast_in_dim3A : vector<64x1x128xf32> to vector<64x32x128xf32>
    %add3A_6 = arith.addf %get3A_2, %add3A : vector<64x32x128xf32>
    %reduce_sum3A = arith.constant dense<0.000000e+00> : vector<128xf32>
    %reduce_sum3A_7 = vector.multi_reduction <add>, %add3A_6, %reduce_sum3A [0, 1] : vector<64x32x128xf32> to vector<128xf32>
    %broadcast_in_dim3A_8 = vector.shape_cast %reduce_sum3A_7 : vector<128xf32> to vector<1x1x128xf32>
    %squeeze3A = vector.shape_cast %broadcast_in_dim3A_8 : vector<1x1x128xf32> to vector<1x128xf32>
    %mul3A = arith.mulf %add3A_6, %add3A_6 : vector<64x32x128xf32>
    %reduce_sum3A_9 = arith.constant dense<0.000000e+00> : vector<128xf32>
    %reduce_sum3A_10 = vector.multi_reduction <add>, %mul3A, %reduce_sum3A_9 [0, 1] : vector<64x32x128xf32> to vector<128xf32>
    %broadcast_in_dim3A_11 = vector.shape_cast %reduce_sum3A_10 : vector<128xf32> to vector<1x1x128xf32>
    %squeeze3A_12 = vector.shape_cast %broadcast_in_dim3A_11 : vector<1x1x128xf32> to vector<1x128xf32>
    %concatenate3A = tpu.concatenate %squeeze3A, %squeeze3A_12 in 0 : vector<1x128xf32>, vector<1x128xf32> -> vector<2x128xf32>
    %eq3A = arith.constant 0 : i32
    %eq3A_13 = arith.cmpi eq, %arg0, %eq3A : i32
    %convert_element_type3A = arith.extui %eq3A_13 : i1 to i32
    %cond3A = arith.constant 0 : i32
    %cond3A_14 = arith.cmpi ne, %convert_element_type3A, %cond3A : i32
    scf.if %cond3A_14 {
      %swap3A = arith.constant 0 : index
      %swap3A_19 = arith.constant 0 : index
      %swap3A_20 = vector.load %arg3[%swap3A, %swap3A_19] : memref<2x128xf32, #tpu.memory_space<vmem>>, vector<2x128xf32>
      tpu.vector_store %arg3[%swap3A, %swap3A_19], %concatenate3A {strides = array<i32>} : memref<2x128xf32, #tpu.memory_space<vmem>>, vector<2x128xf32>,
    } else {
    }
    %gt3A = arith.constant 0 : i32
    %gt3A_15 = arith.cmpi sgt, %arg0, %gt3A : i32
    %convert_element_type3A_16 = arith.extui %gt3A_15 : i1 to i32
    %cond3A_17 = arith.constant 0 : i32
    %cond3A_18 = arith.cmpi ne, %convert_element_type3A_16, %cond3A_17 : i32
    scf.if %cond3A_18 {
      %get3A_19 = arith.constant 0 : index
      %get3A_20 = arith.constant 0 : index
      %get3A_21 = vector.load %arg3[%get3A_19, %get3A_20] : memref<2x128xf32, #tpu.memory_space<vmem>>, vector<2x128xf32>
      %add3A_22 = arith.addf %get3A_21, %concatenate3A : vector<2x128xf32>
      %swap3A = arith.constant 0 : index
      %swap3A_23 = arith.constant 0 : index
      %swap3A_24 = vector.load %arg3[%swap3A, %swap3A_23] : memref<2x128xf32, #tpu.memory_space<vmem>>, vector<2x128xf32>
      tpu.vector_store %arg3[%swap3A, %swap3A_23], %add3A_22 {strides = array<i32>} : memref<2x128xf32, #tpu.memory_space<vmem>>, vector<2x128xf32>,
    } else {
    }
    return
  }
  func.func @transform_0(%arg0: i32) -> (i32, i32, i32) {
    %c0_i32 = arith.constant 0 : i32
    %c0_i32_0 = arith.constant 0 : i32
    %c0_i32_1 = arith.constant 0 : i32
    return %arg0, %c0_i32, %c0_i32_0 : i32, i32, i32
  }
  func.func @transform_1(%arg0: i32) -> (i32, i32) {
    %c0_i32 = arith.constant 0 : i32
    %c0_i32_0 = arith.constant 0 : i32
    return %arg0, %c0_i32 : i32, i32
  }
  func.func @transform_2(%arg0: i32) -> (i32, i32) {
    %c0_i32 = arith.constant 0 : i32
    %c0_i32_0 = arith.constant 0 : i32
    %c0_i32_1 = arith.constant 0 : i32
    return %c0_i32, %c0_i32_0 : i32, i32
  }
}

module attributes {stable_mosaic.version = 14 : i64} {
  func.func @_kc2_body(%arg0: i32, %arg1: memref<64x32x128xf32, #tpu.memory_space<vmem>>, %arg2: memref<64x128xf32, #tpu.memory_space<vmem>>, %arg3: memref<2x128xf32, #tpu.memory_space<vmem>>, %arg4: memref<2x128xf32, #tpu.memory_space<vmem>>, %arg5: memref<128x128xf32, #tpu.memory_space<vmem>>, %arg6: memref<1x128xf32, #tpu.memory_space<vmem>>, %arg7: memref<64x32x128xf32, #tpu.memory_space<vmem>>, %arg8: memref<2x128xf32, #tpu.memory_space<vmem>>) attributes {dimension_semantics = [#tpu.dimension_semantics<arbitrary>], iteration_bounds = array<i64: 64>, scalar_prefetch = 0 : i64, scratch_operands = 0 : i64, tpu.core_type = #tpu.core_type<tc>, window_params = [{transform_indices = @transform_0, window_bounds = array<i64: 64, 32, 128>}, {transform_indices = @transform_1, window_bounds = array<i64: 64, 128>}, {pipeline_mode = #tpu.pipeline_mode<synchronous>, transform_indices = @transform_2, window_bounds = array<i64: 2, 128>}, {pipeline_mode = #tpu.pipeline_mode<synchronous>, transform_indices = @transform_3, window_bounds = array<i64: 2, 128>}, {pipeline_mode = #tpu.pipeline_mode<synchronous>, transform_indices = @transform_4, window_bounds = array<i64: 128, 128>}, {pipeline_mode = #tpu.pipeline_mode<synchronous>, transform_indices = @transform_5, window_bounds = array<i64: 1, 128>}, {transform_indices = @transform_6, window_bounds = array<i64: 64, 32, 128>}, {pipeline_mode = #tpu.pipeline_mode<synchronous>, transform_indices = @transform_7, window_bounds = array<i64: 2, 128>}]} {
    %get3A = arith.constant 0 : index
    %get3A_0 = arith.constant 0 : index
    %get3A_1 = vector.load %arg3[%get3A, %get3A_0] : memref<2x128xf32, #tpu.memory_space<vmem>>, vector<2x128xf32>
    %slice3A = vector.extract_strided_slice %get3A_1 {offsets = [0, 0], sizes = [2, 64], strides = [1, 1]} : vector<2x128xf32> to vector<2x64xf32>
    %slice3A_2 = vector.extract_strided_slice %get3A_1 {offsets = [0, 64], sizes = [2, 64], strides = [1, 1]} : vector<2x128xf32> to vector<2x64xf32>
    %add3A = arith.addf %slice3A, %slice3A_2 : vector<2x64xf32>
    %concatenate3A = tpu.concatenate %add3A, %add3A in 1 : vector<2x64xf32>, vector<2x64xf32> -> vector<2x128xf32>
    %slice3A_3 = vector.extract_strided_slice %concatenate3A {offsets = [0, 0], sizes = [1, 128], strides = [1, 1]} : vector<2x128xf32> to vector<1x128xf32>
    %div3A = arith.constant 2.621440e+05 : f32
    %div3A_4 = vector.broadcast %div3A : f32 to vector<1x128xf32>
    %div3A_5 = arith.divf %slice3A_3, %div3A_4 : vector<1x128xf32>
    %slice3A_6 = vector.extract_strided_slice %concatenate3A {offsets = [1, 0], sizes = [1, 128], strides = [1, 1]} : vector<2x128xf32> to vector<1x128xf32>
    %div3A_7 = arith.constant 2.621440e+05 : f32
    %div3A_8 = vector.broadcast %div3A_7 : f32 to vector<1x128xf32>
    %div3A_9 = arith.divf %slice3A_6, %div3A_8 : vector<1x128xf32>
    %mul3A = arith.mulf %div3A_5, %div3A_5 : vector<1x128xf32>
    %sub3A = arith.subf %div3A_9, %mul3A : vector<1x128xf32>
    %add3A_10 = arith.constant 1.000000e-03 : f32
    %add3A_11 = vector.broadcast %add3A_10 : f32 to vector<1x128xf32>
    %add3A_12 = arith.addf %sub3A, %add3A_11 : vector<1x128xf32>
    %rsqrt3A = math.rsqrt %add3A_12 : vector<1x128xf32>
    %get3A_13 = arith.constant 0 : index
    %get3A_14 = arith.constant 0 : index
    %get3A_15 = arith.constant 0 : index
    %get3A_16 = vector.load %arg1[%get3A_13, %get3A_14, %get3A_15] : memref<64x32x128xf32, #tpu.memory_space<vmem>>, vector<64x32x128xf32>
    %get3A_17 = arith.constant 0 : index
    %get3A_18 = arith.constant 0 : index
    %get3A_19 = vector.load %arg2[%get3A_17, %get3A_18] : memref<64x128xf32, #tpu.memory_space<vmem>>, vector<64x128xf32>
    %broadcast_in_dim3A = vector.shape_cast %get3A_19 : vector<64x128xf32> to vector<64x1x128xf32>
    %add3A_20 = vector.broadcast %broadcast_in_dim3A : vector<64x1x128xf32> to vector<64x32x128xf32>
    %add3A_21 = arith.addf %get3A_16, %add3A_20 : vector<64x32x128xf32>
    %reshape3A = vector.shape_cast %add3A_21 : vector<64x32x128xf32> to vector<2048x128xf32>
    %sub3A_22 = vector.broadcast %div3A_5 : vector<1x128xf32> to vector<2048x128xf32>
    %sub3A_23 = arith.subf %reshape3A, %sub3A_22 : vector<2048x128xf32>
    %mul3A_24 = vector.broadcast %rsqrt3A : vector<1x128xf32> to vector<2048x128xf32>
    %mul3A_25 = arith.mulf %sub3A_23, %mul3A_24 : vector<2048x128xf32>
    %get3A_26 = arith.constant 0 : index
    %get3A_27 = arith.constant 0 : index
    %get3A_28 = vector.load %arg4[%get3A_26, %get3A_27] : memref<2x128xf32, #tpu.memory_space<vmem>>, vector<1x128xf32>
    %mul3A_29 = vector.broadcast %get3A_28 : vector<1x128xf32> to vector<2048x128xf32>
    %mul3A_30 = arith.mulf %mul3A_25, %mul3A_29 : vector<2048x128xf32>
    %get3A_31 = arith.constant 1 : index
    %get3A_32 = arith.constant 0 : index
    %get3A_33 = vector.load %arg4[%get3A_31, %get3A_32] : memref<2x128xf32, #tpu.memory_space<vmem>>, vector<1x128xf32>
    %add3A_34 = vector.broadcast %get3A_33 : vector<1x128xf32> to vector<2048x128xf32>
    %add3A_35 = arith.addf %mul3A_30, %add3A_34 : vector<2048x128xf32>
    %max3A = arith.constant 0.000000e+00 : f32
    %max3A_36 = vector.broadcast %max3A : f32 to vector<2048x128xf32>
    %max3A_37 = arith.maximumf %add3A_35, %max3A_36 : vector<2048x128xf32>
    %get3A_38 = arith.constant 0 : index
    %get3A_39 = arith.constant 0 : index
    %get3A_40 = vector.load %arg5[%get3A_38, %get3A_39] : memref<128x128xf32, #tpu.memory_space<vmem>>, vector<128x128xf32>
    %dot_general3A = arith.constant dense<0.000000e+00> : vector<2048x128xf32>
    %dot_general3A_41 = tpu.matmul %max3A_37, %get3A_40, %dot_general3A {dimension_numbers = #tpu.dot_dimension_numbers<[1], [0], [0], [1], [0, 0, 1, 1], [], []>, transpose_lhs_hint = false} : vector<2048x128xf32>, vector<128x128xf32>, vector<2048x128xf32> -> vector<2048x128xf32>
    %get3A_42 = arith.constant 0 : index
    %get3A_43 = arith.constant 0 : index
    %get3A_44 = vector.load %arg6[%get3A_42, %get3A_43] : memref<1x128xf32, #tpu.memory_space<vmem>>, vector<1x128xf32>
    %add3A_45 = vector.broadcast %get3A_44 : vector<1x128xf32> to vector<2048x128xf32>
    %add3A_46 = arith.addf %dot_general3A_41, %add3A_45 : vector<2048x128xf32>
    %reshape3A_47 = vector.shape_cast %add3A_46 : vector<2048x128xf32> to vector<64x32x128xf32>
    %swap3A = arith.constant 0 : index
    %swap3A_48 = arith.constant 0 : index
    %swap3A_49 = arith.constant 0 : index
    %swap3A_50 = vector.load %arg7[%swap3A, %swap3A_48, %swap3A_49] : memref<64x32x128xf32, #tpu.memory_space<vmem>>, vector<64x32x128xf32>
    tpu.vector_store %arg7[%swap3A, %swap3A_48, %swap3A_49], %reshape3A_47 {strides = array<i32>} : memref<64x32x128xf32, #tpu.memory_space<vmem>>, vector<64x32x128xf32>,
    %reduce_sum3A = arith.constant dense<0.000000e+00> : vector<128xf32>
    %reduce_sum3A_51 = vector.multi_reduction <add>, %add3A_46, %reduce_sum3A [0] : vector<2048x128xf32> to vector<128xf32>
    %broadcast_in_dim3A_52 = vector.shape_cast %reduce_sum3A_51 : vector<128xf32> to vector<1x128xf32>
    %mul3A_53 = arith.mulf %add3A_46, %add3A_46 : vector<2048x128xf32>
    %reduce_sum3A_54 = arith.constant dense<0.000000e+00> : vector<128xf32>
    %reduce_sum3A_55 = vector.multi_reduction <add>, %mul3A_53, %reduce_sum3A_54 [0] : vector<2048x128xf32> to vector<128xf32>
    %broadcast_in_dim3A_56 = vector.shape_cast %reduce_sum3A_55 : vector<128xf32> to vector<1x128xf32>
    %concatenate3A_57 = tpu.concatenate %broadcast_in_dim3A_52, %broadcast_in_dim3A_56 in 0 : vector<1x128xf32>, vector<1x128xf32> -> vector<2x128xf32>
    %eq3A = arith.constant 0 : i32
    %eq3A_58 = arith.cmpi eq, %arg0, %eq3A : i32
    %convert_element_type3A = arith.extui %eq3A_58 : i1 to i32
    %cond3A = arith.constant 0 : i32
    %cond3A_59 = arith.cmpi ne, %convert_element_type3A, %cond3A : i32
    scf.if %cond3A_59 {
      %swap3A_64 = arith.constant 0 : index
      %swap3A_65 = arith.constant 0 : index
      %swap3A_66 = vector.load %arg8[%swap3A_64, %swap3A_65] : memref<2x128xf32, #tpu.memory_space<vmem>>, vector<2x128xf32>
      tpu.vector_store %arg8[%swap3A_64, %swap3A_65], %concatenate3A_57 {strides = array<i32>} : memref<2x128xf32, #tpu.memory_space<vmem>>, vector<2x128xf32>,
    } else {
    }
    %gt3A = arith.constant 0 : i32
    %gt3A_60 = arith.cmpi sgt, %arg0, %gt3A : i32
    %convert_element_type3A_61 = arith.extui %gt3A_60 : i1 to i32
    %cond3A_62 = arith.constant 0 : i32
    %cond3A_63 = arith.cmpi ne, %convert_element_type3A_61, %cond3A_62 : i32
    scf.if %cond3A_63 {
      %get3A_64 = arith.constant 0 : index
      %get3A_65 = arith.constant 0 : index
      %get3A_66 = vector.load %arg8[%get3A_64, %get3A_65] : memref<2x128xf32, #tpu.memory_space<vmem>>, vector<2x128xf32>
      %add3A_67 = arith.addf %get3A_66, %concatenate3A_57 : vector<2x128xf32>
      %swap3A_68 = arith.constant 0 : index
      %swap3A_69 = arith.constant 0 : index
      %swap3A_70 = vector.load %arg8[%swap3A_68, %swap3A_69] : memref<2x128xf32, #tpu.memory_space<vmem>>, vector<2x128xf32>
      tpu.vector_store %arg8[%swap3A_68, %swap3A_69], %add3A_67 {strides = array<i32>} : memref<2x128xf32, #tpu.memory_space<vmem>>, vector<2x128xf32>,
    } else {
    }
    return
  }
  func.func @transform_0(%arg0: i32) -> (i32, i32, i32) {
    %c0_i32 = arith.constant 0 : i32
    %c0_i32_0 = arith.constant 0 : i32
    %c0_i32_1 = arith.constant 0 : i32
    return %arg0, %c0_i32, %c0_i32_0 : i32, i32, i32
  }
  func.func @transform_1(%arg0: i32) -> (i32, i32) {
    %c0_i32 = arith.constant 0 : i32
    %c0_i32_0 = arith.constant 0 : i32
    return %arg0, %c0_i32 : i32, i32
  }
  func.func @transform_2(%arg0: i32) -> (i32, i32) {
    %c0_i32 = arith.constant 0 : i32
    %c0_i32_0 = arith.constant 0 : i32
    %c0_i32_1 = arith.constant 0 : i32
    return %c0_i32, %c0_i32_0 : i32, i32
  }
  func.func @transform_3(%arg0: i32) -> (i32, i32) {
    %c0_i32 = arith.constant 0 : i32
    %c0_i32_0 = arith.constant 0 : i32
    %c0_i32_1 = arith.constant 0 : i32
    return %c0_i32, %c0_i32_0 : i32, i32
  }
  func.func @transform_4(%arg0: i32) -> (i32, i32) {
    %c0_i32 = arith.constant 0 : i32
    %c0_i32_0 = arith.constant 0 : i32
    %c0_i32_1 = arith.constant 0 : i32
    return %c0_i32, %c0_i32_0 : i32, i32
  }
  func.func @transform_5(%arg0: i32) -> (i32, i32) {
    %c0_i32 = arith.constant 0 : i32
    %c0_i32_0 = arith.constant 0 : i32
    %c0_i32_1 = arith.constant 0 : i32
    return %c0_i32, %c0_i32_0 : i32, i32
  }
  func.func @transform_6(%arg0: i32) -> (i32, i32, i32) {
    %c0_i32 = arith.constant 0 : i32
    %c0_i32_0 = arith.constant 0 : i32
    %c0_i32_1 = arith.constant 0 : i32
    return %arg0, %c0_i32, %c0_i32_0 : i32, i32, i32
  }
  func.func @transform_7(%arg0: i32) -> (i32, i32) {
    %c0_i32 = arith.constant 0 : i32
    %c0_i32_0 = arith.constant 0 : i32
    %c0_i32_1 = arith.constant 0 : i32
    return %c0_i32, %c0_i32_0 : i32, i32
  }
}

module attributes {stable_mosaic.version = 14 : i64} {
  func.func @_kc3_body(%arg0: i32, %arg1: memref<64x32x128xf32, #tpu.memory_space<vmem>>, %arg2: memref<2x128xf32, #tpu.memory_space<vmem>>, %arg3: memref<2x128xf32, #tpu.memory_space<vmem>>, %arg4: memref<128x128xf32, #tpu.memory_space<vmem>>, %arg5: memref<1x128xf32, #tpu.memory_space<vmem>>, %arg6: memref<64x64xf32, #tpu.memory_space<vmem>>, %arg7: memref<64x64xf32, #tpu.memory_space<vmem>>, %arg8: memref<2x128xf32, #tpu.memory_space<vmem>>) attributes {dimension_semantics = [#tpu.dimension_semantics<arbitrary>], iteration_bounds = array<i64: 64>, scalar_prefetch = 0 : i64, scratch_operands = 0 : i64, tpu.core_type = #tpu.core_type<tc>, window_params = [{transform_indices = @transform_0, window_bounds = array<i64: 64, 32, 128>}, {pipeline_mode = #tpu.pipeline_mode<synchronous>, transform_indices = @transform_1, window_bounds = array<i64: 2, 128>}, {pipeline_mode = #tpu.pipeline_mode<synchronous>, transform_indices = @transform_2, window_bounds = array<i64: 2, 128>}, {pipeline_mode = #tpu.pipeline_mode<synchronous>, transform_indices = @transform_3, window_bounds = array<i64: 128, 128>}, {pipeline_mode = #tpu.pipeline_mode<synchronous>, transform_indices = @transform_4, window_bounds = array<i64: 1, 128>}, {transform_indices = @transform_5, window_bounds = array<i64: 64, 64>}, {transform_indices = @transform_6, window_bounds = array<i64: 64, 64>}, {pipeline_mode = #tpu.pipeline_mode<synchronous>, transform_indices = @transform_7, window_bounds = array<i64: 2, 128>}]} {
    %get3A = arith.constant 0 : index
    %get3A_0 = arith.constant 0 : index
    %get3A_1 = vector.load %arg2[%get3A, %get3A_0] : memref<2x128xf32, #tpu.memory_space<vmem>>, vector<2x128xf32>
    %slice3A = vector.extract_strided_slice %get3A_1 {offsets = [0, 0], sizes = [2, 64], strides = [1, 1]} : vector<2x128xf32> to vector<2x64xf32>
    %slice3A_2 = vector.extract_strided_slice %get3A_1 {offsets = [0, 64], sizes = [2, 64], strides = [1, 1]} : vector<2x128xf32> to vector<2x64xf32>
    %add3A = arith.addf %slice3A, %slice3A_2 : vector<2x64xf32>
    %concatenate3A = tpu.concatenate %add3A, %add3A in 1 : vector<2x64xf32>, vector<2x64xf32> -> vector<2x128xf32>
    %slice3A_3 = vector.extract_strided_slice %concatenate3A {offsets = [0, 0], sizes = [1, 128], strides = [1, 1]} : vector<2x128xf32> to vector<1x128xf32>
    %div3A = arith.constant 2.621440e+05 : f32
    %div3A_4 = vector.broadcast %div3A : f32 to vector<1x128xf32>
    %div3A_5 = arith.divf %slice3A_3, %div3A_4 : vector<1x128xf32>
    %slice3A_6 = vector.extract_strided_slice %concatenate3A {offsets = [1, 0], sizes = [1, 128], strides = [1, 1]} : vector<2x128xf32> to vector<1x128xf32>
    %div3A_7 = arith.constant 2.621440e+05 : f32
    %div3A_8 = vector.broadcast %div3A_7 : f32 to vector<1x128xf32>
    %div3A_9 = arith.divf %slice3A_6, %div3A_8 : vector<1x128xf32>
    %mul3A = arith.mulf %div3A_5, %div3A_5 : vector<1x128xf32>
    %sub3A = arith.subf %div3A_9, %mul3A : vector<1x128xf32>
    %add3A_10 = arith.constant 1.000000e-03 : f32
    %add3A_11 = vector.broadcast %add3A_10 : f32 to vector<1x128xf32>
    %add3A_12 = arith.addf %sub3A, %add3A_11 : vector<1x128xf32>
    %rsqrt3A = math.rsqrt %add3A_12 : vector<1x128xf32>
    %get3A_13 = arith.constant 0 : index
    %get3A_14 = arith.constant 0 : index
    %get3A_15 = arith.constant 0 : index
    %get3A_16 = vector.load %arg1[%get3A_13, %get3A_14, %get3A_15] : memref<64x32x128xf32, #tpu.memory_space<vmem>>, vector<64x32x128xf32>
    %reshape3A = vector.shape_cast %get3A_16 : vector<64x32x128xf32> to vector<2048x128xf32>
    %sub3A_17 = vector.broadcast %div3A_5 : vector<1x128xf32> to vector<2048x128xf32>
    %sub3A_18 = arith.subf %reshape3A, %sub3A_17 : vector<2048x128xf32>
    %mul3A_19 = vector.broadcast %rsqrt3A : vector<1x128xf32> to vector<2048x128xf32>
    %mul3A_20 = arith.mulf %sub3A_18, %mul3A_19 : vector<2048x128xf32>
    %get3A_21 = arith.constant 0 : index
    %get3A_22 = arith.constant 0 : index
    %get3A_23 = vector.load %arg3[%get3A_21, %get3A_22] : memref<2x128xf32, #tpu.memory_space<vmem>>, vector<1x128xf32>
    %mul3A_24 = vector.broadcast %get3A_23 : vector<1x128xf32> to vector<2048x128xf32>
    %mul3A_25 = arith.mulf %mul3A_20, %mul3A_24 : vector<2048x128xf32>
    %get3A_26 = arith.constant 1 : index
    %get3A_27 = arith.constant 0 : index
    %get3A_28 = vector.load %arg3[%get3A_26, %get3A_27] : memref<2x128xf32, #tpu.memory_space<vmem>>, vector<1x128xf32>
    %add3A_29 = vector.broadcast %get3A_28 : vector<1x128xf32> to vector<2048x128xf32>
    %add3A_30 = arith.addf %mul3A_25, %add3A_29 : vector<2048x128xf32>
    %max3A = arith.constant 0.000000e+00 : f32
    %max3A_31 = vector.broadcast %max3A : f32 to vector<2048x128xf32>
    %max3A_32 = arith.maximumf %add3A_30, %max3A_31 : vector<2048x128xf32>
    %get3A_33 = arith.constant 0 : index
    %get3A_34 = arith.constant 0 : index
    %get3A_35 = vector.load %arg4[%get3A_33, %get3A_34] : memref<128x128xf32, #tpu.memory_space<vmem>>, vector<128x128xf32>
    %dot_general3A = arith.constant dense<0.000000e+00> : vector<2048x128xf32>
    %dot_general3A_36 = tpu.matmul %max3A_32, %get3A_35, %dot_general3A {dimension_numbers = #tpu.dot_dimension_numbers<[1], [0], [0], [1], [0, 0, 1, 1], [], []>, transpose_lhs_hint = false} : vector<2048x128xf32>, vector<128x128xf32>, vector<2048x128xf32> -> vector<2048x128xf32>
    %get3A_37 = arith.constant 0 : index
    %get3A_38 = arith.constant 0 : index
    %get3A_39 = vector.load %arg5[%get3A_37, %get3A_38] : memref<1x128xf32, #tpu.memory_space<vmem>>, vector<1x128xf32>
    %add3A_40 = vector.broadcast %get3A_39 : vector<1x128xf32> to vector<2048x128xf32>
    %add3A_41 = arith.addf %dot_general3A_36, %add3A_40 : vector<2048x128xf32>
    %reduce_sum3A = arith.constant dense<0.000000e+00> : vector<128xf32>
    %reduce_sum3A_42 = vector.multi_reduction <add>, %add3A_41, %reduce_sum3A [0] : vector<2048x128xf32> to vector<128xf32>
    %broadcast_in_dim3A = vector.shape_cast %reduce_sum3A_42 : vector<128xf32> to vector<1x128xf32>
    %mul3A_43 = arith.mulf %add3A_41, %add3A_41 : vector<2048x128xf32>
    %reduce_sum3A_44 = arith.constant dense<0.000000e+00> : vector<128xf32>
    %reduce_sum3A_45 = vector.multi_reduction <add>, %mul3A_43, %reduce_sum3A_44 [0] : vector<2048x128xf32> to vector<128xf32>
    %broadcast_in_dim3A_46 = vector.shape_cast %reduce_sum3A_45 : vector<128xf32> to vector<1x128xf32>
    %concatenate3A_47 = tpu.concatenate %broadcast_in_dim3A, %broadcast_in_dim3A_46 in 0 : vector<1x128xf32>, vector<1x128xf32> -> vector<2x128xf32>
    %reshape3A_48 = vector.shape_cast %add3A_41 : vector<2048x128xf32> to vector<64x32x128xf32>
    %reduce_max3A = arith.constant dense<0xFF800000> : vector<64x128xf32>
    %reduce_max3A_49 = vector.multi_reduction <maximumf>, %reshape3A_48, %reduce_max3A [1] : vector<64x32x128xf32> to vector<64x128xf32>
    %reduce_min3A = arith.constant dense<0x7F800000> : vector<64x128xf32>
    %reduce_min3A_50 = vector.multi_reduction <minimumf>, %reshape3A_48, %reduce_min3A [1] : vector<64x32x128xf32> to vector<64x128xf32>
    %slice3A_51 = vector.extract_strided_slice %reduce_max3A_49 {offsets = [0, 0], sizes = [64, 64], strides = [1, 1]} : vector<64x128xf32> to vector<64x64xf32>
    %slice3A_52 = vector.extract_strided_slice %reduce_max3A_49 {offsets = [0, 64], sizes = [64, 64], strides = [1, 1]} : vector<64x128xf32> to vector<64x64xf32>
    %max3A_53 = arith.maximumf %slice3A_51, %slice3A_52 : vector<64x64xf32>
    %swap3A = arith.constant 0 : index
    %swap3A_54 = arith.constant 0 : index
    %swap3A_55 = vector.load %arg6[%swap3A, %swap3A_54] : memref<64x64xf32, #tpu.memory_space<vmem>>, vector<64x64xf32>
    tpu.vector_store %arg6[%swap3A, %swap3A_54], %max3A_53 {strides = array<i32>} : memref<64x64xf32, #tpu.memory_space<vmem>>, vector<64x64xf32>,
    %slice3A_56 = vector.extract_strided_slice %reduce_min3A_50 {offsets = [0, 0], sizes = [64, 64], strides = [1, 1]} : vector<64x128xf32> to vector<64x64xf32>
    %slice3A_57 = vector.extract_strided_slice %reduce_min3A_50 {offsets = [0, 64], sizes = [64, 64], strides = [1, 1]} : vector<64x128xf32> to vector<64x64xf32>
    %min3A = arith.minimumf %slice3A_56, %slice3A_57 : vector<64x64xf32>
    %swap3A_58 = arith.constant 0 : index
    %swap3A_59 = arith.constant 0 : index
    %swap3A_60 = vector.load %arg7[%swap3A_58, %swap3A_59] : memref<64x64xf32, #tpu.memory_space<vmem>>, vector<64x64xf32>
    tpu.vector_store %arg7[%swap3A_58, %swap3A_59], %min3A {strides = array<i32>} : memref<64x64xf32, #tpu.memory_space<vmem>>, vector<64x64xf32>,
    %eq3A = arith.constant 0 : i32
    %eq3A_61 = arith.cmpi eq, %arg0, %eq3A : i32
    %convert_element_type3A = arith.extui %eq3A_61 : i1 to i32
    %cond3A = arith.constant 0 : i32
    %cond3A_62 = arith.cmpi ne, %convert_element_type3A, %cond3A : i32
    scf.if %cond3A_62 {
      %swap3A_67 = arith.constant 0 : index
      %swap3A_68 = arith.constant 0 : index
      %swap3A_69 = vector.load %arg8[%swap3A_67, %swap3A_68] : memref<2x128xf32, #tpu.memory_space<vmem>>, vector<2x128xf32>
      tpu.vector_store %arg8[%swap3A_67, %swap3A_68], %concatenate3A_47 {strides = array<i32>} : memref<2x128xf32, #tpu.memory_space<vmem>>, vector<2x128xf32>,
    } else {
    }
    %gt3A = arith.constant 0 : i32
    %gt3A_63 = arith.cmpi sgt, %arg0, %gt3A : i32
    %convert_element_type3A_64 = arith.extui %gt3A_63 : i1 to i32
    %cond3A_65 = arith.constant 0 : i32
    %cond3A_66 = arith.cmpi ne, %convert_element_type3A_64, %cond3A_65 : i32
    scf.if %cond3A_66 {
      %get3A_67 = arith.constant 0 : index
      %get3A_68 = arith.constant 0 : index
      %get3A_69 = vector.load %arg8[%get3A_67, %get3A_68] : memref<2x128xf32, #tpu.memory_space<vmem>>, vector<2x128xf32>
      %add3A_70 = arith.addf %get3A_69, %concatenate3A_47 : vector<2x128xf32>
      %swap3A_71 = arith.constant 0 : index
      %swap3A_72 = arith.constant 0 : index
      %swap3A_73 = vector.load %arg8[%swap3A_71, %swap3A_72] : memref<2x128xf32, #tpu.memory_space<vmem>>, vector<2x128xf32>
      tpu.vector_store %arg8[%swap3A_71, %swap3A_72], %add3A_70 {strides = array<i32>} : memref<2x128xf32, #tpu.memory_space<vmem>>, vector<2x128xf32>,
    } else {
    }
    return
  }
  func.func @transform_0(%arg0: i32) -> (i32, i32, i32) {
    %c0_i32 = arith.constant 0 : i32
    %c0_i32_0 = arith.constant 0 : i32
    %c0_i32_1 = arith.constant 0 : i32
    return %arg0, %c0_i32, %c0_i32_0 : i32, i32, i32
  }
  func.func @transform_1(%arg0: i32) -> (i32, i32) {
    %c0_i32 = arith.constant 0 : i32
    %c0_i32_0 = arith.constant 0 : i32
    %c0_i32_1 = arith.constant 0 : i32
    return %c0_i32, %c0_i32_0 : i32, i32
  }
  func.func @transform_2(%arg0: i32) -> (i32, i32) {
    %c0_i32 = arith.constant 0 : i32
    %c0_i32_0 = arith.constant 0 : i32
    %c0_i32_1 = arith.constant 0 : i32
    return %c0_i32, %c0_i32_0 : i32, i32
  }
  func.func @transform_3(%arg0: i32) -> (i32, i32) {
    %c0_i32 = arith.constant 0 : i32
    %c0_i32_0 = arith.constant 0 : i32
    %c0_i32_1 = arith.constant 0 : i32
    return %c0_i32, %c0_i32_0 : i32, i32
  }
  func.func @transform_4(%arg0: i32) -> (i32, i32) {
    %c0_i32 = arith.constant 0 : i32
    %c0_i32_0 = arith.constant 0 : i32
    %c0_i32_1 = arith.constant 0 : i32
    return %c0_i32, %c0_i32_0 : i32, i32
  }
  func.func @transform_5(%arg0: i32) -> (i32, i32) {
    %c0_i32 = arith.constant 0 : i32
    %c0_i32_0 = arith.constant 0 : i32
    return %arg0, %c0_i32 : i32, i32
  }
  func.func @transform_6(%arg0: i32) -> (i32, i32) {
    %c0_i32 = arith.constant 0 : i32
    %c0_i32_0 = arith.constant 0 : i32
    return %arg0, %c0_i32 : i32, i32
  }
  func.func @transform_7(%arg0: i32) -> (i32, i32) {
    %c0_i32 = arith.constant 0 : i32
    %c0_i32_0 = arith.constant 0 : i32
    %c0_i32_1 = arith.constant 0 : i32
    return %c0_i32, %c0_i32_0 : i32, i32
  }
}

module attributes {stable_mosaic.version = 14 : i64} {
  func.func @_kc4_body(%arg0: i32, %arg1: memref<4096x64xf32, #tpu.memory_space<vmem>>, %arg2: memref<4096x64xf32, #tpu.memory_space<vmem>>, %arg3: memref<2x128xf32, #tpu.memory_space<vmem>>, %arg4: memref<1x64xf32, #tpu.memory_space<vmem>>, %arg5: memref<1x64xf32, #tpu.memory_space<vmem>>, %arg6: memref<4096x64xf32, #tpu.memory_space<vmem>>) attributes {dimension_semantics = [#tpu.dimension_semantics<arbitrary>], iteration_bounds = array<i64: 1>, scalar_prefetch = 0 : i64, scratch_operands = 0 : i64, tpu.core_type = #tpu.core_type<tc>, window_params = [{pipeline_mode = #tpu.pipeline_mode<synchronous>, transform_indices = @transform_0, window_bounds = array<i64: 4096, 64>}, {pipeline_mode = #tpu.pipeline_mode<synchronous>, transform_indices = @transform_1, window_bounds = array<i64: 4096, 64>}, {pipeline_mode = #tpu.pipeline_mode<synchronous>, transform_indices = @transform_2, window_bounds = array<i64: 2, 128>}, {pipeline_mode = #tpu.pipeline_mode<synchronous>, transform_indices = @transform_3, window_bounds = array<i64: 1, 64>}, {pipeline_mode = #tpu.pipeline_mode<synchronous>, transform_indices = @transform_4, window_bounds = array<i64: 1, 64>}, {pipeline_mode = #tpu.pipeline_mode<synchronous>, transform_indices = @transform_5, window_bounds = array<i64: 4096, 64>}]} {
    %get3A = arith.constant 0 : index
    %get3A_0 = arith.constant 0 : index
    %get3A_1 = vector.load %arg3[%get3A, %get3A_0] : memref<2x128xf32, #tpu.memory_space<vmem>>, vector<2x128xf32>
    %slice3A = vector.extract_strided_slice %get3A_1 {offsets = [0, 0], sizes = [2, 64], strides = [1, 1]} : vector<2x128xf32> to vector<2x64xf32>
    %slice3A_2 = vector.extract_strided_slice %get3A_1 {offsets = [0, 64], sizes = [2, 64], strides = [1, 1]} : vector<2x128xf32> to vector<2x64xf32>
    %add3A = arith.addf %slice3A, %slice3A_2 : vector<2x64xf32>
    %slice3A_3 = vector.extract_strided_slice %add3A {offsets = [0, 0], sizes = [1, 64], strides = [1, 1]} : vector<2x64xf32> to vector<1x64xf32>
    %div3A = arith.constant 2.621440e+05 : f32
    %div3A_4 = vector.broadcast %div3A : f32 to vector<1x64xf32>
    %div3A_5 = arith.divf %slice3A_3, %div3A_4 : vector<1x64xf32>
    %slice3A_6 = vector.extract_strided_slice %add3A {offsets = [1, 0], sizes = [1, 64], strides = [1, 1]} : vector<2x64xf32> to vector<1x64xf32>
    %div3A_7 = arith.constant 2.621440e+05 : f32
    %div3A_8 = vector.broadcast %div3A_7 : f32 to vector<1x64xf32>
    %div3A_9 = arith.divf %slice3A_6, %div3A_8 : vector<1x64xf32>
    %mul3A = arith.mulf %div3A_5, %div3A_5 : vector<1x64xf32>
    %sub3A = arith.subf %div3A_9, %mul3A : vector<1x64xf32>
    %add3A_10 = arith.constant 1.000000e-03 : f32
    %add3A_11 = vector.broadcast %add3A_10 : f32 to vector<1x64xf32>
    %add3A_12 = arith.addf %sub3A, %add3A_11 : vector<1x64xf32>
    %rsqrt3A = math.rsqrt %add3A_12 : vector<1x64xf32>
    %get3A_13 = arith.constant 0 : index
    %get3A_14 = arith.constant 0 : index
    %get3A_15 = vector.load %arg4[%get3A_13, %get3A_14] : memref<1x64xf32, #tpu.memory_space<vmem>>, vector<1x64xf32>
    %gt3A = arith.constant 0.000000e+00 : f32
    %gt3A_16 = vector.broadcast %gt3A : f32 to vector<1x64xf32>
    %gt3A_17 = arith.cmpf ogt, %get3A_15, %gt3A_16 : vector<1x64xf32>
    %get3A_18 = arith.constant 0 : index
    %get3A_19 = arith.constant 0 : index
    %get3A_20 = vector.load %arg1[%get3A_18, %get3A_19] : memref<4096x64xf32, #tpu.memory_space<vmem>>, vector<4096x64xf32>
    %get3A_21 = arith.constant 0 : index
    %get3A_22 = arith.constant 0 : index
    %get3A_23 = vector.load %arg2[%get3A_21, %get3A_22] : memref<4096x64xf32, #tpu.memory_space<vmem>>, vector<4096x64xf32>
    %broadcast_in_dim3A = vector.shape_cast %gt3A_17 : vector<1x64xi1> to vector<1x64xi1>
    %broadcast_in_dim3A_24 = vector.broadcast %broadcast_in_dim3A : vector<1x64xi1> to vector<4096x64xi1>
    %select_n3A = arith.select %broadcast_in_dim3A_24, %get3A_20, %get3A_23 : vector<4096x64xi1>, vector<4096x64xf32>
    %sub3A_25 = vector.broadcast %div3A_5 : vector<1x64xf32> to vector<4096x64xf32>
    %sub3A_26 = arith.subf %select_n3A, %sub3A_25 : vector<4096x64xf32>
    %mul3A_27 = vector.broadcast %rsqrt3A : vector<1x64xf32> to vector<4096x64xf32>
    %mul3A_28 = arith.mulf %sub3A_26, %mul3A_27 : vector<4096x64xf32>
    %mul3A_29 = vector.broadcast %get3A_15 : vector<1x64xf32> to vector<4096x64xf32>
    %mul3A_30 = arith.mulf %mul3A_28, %mul3A_29 : vector<4096x64xf32>
    %get3A_31 = arith.constant 0 : index
    %get3A_32 = arith.constant 0 : index
    %get3A_33 = vector.load %arg5[%get3A_31, %get3A_32] : memref<1x64xf32, #tpu.memory_space<vmem>>, vector<1x64xf32>
    %add3A_34 = vector.broadcast %get3A_33 : vector<1x64xf32> to vector<4096x64xf32>
    %add3A_35 = arith.addf %mul3A_30, %add3A_34 : vector<4096x64xf32>
    %max3A = arith.constant 0.000000e+00 : f32
    %max3A_36 = vector.broadcast %max3A : f32 to vector<4096x64xf32>
    %max3A_37 = arith.maximumf %add3A_35, %max3A_36 : vector<4096x64xf32>
    %swap3A = arith.constant 0 : index
    %swap3A_38 = arith.constant 0 : index
    %swap3A_39 = vector.load %arg6[%swap3A, %swap3A_38] : memref<4096x64xf32, #tpu.memory_space<vmem>>, vector<4096x64xf32>
    tpu.vector_store %arg6[%swap3A, %swap3A_38], %max3A_37 {strides = array<i32>} : memref<4096x64xf32, #tpu.memory_space<vmem>>, vector<4096x64xf32>,
    return
  }
  func.func @transform_0(%arg0: i32) -> (i32, i32) {
    %c0_i32 = arith.constant 0 : i32
    %c0_i32_0 = arith.constant 0 : i32
    %c0_i32_1 = arith.constant 0 : i32
    return %c0_i32, %c0_i32_0 : i32, i32
  }
  func.func @transform_1(%arg0: i32) -> (i32, i32) {
    %c0_i32 = arith.constant 0 : i32
    %c0_i32_0 = arith.constant 0 : i32
    %c0_i32_1 = arith.constant 0 : i32
    return %c0_i32, %c0_i32_0 : i32, i32
  }
  func.func @transform_2(%arg0: i32) -> (i32, i32) {
    %c0_i32 = arith.constant 0 : i32
    %c0_i32_0 = arith.constant 0 : i32
    %c0_i32_1 = arith.constant 0 : i32
    return %c0_i32, %c0_i32_0 : i32, i32
  }
  func.func @transform_3(%arg0: i32) -> (i32, i32) {
    %c0_i32 = arith.constant 0 : i32
    %c0_i32_0 = arith.constant 0 : i32
    %c0_i32_1 = arith.constant 0 : i32
    return %c0_i32, %c0_i32_0 : i32, i32
  }
  func.func @transform_4(%arg0: i32) -> (i32, i32) {
    %c0_i32 = arith.constant 0 : i32
    %c0_i32_0 = arith.constant 0 : i32
    %c0_i32_1 = arith.constant 0 : i32
    return %c0_i32, %c0_i32_0 : i32, i32
  }
  func.func @transform_5(%arg0: i32) -> (i32, i32) {
    %c0_i32 = arith.constant 0 : i32
    %c0_i32_0 = arith.constant 0 : i32
    %c0_i32_1 = arith.constant 0 : i32
    return %c0_i32, %c0_i32_0 : i32, i32
  }
}

</mosaic_0001>

<sc_bundles>
// kernel: kernel.9.cloned.1.call-start
scs
__scs_entry_jumppad:
0x0: {  	(pc) =	sbr.rel $0x88, $3  }
0x1: {  	(tag) =	ssettag $0x0;
	lr =	simm.s32 $0x1  }
0x2: {  	[smem:$0x3F91] =	sst lr;
	_ =	strace $0xD0000000  }
0x3: {  	_ = 	snop  }
0x4: {  	_ = 	snop  }
0x5: {  	_ = 	snop  }
0x6: {  	_ = 	snop  }
0x7: {  	_ = 	snop  }
__scs_overlays_trampoline_lowered:
0x8: {  	[smem:$0x3FA0] =	sst s0  }
0x9: {  	[smem:$0x3FA1] =	sst s1  }
0xa: {  	[smem:$0x3FA2] =	sst s2  }
0xb: {  	[smem:$0x3FA3] =	sst s3  }
0xc: {  	[smem:$0x3FA4] =	sst s4  }
0xd: {  	[smem:$0x3FA5] =	sst s5  }
0xe: {  	[smem:$0x3FA6] =	sst s6  }
0xf: {  	[smem:$0x3FA7] =	sst s7  }
0x10: {  	[smem:$0x3FA8] =	sst s8  }
0x11: {  	[smem:$0x3FA9] =	sst s9;
	s0 =	simm.s32 @!p0 $0x0  }
0x12: {  	s1 =	sld [smem:$0x3F8F];
	s0 =	simm.s32 @p0 $0x1  }
0x13: {  	[smem:$0x3FAA] =	sst s0;
	s0 =	simm.s32 @!p1 $0x0  }
0x14: {  	s2 =	sld [smem:$0x3F8E];
	s0 =	simm.s32 @p1 $0x1  }
0x15: {  	[smem:$0x3FAB] =	sst s0;
	s0 =	simm.s32 @!p2 $0x0  }
0x16: {  	s3 =	sld [smem:$0x3FDB];
	s0 =	simm.s32 @p2 $0x1  }
0x17: {  	s4 =	simm.s32 $0x1BF5;
	[smem:$0x3FAD] =	sst s0  }
0x18: {  	s0 =	sld [smem:$0x3F90];
	_ =	swait.ge [sflag:s4], $0x0  }
0x19: {  	s7 =	sld [smem:$0x3F91]  }
0x1a: {  	s8 =	sadd.s32 $0xFFFFE003, lr  }
0x1b: {  	s9 =	sadd.s32 $0xFFFFFEF7, lr;
	s5 =	simm.s32 $0xFFFFFFFF;
	p2 =	slt.u32 s8, $0xFFFFF086  }
0x1c: {  	p1 =	slt.u32 s9, $0xF7A;
	s5 =	simm.s32 @!p2 $0x0  }
0x1d: {  	s5 =	simm.s32 @p1 $0x1;
	p0 =	seq.s32 s7, s2  }
0x1e: {  	s7 =	smul.u32 @!p0 $0xF7A, s2;
	p2 =	seq.s32 @!p0 s5, $0x0  }
0x1f: {  	s9 =	smul.u32 $0xF7A, s1;
	s8 =	simm.s32 @!p0 $0x1BF5;
	p2 =	por !p2, p0  }
0x20: {  	[sflag:s8] =	ssyncset.s32 @!p0 $0xFFFFF086;
	s6 =	sadd.s32 @!p0 s3, s7;
	s7 =	simm.s32 @!p0 $0x108  }
0x21: {  	s3 =	sadd.s32 s3, s9;
	s6 =	sadd.s32 @!p0 $0x88, s6;
	s7 =	simm.s32 @p2 $0x1082  }
0x22: {  	[simem:s7], [sflag:s8] =	dma.local @!p0 [hbm:s6], $0xF7A  }
0x23: {  	s9 =	sor.u32 $0xD0000000, s2;
	s6 =	simm.s32 $0x108;
	_ =	swait.ge @!p0 [sflag:s8], $0x0  }
0x24: {  	s3 =	sadd.s32 $0x88, s3;
	s6 =	simm.s32 @!p1 $0x1082;
	[sflag:s4] =	ssyncset.s32 $0xFFFFF086  }
0x25: {  	[simem:s6], [sflag:s4] =	dma.local [hbm:s3], $0xF7A  }
0x26: {  	[smem:$0x3F91] =	sst s1;
	(tag) =	ssettag s2;
	_ =	strace s9  }
0x27: {  	s1 =	sld [smem:$0x3FA1]  }
0x28: {  	s2 =	sld [smem:$0x3FA2]  }
0x29: {  	s4 =	sld [smem:$0x3FA4]  }
0x2a: {  	p0 =	seq.s32 s5, $0x0;
	s5 =	sld [smem:$0x3FA5]  }
0x2b: {  	s6 =	sld [smem:$0x3FA6]  }
0x2c: {  	s7 =	sld [smem:$0x3FA7]  }
0x2d: {  	s3 =	simm.s32 $0x108;
	s8 =	sld [smem:$0x3FA8]  }
0x2e: {  	s3 =	simm.s32 @!p0 $0x1082;
	s9 =	sld [smem:$0x3FA9]  }
0x2f: {  	lr =	sadd.s32 s0, s3;
	s0 =	sld [smem:$0x3FA0]  }
0x30: {  	s3 =	sld [smem:$0x3FA3]  }
0x31: {  	[smem:$0x3FAC] =	sst s10  }
0x32: {  	s10 =	sld [smem:$0x3FAA];
	_ =	sdelay $0x3  }
0x33: {  	p0 =	seq.s32 s10, $0x1;
	s10 =	sld [smem:$0x3FAC];
	_ =	sdelay $0x3  }
0x34: {  	[smem:$0x3FAC] =	sst s10  }
0x35: {  	s10 =	sld [smem:$0x3FAB];
	_ =	sdelay $0x3  }
0x36: {  	p1 =	seq.s32 s10, $0x1;
	s10 =	sld [smem:$0x3FAC];
	_ =	sdelay $0x3  }
0x37: {  	[smem:$0x3FAC] =	sst s10  }
0x38: {  	s10 =	sld [smem:$0x3FAD]  }
0x39: {  	_ = 	snop;
	(pc) =	sbr.ind lr, $3  }
0x3a: {  	_ = 	snop  }
0x3b: {  	_ = 	snop  }
0x3c: {  	p2 =	seq.s32 s10, $0x1;
	s10 =	sld [smem:$0x3FAC]  }
0x3d: {  	_ =	shalt  }
0x3e: {  	_ =	shalt  }
0x3f: {  	_ =	shalt  }
0x40: {  	_ =	shalt  }
0x41: {  	_ =	shalt  }
0x42: {  	_ =	shalt  }
0x43: {  	_ =	shalt  }
0x44: {  	_ =	shalt  }
0x45: {  	_ =	shalt  }
0x46: {  	_ =	shalt  }
0x47: {  	_ =	shalt  }
0x48: {  	_ =	shalt  }
0x49: {  	_ =	shalt  }
0x4a: {  	_ =	shalt  }
0x4b: {  	_ =	shalt  }
0x4c: {  	_ =	shalt  }
0x4d: {  	_ =	shalt  }
0x4e: {  	_ =	shalt  }
0x4f: {  	_ =	shalt  }
0x50: {  	_ =	shalt  }
0x51: {  	_ =	shalt  }
0x52: {  	_ =	shalt  }
0x53: {  	_ =	shalt  }
0x54: {  	_ =	shalt  }
0x55: {  	_ =	shalt  }
0x56: {  	_ =	shalt  }
0x57: {  	_ =	shalt  }
0x58: {  	_ =	shalt  }
0x59: {  	_ =	shalt  }
0x5a: {  	_ =	shalt  }
0x5b: {  	_ =	shalt  }
0x5c: {  	_ =	shalt  }
0x5d: {  	_ =	shalt  }
0x5e: {  	_ =	shalt  }
0x5f: {  	_ =	shalt  }
0x60: {  	_ =	shalt  }
0x61: {  	_ =	shalt  }
0x62: {  	_ =	shalt  }
0x63: {  	_ =	shalt  }
0x64: {  	_ =	shalt  }
0x65: {  	_ =	shalt  }
0x66: {  	_ =	shalt  }
0x67: {  	_ =	shalt  }
0x68: {  	_ =	shalt  }
0x69: {  	_ =	shalt  }
0x6a: {  	_ =	shalt  }
0x6b: {  	_ =	shalt  }
0x6c: {  	_ =	shalt  }
0x6d: {  	_ =	shalt  }
0x6e: {  	_ =	shalt  }
0x6f: {  	_ =	shalt  }
0x70: {  	_ =	shalt  }
0x71: {  	_ =	shalt  }
0x72: {  	_ =	shalt  }
0x73: {  	_ =	shalt  }
0x74: {  	_ =	shalt  }
0x75: {  	_ =	shalt  }
0x76: {  	_ =	shalt  }
0x77: {  	_ =	shalt  }
0x78: {  	_ =	shalt  }
0x79: {  	_ =	shalt  }
0x7a: {  	_ =	shalt  }
0x7b: {  	_ =	shalt  }
0x7c: {  	_ =	shalt  }
0x7d: {  	_ =	shalt  }
0x7e: {  	_ =	shalt  }
0x7f: {  	_ =	shalt  }
0x80: {  	_ =	shalt  }
0x81: {  	_ =	shalt  }
0x82: {  	_ =	shalt  }
0x83: {  	_ =	shalt  }
0x84: {  	_ =	shalt  }
0x85: {  	_ =	shalt  }
0x86: {  	_ =	shalt  }
0x87: {  	_ =	shalt  }
.Lfunc_end0:
.L_simem_size_0:
called_computation_lowered:
.L_overlay_start_0:
0x88: {  	s2 =	sld [smem:$0x3FD9]  }
0x89: {  	s3 =	sld [smem:$0x3FFE];
	_ =	sdelay $0x1  }
0x8a: {  	s1 =	srdreg.scid  }
0x8b: {  	s0 =	sand.u32 $0x1, s1  }
0x8c: {  	s16 =	sshll.u32 s0, $0xA;
	s2 =	sadd.s32 s3, s2  }
0x8d: {  	s2 =	sadd.s32 s2, s16  }
0x8e: {  	[smem:$0x3FB8] =	sst s2  }
0x8f: {  	_ = 	snop  }
0x90: {  	(tm) =	ssettm $0x1  }
0x91: {  	s17 =	sld [smem:$0x3FFB];
	_ =	sdelay $0x3  }
0x92: {  	_ =	strace s17  }
0x93: {  	s2 =	sld [smem:$0x3FFC];
	_ =	sdelay $0x3  }
0x94: {  	_ =	strace s2  }
0x95: {  	s2 =	sld [smem:$0x3FFD];
	_ =	sdelay $0x3  }
0x96: {  	_ =	strace s2  }
0x97: {  	_ =	strace $0x8FFFFFFF  }
0x98: {  	s18 =	sld [smem:$0x3FDB];
	_ =	sdelay $0x1  }
0x99: {  	s19 =	simm.s32 $_scs_section_size  }
0x9a: {  	s4 =	simm.s32 $_size__tile_overlayer_lowered;
	s5 =	simm.s32 $_tile_overlayer_lowered  }
0x9b: {  	s22 =	simm.s32 $0x1BFF;
	s21 =	sshll.u32 s5, $0x1;
	s2 =	sadd.s32 s19, s18  }
0x9c: {  	s6 =	simm.s32 $0x0;
	s20 =	sshll.u32 s4, $0x1;
	s4 =	sadd.s32 s21, s2  }
0x9d: {  	[timem:s6], [sflag:s22] =	dma.local [hbm:s4], s20  }
0x9e: {  	_ =	swait.ge [sflag:s22], s20  }
0x9f: {  	s3 =	ssub.s32 $0x0, s20;
	[sflag:s22] =	ssyncset.done $0x0  }
0xa0: {  	[sflag:s22] =	ssyncadd.s32 s3;
	_ =	sdelay $0x1  }
0xa1: {  	s23 =	simm.s32 $0x1B8B  }
0xa2: {  	_ =	swait.ge [sflag:s23], $0x1  }
0xa3: {  	[sflag:s23] =	ssyncset.done $0x0  }
0xa4: {  	s25 =	simm.s32 $0x1B8E;
	s24 =	sld [smem:$0x3FFE];
	[sflag:s23] =	ssyncadd.s32 $0xFFFFFFFF  }
0xa5: {  	s26 =	simm.s32 $execute0_lowered;
	[smem:$0x3FD2] =	sst s25  }
0xa6: {  	s4 =	sshll.u32 s26, $0x1;
	_ =	strace $0x80000046;
	[dreg:$0x1] =	wrdreg $0xFFFFFFFF  }
0xa7: {  	s28 =	simm.s32 $_size_execute0_lowered;
	s2 =	sadd.s32 s2, s4;
	[dreg:$0x0] =	wrdreg $0x0  }
0xa8: {  	s4 =	sshll.u32 s28, $0x1;
	[dreg:$0x2] =	wrdreg s2  }
0xa9: {  	[dreg:$0x3] =	wrdreg s4  }
0xaa: {  	[dreg:$0x4] =	wrdreg $0xC0  }
0xab: {  	_ =	task [dreg:s6], $0x5FFFF  }
0xac: {  	[dreg:$0x1] =	wrdreg $0xFFFFFFFF  }
0xad: {  	[dreg:$0x0] =	wrdreg $0x60  }
0xae: {  	[dreg:$0x2] =	wrdreg s24  }
0xaf: {  	[dreg:$0x3] =	wrdreg $0x9  }
0xb0: {  	_ =	task.clear_ibuf [dreg:s6], $0x4FFFF;
	_ =	strace $0x90000046  }
0xb1: {  	s29 =	simm.s32 $0x9;
	_ =	strace $0x80000048  }
0xb2: {  	_ =	swait.ge [sflag:s29], $0x1  }
0xb3: {  	[sflag:s29] =	ssyncadd.s32 $0xFFFFFFFF  }
0xb4: {  	_ =	strace $0x90000048  }
0xb5: {  	_ =	sfence  }
0xb6: {  	s30 =	sld [smem:$0x0];
	_ =	sdelay $0x2  }
0xb7: {  	s31 =	sshll.u32 s1, $0xD;
	s1 =	sshrl.u32 s1, $0x2  }
0xb8: {  	s3 =	sand.u32 $0x4000, s31;
	s1 =	sadd.s32 s1, s30  }
0xb9: {  	s0 =	sor.u32 s3, s0;
	s1 =	sshll.u32 s1, $0x11  }
0xba: {  	s0 =	sor.u32 s1, s0  }
0xbb: {  	s0 =	sadd.s32 $0x8F2B, s0  }
0xbc: {  	[sflag:s0] =	ssyncadd.remote.s32 $0x1  }
0xbd: {  	_ =	sfence.sel $0xFFFF  }
0xbe: {  	[dreg:$0x0] =	wrdreg $0xFFFFFFFF;
	(pc) =	sbr.abs _section_cstart, $3  }
0xbf: {  	[dreg:$0x1] =	wrdreg $0xFFFFFFFF  }
0xc0: {  	_ =	task.clear_ibuf [dreg:s6], $0x2FFFF;
	_ =	strace $0x9FFFFFFF  }
0xc1: {  	(tm) =	ssettm $0x7FFFFFFF  }
tec
execute0_lowered:
.L_overlay_start_1:
0x0: {  	(tag) =	ssettag $0x1  }
0x1: {  	s0 =	rddreg [dreg:$0x0];
	s2 =	simm.s32 $0x0;
	s1 =	srdreg.scid  }
0x2: {  	s4 =	stileid.u32;
	s28 =	simm.s32 $0x6000;
	s30 =	simm.s32 $0xE000  }
0x3: {  	s31 =	simm.s32 $0x1;
	[smem:$0x7FF] =	sst s2;
	s3 =	sadd.s32 $0x2800, s0  }
0x4: {  	s1 =	sand.u32 $0x1, s1;
	s5 =	sshll.u32 s4, $0x1;
	s4 =	sadd.s32 $0x82800, s0  }
0x5: {  	_ =	strace $0x80000047;
	s6 =	sor.u32 s1, s5;
	s1 =	ssub.s32 $0x2, s1  }
0x6: {  	s5 =	sadd.s32 $0x92800, s0;
	s7 =	sshll.u32 s6, $0x10;
	s8 =	sshrl.u32 s1, $0x1  }
0x7: {  	s6 =	sshll.u32 s6, $0x7;
	s0 =	sadd.s32 s7, s0;
	s1 =	ssub.s32 s1, s8  }
0x8: {  	s11 =	sand.u32 $0xC00, s6;
	s23 =	sadd.s32 $0xA2800, s0;
	s24 =	sadd.s32 $0xA3800, s0  }
0x9: {  	s25 =	sadd.s32 $0xA4800, s0;
	s26 =	sadd.s32 $0xA5800, s0;
	s29 =	sadd.s32 $0xA6800, s0  }
0xa: {  	s12 =	sadd.s32 $0xA7800, s0;
	s13 =	sadd.s32 $0xA8800, s0;
	s14 =	sadd.s32 $0xA9800, s0  }
0xb: {  	s15 =	sadd.s32 $0xAA800, s0;
	s16 =	sadd.s32 $0xAB800, s0;
	[dreg:$0x2] =	wrdreg s23  }
0xc: {  	s17 =	sadd.s32 $0xAC800, s0;
	s18 =	sadd.s32 $0xAD800, s0;
	[dreg:$0x3] =	wrdreg s24  }
0xd: {  	s19 =	sadd.s32 $0xAE800, s0;
	s20 =	sadd.s32 $0xAF800, s0;
	[dreg:$0x4] =	wrdreg s25  }
0xe: {  	v1 =	vlaneseq.u32;
	v2 =	vimm.s32 $0x200;
	s21 =	sadd.s32 $0xB0800, s0;
	s22 =	sadd.s32 $0xB1800, s0;
	[dreg:$0x5] =	wrdreg s26  }
0xf: {  	v3 =	vimm.s32 $0x3FF;
	v7 =	vimm.s32 $0x2FF;
	v4 =	vor.u32 $0x10, v1;
	s0 =	simm.s32 $0x0;
	[dreg:$0x6] =	wrdreg s29;
	s23 =	smax.u32 s1, $0x1  }
0x10: {  	v5 =	vor.u32 $0x20, v1;
	v6 =	vor.u32 $0x30, v1;
	v0 =	vmov s11;
	s24 =	simm.s32 $0x3;
	s25 =	simm.s32 $0x100;
	s26 =	simm.s32 $0x2  }
.LBB2_1:
0x11: {  	s10 =	simm.s32 $0x5020;
	s9 =	simm.s32 $0x4020;
	s7 =	simm.s32 $0x0  }
.LBB2_2:
0x12: {  	s1 =	sshll.u32 s7, $0x4  }
0x13: {  	s1 =	sadd.s32 s6, s1  }
0x14: {  	s1 =	sshll.u32 s1, $0x7  }
0x15: {  	s8 =	simm.s32 $0x0;
	s1 =	sadd.s32 s3, s1  }
0x16: {  	[tilespmem:s8], [sflag:$0x3] =	stream.linear.gather [hbm4b:s1+s8], $0x4000, $0x38;
	[tilespmem:$0x16000] =	vst v63  }
0x17: {  	_ =	swait.ge [sflag:s24], $0x4000  }
0x18: {  	[sflag:s24] =	ssyncset.done $0x0  }
0x19: {  	s29 =	smov.u32 s9;
	s1 =	smov.u32 s10;
	[sflag:s24] =	ssyncadd.s32 $0xFFFFC000  }
.LBB2_3:
0x1a: {  	v8 =	vmov s8  }
0x1b: {  	v9 =	vshll.u32 v8, $0xA;
	v8 =	vshll.u32 v8, $0x7  }
0x1c: {  	v11 =	vand.u32 $0x2000, v9;
	v10 =	vand.u32 $0x300, v8  }
0x1d: {  	v8 =	vor.u32 v11, v10  }
0x1e: {  	v12 =	vor.u32 $0xC7F, v8;
	_ =	sdelay $0x2  }
0x1f: {  	s11 =	sadd.s32 $0x1, s8  }
0x20: {  	v60 =	vmov s11  }
0x21: {  	v13 =	vshll.u32 v60, $0x7;
	v8 =	vshll.u32 v60, $0xA;
	v12 =	vld.idx.msk [tilespmem:v12+s2+$0x0], $0xffff  }
0x22: {  	v9 =	vand.u32 $0x2000, v8;
	v8 =	vand.u32 $0x380, v13  }
0x23: {  	v13 =	vor.u32 v9, v8  }
0x24: {  	v13 =	vor.u32 $0xC7F, v13  }
0x25: {  	v31 =	vor.u32 $0x7F, v11;
	v37 =	vor.u32 $0x7F, v9  }
0x26: {  	vm3 =	vgt.s32 v12, v1;
	vm4 =	vgt.s32 v12, v4;
	vm5 =	vgt.s32 v12, v5  }
0x27: {  	vm6 =	vgt.s32 v12, v6;
	v14 =	vsel vm3, $0x0, v2;
	v15 =	vsel vm3, $0x1FF, v3  }
0x28: {  	v16 =	vsel vm4, $0x0, v2;
	v17 =	vsel vm4, $0x1FF, v3;
	v61 =	vsel vm5, $0x0, v2  }
0x29: {  	v13 =	vld.idx.msk [tilespmem:v13+s2+$0x0], $0xffff;
	v18 =	vsel vm5, $0x1FF, v3;
	v19 =	vsel vm6, $0x0, v2;
	v20 =	vsel vm6, $0x1FF, v3  }
0x2a: {  	v62 =	vsel vm3, $0xFF, v7;
	v24 =	vsel vm4, $0xFF, v7;
	v25 =	vsel vm5, $0xFF, v7  }
0x2b: {  	v26 =	vsel vm6, $0xFF, v7;
	v29 =	vshll.u32 v62, $0x3;
	v33 =	vshll.u32 v24, $0x3  }
0x2c: {  	v34 =	vshll.u32 v25, $0x3;
	v35 =	vshll.u32 v26, $0x3;
	v63 =	vadd.s32 $0x1, v62  }
0x2d: {  	v46 =	vadd.s32 $0x1, v24;
	v47 =	vadd.s32 $0x1, v25;
	v50 =	vadd.s32 $0x1, v26  }
0x2e: {  	vm7 =	vgt.s32 v13, v1;
	vm2 =	vgt.s32 v13, v4;
	vm1 =	vgt.s32 v13, v5  }
0x2f: {  	vm0 =	vgt.s32 v13, v6;
	v29 =	vand.u32 $0x1400, v29;
	v33 =	vand.u32 $0x1400, v33  }
0x30: {  	v34 =	vand.u32 $0x1400, v34;
	v35 =	vand.u32 $0x1400, v35;
	v21 =	vsel vm7, $0x0, v2  }
0x31: {  	v22 =	vsel vm7, $0x1FF, v3;
	v23 =	vsel vm2, $0x0, v2;
	v29 =	vor.u32 v29, v31  }
0x32: {  	v27 =	vsel vm7, $0xFF, v7;
	v33 =	vor.u32 v33, v31;
	v29 =	vor.u32 v10, v29  }
0x33: {  	v28 =	vsel vm2, $0xFF, v7;
	v34 =	vor.u32 v34, v31;
	v33 =	vor.u32 v10, v33  }
0x34: {  	v30 =	vsel vm1, $0xFF, v7;
	v35 =	vor.u32 v35, v31;
	v34 =	vor.u32 v10, v34  }
0x35: {  	v32 =	vsel vm0, $0xFF, v7;
	v36 =	vshll.u32 v27, $0x3;
	v35 =	vor.u32 v10, v35  }
0x36: {  	v38 =	vshll.u32 v28, $0x3;
	v39 =	vshll.u32 v30, $0x3;
	v36 =	vand.u32 $0x1400, v36  }
0x37: {  	v40 =	vshll.u32 v32, $0x3;
	v38 =	vand.u32 $0x1400, v38;
	v36 =	vor.u32 v36, v37;
	v29 =	vld.idx.msk [tilespmem:v29+s2+$0x0], $0xffff  }
0x38: {  	v39 =	vand.u32 $0x1400, v39;
	v38 =	vor.u32 v38, v37;
	v36 =	vor.u32 v8, v36;
	v33 =	vld.idx.msk [tilespmem:v33+s2+$0x0], $0xffff  }
0x39: {  	v40 =	vand.u32 $0x1400, v40;
	v39 =	vor.u32 v39, v37;
	v38 =	vor.u32 v8, v38;
	v34 =	vld.idx.msk [tilespmem:v34+s2+$0x0], $0xffff  }
0x3a: {  	v41 =	vsel vm2, $0x1FF, v3;
	v40 =	vor.u32 v40, v37;
	v39 =	vor.u32 v8, v39;
	v35 =	vld.idx.msk [tilespmem:v35+s2+$0x0], $0xffff  }
0x3b: {  	v42 =	vsel vm1, $0x0, v2;
	v43 =	vsel vm1, $0x1FF, v3;
	v40 =	vor.u32 v8, v40  }
0x3c: {  	v44 =	vsel vm0, $0x0, v2;
	v45 =	vsel vm0, $0x1FF, v3;
	v51 =	vadd.s32 $0x1, v27  }
0x3d: {  	v52 =	vadd.s32 $0x1, v28;
	v53 =	vadd.s32 $0x1, v30;
	v54 =	vadd.s32 $0x1, v32;
	v36 =	vld.idx.msk [tilespmem:v36+s2+$0x0], $0xffff  }
0x3e: {  	v38 =	vld.idx.msk [tilespmem:v38+s2+$0x0], $0xffff;
	vm4 =	vgt.s32 v29, v1;
	vm5 =	vgt.s32 v33, v4;
	vm6 =	vgt.s32 v34, v5  }
0x3f: {  	v48 =	vld.idx.msk [tilespmem:v39+s2+$0x0], $0xffff;
	vm7 =	vgt.s32 v35, v6;
	v14 =	vsel vm4, v14, v63;
	v13 =	vsel vm4, v62, v15  }
0x40: {  	v49 =	vld.idx.msk [tilespmem:v40+s2+$0x0], $0xffff;
	v15 =	vsel vm5, v16, v46;
	v16 =	vsel vm5, v24, v17;
	v17 =	vsel vm6, v61, v47  }
0x41: {  	v18 =	vsel vm6, v25, v18;
	v19 =	vsel vm7, v19, v50;
	v20 =	vsel vm7, v26, v20  }
0x42: {  	v55 =	vadd.s32 $0xFFFFFFFF, v13;
	v56 =	vadd.s32 $0xFFFFFFFF, v16;
	v57 =	vadd.s32 v13, v14  }
0x43: {  	v59 =	vadd.s32 v16, v15;
	v60 =	vadd.s32 $0xFFFFFFFF, v18;
	v61 =	vadd.s32 v18, v17  }
0x44: {  	v62 =	vadd.s32 $0xFFFFFFFF, v20;
	v63 =	vadd.s32 v20, v19;
	vm8 =	vgt.s32 v36, v1  }
0x45: {  	vm9 =	vgt.s32 v38, v4;
	vm10 =	vgt.s32 v48, v5;
	vm11 =	vgt.s32 v49, v6  }
0x46: {  	v12 =	vadd.s32 v55, v14;
	v58 =	vadd.s32 v56, v15;
	v35 =	vadd.s32 v62, v19  }
0x47: {  	v25 =	vshll.u32 v57, $0x2;
	v24 =	vshll.u32 v59, $0x2;
	v21 =	vsel vm8, v21, v51  }
0x48: {  	v22 =	vsel vm8, v27, v22;
	v23 =	vsel vm9, v23, v52;
	v28 =	vsel vm9, v28, v41  }
0x49: {  	v29 =	vsel vm10, v42, v53;
	v30 =	vsel vm10, v30, v43;
	v33 =	vsel vm11, v44, v54  }
0x4a: {  	v32 =	vsel vm11, v32, v45;
	v26 =	vshrl.u32 v12, $0x1;
	v34 =	vshrl.u32 v58, $0x1  }
0x4b: {  	v12 =	vadd.s32 v60, v17;
	v35 =	vshrl.u32 v35, $0x1;
	v25 =	vand.u32 $0x1C00, v25  }
0x4c: {  	v24 =	vand.u32 $0x1C00, v24;
	v27 =	vshll.u32 v61, $0x2;
	v36 =	vshrl.u32 v12, $0x1  }
0x4d: {  	v48 =	vadd.s32 $0xFFFFFFFF, v22;
	v49 =	vadd.s32 $0xFFFFFFFF, v28;
	v50 =	vadd.s32 v22, v21  }
0x4e: {  	v41 =	vadd.s32 v28, v23;
	v42 =	vadd.s32 v30, v29;
	v43 =	vadd.s32 $0xFFFFFFFF, v30  }
0x4f: {  	v44 =	vadd.s32 v32, v33;
	v25 =	vor.u32 v25, v31;
	v24 =	vor.u32 v24, v31  }
0x50: {  	v27 =	vand.u32 $0x1C00, v27;
	v12 =	vshll.u32 v63, $0x2;
	v55 =	vadd.s32 $0xFFFFFFFF, v32  }
0x51: {  	v59 =	vadd.s32 $0x1, v26;
	v25 =	vor.u32 v10, v25;
	v24 =	vor.u32 v10, v24  }
0x52: {  	v27 =	vor.u32 v27, v31;
	v12 =	vand.u32 $0x1C00, v12;
	v40 =	vshll.u32 v50, $0x2  }
0x53: {  	v52 =	vshll.u32 v41, $0x2;
	v53 =	vshll.u32 v42, $0x2;
	v54 =	vshll.u32 v44, $0x2  }
0x54: {  	v27 =	vor.u32 v10, v27;
	v12 =	vor.u32 v12, v31;
	v51 =	vand.u32 $0x1C00, v40  }
0x55: {  	v40 =	vand.u32 $0x1C00, v52;
	v12 =	vor.u32 v10, v12;
	v31 =	vor.u32 v51, v37  }
0x56: {  	v41 =	vand.u32 $0x1C00, v53;
	v40 =	vor.u32 v40, v37;
	v31 =	vor.u32 v8, v31  }
0x57: {  	v42 =	vand.u32 $0x1C00, v54;
	v41 =	vor.u32 v41, v37;
	v40 =	vor.u32 v8, v40;
	v25 =	vld.idx.msk [tilespmem:v25+s2+$0x0], $0xffff  }
0x58: {  	v61 =	vadd.s32 $0x1, v34;
	v37 =	vor.u32 v42, v37;
	v41 =	vor.u32 v8, v41;
	v24 =	vld.idx.msk [tilespmem:v24+s2+$0x0], $0xffff  }
0x59: {  	v38 =	vadd.s32 v48, v21;
	v39 =	vadd.s32 v49, v23;
	v37 =	vor.u32 v8, v37;
	v27 =	vld.idx.msk [tilespmem:v27+s2+$0x0], $0xffff  }
0x5a: {  	v43 =	vadd.s32 v43, v29;
	v57 =	vadd.s32 v55, v33;
	v62 =	vadd.s32 $0x1, v36;
	v58 =	vld.idx.msk [tilespmem:v12+s2+$0x0], $0xffff  }
0x5b: {  	v38 =	vshrl.u32 v38, $0x1;
	v39 =	vshrl.u32 v39, $0x1;
	v56 =	vshrl.u32 v43, $0x1;
	v31 =	vld.idx.msk [tilespmem:v31+s2+$0x0], $0xffff  }
0x5c: {  	v43 =	vshrl.u32 v57, $0x1;
	v44 =	vadd.s32 $0x1, v38;
	v45 =	vadd.s32 $0x1, v39;
	v60 =	vld.idx.msk [tilespmem:v40+s2+$0x0], $0xffff  }
0x5d: {  	v46 =	vadd.s32 $0x1, v56;
	v47 =	vadd.s32 $0x1, v43;
	v63 =	vld.idx.msk [tilespmem:v41+s2+$0x0], $0xffff;
	vm12 =	vgt.s32 v25, v1  }
0x5e: {  	v37 =	vld.idx.msk [tilespmem:v37+s2+$0x0], $0xffff;
	v41 =	vadd.s32 $0x1, v35;
	vm13 =	vgt.s32 v24, v4;
	v12 =	vsel vm12, v14, v59  }
0x5f: {  	v13 =	vsel vm12, v26, v13;
	vm14 =	vgt.s32 v27, v5;
	v27 =	vsel vm13, v15, v61  }
0x60: {  	v24 =	vsel vm13, v34, v16;
	v17 =	vsel vm14, v17, v62;
	v18 =	vsel vm14, v36, v18  }
0x61: {  	vm15 =	vgt.s32 v58, v6;
	v48 =	vadd.s32 $0xFFFFFFFF, v13;
	v50 =	vadd.s32 $0xFFFFFFFF, v24  }
0x62: {  	v14 =	vsel vm15, v19, v41;
	v15 =	vsel vm15, v35, v20;
	vm4 =	vgt.s32 v31, v1  }
0x63: {  	vm5 =	vgt.s32 v60, v4;
	vm6 =	vgt.s32 v63, v5;
	vm7 =	vgt.s32 v37, v6  }
0x64: {  	v49 =	vxor.u32 v48, v12;
	v51 =	vxor.u32 v50, v27;
	v31 =	vor.u32 v50, v27  }
0x65: {  	v52 =	vadd.s32 $0xFFFFFFFF, v18;
	v53 =	vadd.s32 v18, v17;
	v25 =	vsel vm4, v21, v44  }
0x66: {  	v26 =	vsel vm4, v38, v22;
	v19 =	vsel vm5, v23, v45;
	v20 =	vsel vm5, v39, v28  }
0x67: {  	v16 =	vsel vm6, v29, v46;
	v21 =	vsel vm6, v56, v30;
	v22 =	vsel vm7, v33, v47  }
0x68: {  	v23 =	vsel vm7, v43, v32;
	v29 =	vadd.s32 v13, v12;
	v28 =	vor.u32 v48, v12  }
0x69: {  	v30 =	vshrl.u32 v49, $0x1;
	v32 =	vshrl.u32 v51, $0x1;
	v54 =	vxor.u32 v52, v17  }
0x6a: {  	v33 =	vor.u32 v52, v17;
	v35 =	vadd.s32 $0xFFFFFFFF, v15;
	v55 =	vadd.s32 v15, v14  }
0x6b: {  	v28 =	vsub.s32 v28, v30;
	v30 =	vadd.s32 v24, v27;
	v31 =	vsub.s32 v31, v32  }
0x6c: {  	v34 =	vshrl.u32 v54, $0x1;
	v56 =	vxor.u32 v35, v14;
	v35 =	vor.u32 v35, v14  }
0x6d: {  	v57 =	vadd.s32 $0xFFFFFFFF, v26;
	v58 =	vadd.s32 v26, v25;
	v39 =	vadd.s32 $0xFFFFFFFF, v20  }
0x6e: {  	v60 =	vadd.s32 v20, v19;
	v62 =	vadd.s32 $0xFFFFFFFF, v21;
	v63 =	vadd.s32 v21, v16  }
0x6f: {  	v43 =	vadd.s32 $0xFFFFFFFF, v23;
	v49 =	vadd.s32 v23, v22;
	v29 =	vshll.u32 v29, $0x2  }
0x70: {  	v32 =	vshll.u32 v53, $0x2;
	v33 =	vsub.s32 v33, v34;
	v36 =	vshrl.u32 v56, $0x1  }
0x71: {  	v59 =	vxor.u32 v57, v25;
	v37 =	vor.u32 v57, v25;
	v61 =	vxor.u32 v39, v19  }
0x72: {  	v39 =	vor.u32 v39, v19;
	v48 =	vxor.u32 v62, v16;
	v41 =	vor.u32 v62, v16  }
0x73: {  	v50 =	vxor.u32 v43, v22;
	v43 =	vor.u32 v43, v22;
	v29 =	vand.u32 $0x7FFFFC00, v29  }
0x74: {  	v30 =	vshll.u32 v30, $0x2;
	v51 =	vand.u32 $0x7F, v28;
	v52 =	vand.u32 $0x7F, v31  }
0x75: {  	v32 =	vand.u32 $0x7FFFFC00, v32;
	v34 =	vshll.u32 v55, $0x2;
	v35 =	vsub.s32 v35, v36  }
0x76: {  	v38 =	vshrl.u32 v59, $0x1;
	v40 =	vshrl.u32 v61, $0x1;
	v42 =	vshrl.u32 v48, $0x1  }
0x77: {  	v44 =	vshrl.u32 v50, $0x1;
	v29 =	vadd.s32 v11, v29;
	v30 =	vand.u32 $0x7FFFFC00, v30  }
0x78: {  	v53 =	vand.u32 $0x7F, v33;
	v32 =	vadd.s32 v11, v32;
	v34 =	vand.u32 $0x7FFFFC00, v34  }
0x79: {  	v36 =	vshll.u32 v58, $0x2;
	v37 =	vsub.s32 v37, v38;
	v39 =	vsub.s32 v39, v40  }
0x7a: {  	v41 =	vsub.s32 v41, v42;
	v43 =	vsub.s32 v43, v44;
	v29 =	vor.u32 v51, v29  }
0x7b: {  	v30 =	vadd.s32 v11, v30;
	v32 =	vor.u32 v53, v32;
	v54 =	vand.u32 $0x7F, v35  }
0x7c: {  	v34 =	vadd.s32 v11, v34;
	v36 =	vand.u32 $0x7FFFFC00, v36;
	v38 =	vshll.u32 v60, $0x2  }
0x7d: {  	v40 =	vshll.u32 v63, $0x2;
	v42 =	vshll.u32 v49, $0x2;
	v29 =	vor.u32 v10, v29  }
0x7e: {  	v30 =	vor.u32 v52, v30;
	v32 =	vor.u32 v10, v32;
	v34 =	vor.u32 v54, v34  }
0x7f: {  	v55 =	vand.u32 $0x7F, v37;
	v36 =	vadd.s32 v9, v36;
	v38 =	vand.u32 $0x7FFFFC00, v38  }
0x80: {  	v56 =	vand.u32 $0x7F, v39;
	v40 =	vand.u32 $0x7FFFFC00, v40;
	v57 =	vand.u32 $0x7F, v41  }
0x81: {  	v42 =	vand.u32 $0x7FFFFC00, v42;
	v58 =	vand.u32 $0x7F, v43;
	v30 =	vor.u32 v10, v30  }
0x82: {  	v34 =	vor.u32 v10, v34;
	v36 =	vor.u32 v55, v36;
	v40 =	vadd.s32 v9, v40  }
0x83: {  	v42 =	vadd.s32 v9, v42;
	v36 =	vor.u32 v8, v36;
	v40 =	vor.u32 v57, v40  }
0x84: {  	v38 =	vadd.s32 v9, v38;
	v42 =	vor.u32 v58, v42;
	v40 =	vor.u32 v8, v40;
	v29 =	vld.idx.msk [tilespmem:v29+s2+$0x0], $0xffff  }
0x85: {  	v38 =	vor.u32 v56, v38;
	v42 =	vor.u32 v8, v42;
	v32 =	vld.idx.msk [tilespmem:v32+s2+$0x0], $0xffff  }
0x86: {  	v38 =	vor.u32 v8, v38;
	v30 =	vld.idx.msk [tilespmem:v30+s2+$0x0], $0xffff  }
0x87: {  	v34 =	vld.idx.msk [tilespmem:v34+s2+$0x0], $0xffff  }
0x88: {  	v59 =	vadd.s32 $0x1, v28;
	v62 =	vadd.s32 $0x1, v33;
	v60 =	vadd.s32 $0x1, v31;
	v36 =	vld.idx.msk [tilespmem:v36+s2+$0x0], $0xffff  }
0x89: {  	v44 =	vadd.s32 $0x1, v39;
	v45 =	vadd.s32 $0x1, v41;
	v46 =	vadd.s32 $0x1, v43;
	v61 =	vld.idx.msk [tilespmem:v40+s2+$0x0], $0xffff  }
0x8a: {  	v63 =	vld.idx.msk [tilespmem:v42+s2+$0x0], $0xffff;
	v40 =	vadd.s32 $0x1, v35;
	v42 =	vadd.s32 $0x1, v37;
	vm8 =	vgt.s32 v29, v1  }
0x8b: {  	v38 =	vld.idx.msk [tilespmem:v38+s2+$0x0], $0xffff;
	vm10 =	vgt.s32 v32, v5;
	vm9 =	vgt.s32 v30, v4;
	v12 =	vsel vm8, v12, v59  }
0x8c: {  	v13 =	vsel vm8, v28, v13;
	v17 =	vsel vm10, v17, v62;
	v18 =	vsel vm10, v33, v18  }
0x8d: {  	vm11 =	vgt.s32 v34, v6;
	v27 =	vsel vm9, v27, v60;
	v24 =	vsel vm9, v31, v24  }
0x8e: {  	vm12 =	vgt.s32 v36, v1;
	v14 =	vsel vm11, v14, v40;
	v15 =	vsel vm11, v35, v15  }
0x8f: {  	v47 =	vadd.s32 v13, v12;
	v50 =	vadd.s32 v18, v17;
	v25 =	vsel vm12, v25, v42  }
0x90: {  	v26 =	vsel vm12, v37, v26;
	vm13 =	vgt.s32 v38, v4;
	vm14 =	vgt.s32 v61, v5  }
0x91: {  	vm15 =	vgt.s32 v63, v6;
	v48 =	vadd.s32 v24, v27;
	v49 =	vshrl.u32 v47, $0x1  }
0x92: {  	v33 =	vshrl.u32 v50, $0x1;
	v51 =	vadd.s32 v15, v14;
	v28 =	vshll.u32 v47, $0x2  }
0x93: {  	v32 =	vshll.u32 v50, $0x2;
	v19 =	vsel vm13, v19, v44;
	v20 =	vsel vm13, v39, v20  }
0x94: {  	v16 =	vsel vm14, v16, v45;
	v21 =	vsel vm14, v41, v21;
	v22 =	vsel vm15, v22, v46  }
0x95: {  	v23 =	vsel vm15, v43, v23;
	v31 =	vshrl.u32 v48, $0x1;
	v52 =	vadd.s32 v26, v25  }
0x96: {  	v36 =	vshrl.u32 v51, $0x1;
	v28 =	vand.u32 $0x7FFFFC00, v28;
	v56 =	vand.u32 $0x7F, v49  }
0x97: {  	v29 =	vshll.u32 v48, $0x2;
	v32 =	vand.u32 $0x7FFFFC00, v32;
	v59 =	vand.u32 $0x7F, v33  }
0x98: {  	v34 =	vshll.u32 v51, $0x2;
	v46 =	vadd.s32 $0x1, v49;
	v50 =	vadd.s32 $0x1, v33  }
0x99: {  	v37 =	vshrl.u32 v52, $0x1;
	v53 =	vadd.s32 v20, v19;
	v55 =	vadd.s32 v23, v22  }
0x9a: {  	v28 =	vadd.s32 v11, v28;
	v29 =	vand.u32 $0x7FFFFC00, v29;
	v58 =	vand.u32 $0x7F, v31  }
0x9b: {  	v32 =	vadd.s32 v11, v32;
	v34 =	vand.u32 $0x7FFFFC00, v34;
	v60 =	vand.u32 $0x7F, v36  }
0x9c: {  	v35 =	vshll.u32 v52, $0x2;
	v39 =	vshrl.u32 v53, $0x1;
	v57 =	vshrl.u32 v55, $0x1  }
0x9d: {  	v28 =	vor.u32 v56, v28;
	v29 =	vadd.s32 v11, v29;
	v32 =	vor.u32 v59, v32  }
0x9e: {  	v34 =	vadd.s32 v11, v34;
	v35 =	vand.u32 $0x7FFFFC00, v35;
	v61 =	vand.u32 $0x7F, v37  }
0x9f: {  	v38 =	vshll.u32 v53, $0x2;
	v42 =	vshll.u32 v55, $0x2;
	v28 =	vor.u32 v10, v28  }
0xa0: {  	v29 =	vor.u32 v58, v29;
	v32 =	vor.u32 v10, v32;
	v34 =	vor.u32 v60, v34  }
0xa1: {  	v35 =	vadd.s32 v9, v35;
	v38 =	vand.u32 $0x7FFFFC00, v38;
	v29 =	vor.u32 v10, v29  }
0xa2: {  	v62 =	vand.u32 $0x7F, v39;
	v42 =	vand.u32 $0x7FFFFC00, v42;
	v34 =	vor.u32 v10, v34  }
0xa3: {  	v45 =	vand.u32 $0x7F, v57;
	v35 =	vor.u32 v61, v35;
	v38 =	vadd.s32 v9, v38  }
0xa4: {  	v42 =	vadd.s32 v9, v42;
	v35 =	vor.u32 v8, v35;
	v38 =	vor.u32 v62, v38;
	v28 =	vld.idx.msk [tilespmem:v28+s2+$0x0], $0xffff  }
0xa5: {  	v54 =	vadd.s32 v21, v16;
	v42 =	vor.u32 v45, v42;
	v38 =	vor.u32 v8, v38;
	v32 =	vld.idx.msk [tilespmem:v32+s2+$0x0], $0xffff  }
0xa6: {  	v48 =	vadd.s32 $0x1, v31;
	v40 =	vshll.u32 v54, $0x2;
	v42 =	vor.u32 v8, v42;
	v29 =	vld.idx.msk [tilespmem:v29+s2+$0x0], $0xffff  }
0xa7: {  	v51 =	vadd.s32 $0x1, v36;
	v41 =	vshrl.u32 v54, $0x1;
	v40 =	vand.u32 $0x7FFFFC00, v40;
	v34 =	vld.idx.msk [tilespmem:v34+s2+$0x0], $0xffff  }
0xa8: {  	v53 =	vadd.s32 $0x1, v37;
	v63 =	vand.u32 $0x7F, v41;
	v40 =	vadd.s32 v9, v40  }
0xa9: {  	v54 =	vadd.s32 $0x1, v39;
	v55 =	vadd.s32 $0x1, v41;
	v40 =	vor.u32 v63, v40;
	v35 =	vld.idx.msk [tilespmem:v35+s2+$0x0], $0xffff  }
0xaa: {  	v56 =	vadd.s32 $0x1, v57;
	v40 =	vor.u32 v8, v40;
	v47 =	vld.idx.msk [tilespmem:v38+s2+$0x0], $0xffff;
	vm4 =	vgt.s32 v28, v1  }
0xab: {  	v52 =	vld.idx.msk [tilespmem:v42+s2+$0x0], $0xffff;
	vm6 =	vgt.s32 v32, v5;
	v12 =	vsel vm4, v12, v46;
	v13 =	vsel vm4, v49, v13  }
0xac: {  	vm5 =	vgt.s32 v29, v4;
	vm7 =	vgt.s32 v34, v6;
	v17 =	vsel vm6, v17, v50  }
0xad: {  	v18 =	vsel vm6, v33, v18;
	v27 =	vsel vm5, v27, v48;
	v24 =	vsel vm5, v31, v24  }
0xae: {  	v14 =	vsel vm7, v14, v51;
	v15 =	vsel vm7, v36, v15;
	vm8 =	vgt.s32 v35, v1  }
0xaf: {  	v59 =	vadd.s32 v18, v17;
	v25 =	vsel vm8, v25, v53;
	v26 =	vsel vm8, v37, v26  }
0xb0: {  	vm9 =	vgt.s32 v47, v4;
	vm11 =	vgt.s32 v52, v6;
	v58 =	vadd.s32 v24, v27  }
0xb1: {  	v33 =	vshrl.u32 v59, $0x1;
	v60 =	vadd.s32 v15, v14;
	v31 =	vshll.u32 v59, $0x2  }
0xb2: {  	v19 =	vsel vm9, v19, v54;
	v20 =	vsel vm9, v39, v20;
	v22 =	vsel vm11, v22, v56  }
0xb3: {  	v23 =	vsel vm11, v57, v23;
	v57 =	vadd.s32 v13, v12;
	v32 =	vshrl.u32 v58, $0x1  }
0xb4: {  	v49 =	vld.idx.msk [tilespmem:v40+s2+$0x0], $0xffff;
	v35 =	vshrl.u32 v60, $0x1;
	v61 =	vadd.s32 v26, v25;
	v30 =	vshll.u32 v58, $0x2  }
0xb5: {  	v31 =	vand.u32 $0x7FFFFC00, v31;
	v34 =	vshll.u32 v60, $0x2;
	v53 =	vand.u32 $0x7F, v33  }
0xb6: {  	v29 =	vshrl.u32 v57, $0x1;
	v62 =	vadd.s32 v20, v19;
	v38 =	vshrl.u32 v61, $0x1  }
0xb7: {  	v28 =	vshll.u32 v57, $0x2;
	v30 =	vand.u32 $0x7FFFFC00, v30;
	v52 =	vand.u32 $0x7F, v32  }
0xb8: {  	v31 =	vadd.s32 v11, v31;
	v34 =	vand.u32 $0x7FFFFC00, v34;
	v54 =	vand.u32 $0x7F, v35  }
0xb9: {  	v36 =	vshll.u32 v61, $0x2;
	vm10 =	vgt.s32 v49, v5;
	v39 =	vshrl.u32 v62, $0x1  }
0xba: {  	v49 =	vadd.s32 v23, v22;
	v28 =	vand.u32 $0x7FFFFC00, v28;
	v51 =	vand.u32 $0x7F, v29  }
0xbb: {  	v30 =	vadd.s32 v11, v30;
	v31 =	vor.u32 v53, v31;
	v34 =	vadd.s32 v11, v34  }
0xbc: {  	v36 =	vand.u32 $0x7FFFFC00, v36;
	v37 =	vshll.u32 v62, $0x2;
	v16 =	vsel vm10, v16, v55  }
0xbd: {  	v21 =	vsel vm10, v41, v21;
	v50 =	vshrl.u32 v49, $0x1;
	v28 =	vadd.s32 v11, v28  }
0xbe: {  	v30 =	vor.u32 v52, v30;
	v31 =	vor.u32 v10, v31;
	v34 =	vor.u32 v54, v34  }
0xbf: {  	v55 =	vand.u32 $0x7F, v38;
	v36 =	vadd.s32 v9, v36;
	v37 =	vand.u32 $0x7FFFFC00, v37  }
0xc0: {  	v56 =	vand.u32 $0x7F, v39;
	v42 =	vshll.u32 v49, $0x2;
	v63 =	vadd.s32 v21, v16  }
0xc1: {  	v28 =	vor.u32 v51, v28;
	v30 =	vor.u32 v10, v30;
	v34 =	vor.u32 v10, v34  }
0xc2: {  	v36 =	vor.u32 v55, v36;
	v37 =	vadd.s32 v9, v37;
	v42 =	vand.u32 $0x7FFFFC00, v42  }
0xc3: {  	v58 =	vand.u32 $0x7F, v50;
	v48 =	vshrl.u32 v63, $0x1;
	v28 =	vor.u32 v10, v28  }
0xc4: {  	v36 =	vor.u32 v8, v36;
	v37 =	vor.u32 v56, v37;
	v40 =	vshll.u32 v63, $0x2  }
0xc5: {  	v42 =	vadd.s32 v9, v42;
	v37 =	vor.u32 v8, v37;
	v40 =	vand.u32 $0x7FFFFC00, v40  }
0xc6: {  	v57 =	vand.u32 $0x7F, v48;
	v42 =	vor.u32 v58, v42;
	v40 =	vadd.s32 v9, v40;
	v31 =	vld.idx.msk [tilespmem:v31+s2+$0x0], $0xffff  }
0xc7: {  	v42 =	vor.u32 v8, v42;
	v40 =	vor.u32 v57, v40;
	v30 =	vld.idx.msk [tilespmem:v30+s2+$0x0], $0xffff  }
0xc8: {  	v40 =	vor.u32 v8, v40;
	v34 =	vld.idx.msk [tilespmem:v34+s2+$0x0], $0xffff  }
0xc9: {  	v60 =	vadd.s32 $0x1, v32;
	v28 =	vld.idx.msk [tilespmem:v28+s2+$0x0], $0xffff  }
0xca: {  	v59 =	vadd.s32 $0x1, v29;
	v62 =	vadd.s32 $0x1, v33;
	v44 =	vadd.s32 $0x1, v39;
	v36 =	vld.idx.msk [tilespmem:v36+s2+$0x0], $0xffff  }
0xcb: {  	v46 =	vadd.s32 $0x1, v50;
	v45 =	vadd.s32 $0x1, v48;
	v37 =	vld.idx.msk [tilespmem:v37+s2+$0x0], $0xffff;
	vm14 =	vgt.s32 v31, v5  }
0xcc: {  	v63 =	vld.idx.msk [tilespmem:v42+s2+$0x0], $0xffff;
	v42 =	vadd.s32 $0x1, v38;
	vm13 =	vgt.s32 v30, v4;
	v17 =	vsel vm14, v17, v62  }
0xcd: {  	v61 =	vld.idx.msk [tilespmem:v40+s2+$0x0], $0xffff;
	v18 =	vsel vm14, v33, v18;
	vm15 =	vgt.s32 v34, v6;
	v40 =	vadd.s32 $0x1, v35  }
0xce: {  	vm12 =	vgt.s32 v28, v1;
	v27 =	vsel vm13, v27, v60;
	v24 =	vsel vm13, v32, v24  }
0xcf: {  	vm4 =	vgt.s32 v36, v1;
	v14 =	vsel vm15, v14, v40;
	v15 =	vsel vm15, v35, v15  }
0xd0: {  	v12 =	vsel vm12, v12, v59;
	v13 =	vsel vm12, v29, v13;
	v25 =	vsel vm4, v25, v42  }
0xd1: {  	v26 =	vsel vm4, v38, v26;
	vm5 =	vgt.s32 v37, v4;
	v51 =	vadd.s32 v15, v14  }
0xd2: {  	v19 =	vsel vm5, v19, v44;
	v20 =	vsel vm5, v39, v20;
	vm7 =	vgt.s32 v63, v6  }
0xd3: {  	v47 =	vadd.s32 v13, v12;
	v52 =	vadd.s32 v26, v25;
	v36 =	vshrl.u32 v51, $0x1  }
0xd4: {  	v34 =	vshll.u32 v51, $0x2;
	v22 =	vsel vm7, v22, v46;
	v23 =	vsel vm7, v50, v23  }
0xd5: {  	v49 =	vshrl.u32 v47, $0x1;
	v50 =	vadd.s32 v18, v17;
	v37 =	vshrl.u32 v52, $0x1  }
0xd6: {  	v53 =	vadd.s32 v20, v19;
	v28 =	vshll.u32 v47, $0x2;
	v34 =	vand.u32 $0x7FFFFC00, v34  }
0xd7: {  	v60 =	vand.u32 $0x7F, v36;
	v35 =	vshll.u32 v52, $0x2;
	v51 =	vadd.s32 $0x1, v36  }
0xd8: {  	vm6 =	vgt.s32 v61, v5;
	v33 =	vshrl.u32 v50, $0x1;
	v39 =	vshrl.u32 v53, $0x1  }
0xd9: {  	v55 =	vadd.s32 v23, v22;
	v28 =	vand.u32 $0x7FFFFC00, v28;
	v56 =	vand.u32 $0x7F, v49  }
0xda: {  	v32 =	vshll.u32 v50, $0x2;
	v34 =	vadd.s32 v11, v34;
	v35 =	vand.u32 $0x7FFFFC00, v35  }
0xdb: {  	v61 =	vand.u32 $0x7F, v37;
	v38 =	vshll.u32 v53, $0x2;
	v46 =	vadd.s32 $0x1, v49  }
0xdc: {  	v53 =	vadd.s32 $0x1, v37;
	v16 =	vsel vm6, v16, v45;
	v21 =	vsel vm6, v48, v21  }
0xdd: {  	v48 =	vadd.s32 v24, v27;
	v28 =	vadd.s32 v11, v28;
	v57 =	vshrl.u32 v55, $0x1  }
0xde: {  	v32 =	vand.u32 $0x7FFFFC00, v32;
	v59 =	vand.u32 $0x7F, v33;
	v34 =	vor.u32 v60, v34  }
0xdf: {  	v35 =	vadd.s32 v9, v35;
	v38 =	vand.u32 $0x7FFFFC00, v38;
	v62 =	vand.u32 $0x7F, v39  }
0xe0: {  	v42 =	vshll.u32 v55, $0x2;
	v50 =	vadd.s32 $0x1, v33;
	v31 =	vshrl.u32 v48, $0x1  }
0xe1: {  	v29 =	vshll.u32 v48, $0x2;
	v28 =	vor.u32 v56, v28;
	v34 =	vor.u32 v10, v34  }
0xe2: {  	v32 =	vadd.s32 v11, v32;
	v35 =	vor.u32 v61, v35;
	v28 =	vor.u32 v10, v28  }
0xe3: {  	v38 =	vadd.s32 v9, v38;
	v32 =	vor.u32 v59, v32;
	v35 =	vor.u32 v8, v35  }
0xe4: {  	v42 =	vand.u32 $0x7FFFFC00, v42;
	v38 =	vor.u32 v62, v38;
	v32 =	vor.u32 v10, v32  }
0xe5: {  	v45 =	vand.u32 $0x7F, v57;
	v42 =	vadd.s32 v9, v42;
	v38 =	vor.u32 v8, v38  }
0xe6: {  	v54 =	vadd.s32 v21, v16;
	v29 =	vand.u32 $0x7FFFFC00, v29;
	v42 =	vor.u32 v45, v42;
	v34 =	vld.idx.msk [tilespmem:v34+s2+$0x0], $0xffff  }
0xe7: {  	v58 =	vand.u32 $0x7F, v31;
	v29 =	vadd.s32 v11, v29;
	v42 =	vor.u32 v8, v42;
	v28 =	vld.idx.msk [tilespmem:v28+s2+$0x0], $0xffff  }
0xe8: {  	v56 =	vadd.s32 $0x1, v57;
	v40 =	vshll.u32 v54, $0x2;
	v29 =	vor.u32 v58, v29;
	v35 =	vld.idx.msk [tilespmem:v35+s2+$0x0], $0xffff  }
0xe9: {  	v41 =	vshrl.u32 v54, $0x1;
	v40 =	vand.u32 $0x7FFFFC00, v40;
	v29 =	vor.u32 v10, v29;
	v32 =	vld.idx.msk [tilespmem:v32+s2+$0x0], $0xffff  }
0xea: {  	v48 =	vadd.s32 $0x1, v31;
	v63 =	vand.u32 $0x7F, v41;
	v40 =	vadd.s32 v9, v40;
	v47 =	vld.idx.msk [tilespmem:v38+s2+$0x0], $0xffff  }
0xeb: {  	v54 =	vadd.s32 $0x1, v39;
	v55 =	vadd.s32 $0x1, v41;
	v40 =	vor.u32 v63, v40  }
0xec: {  	v40 =	vor.u32 v8, v40;
	v52 =	vld.idx.msk [tilespmem:v42+s2+$0x0], $0xffff;
	vm11 =	vgt.s32 v34, v6;
	vm8 =	vgt.s32 v28, v1  }
0xed: {  	v14 =	vsel vm11, v14, v51;
	v15 =	vsel vm11, v36, v15;
	vm12 =	vgt.s32 v35, v1  }
0xee: {  	v29 =	vld.idx.msk [tilespmem:v29+s2+$0x0], $0xffff;
	v12 =	vsel vm8, v12, v46;
	v13 =	vsel vm8, v49, v13;
	vm10 =	vgt.s32 v32, v5  }
0xef: {  	v25 =	vsel vm12, v25, v53;
	v26 =	vsel vm12, v37, v26;
	vm13 =	vgt.s32 v47, v4  }
0xf0: {  	v60 =	vadd.s32 v15, v14;
	v17 =	vsel vm10, v17, v50;
	v18 =	vsel vm10, v33, v18  }
0xf1: {  	v19 =	vsel vm13, v19, v54;
	v20 =	vsel vm13, v39, v20;
	vm15 =	vgt.s32 v52, v6  }
0xf2: {  	v35 =	vshrl.u32 v60, $0x1;
	v61 =	vadd.s32 v26, v25;
	v34 =	vshll.u32 v60, $0x2  }
0xf3: {  	vm9 =	vgt.s32 v29, v4;
	v22 =	vsel vm15, v22, v56;
	v23 =	vsel vm15, v57, v23  }
0xf4: {  	v57 =	vadd.s32 v13, v12;
	v59 =	vadd.s32 v18, v17;
	v62 =	vadd.s32 v20, v19  }
0xf5: {  	v38 =	vshrl.u32 v61, $0x1;
	v34 =	vand.u32 $0x7FFFFC00, v34;
	v54 =	vand.u32 $0x7F, v35  }
0xf6: {  	v36 =	vshll.u32 v61, $0x2;
	v27 =	vsel vm9, v27, v48;
	v24 =	vsel vm9, v31, v24  }
0xf7: {  	v49 =	vld.idx.msk [tilespmem:v40+s2+$0x0], $0xffff;
	v29 =	vshrl.u32 v57, $0x1;
	v33 =	vshrl.u32 v59, $0x1;
	v39 =	vshrl.u32 v62, $0x1  }
0xf8: {  	v28 =	vshll.u32 v57, $0x2;
	v31 =	vshll.u32 v59, $0x2;
	v34 =	vadd.s32 v11, v34  }
0xf9: {  	v36 =	vand.u32 $0x7FFFFC00, v36;
	v37 =	vshll.u32 v62, $0x2;
	v58 =	vadd.s32 v24, v27  }
0xfa: {  	v28 =	vand.u32 $0x7FFFFC00, v28;
	v51 =	vand.u32 $0x7F, v29;
	v31 =	vand.u32 $0x7FFFFC00, v31  }
0xfb: {  	v53 =	vand.u32 $0x7F, v33;
	v34 =	vor.u32 v54, v34;
	v36 =	vadd.s32 v9, v36  }
0xfc: {  	v37 =	vand.u32 $0x7FFFFC00, v37;
	v56 =	vand.u32 $0x7F, v39;
	vm14 =	vgt.s32 v49, v5  }
0xfd: {  	v32 =	vshrl.u32 v58, $0x1;
	v49 =	vadd.s32 v23, v22;
	v30 =	vshll.u32 v58, $0x2  }
0xfe: {  	v28 =	vadd.s32 v11, v28;
	v31 =	vadd.s32 v11, v31;
	v34 =	vor.u32 v10, v34  }
0xff: {  	v37 =	vadd.s32 v9, v37;
	v16 =	vsel vm14, v16, v55;
	v21 =	vsel vm14, v41, v21  }
0x100: {  	v50 =	vshrl.u32 v49, $0x1;
	v30 =	vand.u32 $0x7FFFFC00, v30;
	v28 =	vor.u32 v51, v28  }
0x101: {  	v52 =	vand.u32 $0x7F, v32;
	v31 =	vor.u32 v53, v31;
	v55 =	vand.u32 $0x7F, v38  }
0x102: {  	v37 =	vor.u32 v56, v37;
	v42 =	vshll.u32 v49, $0x2;
	v63 =	vadd.s32 v21, v16  }
0x103: {  	v30 =	vadd.s32 v11, v30;
	v28 =	vor.u32 v10, v28;
	v31 =	vor.u32 v10, v31  }
0x104: {  	v36 =	vor.u32 v55, v36;
	v37 =	vor.u32 v8, v37;
	v42 =	vand.u32 $0x7FFFFC00, v42  }
0x105: {  	v58 =	vand.u32 $0x7F, v50;
	v48 =	vshrl.u32 v63, $0x1;
	v30 =	vor.u32 v52, v30  }
0x106: {  	v36 =	vor.u32 v8, v36;
	v40 =	vshll.u32 v63, $0x2;
	v42 =	vadd.s32 v9, v42  }
0x107: {  	v30 =	vor.u32 v10, v30;
	v40 =	vand.u32 $0x7FFFFC00, v40;
	v42 =	vor.u32 v58, v42;
	v34 =	vld.idx.msk [tilespmem:v34+s2+$0x0], $0xffff  }
0x108: {  	v57 =	vand.u32 $0x7F, v48;
	v40 =	vadd.s32 v9, v40;
	v42 =	vor.u32 v8, v42;
	v28 =	vld.idx.msk [tilespmem:v28+s2+$0x0], $0xffff  }
0x109: {  	v40 =	vor.u32 v57, v40;
	v31 =	vld.idx.msk [tilespmem:v31+s2+$0x0], $0xffff  }
0x10a: {  	v40 =	vor.u32 v8, v40;
	v37 =	vld.idx.msk [tilespmem:v37+s2+$0x0], $0xffff  }
0x10b: {  	v59 =	vadd.s32 $0x1, v29;
	v62 =	vadd.s32 $0x1, v33;
	v60 =	vadd.s32 $0x1, v32;
	v36 =	vld.idx.msk [tilespmem:v36+s2+$0x0], $0xffff  }
0x10c: {  	v45 =	vadd.s32 $0x1, v50;
	v30 =	vld.idx.msk [tilespmem:v30+s2+$0x0], $0xffff;
	vm7 =	vgt.s32 v34, v6;
	v34 =	vadd.s32 $0x1, v35  }
0x10d: {  	v44 =	vadd.s32 $0x1, v48;
	v63 =	vld.idx.msk [tilespmem:v42+s2+$0x0], $0xffff;
	v42 =	vadd.s32 $0x1, v39;
	v14 =	vsel vm7, v14, v34  }
0x10e: {  	v15 =	vsel vm7, v35, v15;
	vm4 =	vgt.s32 v28, v1;
	vm6 =	vgt.s32 v31, v5  }
0x10f: {  	v61 =	vld.idx.msk [tilespmem:v40+s2+$0x0], $0xffff;
	v40 =	vadd.s32 $0x1, v38;
	vm9 =	vgt.s32 v37, v4;
	v12 =	vsel vm4, v12, v59  }
0x110: {  	v13 =	vsel vm4, v29, v13;
	v17 =	vsel vm6, v17, v62;
	v18 =	vsel vm6, v33, v18  }
0x111: {  	vm8 =	vgt.s32 v36, v1;
	v19 =	vsel vm9, v19, v42;
	v20 =	vsel vm9, v39, v20  }
0x112: {  	vm5 =	vgt.s32 v30, v4;
	v25 =	vsel vm8, v25, v40;
	v26 =	vsel vm8, v38, v26  }
0x113: {  	v46 =	vadd.s32 v13, v12;
	v49 =	vadd.s32 v18, v17;
	v52 =	vadd.s32 v20, v19  }
0x114: {  	v27 =	vsel vm5, v27, v60;
	v24 =	vsel vm5, v32, v24;
	vm11 =	vgt.s32 v63, v6  }
0x115: {  	v33 =	vshrl.u32 v49, $0x1;
	v51 =	vadd.s32 v26, v25;
	v39 =	vshrl.u32 v52, $0x1  }
0x116: {  	v28 =	vshll.u32 v46, $0x2;
	v32 =	vshll.u32 v49, $0x2;
	v38 =	vshll.u32 v52, $0x2  }
0x117: {  	v22 =	vsel vm11, v22, v45;
	v23 =	vsel vm11, v50, v23;
	v47 =	vadd.s32 v24, v27  }
0x118: {  	v50 =	vadd.s32 v15, v14;
	v37 =	vshrl.u32 v51, $0x1;
	v28 =	vand.u32 $0x7FFFFC00, v28  }
0x119: {  	v32 =	vand.u32 $0x7FFFFC00, v32;
	v58 =	vand.u32 $0x7F, v33;
	v35 =	vshll.u32 v51, $0x2  }
0x11a: {  	v38 =	vand.u32 $0x7FFFFC00, v38;
	v49 =	vadd.s32 $0x1, v33;
	vm10 =	vgt.s32 v61, v5  }
0x11b: {  	v31 =	vshrl.u32 v47, $0x1;
	v36 =	vshrl.u32 v50, $0x1;
	v54 =	vadd.s32 v23, v22  }
0x11c: {  	v28 =	vadd.s32 v11, v28;
	v29 =	vshll.u32 v47, $0x2;
	v32 =	vadd.s32 v11, v32  }
0x11d: {  	v34 =	vshll.u32 v50, $0x2;
	v35 =	vand.u32 $0x7FFFFC00, v35;
	v60 =	vand.u32 $0x7F, v37  }
0x11e: {  	v61 =	vand.u32 $0x7F, v39;
	v38 =	vadd.s32 v9, v38;
	v21 =	vsel vm10, v48, v21  }
0x11f: {  	v48 =	vshrl.u32 v46, $0x1;
	v29 =	vand.u32 $0x7FFFFC00, v29;
	v57 =	vand.u32 $0x7F, v31  }
0x120: {  	v32 =	vor.u32 v58, v32;
	v34 =	vand.u32 $0x7FFFFC00, v34;
	v59 =	vand.u32 $0x7F, v36  }
0x121: {  	v35 =	vadd.s32 v9, v35;
	v38 =	vor.u32 v61, v38;
	v32 =	vor.u32 v10, v32  }
0x122: {  	v55 =	vand.u32 $0x7F, v48;
	v35 =	vor.u32 v60, v35;
	v38 =	vor.u32 v8, v38  }
0x123: {  	v29 =	vadd.s32 v11, v29;
	v28 =	vor.u32 v55, v28;
	v35 =	vor.u32 v8, v35  }
0x124: {  	v34 =	vadd.s32 v11, v34;
	v29 =	vor.u32 v57, v29;
	v28 =	vor.u32 v10, v28  }
0x125: {  	v52 =	vadd.s32 $0x1, v37;
	v34 =	vor.u32 v59, v34;
	v29 =	vor.u32 v10, v29  }
0x126: {  	v16 =	vsel vm10, v16, v44;
	v42 =	vshll.u32 v54, $0x2;
	v34 =	vor.u32 v10, v34;
	v32 =	vld.idx.msk [tilespmem:v32+s2+$0x0], $0xffff  }
0x127: {  	v56 =	vshrl.u32 v54, $0x1;
	v47 =	vadd.s32 $0x1, v31;
	v42 =	vand.u32 $0x7FFFFC00, v42;
	v46 =	vld.idx.msk [tilespmem:v38+s2+$0x0], $0xffff  }
0x128: {  	v53 =	vadd.s32 v21, v16;
	v63 =	vand.u32 $0x7F, v56;
	v42 =	vadd.s32 v9, v42;
	v35 =	vld.idx.msk [tilespmem:v35+s2+$0x0], $0xffff  }
0x129: {  	v50 =	vadd.s32 $0x1, v36;
	v40 =	vshll.u32 v53, $0x2;
	v42 =	vor.u32 v63, v42;
	v28 =	vld.idx.msk [tilespmem:v28+s2+$0x0], $0xffff  }
0x12a: {  	v41 =	vshrl.u32 v53, $0x1;
	v40 =	vand.u32 $0x7FFFFC00, v40;
	v42 =	vor.u32 v8, v42;
	v29 =	vld.idx.msk [tilespmem:v29+s2+$0x0], $0xffff  }
0x12b: {  	v45 =	vadd.s32 $0x1, v48;
	v62 =	vand.u32 $0x7F, v41;
	v40 =	vadd.s32 v9, v40;
	v34 =	vld.idx.msk [tilespmem:v34+s2+$0x0], $0xffff  }
0x12c: {  	v53 =	vadd.s32 $0x1, v39;
	v55 =	vadd.s32 $0x1, v56;
	v40 =	vor.u32 v62, v40  }
0x12d: {  	v54 =	vadd.s32 $0x1, v41;
	v40 =	vor.u32 v8, v40;
	vm14 =	vgt.s32 v32, v5  }
0x12e: {  	vm5 =	vgt.s32 v46, v4;
	v17 =	vsel vm14, v17, v49;
	v18 =	vsel vm14, v33, v18  }
0x12f: {  	v51 =	vld.idx.msk [tilespmem:v42+s2+$0x0], $0xffff;
	vm4 =	vgt.s32 v35, v1;
	v19 =	vsel vm5, v19, v53;
	v20 =	vsel vm5, v39, v20  }
0x130: {  	vm12 =	vgt.s32 v28, v1;
	vm13 =	vgt.s32 v29, v4;
	vm15 =	vgt.s32 v34, v6  }
0x131: {  	v25 =	vsel vm4, v25, v52;
	v26 =	vsel vm4, v37, v26;
	v17 =	vadd.s32 v18, v17  }
0x132: {  	v19 =	vadd.s32 v20, v19;
	v12 =	vsel vm12, v12, v45;
	v13 =	vsel vm12, v48, v13  }
0x133: {  	v27 =	vsel vm13, v27, v47;
	v24 =	vsel vm13, v31, v24;
	v14 =	vsel vm15, v14, v50  }
0x134: {  	v15 =	vsel vm15, v36, v15;
	vm7 =	vgt.s32 v51, v6;
	v58 =	vshrl.u32 v17, $0x1  }
0x135: {  	v25 =	vadd.s32 v26, v25;
	v61 =	vshrl.u32 v19, $0x1;
	v17 =	vshll.u32 v17, $0x2  }
0x136: {  	v45 =	vshll.u32 v19, $0x2;
	v22 =	vsel vm7, v22, v55;
	v23 =	vsel vm7, v56, v23  }
0x137: {  	v12 =	vadd.s32 v13, v12;
	v27 =	vadd.s32 v24, v27;
	v14 =	vadd.s32 v15, v14  }
0x138: {  	v48 =	vld.idx.msk [tilespmem:v40+s2+$0x0], $0xffff;
	v60 =	vshrl.u32 v25, $0x1;
	v17 =	vand.u32 $0x7FFFFC00, v17;
	v40 =	vand.u32 $0x7F, v58  }
0x139: {  	v43 =	vshll.u32 v25, $0x2;
	v47 =	vand.u32 $0x7F, v61;
	v56 =	vshrl.u32 v12, $0x1  }
0x13a: {  	v57 =	vshrl.u32 v27, $0x1;
	v59 =	vshrl.u32 v14, $0x1;
	v22 =	vadd.s32 v23, v22  }
0x13b: {  	v12 =	vshll.u32 v12, $0x2;
	v27 =	vshll.u32 v27, $0x2;
	v14 =	vshll.u32 v14, $0x2  }
0x13c: {  	v17 =	vadd.s32 v11, v17;
	v44 =	vand.u32 $0x7FFFFC00, v43;
	v46 =	vand.u32 $0x7F, v60  }
0x13d: {  	v35 =	vshrl.u32 v22, $0x1;
	v12 =	vand.u32 $0x7FFFFC00, v12;
	v62 =	vand.u32 $0x7F, v56  }
0x13e: {  	v27 =	vand.u32 $0x7FFFFC00, v27;
	v63 =	vand.u32 $0x7F, v57;
	v14 =	vand.u32 $0x7FFFFC00, v14  }
0x13f: {  	v17 =	vor.u32 v40, v17;
	v12 =	vadd.s32 v11, v12;
	v27 =	vadd.s32 v11, v27  }
0x140: {  	v11 =	vadd.s32 v11, v14;
	v42 =	vor.u32 v10, v17;
	v17 =	vand.u32 $0x7FFFFC00, v45  }
0x141: {  	v50 =	vand.u32 $0x7F, v35;
	vm6 =	vgt.s32 v48, v5;
	v12 =	vor.u32 v62, v12  }
0x142: {  	v27 =	vor.u32 v63, v27;
	v17 =	vadd.s32 v9, v17;
	v48 =	vshll.u32 v22, $0x2  }
0x143: {  	v16 =	vsel vm6, v16, v54;
	v21 =	vsel vm6, v41, v21;
	v12 =	vor.u32 v10, v12  }
0x144: {  	v27 =	vor.u32 v10, v27;
	v41 =	vand.u32 $0x7F, v59;
	v16 =	vadd.s32 v21, v16  }
0x145: {  	v17 =	vor.u32 v47, v17;
	v11 =	vor.u32 v41, v11;
	v34 =	vshrl.u32 v16, $0x1  }
0x146: {  	v10 =	vor.u32 v10, v11;
	v11 =	vadd.s32 v9, v44;
	v16 =	vshll.u32 v16, $0x2  }
0x147: {  	v19 =	vand.u32 $0x7FFFFC00, v48;
	v11 =	vor.u32 v46, v11;
	v16 =	vand.u32 $0x7FFFFC00, v16  }
0x148: {  	v49 =	vand.u32 $0x7F, v34;
	v11 =	vor.u32 v8, v11;
	v16 =	vadd.s32 v9, v16  }
0x149: {  	v17 =	vor.u32 v8, v17;
	v9 =	vadd.s32 v9, v19;
	v12 =	vld.idx.msk [tilespmem:v12+s2+$0x0], $0xffff;
	v16 =	vor.u32 v49, v16  }
0x14a: {  	v51 =	vld.idx.msk [tilespmem:v27+s2+$0x0], $0xffff;
	v9 =	vor.u32 v50, v9;
	v16 =	vor.u32 v8, v16  }
0x14b: {  	v14 =	vld.idx.msk [tilespmem:v42+s2+$0x0], $0xffff;
	v8 =	vor.u32 v8, v9  }
0x14c: {  	v52 =	vld.idx.msk [tilespmem:v10+s2+$0x0], $0xffff  }
0x14d: {  	v53 =	vld.idx.msk [tilespmem:v11+s2+$0x0], $0xffff  }
0x14e: {  	v54 =	vld.idx.msk [tilespmem:v17+s2+$0x0], $0xffff;
	vm8 =	vgt.s32 v12, v1  }
0x14f: {  	vm9 =	vgt.s32 v51, v4;
	v55 =	vld.idx.msk [tilespmem:v16+s2+$0x0], $0xffff;
	v13 =	vsel vm8, v56, v13  }
0x150: {  	vm10 =	vgt.s32 v14, v5;
	v8 =	vld.idx.msk [tilespmem:v8+s2+$0x0], $0xffff;
	v56 =	vsel vm9, v57, v24;
	v13 =	vadd.s32 v0, v13  }
0x151: {  	v14 =	vsel vm10, v58, v18;
	vm11 =	vgt.s32 v52, v6;
	v57 =	vadd.s32 v0, v56;
	[tilespmem:s29+$0xFFFFFFE0] =	vst v13  }
0x152: {  	v58 =	vsel vm11, v59, v15;
	[tilespmem:s29+$0xFFFFFFF0] =	vst v57;
	v59 =	vadd.s32 v0, v14;
	vm12 =	vgt.s32 v53, v1  }
0x153: {  	p0 =	sne.s32 s8, $0xE;
	vm13 =	vgt.s32 v54, v4;
	[tilespmem:s1+$0xFFFFFFE0] =	vst v59;
	v10 =	vsel vm12, v60, v26;
	v60 =	vadd.s32 v0, v58  }
.Ltmp0:
0x154: {  	v11 =	vsel vm13, v61, v20;
	vm14 =	vgt.s32 v55, v5;
	[tilespmem:s1+$0xFFFFFFF0] =	vst v60;
	v61 =	vadd.s32 v0, v10;
	(pc) =	sbr.rel @p0 .LBB2_3-.Ltmp0, $4  }
0x155: {  	vm15 =	vgt.s32 v8, v6;
	v8 =	vadd.s32 v0, v11;
	v62 =	vsel vm14, v34, v21;
	[tilespmem:s29+$0x0] =	vst v61  }
0x156: {  	v63 =	vsel vm15, v35, v23;
	[tilespmem:s29+$0x10] =	vst v8;
	v8 =	vadd.s32 v0, v62  }
0x157: {  	[tilespmem:s1+$0x0] =	vst v8;
	v8 =	vadd.s32 v0, v63  }
0x158: {  	s8 =	sadd.s32 $0x2, s8;
	s29 =	sadd.s32 $0x40, s29;
	[tilespmem:s1+$0x10] =	vst v8;
	s1 =	sadd.s32 $0x40, s1  }
0x159: {  	s7 =	sadd.s32 $0x1, s7  }
0x15a: {  	p0 =	sne.s32 s7, $0x8  }
.Ltmp1:
0x15b: {  	_ = 	snop;
	(pc) =	sbr.rel @p0 .LBB2_2-.Ltmp1, $2  }
0x15c: {  	_ =	sdelay $0x2  }
0x15d: {  	s10 =	sadd.s32 $0x200, s10;
	s9 =	sadd.s32 $0x200, s9  }
0x15e: {  	s1 =	simm.s32 $0x4000  }
0x15f: {  	[tilespmem:s28], [sflag:$0x1] =	stream.indirect.gather [hbm4b:s4+s25], $0x80, s1, s25, $0xb8;
	[tilespmem:$0x16000] =	vst v63  }
0x160: {  	s7 =	simm.s32 $0x4100  }
0x161: {  	[tilespmem:s30], [sflag:$0x2] =	stream.indirect.gather [hbm4b:s4+s25], $0x80, s7, s25, $0xb8;
	[tilespmem:$0x16000] =	vst v63  }
0x162: {  	_ =	swait.ge [sflag:s31], $0x8000  }
0x163: {  	[sflag:s31] =	ssyncset.done $0x0  }
0x164: {  	s8 =	simm.s32 $0x5000;
	[sflag:s31] =	ssyncadd.s32 $0xFFFF8000  }
0x165: {  	[tilespmem:s28], [sflag:$0x1] =	stream.indirect.gather.add.f32 [hbm:s5], $0x80, s8, s25, $0xb8;
	[tilespmem:$0x16000] =	vst v63  }
0x166: {  	_ =	swait.ge [sflag:s31], $0x8000  }
0x167: {  	[sflag:s31] =	ssyncset.done $0x0  }
0x168: {  	s9 =	rddreg [dreg:$0x2];
	[sflag:s31] =	ssyncadd.s32 $0xFFFF8000  }
0x169: {  	[hbm4b:s9+s2] =	stream.linear.scatter [tilespmem:s28], [sflag:$0x3], $0x8000, $0x38;
	[tilespmem:$0x16000] =	vst v63  }
0x16a: {  	_ =	swait.ge [sflag:s24], $0x8000  }
0x16b: {  	[sflag:s24] =	ssyncset.done $0x0  }
0x16c: {  	s10 =	simm.s32 $0x4200;
	[sflag:s24] =	ssyncadd.s32 $0xFFFF8000  }
0x16d: {  	[tilespmem:s28], [sflag:$0x1] =	stream.indirect.gather [hbm4b:s4+s25], $0x80, s10, s25, $0xb8;
	[tilespmem:$0x16000] =	vst v63  }
0x16e: {  	_ =	swait.ge [sflag:s26], $0x8000  }
0x16f: {  	[sflag:s26] =	ssyncset.done $0x0  }
0x170: {  	s11 =	simm.s32 $0x5100;
	[sflag:s26] =	ssyncadd.s32 $0xFFFF8000  }
0x171: {  	[tilespmem:s30], [sflag:$0x2] =	stream.indirect.gather.add.f32 [hbm:s5], $0x80, s11, s25, $0xb8;
	[tilespmem:$0x16000] =	vst v63  }
0x172: {  	_ =	swait.ge [sflag:s26], $0x8000  }
0x173: {  	[sflag:s26] =	ssyncset.done $0x0  }
0x174: {  	s29 =	rddreg [dreg:$0x3];
	[sflag:s26] =	ssyncadd.s32 $0xFFFF8000  }
0x175: {  	[hbm4b:s29+s2] =	stream.linear.scatter [tilespmem:s30], [sflag:$0x3], $0x8000, $0x38;
	[tilespmem:$0x16000] =	vst v63  }
0x176: {  	_ =	swait.ge [sflag:s24], $0x8000  }
0x177: {  	[sflag:s24] =	ssyncset.done $0x0  }
0x178: {  	s7 =	simm.s32 $0x4300;
	[sflag:s24] =	ssyncadd.s32 $0xFFFF8000  }
0x179: {  	[tilespmem:s30], [sflag:$0x2] =	stream.indirect.gather [hbm4b:s4+s25], $0x80, s7, s25, $0xb8;
	[tilespmem:$0x16000] =	vst v63  }
0x17a: {  	_ =	swait.ge [sflag:s31], $0x8000  }
0x17b: {  	[sflag:s31] =	ssyncset.done $0x0  }
0x17c: {  	s8 =	simm.s32 $0x5200;
	[sflag:s31] =	ssyncadd.s32 $0xFFFF8000  }
0x17d: {  	[tilespmem:s28], [sflag:$0x1] =	stream.indirect.gather.add.f32 [hbm:s5], $0x80, s8, s25, $0xb8;
	[tilespmem:$0x16000] =	vst v63  }
0x17e: {  	_ =	swait.ge [sflag:s31], $0x8000  }
0x17f: {  	[sflag:s31] =	ssyncset.done $0x0  }
0x180: {  	s9 =	rddreg [dreg:$0x4];
	[sflag:s31] =	ssyncadd.s32 $0xFFFF8000  }
0x181: {  	[hbm4b:s9+s2] =	stream.linear.scatter [tilespmem:s28], [sflag:$0x3], $0x8000, $0x38;
	[tilespmem:$0x16000] =	vst v63  }
0x182: {  	_ =	swait.ge [sflag:s24], $0x8000  }
0x183: {  	[sflag:s24] =	ssyncset.done $0x0  }
0x184: {  	s10 =	simm.s32 $0x4400;
	[sflag:s24] =	ssyncadd.s32 $0xFFFF8000  }
0x185: {  	[tilespmem:s28], [sflag:$0x1] =	stream.indirect.gather [hbm4b:s4+s25], $0x80, s10, s25, $0xb8;
	[tilespmem:$0x16000] =	vst v63  }
0x186: {  	_ =	swait.ge [sflag:s26], $0x8000  }
0x187: {  	[sflag:s26] =	ssyncset.done $0x0  }
0x188: {  	s11 =	simm.s32 $0x5300;
	[sflag:s26] =	ssyncadd.s32 $0xFFFF8000  }
0x189: {  	[tilespmem:s30], [sflag:$0x2] =	stream.indirect.gather.add.f32 [hbm:s5], $0x80, s11, s25, $0xb8;
	[tilespmem:$0x16000] =	vst v63  }
0x18a: {  	_ =	swait.ge [sflag:s26], $0x8000  }
0x18b: {  	[sflag:s26] =	ssyncset.done $0x0  }
0x18c: {  	s29 =	rddreg [dreg:$0x5];
	[sflag:s26] =	ssyncadd.s32 $0xFFFF8000  }
0x18d: {  	[hbm4b:s29+s2] =	stream.linear.scatter [tilespmem:s30], [sflag:$0x3], $0x8000, $0x38;
	[tilespmem:$0x16000] =	vst v63  }
0x18e: {  	_ =	swait.ge [sflag:s24], $0x8000  }
0x18f: {  	[sflag:s24] =	ssyncset.done $0x0  }
0x190: {  	s7 =	simm.s32 $0x4500;
	[sflag:s24] =	ssyncadd.s32 $0xFFFF8000  }
0x191: {  	[tilespmem:s30], [sflag:$0x2] =	stream.indirect.gather [hbm4b:s4+s25], $0x80, s7, s25, $0xb8;
	[tilespmem:$0x16000] =	vst v63  }
0x192: {  	_ =	swait.ge [sflag:s31], $0x8000  }
0x193: {  	[sflag:s31] =	ssyncset.done $0x0  }
0x194: {  	s8 =	simm.s32 $0x5400;
	[sflag:s31] =	ssyncadd.s32 $0xFFFF8000  }
0x195: {  	[tilespmem:s28], [sflag:$0x1] =	stream.indirect.gather.add.f32 [hbm:s5], $0x80, s8, s25, $0xb8;
	[tilespmem:$0x16000] =	vst v63  }
0x196: {  	_ =	swait.ge [sflag:s31], $0x8000  }
0x197: {  	[sflag:s31] =	ssyncset.done $0x0  }
0x198: {  	s9 =	rddreg [dreg:$0x6];
	[sflag:s31] =	ssyncadd.s32 $0xFFFF8000  }
0x199: {  	[hbm4b:s9+s2] =	stream.linear.scatter [tilespmem:s28], [sflag:$0x3], $0x8000, $0x38;
	[tilespmem:$0x16000] =	vst v63  }
0x19a: {  	_ =	swait.ge [sflag:s24], $0x8000  }
0x19b: {  	[sflag:s24] =	ssyncset.done $0x0  }
0x19c: {  	s10 =	simm.s32 $0x4600;
	[sflag:s24] =	ssyncadd.s32 $0xFFFF8000  }
0x19d: {  	[tilespmem:s28], [sflag:$0x1] =	stream.indirect.gather [hbm4b:s4+s25], $0x80, s10, s25, $0xb8;
	[tilespmem:$0x16000] =	vst v63  }
0x19e: {  	_ =	swait.ge [sflag:s26], $0x8000  }
0x19f: {  	[sflag:s26] =	ssyncset.done $0x0  }
0x1a0: {  	s11 =	simm.s32 $0x5500;
	[sflag:s26] =	ssyncadd.s32 $0xFFFF8000  }
0x1a1: {  	[tilespmem:s30], [sflag:$0x2] =	stream.indirect.gather.add.f32 [hbm:s5], $0x80, s11, s25, $0xb8;
	[tilespmem:$0x16000] =	vst v63  }
0x1a2: {  	_ =	swait.ge [sflag:s26], $0x8000  }
0x1a3: {  	[sflag:s26] =	ssyncset.done $0x0  }
0x1a4: {  	[sflag:s26] =	ssyncadd.s32 $0xFFFF8000  }
0x1a5: {  	[hbm4b:s12+s2] =	stream.linear.scatter [tilespmem:s30], [sflag:$0x3], $0x8000, $0x38;
	[tilespmem:$0x16000] =	vst v63  }
0x1a6: {  	_ =	swait.ge [sflag:s24], $0x8000  }
0x1a7: {  	[sflag:s24] =	ssyncset.done $0x0  }
0x1a8: {  	s29 =	simm.s32 $0x4700;
	[sflag:s24] =	ssyncadd.s32 $0xFFFF8000  }
0x1a9: {  	[tilespmem:s30], [sflag:$0x2] =	stream.indirect.gather [hbm4b:s4+s25], $0x80, s29, s25, $0xb8;
	[tilespmem:$0x16000] =	vst v63  }
0x1aa: {  	_ =	swait.ge [sflag:s31], $0x8000  }
0x1ab: {  	[sflag:s31] =	ssyncset.done $0x0  }
0x1ac: {  	s7 =	simm.s32 $0x5600;
	[sflag:s31] =	ssyncadd.s32 $0xFFFF8000  }
0x1ad: {  	[tilespmem:s28], [sflag:$0x1] =	stream.indirect.gather.add.f32 [hbm:s5], $0x80, s7, s25, $0xb8;
	[tilespmem:$0x16000] =	vst v63  }
0x1ae: {  	_ =	swait.ge [sflag:s31], $0x8000  }
0x1af: {  	[sflag:s31] =	ssyncset.done $0x0  }
0x1b0: {  	[sflag:s31] =	ssyncadd.s32 $0xFFFF8000  }
0x1b1: {  	[hbm4b:s13+s2] =	stream.linear.scatter [tilespmem:s28], [sflag:$0x3], $0x8000, $0x38;
	[tilespmem:$0x16000] =	vst v63  }
0x1b2: {  	_ =	swait.ge [sflag:s24], $0x8000  }
0x1b3: {  	[sflag:s24] =	ssyncset.done $0x0  }
0x1b4: {  	s8 =	simm.s32 $0x4800;
	[sflag:s24] =	ssyncadd.s32 $0xFFFF8000  }
0x1b5: {  	[tilespmem:s28], [sflag:$0x1] =	stream.indirect.gather [hbm4b:s4+s25], $0x80, s8, s25, $0xb8;
	[tilespmem:$0x16000] =	vst v63  }
0x1b6: {  	_ =	swait.ge [sflag:s26], $0x8000  }
0x1b7: {  	[sflag:s26] =	ssyncset.done $0x0  }
0x1b8: {  	s9 =	simm.s32 $0x5700;
	[sflag:s26] =	ssyncadd.s32 $0xFFFF8000  }
0x1b9: {  	[tilespmem:s30], [sflag:$0x2] =	stream.indirect.gather.add.f32 [hbm:s5], $0x80, s9, s25, $0xb8;
	[tilespmem:$0x16000] =	vst v63  }
0x1ba: {  	_ =	swait.ge [sflag:s26], $0x8000  }
0x1bb: {  	[sflag:s26] =	ssyncset.done $0x0  }
0x1bc: {  	[sflag:s26] =	ssyncadd.s32 $0xFFFF8000  }
0x1bd: {  	[hbm4b:s14+s2] =	stream.linear.scatter [tilespmem:s30], [sflag:$0x3], $0x8000, $0x38;
	[tilespmem:$0x16000] =	vst v63  }
0x1be: {  	_ =	swait.ge [sflag:s24], $0x8000  }
0x1bf: {  	[sflag:s24] =	ssyncset.done $0x0  }
0x1c0: {  	s10 =	simm.s32 $0x4900;
	[sflag:s24] =	ssyncadd.s32 $0xFFFF8000  }
0x1c1: {  	[tilespmem:s30], [sflag:$0x2] =	stream.indirect.gather [hbm4b:s4+s25], $0x80, s10, s25, $0xb8;
	[tilespmem:$0x16000] =	vst v63  }
0x1c2: {  	_ =	swait.ge [sflag:s31], $0x8000  }
0x1c3: {  	[sflag:s31] =	ssyncset.done $0x0  }
0x1c4: {  	s11 =	simm.s32 $0x5800;
	[sflag:s31] =	ssyncadd.s32 $0xFFFF8000  }
0x1c5: {  	[tilespmem:s28], [sflag:$0x1] =	stream.indirect.gather.add.f32 [hbm:s5], $0x80, s11, s25, $0xb8;
	[tilespmem:$0x16000] =	vst v63  }
0x1c6: {  	_ =	swait.ge [sflag:s31], $0x8000  }
0x1c7: {  	[sflag:s31] =	ssyncset.done $0x0  }
0x1c8: {  	[sflag:s31] =	ssyncadd.s32 $0xFFFF8000  }
0x1c9: {  	[hbm4b:s15+s2] =	stream.linear.scatter [tilespmem:s28], [sflag:$0x3], $0x8000, $0x38;
	[tilespmem:$0x16000] =	vst v63  }
0x1ca: {  	_ =	swait.ge [sflag:s24], $0x8000  }
0x1cb: {  	[sflag:s24] =	ssyncset.done $0x0  }
0x1cc: {  	s29 =	simm.s32 $0x4A00;
	[sflag:s24] =	ssyncadd.s32 $0xFFFF8000  }
0x1cd: {  	[tilespmem:s28], [sflag:$0x1] =	stream.indirect.gather [hbm4b:s4+s25], $0x80, s29, s25, $0xb8;
	[tilespmem:$0x16000] =	vst v63  }
0x1ce: {  	_ =	swait.ge [sflag:s26], $0x8000  }
0x1cf: {  	[sflag:s26] =	ssyncset.done $0x0  }
0x1d0: {  	s7 =	simm.s32 $0x5900;
	[sflag:s26] =	ssyncadd.s32 $0xFFFF8000  }
0x1d1: {  	[tilespmem:s30], [sflag:$0x2] =	stream.indirect.gather.add.f32 [hbm:s5], $0x80, s7, s25, $0xb8;
	[tilespmem:$0x16000] =	vst v63  }
0x1d2: {  	_ =	swait.ge [sflag:s26], $0x8000  }
0x1d3: {  	[sflag:s26] =	ssyncset.done $0x0  }
0x1d4: {  	[sflag:s26] =	ssyncadd.s32 $0xFFFF8000  }
0x1d5: {  	[hbm4b:s16+s2] =	stream.linear.scatter [tilespmem:s30], [sflag:$0x3], $0x8000, $0x38;
	[tilespmem:$0x16000] =	vst v63  }
0x1d6: {  	_ =	swait.ge [sflag:s24], $0x8000  }
0x1d7: {  	[sflag:s24] =	ssyncset.done $0x0  }
0x1d8: {  	s8 =	simm.s32 $0x4B00;
	[sflag:s24] =	ssyncadd.s32 $0xFFFF8000  }
0x1d9: {  	[tilespmem:s30], [sflag:$0x2] =	stream.indirect.gather [hbm4b:s4+s25], $0x80, s8, s25, $0xb8;
	[tilespmem:$0x16000] =	vst v63  }
0x1da: {  	_ =	swait.ge [sflag:s31], $0x8000  }
0x1db: {  	[sflag:s31] =	ssyncset.done $0x0  }
0x1dc: {  	s9 =	simm.s32 $0x5A00;
	[sflag:s31] =	ssyncadd.s32 $0xFFFF8000  }
0x1dd: {  	[tilespmem:s28], [sflag:$0x1] =	stream.indirect.gather.add.f32 [hbm:s5], $0x80, s9, s25, $0xb8;
	[tilespmem:$0x16000] =	vst v63  }
0x1de: {  	_ =	swait.ge [sflag:s31], $0x8000  }
0x1df: {  	[sflag:s31] =	ssyncset.done $0x0  }
0x1e0: {  	[sflag:s31] =	ssyncadd.s32 $0xFFFF8000  }
0x1e1: {  	[hbm4b:s17+s2] =	stream.linear.scatter [tilespmem:s28], [sflag:$0x3], $0x8000, $0x38;
	[tilespmem:$0x16000] =	vst v63  }
0x1e2: {  	_ =	swait.ge [sflag:s24], $0x8000  }
0x1e3: {  	[sflag:s24] =	ssyncset.done $0x0  }
0x1e4: {  	s10 =	simm.s32 $0x4C00;
	[sflag:s24] =	ssyncadd.s32 $0xFFFF8000  }
0x1e5: {  	[tilespmem:s28], [sflag:$0x1] =	stream.indirect.gather [hbm4b:s4+s25], $0x80, s10, s25, $0xb8;
	[tilespmem:$0x16000] =	vst v63  }
0x1e6: {  	_ =	swait.ge [sflag:s26], $0x8000  }
0x1e7: {  	[sflag:s26] =	ssyncset.done $0x0  }
0x1e8: {  	s11 =	simm.s32 $0x5B00;
	[sflag:s26] =	ssyncadd.s32 $0xFFFF8000  }
0x1e9: {  	[tilespmem:s30], [sflag:$0x2] =	stream.indirect.gather.add.f32 [hbm:s5], $0x80, s11, s25, $0xb8;
	[tilespmem:$0x16000] =	vst v63  }
0x1ea: {  	_ =	swait.ge [sflag:s26], $0x8000  }
0x1eb: {  	[sflag:s26] =	ssyncset.done $0x0  }
0x1ec: {  	[sflag:s26] =	ssyncadd.s32 $0xFFFF8000  }
0x1ed: {  	[hbm4b:s18+s2] =	stream.linear.scatter [tilespmem:s30], [sflag:$0x3], $0x8000, $0x38;
	[tilespmem:$0x16000] =	vst v63  }
0x1ee: {  	_ =	swait.ge [sflag:s24], $0x8000  }
0x1ef: {  	[sflag:s24] =	ssyncset.done $0x0  }
0x1f0: {  	s29 =	simm.s32 $0x4D00;
	[sflag:s24] =	ssyncadd.s32 $0xFFFF8000  }
0x1f1: {  	[tilespmem:s30], [sflag:$0x2] =	stream.indirect.gather [hbm4b:s4+s25], $0x80, s29, s25, $0xb8;
	[tilespmem:$0x16000] =	vst v63  }
0x1f2: {  	_ =	swait.ge [sflag:s31], $0x8000  }
0x1f3: {  	[sflag:s31] =	ssyncset.done $0x0  }
0x1f4: {  	s7 =	simm.s32 $0x5C00;
	[sflag:s31] =	ssyncadd.s32 $0xFFFF8000  }
0x1f5: {  	[tilespmem:s28], [sflag:$0x1] =	stream.indirect.gather.add.f32 [hbm:s5], $0x80, s7, s25, $0xb8;
	[tilespmem:$0x16000] =	vst v63  }
0x1f6: {  	_ =	swait.ge [sflag:s31], $0x8000  }
0x1f7: {  	[sflag:s31] =	ssyncset.done $0x0  }
0x1f8: {  	[sflag:s31] =	ssyncadd.s32 $0xFFFF8000  }
0x1f9: {  	[hbm4b:s19+s2] =	stream.linear.scatter [tilespmem:s28], [sflag:$0x3], $0x8000, $0x38;
	[tilespmem:$0x16000] =	vst v63  }
0x1fa: {  	_ =	swait.ge [sflag:s24], $0x8000  }
0x1fb: {  	[sflag:s24] =	ssyncset.done $0x0  }
0x1fc: {  	s8 =	simm.s32 $0x4E00;
	[sflag:s24] =	ssyncadd.s32 $0xFFFF8000  }
0x1fd: {  	[tilespmem:s28], [sflag:$0x1] =	stream.indirect.gather [hbm4b:s4+s25], $0x80, s8, s25, $0xb8;
	[tilespmem:$0x16000] =	vst v63  }
0x1fe: {  	_ =	swait.ge [sflag:s26], $0x8000  }
0x1ff: {  	[sflag:s26] =	ssyncset.done $0x0  }
0x200: {  	s9 =	simm.s32 $0x5D00;
	[sflag:s26] =	ssyncadd.s32 $0xFFFF8000  }
0x201: {  	[tilespmem:s30], [sflag:$0x2] =	stream.indirect.gather.add.f32 [hbm:s5], $0x80, s9, s25, $0xb8;
	[tilespmem:$0x16000] =	vst v63  }
0x202: {  	_ =	swait.ge [sflag:s26], $0x8000  }
0x203: {  	[sflag:s26] =	ssyncset.done $0x0  }
0x204: {  	[sflag:s26] =	ssyncadd.s32 $0xFFFF8000  }
0x205: {  	[hbm4b:s20+s2] =	stream.linear.scatter [tilespmem:s30], [sflag:$0x3], $0x8000, $0x38;
	[tilespmem:$0x16000] =	vst v63  }
0x206: {  	_ =	swait.ge [sflag:s24], $0x8000  }
0x207: {  	[sflag:s24] =	ssyncset.done $0x0  }
0x208: {  	s10 =	simm.s32 $0x4F00;
	[sflag:s24] =	ssyncadd.s32 $0xFFFF8000  }
0x209: {  	[tilespmem:s30], [sflag:$0x2] =	stream.indirect.gather [hbm4b:s4+s25], $0x80, s10, s25, $0xb8;
	[tilespmem:$0x16000] =	vst v63  }
0x20a: {  	_ =	swait.ge [sflag:s31], $0x8000  }
0x20b: {  	[sflag:s31] =	ssyncset.done $0x0  }
0x20c: {  	s11 =	simm.s32 $0x5E00;
	[sflag:s31] =	ssyncadd.s32 $0xFFFF8000  }
0x20d: {  	[tilespmem:s28], [sflag:$0x1] =	stream.indirect.gather.add.f32 [hbm:s5], $0x80, s11, s25, $0xb8;
	[tilespmem:$0x16000] =	vst v63  }
0x20e: {  	_ =	swait.ge [sflag:s31], $0x8000  }
0x20f: {  	[sflag:s31] =	ssyncset.done $0x0  }
0x210: {  	[sflag:s31] =	ssyncadd.s32 $0xFFFF8000  }
0x211: {  	[hbm4b:s21+s2] =	stream.linear.scatter [tilespmem:s28], [sflag:$0x3], $0x8000, $0x38;
	[tilespmem:$0x16000] =	vst v63  }
0x212: {  	_ =	swait.ge [sflag:s24], $0x8000  }
0x213: {  	[sflag:s24] =	ssyncset.done $0x0  }
0x214: {  	[sflag:s24] =	ssyncadd.s32 $0xFFFF8000  }
0x215: {  	_ =	swait.ge [sflag:s26], $0x8000  }
0x216: {  	[sflag:s26] =	ssyncset.done $0x0  }
0x217: {  	s29 =	simm.s32 $0x5F00;
	[sflag:s26] =	ssyncadd.s32 $0xFFFF8000  }
0x218: {  	[tilespmem:s30], [sflag:$0x2] =	stream.indirect.gather.add.f32 [hbm:s5], $0x80, s29, s25, $0xb8;
	[tilespmem:$0x16000] =	vst v63  }
0x219: {  	s0 =	sadd.s32 $0x1, s0;
	_ =	swait.ge [sflag:s26], $0x8000  }
0x21a: {  	p0 =	sne.s32 s0, s23;
	[sflag:s26] =	ssyncset.done $0x0  }
.Ltmp2:
0x21b: {  	[sflag:s26] =	ssyncadd.s32 $0xFFFF8000;
	(pc) =	sbr.rel @p0 .LBB2_1-.Ltmp2, $4  }
0x21c: {  	[hbm4b:s22+s2] =	stream.linear.scatter [tilespmem:s30], [sflag:$0x3], $0x8000, $0x38;
	[tilespmem:$0x16000] =	vst v63  }
0x21d: {  	_ =	swait.ge [sflag:s24], $0x8000  }
0x21e: {  	[sflag:s24] =	ssyncset.done $0x0  }
0x21f: {  	[sflag:s24] =	ssyncadd.s32 $0xFFFF8000  }
0x220: {  	_ =	sfence.sel $0x180000  }
0x221: {  	[bflag:$0x0] =	sbarrier.arrive $0xFFFF  }
0x222: {  	_ =	strace $0x90000047  }
0x223: {  	s0 =	stileid.u32;
	[bflag:$0x2] =	sbarrier.arrive $0xFFFF  }
0x224: {  	p0 =	sne.s32 s0, $0x0;
	s0 =	rddreg [dreg:$0x1]  }
0x225: {  	s0 =	sadd.s32 @!p0 $0x100000, s0  }
0x226: {  	[sflag:s0] =	ssyncadd.tile.s32 @!p0 $0x1;
	_ =	shalt  }
.Lfunc_end2:
_tile_overlayer_lowered:
.L_overlay_start_2:
0x227: {  	(tag) =	ssettag $0x2  }
0x228: {  	s0 =	rddreg [dreg:$0x0];
	s2 =	stileid.u32  }
0x229: {  	s1 =	rddreg [dreg:$0x1];
	p0 =	sne.s32 s2, $0x0  }
0x22a: {  	s3 =	rddreg [dreg:$0x2];
	[bflag:$0x3] =	sbarrier.arrive $0xFFFF;
	s2 =	simm.s32 @!p0 $0x1C03  }
0x22b: {  	[timem:s3], [sflag:s2] =	dma.local @!p0 [hbm:s0], s1  }
0x22c: {  	s0 =	simm.s32 @!p0 $0x3  }
0x22d: {  	_ =	swait.ge @!p0 [sflag:s0], s1  }
0x22e: {  	s1 =	ssub.s32 @!p0 $0x0, s1;
	[sflag:s0] =	ssyncset.done @!p0 $0x0  }
0x22f: {  	[sflag:s0] =	ssyncadd.s32 @!p0 s1  }
0x230: {  	[bflag:$0x3] =	sbarrier.arrive $0xFFFF  }
0x231: {  	_ =	shalt  }

</sc_bundles>
